<compile_context>
chip_gen: v7x
topology: tpu7x:2x2x1
jax: 0.10.2.dev20260603
libtpu: 0.0.44.dev20260713+nightly
codegen_flags: <defaults>
</compile_context>

<pallas_src>
import functools

import jax
import jax.numpy as jnp
from jax import lax
from jax.experimental import pallas as pl
from jax.experimental.pallas import tpu as pltpu
from jax.experimental.pallas import tpu_sc as plsc

B, N, D = 32, 576, 768
ROWS = B * N
TC_ROWS = 12288
SC_ROWS = ROWS - TC_ROWS
BLK = 3072
NW = 32
RPW = SC_ROWS // NW
CH = 48
NCH = RPW // CH
NL = D // 16


def _tc_body(idx_ref, embed_ref, tok_ref, out_ref):
    row = embed_ref[pl.ds(idx_ref[0], 1), :]
    out_ref[...] = tok_ref[...] + row


def _sc_body(tok_hbm, embed_hbm, idx_hbm, out_hbm,
             idx_v, rows_v, buf, sem_in0, sem_in1, sem_out0, sem_out1):
    wid = lax.axis_index("s") * 2 + lax.axis_index("c")
    base = wid * RPW

    pltpu.sync_copy(idx_hbm, idx_v)
    pltpu.async_copy(embed_hbm.at[idx_v], rows_v, sem_in0).wait()
    row = [rows_v[0, pl.ds(j * 16, 16)] for j in range(NL)]

    sem_in = (sem_in0, sem_in1)
    sem_out = (sem_out0, sem_out1)

    def start_in(k):
        return pltpu.async_copy(
            tok_hbm.at[pl.ds(TC_ROWS + base + k * CH, CH)], buf.at[k % 2],
            sem_in[k % 2])

    def start_out(k):
        return pltpu.async_copy(
            buf.at[k % 2], out_hbm.at[pl.ds(base + k * CH, CH)],
            sem_out[k % 2])

    in_h = [None] * NCH
    out_h = [None] * NCH
    in_h[0] = start_in(0)
    for k in range(NCH):
        b = k % 2
        if k + 1 < NCH:
            if k >= 1:
                out_h[k - 1].wait()
            in_h[k + 1] = start_in(k + 1)
        in_h[k].wait()

        def row_body(r, carry):
            for j in range(NL):
                sl = pl.ds(j * 16, 16)
                buf[b, r, sl] = buf[b, r, sl] + row[j]
            return carry
        lax.fori_loop(0, CH, row_body, None)
        out_h[k] = start_out(k)
    out_h[NCH - 2].wait()
    out_h[NCH - 1].wait()


def kernel(tokens, embed, frame_idx):
    idx = jnp.asarray(frame_idx, dtype=jnp.int32).reshape((1,))
    idx8 = jnp.full((8,), frame_idx, dtype=jnp.int32)
    tok2 = tokens.reshape(ROWS, D)

    tc_out = pl.pallas_call(
        _tc_body,
        grid=(TC_ROWS // BLK,),
        in_specs=[
            pl.BlockSpec(memory_space=pltpu.MemorySpace.SMEM),
            pl.BlockSpec((embed.shape[0], D), lambda i: (0, 0)),
            pl.BlockSpec((BLK, D), lambda i: (i, 0)),
        ],
        out_specs=pl.BlockSpec((BLK, D), lambda i: (i, 0)),
        out_shape=jax.ShapeDtypeStruct((TC_ROWS, D), tokens.dtype),
        compiler_params=pltpu.CompilerParams(
            vmem_limit_bytes=60 * 1024 * 1024,
        ),
    )(idx, embed, tok2)

    sc = functools.partial(
        pl.kernel,
        mesh=plsc.VectorSubcoreMesh(core_axis_name="c", subcore_axis_name="s"),
        out_type=jax.ShapeDtypeStruct((SC_ROWS, D), jnp.float32),
        scratch_types=[
            pltpu.VMEM((8,), jnp.int32),
            pltpu.VMEM((8, D), jnp.float32),
            pltpu.VMEM((2, CH, D), jnp.float32),
            pltpu.SemaphoreType.DMA,
            pltpu.SemaphoreType.DMA,
            pltpu.SemaphoreType.DMA,
            pltpu.SemaphoreType.DMA,
        ],
    )(_sc_body)
    sc_out = sc(tok2, embed, idx8)

    out = jnp.concatenate([tc_out, sc_out], axis=0)
    return out.reshape(B, N, D)

# --- scband reference (transcript-rebuilt; emitter-appended) ---
"""Pipeline reference for scband-temporal-position-embedding-37005438223080 (READ-ONLY COPY).

The authoritative reference and input builder live on the scoring server;
editing this copy changes nothing except your own understanding.
"""

import jax, jax.numpy as jnp
import numpy as np

NUM_FRAMES = 16
EMBED_DIM = 768
B, N, D = 32, 576, 768

def setup_inputs(seed: int = 0) -> dict:
    key = jax.random.key(seed)
    k1, k2 = jax.random.split(key)
    tokens = jax.random.normal(k1, (B, N, D), dtype=jnp.float32)
    embed = jax.random.normal(k2, (NUM_FRAMES, EMBED_DIM), dtype=jnp.float32) * 0.02
    frame_idx = 7
    return {"tokens": tokens, "embed": embed, "frame_idx": frame_idx}

def reference(tokens, embed, frame_idx):
    # nn.Embedding lookup of a single frame index -> row gather
    t_embed = jnp.take(embed, frame_idx, axis=0)  # (D,)
    # unsqueeze(0).unsqueeze(0) -> broadcast add over (B, N)
    return tokens + t_embed[None, None, :]

if __name__ == "__main__":
    import jax
    _d = setup_inputs()
    print(jax.jit(kernel)(*tuple(_d.values())))

</pallas_src>

<mosaic_0001>
#map = affine_map<(d0, d1) -> (0, 0)>
#map1 = affine_map<(d0, d1) -> (0)>
module attributes {stable_mosaic.version = 14 : i64} {
  func.func @_sc_body(%arg0: i32, %arg1: i32, %arg2: memref<18432x768xf32, #tpu.memory_space<hbm>>, %arg3: memref<16x768xf32, #tpu.memory_space<hbm>>, %arg4: memref<8xi32, #tpu.memory_space<hbm>>, %arg5: memref<6144x768xf32, #tpu.memory_space<hbm>>, %arg6: memref<8xi32, #tpu.memory_space<vmem>>, %arg7: memref<8x768xf32, #tpu.memory_space<vmem>>, %arg8: memref<2x48x768xf32, #tpu.memory_space<vmem>>, %arg9: memref<!tpu.dma_semaphore, #tpu.memory_space<semaphore_mem>>, %arg10: memref<!tpu.dma_semaphore, #tpu.memory_space<semaphore_mem>>, %arg11: memref<!tpu.dma_semaphore, #tpu.memory_space<semaphore_mem>>, %arg12: memref<!tpu.dma_semaphore, #tpu.memory_space<semaphore_mem>>) attributes {dimension_semantics = [#tpu.dimension_semantics<core_parallel>, #tpu.dimension_semantics<subcore_parallel>], iteration_bounds = array<i64: 2, 16>, scalar_prefetch = 0 : i64, scratch_operands = 7 : i64, tpu.core_type = #tpu.core_type<sc_vector_subcore>, window_params = [{transform_indices = #map}, {transform_indices = #map}, {transform_indices = #map1}, {transform_indices = #map}]} {
    %mul3A = arith.constant 2 : i32
    %mul3A_0 = arith.muli %arg1, %mul3A : i32
    %add3A = arith.addi %mul3A_0, %arg0 : i32
    %mul3A_1 = arith.constant 192 : i32
    %mul3A_2 = arith.muli %add3A, %mul3A_1 : i32
    "tpu.region"() ({
      %run_scoped3A = tpu.sem_alloc : memref<!tpu.dma_semaphore, #tpu.memory_space<semaphore_mem>>
      tpu.enqueue_dma source(%arg4 : memref<8xi32, #tpu.memory_space<hbm>>) target(%arg6 : memref<8xi32, #tpu.memory_space<vmem>>) target_semaphore(%run_scoped3A : memref<!tpu.dma_semaphore, #tpu.memory_space<semaphore_mem>>)
      tpu.wait_dma2 semaphore(%run_scoped3A : memref<!tpu.dma_semaphore, #tpu.memory_space<semaphore_mem>>) src(%arg4 : memref<8xi32, #tpu.memory_space<hbm>>) dst(%arg6 : memref<8xi32, #tpu.memory_space<vmem>>)
      tpu.yield
    }) : () -> ()
    %dma_start3A = arith.constant 0 : i32
    %dma_start3A_3 = arith.constant 0 : i32
    %dma_start3A_4 = tpu.memref_slice %arg3[%dma_start3A, %dma_start3A_3] : memref<16x768xf32, #tpu.memory_space<hbm>> -> memref<16x768xf32, #tpu.memory_space<hbm>>
    tpu.enqueue_indirect_dma source(%dma_start3A_4 : memref<16x768xf32, #tpu.memory_space<hbm>>) target(%arg7 : memref<8x768xf32, #tpu.memory_space<vmem>>) offsets(%arg6 : memref<8xi32, #tpu.memory_space<vmem>>) semaphore(%arg9 : memref<!tpu.dma_semaphore, #tpu.memory_space<semaphore_mem>>)
    %dma_wait3A = arith.constant 0 : i32
    %dma_wait3A_5 = arith.constant 0 : i32
    %dma_wait3A_6 = tpu.memref_slice %arg3[%dma_wait3A, %dma_wait3A_5] : memref<16x768xf32, #tpu.memory_space<hbm>> -> memref<16x768xf32, #tpu.memory_space<hbm>>
    tpu.wait_indirect_dma semaphore(%arg9 : memref<!tpu.dma_semaphore, #tpu.memory_space<semaphore_mem>>) src(%dma_wait3A_6 : memref<16x768xf32, #tpu.memory_space<hbm>>) dst(%arg7 : memref<8x768xf32, #tpu.memory_space<vmem>>)
    %get3A = arith.constant 0 : i32
    %get3A_7 = arith.index_cast %get3A : i32 to index
    %get3A_8 = arith.constant 0 : index
    %get3A_9 = tpu.vector_load %arg7[%get3A_7, %get3A_8] {strides = array<i32>} : memref<8x768xf32, #tpu.memory_space<vmem>>, vector<1x16xf32>,
    %get3A_10 = vector.shape_cast %get3A_9 : vector<1x16xf32> to vector<16xf32>
    %get3A_11 = arith.constant 0 : i32
    %get3A_12 = arith.index_cast %get3A_11 : i32 to index
    %get3A_13 = arith.constant 16 : index
    %get3A_14 = tpu.vector_load %arg7[%get3A_12, %get3A_13] {strides = array<i32>} : memref<8x768xf32, #tpu.memory_space<vmem>>, vector<1x16xf32>,
    %get3A_15 = vector.shape_cast %get3A_14 : vector<1x16xf32> to vector<16xf32>
    %get3A_16 = arith.constant 0 : i32
    %get3A_17 = arith.index_cast %get3A_16 : i32 to index
    %get3A_18 = arith.constant 32 : index
    %get3A_19 = tpu.vector_load %arg7[%get3A_17, %get3A_18] {strides = array<i32>} : memref<8x768xf32, #tpu.memory_space<vmem>>, vector<1x16xf32>,
    %get3A_20 = vector.shape_cast %get3A_19 : vector<1x16xf32> to vector<16xf32>
    %get3A_21 = arith.constant 0 : i32
    %get3A_22 = arith.index_cast %get3A_21 : i32 to index
    %get3A_23 = arith.constant 48 : index
    %get3A_24 = tpu.vector_load %arg7[%get3A_22, %get3A_23] {strides = array<i32>} : memref<8x768xf32, #tpu.memory_space<vmem>>, vector<1x16xf32>,
    %get3A_25 = vector.shape_cast %get3A_24 : vector<1x16xf32> to vector<16xf32>
    %get3A_26 = arith.constant 0 : i32
    %get3A_27 = arith.index_cast %get3A_26 : i32 to index
    %get3A_28 = arith.constant 64 : index
    %get3A_29 = tpu.vector_load %arg7[%get3A_27, %get3A_28] {strides = array<i32>} : memref<8x768xf32, #tpu.memory_space<vmem>>, vector<1x16xf32>,
    %get3A_30 = vector.shape_cast %get3A_29 : vector<1x16xf32> to vector<16xf32>
    %get3A_31 = arith.constant 0 : i32
    %get3A_32 = arith.index_cast %get3A_31 : i32 to index
    %get3A_33 = arith.constant 80 : index
    %get3A_34 = tpu.vector_load %arg7[%get3A_32, %get3A_33] {strides = array<i32>} : memref<8x768xf32, #tpu.memory_space<vmem>>, vector<1x16xf32>,
    %get3A_35 = vector.shape_cast %get3A_34 : vector<1x16xf32> to vector<16xf32>
    %get3A_36 = arith.constant 0 : i32
    %get3A_37 = arith.index_cast %get3A_36 : i32 to index
    %get3A_38 = arith.constant 96 : index
    %get3A_39 = tpu.vector_load %arg7[%get3A_37, %get3A_38] {strides = array<i32>} : memref<8x768xf32, #tpu.memory_space<vmem>>, vector<1x16xf32>,
    %get3A_40 = vector.shape_cast %get3A_39 : vector<1x16xf32> to vector<16xf32>
    %get3A_41 = arith.constant 0 : i32
    %get3A_42 = arith.index_cast %get3A_41 : i32 to index
    %get3A_43 = arith.constant 112 : index
    %get3A_44 = tpu.vector_load %arg7[%get3A_42, %get3A_43] {strides = array<i32>} : memref<8x768xf32, #tpu.memory_space<vmem>>, vector<1x16xf32>,
    %get3A_45 = vector.shape_cast %get3A_44 : vector<1x16xf32> to vector<16xf32>
    %get3A_46 = arith.constant 0 : i32
    %get3A_47 = arith.index_cast %get3A_46 : i32 to index
    %get3A_48 = arith.constant 128 : index
    %get3A_49 = tpu.vector_load %arg7[%get3A_47, %get3A_48] {strides = array<i32>} : memref<8x768xf32, #tpu.memory_space<vmem>>, vector<1x16xf32>,
    %get3A_50 = vector.shape_cast %get3A_49 : vector<1x16xf32> to vector<16xf32>
    %get3A_51 = arith.constant 0 : i32
    %get3A_52 = arith.index_cast %get3A_51 : i32 to index
    %get3A_53 = arith.constant 144 : index
    %get3A_54 = tpu.vector_load %arg7[%get3A_52, %get3A_53] {strides = array<i32>} : memref<8x768xf32, #tpu.memory_space<vmem>>, vector<1x16xf32>,
    %get3A_55 = vector.shape_cast %get3A_54 : vector<1x16xf32> to vector<16xf32>
    %get3A_56 = arith.constant 0 : i32
    %get3A_57 = arith.index_cast %get3A_56 : i32 to index
    %get3A_58 = arith.constant 160 : index
    %get3A_59 = tpu.vector_load %arg7[%get3A_57, %get3A_58] {strides = array<i32>} : memref<8x768xf32, #tpu.memory_space<vmem>>, vector<1x16xf32>,
    %get3A_60 = vector.shape_cast %get3A_59 : vector<1x16xf32> to vector<16xf32>
    %get3A_61 = arith.constant 0 : i32
    %get3A_62 = arith.index_cast %get3A_61 : i32 to index
    %get3A_63 = arith.constant 176 : index
    %get3A_64 = tpu.vector_load %arg7[%get3A_62, %get3A_63] {strides = array<i32>} : memref<8x768xf32, #tpu.memory_space<vmem>>, vector<1x16xf32>,
    %get3A_65 = vector.shape_cast %get3A_64 : vector<1x16xf32> to vector<16xf32>
    %get3A_66 = arith.constant 0 : i32
    %get3A_67 = arith.index_cast %get3A_66 : i32 to index
    %get3A_68 = arith.constant 192 : index
    %get3A_69 = tpu.vector_load %arg7[%get3A_67, %get3A_68] {strides = array<i32>} : memref<8x768xf32, #tpu.memory_space<vmem>>, vector<1x16xf32>,
    %get3A_70 = vector.shape_cast %get3A_69 : vector<1x16xf32> to vector<16xf32>
    %get3A_71 = arith.constant 0 : i32
    %get3A_72 = arith.index_cast %get3A_71 : i32 to index
    %get3A_73 = arith.constant 208 : index
    %get3A_74 = tpu.vector_load %arg7[%get3A_72, %get3A_73] {strides = array<i32>} : memref<8x768xf32, #tpu.memory_space<vmem>>, vector<1x16xf32>,
    %get3A_75 = vector.shape_cast %get3A_74 : vector<1x16xf32> to vector<16xf32>
    %get3A_76 = arith.constant 0 : i32
    %get3A_77 = arith.index_cast %get3A_76 : i32 to index
    %get3A_78 = arith.constant 224 : index
    %get3A_79 = tpu.vector_load %arg7[%get3A_77, %get3A_78] {strides = array<i32>} : memref<8x768xf32, #tpu.memory_space<vmem>>, vector<1x16xf32>,
    %get3A_80 = vector.shape_cast %get3A_79 : vector<1x16xf32> to vector<16xf32>
    %get3A_81 = arith.constant 0 : i32
    %get3A_82 = arith.index_cast %get3A_81 : i32 to index
    %get3A_83 = arith.constant 240 : index
    %get3A_84 = tpu.vector_load %arg7[%get3A_82, %get3A_83] {strides = array<i32>} : memref<8x768xf32, #tpu.memory_space<vmem>>, vector<1x16xf32>,
    %get3A_85 = vector.shape_cast %get3A_84 : vector<1x16xf32> to vector<16xf32>
    %get3A_86 = arith.constant 0 : i32
    %get3A_87 = arith.index_cast %get3A_86 : i32 to index
    %get3A_88 = arith.constant 256 : index
    %get3A_89 = tpu.vector_load %arg7[%get3A_87, %get3A_88] {strides = array<i32>} : memref<8x768xf32, #tpu.memory_space<vmem>>, vector<1x16xf32>,
    %get3A_90 = vector.shape_cast %get3A_89 : vector<1x16xf32> to vector<16xf32>
    %get3A_91 = arith.constant 0 : i32
    %get3A_92 = arith.index_cast %get3A_91 : i32 to index
    %get3A_93 = arith.constant 272 : index
    %get3A_94 = tpu.vector_load %arg7[%get3A_92, %get3A_93] {strides = array<i32>} : memref<8x768xf32, #tpu.memory_space<vmem>>, vector<1x16xf32>,
    %get3A_95 = vector.shape_cast %get3A_94 : vector<1x16xf32> to vector<16xf32>
    %get3A_96 = arith.constant 0 : i32
    %get3A_97 = arith.index_cast %get3A_96 : i32 to index
    %get3A_98 = arith.constant 288 : index
    %get3A_99 = tpu.vector_load %arg7[%get3A_97, %get3A_98] {strides = array<i32>} : memref<8x768xf32, #tpu.memory_space<vmem>>, vector<1x16xf32>,
    %get3A_100 = vector.shape_cast %get3A_99 : vector<1x16xf32> to vector<16xf32>
    %get3A_101 = arith.constant 0 : i32
    %get3A_102 = arith.index_cast %get3A_101 : i32 to index
    %get3A_103 = arith.constant 304 : index
    %get3A_104 = tpu.vector_load %arg7[%get3A_102, %get3A_103] {strides = array<i32>} : memref<8x768xf32, #tpu.memory_space<vmem>>, vector<1x16xf32>,
    %get3A_105 = vector.shape_cast %get3A_104 : vector<1x16xf32> to vector<16xf32>
    %get3A_106 = arith.constant 0 : i32
    %get3A_107 = arith.index_cast %get3A_106 : i32 to index
    %get3A_108 = arith.constant 320 : index
    %get3A_109 = tpu.vector_load %arg7[%get3A_107, %get3A_108] {strides = array<i32>} : memref<8x768xf32, #tpu.memory_space<vmem>>, vector<1x16xf32>,
    %get3A_110 = vector.shape_cast %get3A_109 : vector<1x16xf32> to vector<16xf32>
    %get3A_111 = arith.constant 0 : i32
    %get3A_112 = arith.index_cast %get3A_111 : i32 to index
    %get3A_113 = arith.constant 336 : index
    %get3A_114 = tpu.vector_load %arg7[%get3A_112, %get3A_113] {strides = array<i32>} : memref<8x768xf32, #tpu.memory_space<vmem>>, vector<1x16xf32>,
    %get3A_115 = vector.shape_cast %get3A_114 : vector<1x16xf32> to vector<16xf32>
    %get3A_116 = arith.constant 0 : i32
    %get3A_117 = arith.index_cast %get3A_116 : i32 to index
    %get3A_118 = arith.constant 352 : index
    %get3A_119 = tpu.vector_load %arg7[%get3A_117, %get3A_118] {strides = array<i32>} : memref<8x768xf32, #tpu.memory_space<vmem>>, vector<1x16xf32>,
    %get3A_120 = vector.shape_cast %get3A_119 : vector<1x16xf32> to vector<16xf32>
    %get3A_121 = arith.constant 0 : i32
    %get3A_122 = arith.index_cast %get3A_121 : i32 to index
    %get3A_123 = arith.constant 368 : index
    %get3A_124 = tpu.vector_load %arg7[%get3A_122, %get3A_123] {strides = array<i32>} : memref<8x768xf32, #tpu.memory_space<vmem>>, vector<1x16xf32>,
    %get3A_125 = vector.shape_cast %get3A_124 : vector<1x16xf32> to vector<16xf32>
    %get3A_126 = arith.constant 0 : i32
    %get3A_127 = arith.index_cast %get3A_126 : i32 to index
    %get3A_128 = arith.constant 384 : index
    %get3A_129 = tpu.vector_load %arg7[%get3A_127, %get3A_128] {strides = array<i32>} : memref<8x768xf32, #tpu.memory_space<vmem>>, vector<1x16xf32>,
    %get3A_130 = vector.shape_cast %get3A_129 : vector<1x16xf32> to vector<16xf32>
    %get3A_131 = arith.constant 0 : i32
    %get3A_132 = arith.index_cast %get3A_131 : i32 to index
    %get3A_133 = arith.constant 400 : index
    %get3A_134 = tpu.vector_load %arg7[%get3A_132, %get3A_133] {strides = array<i32>} : memref<8x768xf32, #tpu.memory_space<vmem>>, vector<1x16xf32>,
    %get3A_135 = vector.shape_cast %get3A_134 : vector<1x16xf32> to vector<16xf32>
    %get3A_136 = arith.constant 0 : i32
    %get3A_137 = arith.index_cast %get3A_136 : i32 to index
    %get3A_138 = arith.constant 416 : index
    %get3A_139 = tpu.vector_load %arg7[%get3A_137, %get3A_138] {strides = array<i32>} : memref<8x768xf32, #tpu.memory_space<vmem>>, vector<1x16xf32>,
    %get3A_140 = vector.shape_cast %get3A_139 : vector<1x16xf32> to vector<16xf32>
    %get3A_141 = arith.constant 0 : i32
    %get3A_142 = arith.index_cast %get3A_141 : i32 to index
    %get3A_143 = arith.constant 432 : index
    %get3A_144 = tpu.vector_load %arg7[%get3A_142, %get3A_143] {strides = array<i32>} : memref<8x768xf32, #tpu.memory_space<vmem>>, vector<1x16xf32>,
    %get3A_145 = vector.shape_cast %get3A_144 : vector<1x16xf32> to vector<16xf32>
    %get3A_146 = arith.constant 0 : i32
    %get3A_147 = arith.index_cast %get3A_146 : i32 to index
    %get3A_148 = arith.constant 448 : index
    %get3A_149 = tpu.vector_load %arg7[%get3A_147, %get3A_148] {strides = array<i32>} : memref<8x768xf32, #tpu.memory_space<vmem>>, vector<1x16xf32>,
    %get3A_150 = vector.shape_cast %get3A_149 : vector<1x16xf32> to vector<16xf32>
    %get3A_151 = arith.constant 0 : i32
    %get3A_152 = arith.index_cast %get3A_151 : i32 to index
    %get3A_153 = arith.constant 464 : index
    %get3A_154 = tpu.vector_load %arg7[%get3A_152, %get3A_153] {strides = array<i32>} : memref<8x768xf32, #tpu.memory_space<vmem>>, vector<1x16xf32>,
    %get3A_155 = vector.shape_cast %get3A_154 : vector<1x16xf32> to vector<16xf32>
    %get3A_156 = arith.constant 0 : i32
    %get3A_157 = arith.index_cast %get3A_156 : i32 to index
    %get3A_158 = arith.constant 480 : index
    %get3A_159 = tpu.vector_load %arg7[%get3A_157, %get3A_158] {strides = array<i32>} : memref<8x768xf32, #tpu.memory_space<vmem>>, vector<1x16xf32>,
    %get3A_160 = vector.shape_cast %get3A_159 : vector<1x16xf32> to vector<16xf32>
    %get3A_161 = arith.constant 0 : i32
    %get3A_162 = arith.index_cast %get3A_161 : i32 to index
    %get3A_163 = arith.constant 496 : index
    %get3A_164 = tpu.vector_load %arg7[%get3A_162, %get3A_163] {strides = array<i32>} : memref<8x768xf32, #tpu.memory_space<vmem>>, vector<1x16xf32>,
    %get3A_165 = vector.shape_cast %get3A_164 : vector<1x16xf32> to vector<16xf32>
    %get3A_166 = arith.constant 0 : i32
    %get3A_167 = arith.index_cast %get3A_166 : i32 to index
    %get3A_168 = arith.constant 512 : index
    %get3A_169 = tpu.vector_load %arg7[%get3A_167, %get3A_168] {strides = array<i32>} : memref<8x768xf32, #tpu.memory_space<vmem>>, vector<1x16xf32>,
    %get3A_170 = vector.shape_cast %get3A_169 : vector<1x16xf32> to vector<16xf32>
    %get3A_171 = arith.constant 0 : i32
    %get3A_172 = arith.index_cast %get3A_171 : i32 to index
    %get3A_173 = arith.constant 528 : index
    %get3A_174 = tpu.vector_load %arg7[%get3A_172, %get3A_173] {strides = array<i32>} : memref<8x768xf32, #tpu.memory_space<vmem>>, vector<1x16xf32>,
    %get3A_175 = vector.shape_cast %get3A_174 : vector<1x16xf32> to vector<16xf32>
    %get3A_176 = arith.constant 0 : i32
    %get3A_177 = arith.index_cast %get3A_176 : i32 to index
    %get3A_178 = arith.constant 544 : index
    %get3A_179 = tpu.vector_load %arg7[%get3A_177, %get3A_178] {strides = array<i32>} : memref<8x768xf32, #tpu.memory_space<vmem>>, vector<1x16xf32>,
    %get3A_180 = vector.shape_cast %get3A_179 : vector<1x16xf32> to vector<16xf32>
    %get3A_181 = arith.constant 0 : i32
    %get3A_182 = arith.index_cast %get3A_181 : i32 to index
    %get3A_183 = arith.constant 560 : index
    %get3A_184 = tpu.vector_load %arg7[%get3A_182, %get3A_183] {strides = array<i32>} : memref<8x768xf32, #tpu.memory_space<vmem>>, vector<1x16xf32>,
    %get3A_185 = vector.shape_cast %get3A_184 : vector<1x16xf32> to vector<16xf32>
    %get3A_186 = arith.constant 0 : i32
    %get3A_187 = arith.index_cast %get3A_186 : i32 to index
    %get3A_188 = arith.constant 576 : index
    %get3A_189 = tpu.vector_load %arg7[%get3A_187, %get3A_188] {strides = array<i32>} : memref<8x768xf32, #tpu.memory_space<vmem>>, vector<1x16xf32>,
    %get3A_190 = vector.shape_cast %get3A_189 : vector<1x16xf32> to vector<16xf32>
    %get3A_191 = arith.constant 0 : i32
    %get3A_192 = arith.index_cast %get3A_191 : i32 to index
    %get3A_193 = arith.constant 592 : index
    %get3A_194 = tpu.vector_load %arg7[%get3A_192, %get3A_193] {strides = array<i32>} : memref<8x768xf32, #tpu.memory_space<vmem>>, vector<1x16xf32>,
    %get3A_195 = vector.shape_cast %get3A_194 : vector<1x16xf32> to vector<16xf32>
    %get3A_196 = arith.constant 0 : i32
    %get3A_197 = arith.index_cast %get3A_196 : i32 to index
    %get3A_198 = arith.constant 608 : index
    %get3A_199 = tpu.vector_load %arg7[%get3A_197, %get3A_198] {strides = array<i32>} : memref<8x768xf32, #tpu.memory_space<vmem>>, vector<1x16xf32>,
    %get3A_200 = vector.shape_cast %get3A_199 : vector<1x16xf32> to vector<16xf32>
    %get3A_201 = arith.constant 0 : i32
    %get3A_202 = arith.index_cast %get3A_201 : i32 to index
    %get3A_203 = arith.constant 624 : index
    %get3A_204 = tpu.vector_load %arg7[%get3A_202, %get3A_203] {strides = array<i32>} : memref<8x768xf32, #tpu.memory_space<vmem>>, vector<1x16xf32>,
    %get3A_205 = vector.shape_cast %get3A_204 : vector<1x16xf32> to vector<16xf32>
    %get3A_206 = arith.constant 0 : i32
    %get3A_207 = arith.index_cast %get3A_206 : i32 to index
    %get3A_208 = arith.constant 640 : index
    %get3A_209 = tpu.vector_load %arg7[%get3A_207, %get3A_208] {strides = array<i32>} : memref<8x768xf32, #tpu.memory_space<vmem>>, vector<1x16xf32>,
    %get3A_210 = vector.shape_cast %get3A_209 : vector<1x16xf32> to vector<16xf32>
    %get3A_211 = arith.constant 0 : i32
    %get3A_212 = arith.index_cast %get3A_211 : i32 to index
    %get3A_213 = arith.constant 656 : index
    %get3A_214 = tpu.vector_load %arg7[%get3A_212, %get3A_213] {strides = array<i32>} : memref<8x768xf32, #tpu.memory_space<vmem>>, vector<1x16xf32>,
    %get3A_215 = vector.shape_cast %get3A_214 : vector<1x16xf32> to vector<16xf32>
    %get3A_216 = arith.constant 0 : i32
    %get3A_217 = arith.index_cast %get3A_216 : i32 to index
    %get3A_218 = arith.constant 672 : index
    %get3A_219 = tpu.vector_load %arg7[%get3A_217, %get3A_218] {strides = array<i32>} : memref<8x768xf32, #tpu.memory_space<vmem>>, vector<1x16xf32>,
    %get3A_220 = vector.shape_cast %get3A_219 : vector<1x16xf32> to vector<16xf32>
    %get3A_221 = arith.constant 0 : i32
    %get3A_222 = arith.index_cast %get3A_221 : i32 to index
    %get3A_223 = arith.constant 688 : index
    %get3A_224 = tpu.vector_load %arg7[%get3A_222, %get3A_223] {strides = array<i32>} : memref<8x768xf32, #tpu.memory_space<vmem>>, vector<1x16xf32>,
    %get3A_225 = vector.shape_cast %get3A_224 : vector<1x16xf32> to vector<16xf32>
    %get3A_226 = arith.constant 0 : i32
    %get3A_227 = arith.index_cast %get3A_226 : i32 to index
    %get3A_228 = arith.constant 704 : index
    %get3A_229 = tpu.vector_load %arg7[%get3A_227, %get3A_228] {strides = array<i32>} : memref<8x768xf32, #tpu.memory_space<vmem>>, vector<1x16xf32>,
    %get3A_230 = vector.shape_cast %get3A_229 : vector<1x16xf32> to vector<16xf32>
    %get3A_231 = arith.constant 0 : i32
    %get3A_232 = arith.index_cast %get3A_231 : i32 to index
    %get3A_233 = arith.constant 720 : index
    %get3A_234 = tpu.vector_load %arg7[%get3A_232, %get3A_233] {strides = array<i32>} : memref<8x768xf32, #tpu.memory_space<vmem>>, vector<1x16xf32>,
    %get3A_235 = vector.shape_cast %get3A_234 : vector<1x16xf32> to vector<16xf32>
    %get3A_236 = arith.constant 0 : i32
    %get3A_237 = arith.index_cast %get3A_236 : i32 to index
    %get3A_238 = arith.constant 736 : index
    %get3A_239 = tpu.vector_load %arg7[%get3A_237, %get3A_238] {strides = array<i32>} : memref<8x768xf32, #tpu.memory_space<vmem>>, vector<1x16xf32>,
    %get3A_240 = vector.shape_cast %get3A_239 : vector<1x16xf32> to vector<16xf32>
    %get3A_241 = arith.constant 0 : i32
    %get3A_242 = arith.index_cast %get3A_241 : i32 to index
    %get3A_243 = arith.constant 752 : index
    %get3A_244 = tpu.vector_load %arg7[%get3A_242, %get3A_243] {strides = array<i32>} : memref<8x768xf32, #tpu.memory_space<vmem>>, vector<1x16xf32>,
    %get3A_245 = vector.shape_cast %get3A_244 : vector<1x16xf32> to vector<16xf32>
    %add3A_246 = arith.constant 12288 : i32
    %add3A_247 = arith.addi %add3A_246, %mul3A_2 : i32
    %add3A_248 = arith.constant 0 : i32
    %add3A_249 = arith.addi %add3A_247, %add3A_248 : i32
    %dma_start3A_250 = arith.constant 0 : i32
    %dma_start3A_251 = arith.constant 0 : i32
    %dma_start3A_252 = arith.constant 0 : i32
    %dma_start3A_253 = tpu.memref_slice %arg8[%dma_start3A_250, %dma_start3A_251, %dma_start3A_252] : memref<2x48x768xf32, #tpu.memory_space<vmem>> -> memref<1x48x768xf32, #tpu.memory_space<vmem>>
    %dma_start3A_254 = tpu.memref_squeeze %dma_start3A_253 : memref<1x48x768xf32, #tpu.memory_space<vmem>> -> memref<48x768xf32, #tpu.memory_space<vmem>>
    %dma_start3A_255 = arith.constant 0 : i32
    %dma_start3A_256 = tpu.memref_slice %arg2[%add3A_249, %dma_start3A_255] : memref<18432x768xf32, #tpu.memory_space<hbm>> -> memref<48x768xf32, #tpu.memory_space<hbm>>
    %dma_start3A_257 = arith.constant 0 : i32
    %dma_start3A_258 = arith.constant 0 : i32
    %dma_start3A_259 = tpu.memref_slice %arg8[%dma_start3A_250, %dma_start3A_257, %dma_start3A_258] : memref<2x48x768xf32, #tpu.memory_space<vmem>> -> memref<1x48x768xf32, #tpu.memory_space<vmem>>
    %dma_start3A_260 = tpu.memref_squeeze %dma_start3A_259 : memref<1x48x768xf32, #tpu.memory_space<vmem>> -> memref<48x768xf32, #tpu.memory_space<vmem>>
    %dma_start3A_261 = arith.constant 0 : i32
    %dma_start3A_262 = tpu.memref_slice %arg2[%add3A_249, %dma_start3A_261] : memref<18432x768xf32, #tpu.memory_space<hbm>> -> memref<48x768xf32, #tpu.memory_space<hbm>>
    tpu.enqueue_dma source(%dma_start3A_262 : memref<48x768xf32, #tpu.memory_space<hbm>>) target(%dma_start3A_260 : memref<48x768xf32, #tpu.memory_space<vmem>>) target_semaphore(%arg9 : memref<!tpu.dma_semaphore, #tpu.memory_space<semaphore_mem>>)
    %add3A_263 = arith.constant 12288 : i32
    %add3A_264 = arith.addi %add3A_263, %mul3A_2 : i32
    %add3A_265 = arith.constant 48 : i32
    %add3A_266 = arith.addi %add3A_264, %add3A_265 : i32
    %dma_start3A_267 = arith.constant 1 : i32
    %dma_start3A_268 = arith.constant 0 : i32
    %dma_start3A_269 = arith.constant 0 : i32
    %dma_start3A_270 = tpu.memref_slice %arg8[%dma_start3A_267, %dma_start3A_268, %dma_start3A_269] : memref<2x48x768xf32, #tpu.memory_space<vmem>> -> memref<1x48x768xf32, #tpu.memory_space<vmem>>
    %dma_start3A_271 = tpu.memref_squeeze %dma_start3A_270 : memref<1x48x768xf32, #tpu.memory_space<vmem>> -> memref<48x768xf32, #tpu.memory_space<vmem>>
    %dma_start3A_272 = arith.constant 0 : i32
    %dma_start3A_273 = tpu.memref_slice %arg2[%add3A_266, %dma_start3A_272] : memref<18432x768xf32, #tpu.memory_space<hbm>> -> memref<48x768xf32, #tpu.memory_space<hbm>>
    %dma_start3A_274 = arith.constant 0 : i32
    %dma_start3A_275 = arith.constant 0 : i32
    %dma_start3A_276 = tpu.memref_slice %arg8[%dma_start3A_267, %dma_start3A_274, %dma_start3A_275] : memref<2x48x768xf32, #tpu.memory_space<vmem>> -> memref<1x48x768xf32, #tpu.memory_space<vmem>>
    %dma_start3A_277 = tpu.memref_squeeze %dma_start3A_276 : memref<1x48x768xf32, #tpu.memory_space<vmem>> -> memref<48x768xf32, #tpu.memory_space<vmem>>
    %dma_start3A_278 = arith.constant 0 : i32
    %dma_start3A_279 = tpu.memref_slice %arg2[%add3A_266, %dma_start3A_278] : memref<18432x768xf32, #tpu.memory_space<hbm>> -> memref<48x768xf32, #tpu.memory_space<hbm>>
    tpu.enqueue_dma source(%dma_start3A_279 : memref<48x768xf32, #tpu.memory_space<hbm>>) target(%dma_start3A_277 : memref<48x768xf32, #tpu.memory_space<vmem>>) target_semaphore(%arg10 : memref<!tpu.dma_semaphore, #tpu.memory_space<semaphore_mem>>)
    %dma_wait3A_280 = arith.constant 0 : i32
    %dma_wait3A_281 = arith.constant 0 : i32
    %dma_wait3A_282 = arith.constant 0 : i32
    %dma_wait3A_283 = tpu.memref_slice %arg8[%dma_wait3A_280, %dma_wait3A_281, %dma_wait3A_282] : memref<2x48x768xf32, #tpu.memory_space<vmem>> -> memref<1x48x768xf32, #tpu.memory_space<vmem>>
    %dma_wait3A_284 = tpu.memref_squeeze %dma_wait3A_283 : memref<1x48x768xf32, #tpu.memory_space<vmem>> -> memref<48x768xf32, #tpu.memory_space<vmem>>
    %dma_wait3A_285 = arith.constant 0 : i32
    %dma_wait3A_286 = tpu.memref_slice %arg2[%add3A_249, %dma_wait3A_285] : memref<18432x768xf32, #tpu.memory_space<hbm>> -> memref<48x768xf32, #tpu.memory_space<hbm>>
    %dma_wait3A_287 = arith.constant 0 : i32
    %dma_wait3A_288 = arith.constant 0 : i32
    %dma_wait3A_289 = tpu.memref_slice %arg8[%dma_wait3A_280, %dma_wait3A_287, %dma_wait3A_288] : memref<2x48x768xf32, #tpu.memory_space<vmem>> -> memref<1x48x768xf32, #tpu.memory_space<vmem>>
    %dma_wait3A_290 = tpu.memref_squeeze %dma_wait3A_289 : memref<1x48x768xf32, #tpu.memory_space<vmem>> -> memref<48x768xf32, #tpu.memory_space<vmem>>
    %dma_wait3A_291 = arith.constant 0 : i32
    %dma_wait3A_292 = tpu.memref_slice %arg2[%add3A_249, %dma_wait3A_291] : memref<18432x768xf32, #tpu.memory_space<hbm>> -> memref<48x768xf32, #tpu.memory_space<hbm>>
    tpu.wait_dma2 semaphore(%arg9 : memref<!tpu.dma_semaphore, #tpu.memory_space<semaphore_mem>>) src(%dma_wait3A_292 : memref<48x768xf32, #tpu.memory_space<hbm>>) dst(%dma_wait3A_290 : memref<48x768xf32, #tpu.memory_space<vmem>>)
    %scan3A = arith.constant 0 : i32
    %scan3A_293 = arith.constant 48 : i32
    %scan3A_294 = arith.addi %scan3A, %scan3A_293 : i32
    %scan3A_295 = arith.constant 1 : i32
    scf.for %scan3A_497 = %scan3A to %scan3A_294 step %scan3A_295  : i32 {
      %get3A_498 = arith.constant 0 : i32
      %get3A_499 = arith.index_cast %get3A_498 : i32 to index
      %get3A_500 = arith.index_cast %scan3A_497 : i32 to index
      %get3A_501 = arith.constant 0 : index
      %get3A_502 = tpu.vector_load %arg8[%get3A_499, %get3A_500, %get3A_501] {strides = array<i32>} : memref<2x48x768xf32, #tpu.memory_space<vmem>>, vector<1x1x16xf32>,
      %get3A_503 = vector.shape_cast %get3A_502 : vector<1x1x16xf32> to vector<16xf32>
      %add3A_504 = arith.addf %get3A_503, %get3A_10 : vector<16xf32>
      %swap3A = arith.constant 0 : i32
      %swap3A_505 = arith.index_cast %swap3A : i32 to index
      %swap3A_506 = arith.index_cast %scan3A_497 : i32 to index
      %swap3A_507 = arith.constant 0 : index
      %swap3A_508 = tpu.vector_load %arg8[%swap3A_505, %swap3A_506, %swap3A_507] {strides = array<i32>} : memref<2x48x768xf32, #tpu.memory_space<vmem>>, vector<1x1x16xf32>,
      %swap3A_509 = vector.shape_cast %swap3A_508 : vector<1x1x16xf32> to vector<16xf32>
      %swap3A_510 = vector.shape_cast %add3A_504 : vector<16xf32> to vector<1x1x16xf32>
      tpu.vector_store %arg8[%swap3A_505, %swap3A_506, %swap3A_507], %swap3A_510 {strides = array<i32>} : memref<2x48x768xf32, #tpu.memory_space<vmem>>, vector<1x1x16xf32>,
      %get3A_511 = arith.constant 0 : i32
      %get3A_512 = arith.index_cast %get3A_511 : i32 to index
      %get3A_513 = arith.index_cast %scan3A_497 : i32 to index
      %get3A_514 = arith.constant 16 : index
      %get3A_515 = tpu.vector_load %arg8[%get3A_512, %get3A_513, %get3A_514] {strides = array<i32>} : memref<2x48x768xf32, #tpu.memory_space<vmem>>, vector<1x1x16xf32>,
      %get3A_516 = vector.shape_cast %get3A_515 : vector<1x1x16xf32> to vector<16xf32>
      %add3A_517 = arith.addf %get3A_516, %get3A_15 : vector<16xf32>
      %swap3A_518 = arith.constant 0 : i32
      %swap3A_519 = arith.index_cast %swap3A_518 : i32 to index
      %swap3A_520 = arith.index_cast %scan3A_497 : i32 to index
      %swap3A_521 = arith.constant 16 : index
      %swap3A_522 = tpu.vector_load %arg8[%swap3A_519, %swap3A_520, %swap3A_521] {strides = array<i32>} : memref<2x48x768xf32, #tpu.memory_space<vmem>>, vector<1x1x16xf32>,
      %swap3A_523 = vector.shape_cast %swap3A_522 : vector<1x1x16xf32> to vector<16xf32>
      %swap3A_524 = vector.shape_cast %add3A_517 : vector<16xf32> to vector<1x1x16xf32>
      tpu.vector_store %arg8[%swap3A_519, %swap3A_520, %swap3A_521], %swap3A_524 {strides = array<i32>} : memref<2x48x768xf32, #tpu.memory_space<vmem>>, vector<1x1x16xf32>,
      %get3A_525 = arith.constant 0 : i32
      %get3A_526 = arith.index_cast %get3A_525 : i32 to index
      %get3A_527 = arith.index_cast %scan3A_497 : i32 to index
      %get3A_528 = arith.constant 32 : index
      %get3A_529 = tpu.vector_load %arg8[%get3A_526, %get3A_527, %get3A_528] {strides = array<i32>} : memref<2x48x768xf32, #tpu.memory_space<vmem>>, vector<1x1x16xf32>,
      %get3A_530 = vector.shape_cast %get3A_529 : vector<1x1x16xf32> to vector<16xf32>
      %add3A_531 = arith.addf %get3A_530, %get3A_20 : vector<16xf32>
      %swap3A_532 = arith.constant 0 : i32
      %swap3A_533 = arith.index_cast %swap3A_532 : i32 to index
      %swap3A_534 = arith.index_cast %scan3A_497 : i32 to index
      %swap3A_535 = arith.constant 32 : index
      %swap3A_536 = tpu.vector_load %arg8[%swap3A_533, %swap3A_534, %swap3A_535] {strides = array<i32>} : memref<2x48x768xf32, #tpu.memory_space<vmem>>, vector<1x1x16xf32>,
      %swap3A_537 = vector.shape_cast %swap3A_536 : vector<1x1x16xf32> to vector<16xf32>
      %swap3A_538 = vector.shape_cast %add3A_531 : vector<16xf32> to vector<1x1x16xf32>
      tpu.vector_store %arg8[%swap3A_533, %swap3A_534, %swap3A_535], %swap3A_538 {strides = array<i32>} : memref<2x48x768xf32, #tpu.memory_space<vmem>>, vector<1x1x16xf32>,
      %get3A_539 = arith.constant 0 : i32
      %get3A_540 = arith.index_cast %get3A_539 : i32 to index
      %get3A_541 = arith.index_cast %scan3A_497 : i32 to index
      %get3A_542 = arith.constant 48 : index
      %get3A_543 = tpu.vector_load %arg8[%get3A_540, %get3A_541, %get3A_542] {strides = array<i32>} : memref<2x48x768xf32, #tpu.memory_space<vmem>>, vector<1x1x16xf32>,
      %get3A_544 = vector.shape_cast %get3A_543 : vector<1x1x16xf32> to vector<16xf32>
      %add3A_545 = arith.addf %get3A_544, %get3A_25 : vector<16xf32>
      %swap3A_546 = arith.constant 0 : i32
      %swap3A_547 = arith.index_cast %swap3A_546 : i32 to index
      %swap3A_548 = arith.index_cast %scan3A_497 : i32 to index
      %swap3A_549 = arith.constant 48 : index
      %swap3A_550 = tpu.vector_load %arg8[%swap3A_547, %swap3A_548, %swap3A_549] {strides = array<i32>} : memref<2x48x768xf32, #tpu.memory_space<vmem>>, vector<1x1x16xf32>,
      %swap3A_551 = vector.shape_cast %swap3A_550 : vector<1x1x16xf32> to vector<16xf32>
      %swap3A_552 = vector.shape_cast %add3A_545 : vector<16xf32> to vector<1x1x16xf32>
      tpu.vector_store %arg8[%swap3A_547, %swap3A_548, %swap3A_549], %swap3A_552 {strides = array<i32>} : memref<2x48x768xf32, #tpu.memory_space<vmem>>, vector<1x1x16xf32>,
      %get3A_553 = arith.constant 0 : i32
      %get3A_554 = arith.index_cast %get3A_553 : i32 to index
      %get3A_555 = arith.index_cast %scan3A_497 : i32 to index
      %get3A_556 = arith.constant 64 : index
      %get3A_557 = tpu.vector_load %arg8[%get3A_554, %get3A_555, %get3A_556] {strides = array<i32>} : memref<2x48x768xf32, #tpu.memory_space<vmem>>, vector<1x1x16xf32>,
      %get3A_558 = vector.shape_cast %get3A_557 : vector<1x1x16xf32> to vector<16xf32>
      %add3A_559 = arith.addf %get3A_558, %get3A_30 : vector<16xf32>
      %swap3A_560 = arith.constant 0 : i32
      %swap3A_561 = arith.index_cast %swap3A_560 : i32 to index
      %swap3A_562 = arith.index_cast %scan3A_497 : i32 to index
      %swap3A_563 = arith.constant 64 : index
      %swap3A_564 = tpu.vector_load %arg8[%swap3A_561, %swap3A_562, %swap3A_563] {strides = array<i32>} : memref<2x48x768xf32, #tpu.memory_space<vmem>>, vector<1x1x16xf32>,
      %swap3A_565 = vector.shape_cast %swap3A_564 : vector<1x1x16xf32> to vector<16xf32>
      %swap3A_566 = vector.shape_cast %add3A_559 : vector<16xf32> to vector<1x1x16xf32>
      tpu.vector_store %arg8[%swap3A_561, %swap3A_562, %swap3A_563], %swap3A_566 {strides = array<i32>} : memref<2x48x768xf32, #tpu.memory_space<vmem>>, vector<1x1x16xf32>,
      %get3A_567 = arith.constant 0 : i32
      %get3A_568 = arith.index_cast %get3A_567 : i32 to index
      %get3A_569 = arith.index_cast %scan3A_497 : i32 to index
      %get3A_570 = arith.constant 80 : index
      %get3A_571 = tpu.vector_load %arg8[%get3A_568, %get3A_569, %get3A_570] {strides = array<i32>} : memref<2x48x768xf32, #tpu.memory_space<vmem>>, vector<1x1x16xf32>,
      %get3A_572 = vector.shape_cast %get3A_571 : vector<1x1x16xf32> to vector<16xf32>
      %add3A_573 = arith.addf %get3A_572, %get3A_35 : vector<16xf32>
      %swap3A_574 = arith.constant 0 : i32
      %swap3A_575 = arith.index_cast %swap3A_574 : i32 to index
      %swap3A_576 = arith.index_cast %scan3A_497 : i32 to index
      %swap3A_577 = arith.constant 80 : index
      %swap3A_578 = tpu.vector_load %arg8[%swap3A_575, %swap3A_576, %swap3A_577] {strides = array<i32>} : memref<2x48x768xf32, #tpu.memory_space<vmem>>, vector<1x1x16xf32>,
      %swap3A_579 = vector.shape_cast %swap3A_578 : vector<1x1x16xf32> to vector<16xf32>
      %swap3A_580 = vector.shape_cast %add3A_573 : vector<16xf32> to vector<1x1x16xf32>
      tpu.vector_store %arg8[%swap3A_575, %swap3A_576, %swap3A_577], %swap3A_580 {strides = array<i32>} : memref<2x48x768xf32, #tpu.memory_space<vmem>>, vector<1x1x16xf32>,
      %get3A_581 = arith.constant 0 : i32
      %get3A_582 = arith.index_cast %get3A_581 : i32 to index
      %get3A_583 = arith.index_cast %scan3A_497 : i32 to index
      %get3A_584 = arith.constant 96 : index
      %get3A_585 = tpu.vector_load %arg8[%get3A_582, %get3A_583, %get3A_584] {strides = array<i32>} : memref<2x48x768xf32, #tpu.memory_space<vmem>>, vector<1x1x16xf32>,
      %get3A_586 = vector.shape_cast %get3A_585 : vector<1x1x16xf32> to vector<16xf32>
      %add3A_587 = arith.addf %get3A_586, %get3A_40 : vector<16xf32>
      %swap3A_588 = arith.constant 0 : i32
      %swap3A_589 = arith.index_cast %swap3A_588 : i32 to index
      %swap3A_590 = arith.index_cast %scan3A_497 : i32 to index
      %swap3A_591 = arith.constant 96 : index
      %swap3A_592 = tpu.vector_load %arg8[%swap3A_589, %swap3A_590, %swap3A_591] {strides = array<i32>} : memref<2x48x768xf32, #tpu.memory_space<vmem>>, vector<1x1x16xf32>,
      %swap3A_593 = vector.shape_cast %swap3A_592 : vector<1x1x16xf32> to vector<16xf32>
      %swap3A_594 = vector.shape_cast %add3A_587 : vector<16xf32> to vector<1x1x16xf32>
      tpu.vector_store %arg8[%swap3A_589, %swap3A_590, %swap3A_591], %swap3A_594 {strides = array<i32>} : memref<2x48x768xf32, #tpu.memory_space<vmem>>, vector<1x1x16xf32>,
      %get3A_595 = arith.constant 0 : i32
      %get3A_596 = arith.index_cast %get3A_595 : i32 to index
      %get3A_597 = arith.index_cast %scan3A_497 : i32 to index
      %get3A_598 = arith.constant 112 : index
      %get3A_599 = tpu.vector_load %arg8[%get3A_596, %get3A_597, %get3A_598] {strides = array<i32>} : memref<2x48x768xf32, #tpu.memory_space<vmem>>, vector<1x1x16xf32>,
      %get3A_600 = vector.shape_cast %get3A_599 : vector<1x1x16xf32> to vector<16xf32>
      %add3A_601 = arith.addf %get3A_600, %get3A_45 : vector<16xf32>
      %swap3A_602 = arith.constant 0 : i32
      %swap3A_603 = arith.index_cast %swap3A_602 : i32 to index
      %swap3A_604 = arith.index_cast %scan3A_497 : i32 to index
      %swap3A_605 = arith.constant 112 : index
      %swap3A_606 = tpu.vector_load %arg8[%swap3A_603, %swap3A_604, %swap3A_605] {strides = array<i32>} : memref<2x48x768xf32, #tpu.memory_space<vmem>>, vector<1x1x16xf32>,
      %swap3A_607 = vector.shape_cast %swap3A_606 : vector<1x1x16xf32> to vector<16xf32>
      %swap3A_608 = vector.shape_cast %add3A_601 : vector<16xf32> to vector<1x1x16xf32>
      tpu.vector_store %arg8[%swap3A_603, %swap3A_604, %swap3A_605], %swap3A_608 {strides = array<i32>} : memref<2x48x768xf32, #tpu.memory_space<vmem>>, vector<1x1x16xf32>,
      %get3A_609 = arith.constant 0 : i32
      %get3A_610 = arith.index_cast %get3A_609 : i32 to index
      %get3A_611 = arith.index_cast %scan3A_497 : i32 to index
      %get3A_612 = arith.constant 128 : index
      %get3A_613 = tpu.vector_load %arg8[%get3A_610, %get3A_611, %get3A_612] {strides = array<i32>} : memref<2x48x768xf32, #tpu.memory_space<vmem>>, vector<1x1x16xf32>,
      %get3A_614 = vector.shape_cast %get3A_613 : vector<1x1x16xf32> to vector<16xf32>
      %add3A_615 = arith.addf %get3A_614, %get3A_50 : vector<16xf32>
      %swap3A_616 = arith.constant 0 : i32
      %swap3A_617 = arith.index_cast %swap3A_616 : i32 to index
      %swap3A_618 = arith.index_cast %scan3A_497 : i32 to index
      %swap3A_619 = arith.constant 128 : index
      %swap3A_620 = tpu.vector_load %arg8[%swap3A_617, %swap3A_618, %swap3A_619] {strides = array<i32>} : memref<2x48x768xf32, #tpu.memory_space<vmem>>, vector<1x1x16xf32>,
      %swap3A_621 = vector.shape_cast %swap3A_620 : vector<1x1x16xf32> to vector<16xf32>
      %swap3A_622 = vector.shape_cast %add3A_615 : vector<16xf32> to vector<1x1x16xf32>
      tpu.vector_store %arg8[%swap3A_617, %swap3A_618, %swap3A_619], %swap3A_622 {strides = array<i32>} : memref<2x48x768xf32, #tpu.memory_space<vmem>>, vector<1x1x16xf32>,
      %get3A_623 = arith.constant 0 : i32
      %get3A_624 = arith.index_cast %get3A_623 : i32 to index
      %get3A_625 = arith.index_cast %scan3A_497 : i32 to index
      %get3A_626 = arith.constant 144 : index
      %get3A_627 = tpu.vector_load %arg8[%get3A_624, %get3A_625, %get3A_626] {strides = array<i32>} : memref<2x48x768xf32, #tpu.memory_space<vmem>>, vector<1x1x16xf32>,
      %get3A_628 = vector.shape_cast %get3A_627 : vector<1x1x16xf32> to vector<16xf32>
      %add3A_629 = arith.addf %get3A_628, %get3A_55 : vector<16xf32>
      %swap3A_630 = arith.constant 0 : i32
      %swap3A_631 = arith.index_cast %swap3A_630 : i32 to index
      %swap3A_632 = arith.index_cast %scan3A_497 : i32 to index
      %swap3A_633 = arith.constant 144 : index
      %swap3A_634 = tpu.vector_load %arg8[%swap3A_631, %swap3A_632, %swap3A_633] {strides = array<i32>} : memref<2x48x768xf32, #tpu.memory_space<vmem>>, vector<1x1x16xf32>,
      %swap3A_635 = vector.shape_cast %swap3A_634 : vector<1x1x16xf32> to vector<16xf32>
      %swap3A_636 = vector.shape_cast %add3A_629 : vector<16xf32> to vector<1x1x16xf32>
      tpu.vector_store %arg8[%swap3A_631, %swap3A_632, %swap3A_633], %swap3A_636 {strides = array<i32>} : memref<2x48x768xf32, #tpu.memory_space<vmem>>, vector<1x1x16xf32>,
      %get3A_637 = arith.constant 0 : i32
      %get3A_638 = arith.index_cast %get3A_637 : i32 to index
      %get3A_639 = arith.index_cast %scan3A_497 : i32 to index
      %get3A_640 = arith.constant 160 : index
      %get3A_641 = tpu.vector_load %arg8[%get3A_638, %get3A_639, %get3A_640] {strides = array<i32>} : memref<2x48x768xf32, #tpu.memory_space<vmem>>, vector<1x1x16xf32>,
      %get3A_642 = vector.shape_cast %get3A_641 : vector<1x1x16xf32> to vector<16xf32>
      %add3A_643 = arith.addf %get3A_642, %get3A_60 : vector<16xf32>
      %swap3A_644 = arith.constant 0 : i32
      %swap3A_645 = arith.index_cast %swap3A_644 : i32 to index
      %swap3A_646 = arith.index_cast %scan3A_497 : i32 to index
      %swap3A_647 = arith.constant 160 : index
      %swap3A_648 = tpu.vector_load %arg8[%swap3A_645, %swap3A_646, %swap3A_647] {strides = array<i32>} : memref<2x48x768xf32, #tpu.memory_space<vmem>>, vector<1x1x16xf32>,
      %swap3A_649 = vector.shape_cast %swap3A_648 : vector<1x1x16xf32> to vector<16xf32>
      %swap3A_650 = vector.shape_cast %add3A_643 : vector<16xf32> to vector<1x1x16xf32>
      tpu.vector_store %arg8[%swap3A_645, %swap3A_646, %swap3A_647], %swap3A_650 {strides = array<i32>} : memref<2x48x768xf32, #tpu.memory_space<vmem>>, vector<1x1x16xf32>,
      %get3A_651 = arith.constant 0 : i32
      %get3A_652 = arith.index_cast %get3A_651 : i32 to index
      %get3A_653 = arith.index_cast %scan3A_497 : i32 to index
      %get3A_654 = arith.constant 176 : index
      %get3A_655 = tpu.vector_load %arg8[%get3A_652, %get3A_653, %get3A_654] {strides = array<i32>} : memref<2x48x768xf32, #tpu.memory_space<vmem>>, vector<1x1x16xf32>,
      %get3A_656 = vector.shape_cast %get3A_655 : vector<1x1x16xf32> to vector<16xf32>
      %add3A_657 = arith.addf %get3A_656, %get3A_65 : vector<16xf32>
      %swap3A_658 = arith.constant 0 : i32
      %swap3A_659 = arith.index_cast %swap3A_658 : i32 to index
      %swap3A_660 = arith.index_cast %scan3A_497 : i32 to index
      %swap3A_661 = arith.constant 176 : index
      %swap3A_662 = tpu.vector_load %arg8[%swap3A_659, %swap3A_660, %swap3A_661] {strides = array<i32>} : memref<2x48x768xf32, #tpu.memory_space<vmem>>, vector<1x1x16xf32>,
      %swap3A_663 = vector.shape_cast %swap3A_662 : vector<1x1x16xf32> to vector<16xf32>
      %swap3A_664 = vector.shape_cast %add3A_657 : vector<16xf32> to vector<1x1x16xf32>
      tpu.vector_store %arg8[%swap3A_659, %swap3A_660, %swap3A_661], %swap3A_664 {strides = array<i32>} : memref<2x48x768xf32, #tpu.memory_space<vmem>>, vector<1x1x16xf32>,
      %get3A_665 = arith.constant 0 : i32
      %get3A_666 = arith.index_cast %get3A_665 : i32 to index
      %get3A_667 = arith.index_cast %scan3A_497 : i32 to index
      %get3A_668 = arith.constant 192 : index
      %get3A_669 = tpu.vector_load %arg8[%get3A_666, %get3A_667, %get3A_668] {strides = array<i32>} : memref<2x48x768xf32, #tpu.memory_space<vmem>>, vector<1x1x16xf32>,
      %get3A_670 = vector.shape_cast %get3A_669 : vector<1x1x16xf32> to vector<16xf32>
      %add3A_671 = arith.addf %get3A_670, %get3A_70 : vector<16xf32>
      %swap3A_672 = arith.constant 0 : i32
      %swap3A_673 = arith.index_cast %swap3A_672 : i32 to index
      %swap3A_674 = arith.index_cast %scan3A_497 : i32 to index
      %swap3A_675 = arith.constant 192 : index
      %swap3A_676 = tpu.vector_load %arg8[%swap3A_673, %swap3A_674, %swap3A_675] {strides = array<i32>} : memref<2x48x768xf32, #tpu.memory_space<vmem>>, vector<1x1x16xf32>,
      %swap3A_677 = vector.shape_cast %swap3A_676 : vector<1x1x16xf32> to vector<16xf32>
      %swap3A_678 = vector.shape_cast %add3A_671 : vector<16xf32> to vector<1x1x16xf32>
      tpu.vector_store %arg8[%swap3A_673, %swap3A_674, %swap3A_675], %swap3A_678 {strides = array<i32>} : memref<2x48x768xf32, #tpu.memory_space<vmem>>, vector<1x1x16xf32>,
      %get3A_679 = arith.constant 0 : i32
      %get3A_680 = arith.index_cast %get3A_679 : i32 to index
      %get3A_681 = arith.index_cast %scan3A_497 : i32 to index
      %get3A_682 = arith.constant 208 : index
      %get3A_683 = tpu.vector_load %arg8[%get3A_680, %get3A_681, %get3A_682] {strides = array<i32>} : memref<2x48x768xf32, #tpu.memory_space<vmem>>, vector<1x1x16xf32>,
      %get3A_684 = vector.shape_cast %get3A_683 : vector<1x1x16xf32> to vector<16xf32>
      %add3A_685 = arith.addf %get3A_684, %get3A_75 : vector<16xf32>
      %swap3A_686 = arith.constant 0 : i32
      %swap3A_687 = arith.index_cast %swap3A_686 : i32 to index
      %swap3A_688 = arith.index_cast %scan3A_497 : i32 to index
      %swap3A_689 = arith.constant 208 : index
      %swap3A_690 = tpu.vector_load %arg8[%swap3A_687, %swap3A_688, %swap3A_689] {strides = array<i32>} : memref<2x48x768xf32, #tpu.memory_space<vmem>>, vector<1x1x16xf32>,
      %swap3A_691 = vector.shape_cast %swap3A_690 : vector<1x1x16xf32> to vector<16xf32>
      %swap3A_692 = vector.shape_cast %add3A_685 : vector<16xf32> to vector<1x1x16xf32>
      tpu.vector_store %arg8[%swap3A_687, %swap3A_688, %swap3A_689], %swap3A_692 {strides = array<i32>} : memref<2x48x768xf32, #tpu.memory_space<vmem>>, vector<1x1x16xf32>,
      %get3A_693 = arith.constant 0 : i32
      %get3A_694 = arith.index_cast %get3A_693 : i32 to index
      %get3A_695 = arith.index_cast %scan3A_497 : i32 to index
      %get3A_696 = arith.constant 224 : index
      %get3A_697 = tpu.vector_load %arg8[%get3A_694, %get3A_695, %get3A_696] {strides = array<i32>} : memref<2x48x768xf32, #tpu.memory_space<vmem>>, vector<1x1x16xf32>,
      %get3A_698 = vector.shape_cast %get3A_697 : vector<1x1x16xf32> to vector<16xf32>
      %add3A_699 = arith.addf %get3A_698, %get3A_80 : vector<16xf32>
      %swap3A_700 = arith.constant 0 : i32
      %swap3A_701 = arith.index_cast %swap3A_700 : i32 to index
      %swap3A_702 = arith.index_cast %scan3A_497 : i32 to index
      %swap3A_703 = arith.constant 224 : index
      %swap3A_704 = tpu.vector_load %arg8[%swap3A_701, %swap3A_702, %swap3A_703] {strides = array<i32>} : memref<2x48x768xf32, #tpu.memory_space<vmem>>, vector<1x1x16xf32>,
      %swap3A_705 = vector.shape_cast %swap3A_704 : vector<1x1x16xf32> to vector<16xf32>
      %swap3A_706 = vector.shape_cast %add3A_699 : vector<16xf32> to vector<1x1x16xf32>
      tpu.vector_store %arg8[%swap3A_701, %swap3A_702, %swap3A_703], %swap3A_706 {strides = array<i32>} : memref<2x48x768xf32, #tpu.memory_space<vmem>>, vector<1x1x16xf32>,
      %get3A_707 = arith.constant 0 : i32
      %get3A_708 = arith.index_cast %get3A_707 : i32 to index
      %get3A_709 = arith.index_cast %scan3A_497 : i32 to index
      %get3A_710 = arith.constant 240 : index
      %get3A_711 = tpu.vector_load %arg8[%get3A_708, %get3A_709, %get3A_710] {strides = array<i32>} : memref<2x48x768xf32, #tpu.memory_space<vmem>>, vector<1x1x16xf32>,
      %get3A_712 = vector.shape_cast %get3A_711 : vector<1x1x16xf32> to vector<16xf32>
      %add3A_713 = arith.addf %get3A_712, %get3A_85 : vector<16xf32>
      %swap3A_714 = arith.constant 0 : i32
      %swap3A_715 = arith.index_cast %swap3A_714 : i32 to index
      %swap3A_716 = arith.index_cast %scan3A_497 : i32 to index
      %swap3A_717 = arith.constant 240 : index
      %swap3A_718 = tpu.vector_load %arg8[%swap3A_715, %swap3A_716, %swap3A_717] {strides = array<i32>} : memref<2x48x768xf32, #tpu.memory_space<vmem>>, vector<1x1x16xf32>,
      %swap3A_719 = vector.shape_cast %swap3A_718 : vector<1x1x16xf32> to vector<16xf32>
      %swap3A_720 = vector.shape_cast %add3A_713 : vector<16xf32> to vector<1x1x16xf32>
      tpu.vector_store %arg8[%swap3A_715, %swap3A_716, %swap3A_717], %swap3A_720 {strides = array<i32>} : memref<2x48x768xf32, #tpu.memory_space<vmem>>, vector<1x1x16xf32>,
      %get3A_721 = arith.constant 0 : i32
      %get3A_722 = arith.index_cast %get3A_721 : i32 to index
      %get3A_723 = arith.index_cast %scan3A_497 : i32 to index
      %get3A_724 = arith.constant 256 : index
      %get3A_725 = tpu.vector_load %arg8[%get3A_722, %get3A_723, %get3A_724] {strides = array<i32>} : memref<2x48x768xf32, #tpu.memory_space<vmem>>, vector<1x1x16xf32>,
      %get3A_726 = vector.shape_cast %get3A_725 : vector<1x1x16xf32> to vector<16xf32>
      %add3A_727 = arith.addf %get3A_726, %get3A_90 : vector<16xf32>
      %swap3A_728 = arith.constant 0 : i32
      %swap3A_729 = arith.index_cast %swap3A_728 : i32 to index
      %swap3A_730 = arith.index_cast %scan3A_497 : i32 to index
      %swap3A_731 = arith.constant 256 : index
      %swap3A_732 = tpu.vector_load %arg8[%swap3A_729, %swap3A_730, %swap3A_731] {strides = array<i32>} : memref<2x48x768xf32, #tpu.memory_space<vmem>>, vector<1x1x16xf32>,
      %swap3A_733 = vector.shape_cast %swap3A_732 : vector<1x1x16xf32> to vector<16xf32>
      %swap3A_734 = vector.shape_cast %add3A_727 : vector<16xf32> to vector<1x1x16xf32>
      tpu.vector_store %arg8[%swap3A_729, %swap3A_730, %swap3A_731], %swap3A_734 {strides = array<i32>} : memref<2x48x768xf32, #tpu.memory_space<vmem>>, vector<1x1x16xf32>,
      %get3A_735 = arith.constant 0 : i32
      %get3A_736 = arith.index_cast %get3A_735 : i32 to index
      %get3A_737 = arith.index_cast %scan3A_497 : i32 to index
      %get3A_738 = arith.constant 272 : index
      %get3A_739 = tpu.vector_load %arg8[%get3A_736, %get3A_737, %get3A_738] {strides = array<i32>} : memref<2x48x768xf32, #tpu.memory_space<vmem>>, vector<1x1x16xf32>,
      %get3A_740 = vector.shape_cast %get3A_739 : vector<1x1x16xf32> to vector<16xf32>
      %add3A_741 = arith.addf %get3A_740, %get3A_95 : vector<16xf32>
      %swap3A_742 = arith.constant 0 : i32
      %swap3A_743 = arith.index_cast %swap3A_742 : i32 to index
      %swap3A_744 = arith.index_cast %scan3A_497 : i32 to index
      %swap3A_745 = arith.constant 272 : index
      %swap3A_746 = tpu.vector_load %arg8[%swap3A_743, %swap3A_744, %swap3A_745] {strides = array<i32>} : memref<2x48x768xf32, #tpu.memory_space<vmem>>, vector<1x1x16xf32>,
      %swap3A_747 = vector.shape_cast %swap3A_746 : vector<1x1x16xf32> to vector<16xf32>
      %swap3A_748 = vector.shape_cast %add3A_741 : vector<16xf32> to vector<1x1x16xf32>
      tpu.vector_store %arg8[%swap3A_743, %swap3A_744, %swap3A_745], %swap3A_748 {strides = array<i32>} : memref<2x48x768xf32, #tpu.memory_space<vmem>>, vector<1x1x16xf32>,
      %get3A_749 = arith.constant 0 : i32
      %get3A_750 = arith.index_cast %get3A_749 : i32 to index
      %get3A_751 = arith.index_cast %scan3A_497 : i32 to index
      %get3A_752 = arith.constant 288 : index
      %get3A_753 = tpu.vector_load %arg8[%get3A_750, %get3A_751, %get3A_752] {strides = array<i32>} : memref<2x48x768xf32, #tpu.memory_space<vmem>>, vector<1x1x16xf32>,
      %get3A_754 = vector.shape_cast %get3A_753 : vector<1x1x16xf32> to vector<16xf32>
      %add3A_755 = arith.addf %get3A_754, %get3A_100 : vector<16xf32>
      %swap3A_756 = arith.constant 0 : i32
      %swap3A_757 = arith.index_cast %swap3A_756 : i32 to index
      %swap3A_758 = arith.index_cast %scan3A_497 : i32 to index
      %swap3A_759 = arith.constant 288 : index
      %swap3A_760 = tpu.vector_load %arg8[%swap3A_757, %swap3A_758, %swap3A_759] {strides = array<i32>} : memref<2x48x768xf32, #tpu.memory_space<vmem>>, vector<1x1x16xf32>,
      %swap3A_761 = vector.shape_cast %swap3A_760 : vector<1x1x16xf32> to vector<16xf32>
      %swap3A_762 = vector.shape_cast %add3A_755 : vector<16xf32> to vector<1x1x16xf32>
      tpu.vector_store %arg8[%swap3A_757, %swap3A_758, %swap3A_759], %swap3A_762 {strides = array<i32>} : memref<2x48x768xf32, #tpu.memory_space<vmem>>, vector<1x1x16xf32>,
      %get3A_763 = arith.constant 0 : i32
      %get3A_764 = arith.index_cast %get3A_763 : i32 to index
      %get3A_765 = arith.index_cast %scan3A_497 : i32 to index
      %get3A_766 = arith.constant 304 : index
      %get3A_767 = tpu.vector_load %arg8[%get3A_764, %get3A_765, %get3A_766] {strides = array<i32>} : memref<2x48x768xf32, #tpu.memory_space<vmem>>, vector<1x1x16xf32>,
      %get3A_768 = vector.shape_cast %get3A_767 : vector<1x1x16xf32> to vector<16xf32>
      %add3A_769 = arith.addf %get3A_768, %get3A_105 : vector<16xf32>
      %swap3A_770 = arith.constant 0 : i32
      %swap3A_771 = arith.index_cast %swap3A_770 : i32 to index
      %swap3A_772 = arith.index_cast %scan3A_497 : i32 to index
      %swap3A_773 = arith.constant 304 : index
      %swap3A_774 = tpu.vector_load %arg8[%swap3A_771, %swap3A_772, %swap3A_773] {strides = array<i32>} : memref<2x48x768xf32, #tpu.memory_space<vmem>>, vector<1x1x16xf32>,
      %swap3A_775 = vector.shape_cast %swap3A_774 : vector<1x1x16xf32> to vector<16xf32>
      %swap3A_776 = vector.shape_cast %add3A_769 : vector<16xf32> to vector<1x1x16xf32>
      tpu.vector_store %arg8[%swap3A_771, %swap3A_772, %swap3A_773], %swap3A_776 {strides = array<i32>} : memref<2x48x768xf32, #tpu.memory_space<vmem>>, vector<1x1x16xf32>,
      %get3A_777 = arith.constant 0 : i32
      %get3A_778 = arith.index_cast %get3A_777 : i32 to index
      %get3A_779 = arith.index_cast %scan3A_497 : i32 to index
      %get3A_780 = arith.constant 320 : index
      %get3A_781 = tpu.vector_load %arg8[%get3A_778, %get3A_779, %get3A_780] {strides = array<i32>} : memref<2x48x768xf32, #tpu.memory_space<vmem>>, vector<1x1x16xf32>,
      %get3A_782 = vector.shape_cast %get3A_781 : vector<1x1x16xf32> to vector<16xf32>
      %add3A_783 = arith.addf %get3A_782, %get3A_110 : vector<16xf32>
      %swap3A_784 = arith.constant 0 : i32
      %swap3A_785 = arith.index_cast %swap3A_784 : i32 to index
      %swap3A_786 = arith.index_cast %scan3A_497 : i32 to index
      %swap3A_787 = arith.constant 320 : index
      %swap3A_788 = tpu.vector_load %arg8[%swap3A_785, %swap3A_786, %swap3A_787] {strides = array<i32>} : memref<2x48x768xf32, #tpu.memory_space<vmem>>, vector<1x1x16xf32>,
      %swap3A_789 = vector.shape_cast %swap3A_788 : vector<1x1x16xf32> to vector<16xf32>
      %swap3A_790 = vector.shape_cast %add3A_783 : vector<16xf32> to vector<1x1x16xf32>
      tpu.vector_store %arg8[%swap3A_785, %swap3A_786, %swap3A_787], %swap3A_790 {strides = array<i32>} : memref<2x48x768xf32, #tpu.memory_space<vmem>>, vector<1x1x16xf32>,
      %get3A_791 = arith.constant 0 : i32
      %get3A_792 = arith.index_cast %get3A_791 : i32 to index
      %get3A_793 = arith.index_cast %scan3A_497 : i32 to index
      %get3A_794 = arith.constant 336 : index
      %get3A_795 = tpu.vector_load %arg8[%get3A_792, %get3A_793, %get3A_794] {strides = array<i32>} : memref<2x48x768xf32, #tpu.memory_space<vmem>>, vector<1x1x16xf32>,
      %get3A_796 = vector.shape_cast %get3A_795 : vector<1x1x16xf32> to vector<16xf32>
      %add3A_797 = arith.addf %get3A_796, %get3A_115 : vector<16xf32>
      %swap3A_798 = arith.constant 0 : i32
      %swap3A_799 = arith.index_cast %swap3A_798 : i32 to index
      %swap3A_800 = arith.index_cast %scan3A_497 : i32 to index
      %swap3A_801 = arith.constant 336 : index
      %swap3A_802 = tpu.vector_load %arg8[%swap3A_799, %swap3A_800, %swap3A_801] {strides = array<i32>} : memref<2x48x768xf32, #tpu.memory_space<vmem>>, vector<1x1x16xf32>,
      %swap3A_803 = vector.shape_cast %swap3A_802 : vector<1x1x16xf32> to vector<16xf32>
      %swap3A_804 = vector.shape_cast %add3A_797 : vector<16xf32> to vector<1x1x16xf32>
      tpu.vector_store %arg8[%swap3A_799, %swap3A_800, %swap3A_801], %swap3A_804 {strides = array<i32>} : memref<2x48x768xf32, #tpu.memory_space<vmem>>, vector<1x1x16xf32>,
      %get3A_805 = arith.constant 0 : i32
      %get3A_806 = arith.index_cast %get3A_805 : i32 to index
      %get3A_807 = arith.index_cast %scan3A_497 : i32 to index
      %get3A_808 = arith.constant 352 : index
      %get3A_809 = tpu.vector_load %arg8[%get3A_806, %get3A_807, %get3A_808] {strides = array<i32>} : memref<2x48x768xf32, #tpu.memory_space<vmem>>, vector<1x1x16xf32>,
      %get3A_810 = vector.shape_cast %get3A_809 : vector<1x1x16xf32> to vector<16xf32>
      %add3A_811 = arith.addf %get3A_810, %get3A_120 : vector<16xf32>
      %swap3A_812 = arith.constant 0 : i32
      %swap3A_813 = arith.index_cast %swap3A_812 : i32 to index
      %swap3A_814 = arith.index_cast %scan3A_497 : i32 to index
      %swap3A_815 = arith.constant 352 : index
      %swap3A_816 = tpu.vector_load %arg8[%swap3A_813, %swap3A_814, %swap3A_815] {strides = array<i32>} : memref<2x48x768xf32, #tpu.memory_space<vmem>>, vector<1x1x16xf32>,
      %swap3A_817 = vector.shape_cast %swap3A_816 : vector<1x1x16xf32> to vector<16xf32>
      %swap3A_818 = vector.shape_cast %add3A_811 : vector<16xf32> to vector<1x1x16xf32>
      tpu.vector_store %arg8[%swap3A_813, %swap3A_814, %swap3A_815], %swap3A_818 {strides = array<i32>} : memref<2x48x768xf32, #tpu.memory_space<vmem>>, vector<1x1x16xf32>,
      %get3A_819 = arith.constant 0 : i32
      %get3A_820 = arith.index_cast %get3A_819 : i32 to index
      %get3A_821 = arith.index_cast %scan3A_497 : i32 to index
      %get3A_822 = arith.constant 368 : index
      %get3A_823 = tpu.vector_load %arg8[%get3A_820, %get3A_821, %get3A_822] {strides = array<i32>} : memref<2x48x768xf32, #tpu.memory_space<vmem>>, vector<1x1x16xf32>,
      %get3A_824 = vector.shape_cast %get3A_823 : vector<1x1x16xf32> to vector<16xf32>
      %add3A_825 = arith.addf %get3A_824, %get3A_125 : vector<16xf32>
      %swap3A_826 = arith.constant 0 : i32
      %swap3A_827 = arith.index_cast %swap3A_826 : i32 to index
      %swap3A_828 = arith.index_cast %scan3A_497 : i32 to index
      %swap3A_829 = arith.constant 368 : index
      %swap3A_830 = tpu.vector_load %arg8[%swap3A_827, %swap3A_828, %swap3A_829] {strides = array<i32>} : memref<2x48x768xf32, #tpu.memory_space<vmem>>, vector<1x1x16xf32>,
      %swap3A_831 = vector.shape_cast %swap3A_830 : vector<1x1x16xf32> to vector<16xf32>
      %swap3A_832 = vector.shape_cast %add3A_825 : vector<16xf32> to vector<1x1x16xf32>
      tpu.vector_store %arg8[%swap3A_827, %swap3A_828, %swap3A_829], %swap3A_832 {strides = array<i32>} : memref<2x48x768xf32, #tpu.memory_space<vmem>>, vector<1x1x16xf32>,
      %get3A_833 = arith.constant 0 : i32
      %get3A_834 = arith.index_cast %get3A_833 : i32 to index
      %get3A_835 = arith.index_cast %scan3A_497 : i32 to index
      %get3A_836 = arith.constant 384 : index
      %get3A_837 = tpu.vector_load %arg8[%get3A_834, %get3A_835, %get3A_836] {strides = array<i32>} : memref<2x48x768xf32, #tpu.memory_space<vmem>>, vector<1x1x16xf32>,
      %get3A_838 = vector.shape_cast %get3A_837 : vector<1x1x16xf32> to vector<16xf32>
      %add3A_839 = arith.addf %get3A_838, %get3A_130 : vector<16xf32>
      %swap3A_840 = arith.constant 0 : i32
      %swap3A_841 = arith.index_cast %swap3A_840 : i32 to index
      %swap3A_842 = arith.index_cast %scan3A_497 : i32 to index
      %swap3A_843 = arith.constant 384 : index
      %swap3A_844 = tpu.vector_load %arg8[%swap3A_841, %swap3A_842, %swap3A_843] {strides = array<i32>} : memref<2x48x768xf32, #tpu.memory_space<vmem>>, vector<1x1x16xf32>,
      %swap3A_845 = vector.shape_cast %swap3A_844 : vector<1x1x16xf32> to vector<16xf32>
      %swap3A_846 = vector.shape_cast %add3A_839 : vector<16xf32> to vector<1x1x16xf32>
      tpu.vector_store %arg8[%swap3A_841, %swap3A_842, %swap3A_843], %swap3A_846 {strides = array<i32>} : memref<2x48x768xf32, #tpu.memory_space<vmem>>, vector<1x1x16xf32>,
      %get3A_847 = arith.constant 0 : i32
      %get3A_848 = arith.index_cast %get3A_847 : i32 to index
      %get3A_849 = arith.index_cast %scan3A_497 : i32 to index
      %get3A_850 = arith.constant 400 : index
      %get3A_851 = tpu.vector_load %arg8[%get3A_848, %get3A_849, %get3A_850] {strides = array<i32>} : memref<2x48x768xf32, #tpu.memory_space<vmem>>, vector<1x1x16xf32>,
      %get3A_852 = vector.shape_cast %get3A_851 : vector<1x1x16xf32> to vector<16xf32>
      %add3A_853 = arith.addf %get3A_852, %get3A_135 : vector<16xf32>
      %swap3A_854 = arith.constant 0 : i32
      %swap3A_855 = arith.index_cast %swap3A_854 : i32 to index
      %swap3A_856 = arith.index_cast %scan3A_497 : i32 to index
      %swap3A_857 = arith.constant 400 : index
      %swap3A_858 = tpu.vector_load %arg8[%swap3A_855, %swap3A_856, %swap3A_857] {strides = array<i32>} : memref<2x48x768xf32, #tpu.memory_space<vmem>>, vector<1x1x16xf32>,
      %swap3A_859 = vector.shape_cast %swap3A_858 : vector<1x1x16xf32> to vector<16xf32>
      %swap3A_860 = vector.shape_cast %add3A_853 : vector<16xf32> to vector<1x1x16xf32>
      tpu.vector_store %arg8[%swap3A_855, %swap3A_856, %swap3A_857], %swap3A_860 {strides = array<i32>} : memref<2x48x768xf32, #tpu.memory_space<vmem>>, vector<1x1x16xf32>,
      %get3A_861 = arith.constant 0 : i32
      %get3A_862 = arith.index_cast %get3A_861 : i32 to index
      %get3A_863 = arith.index_cast %scan3A_497 : i32 to index
      %get3A_864 = arith.constant 416 : index
      %get3A_865 = tpu.vector_load %arg8[%get3A_862, %get3A_863, %get3A_864] {strides = array<i32>} : memref<2x48x768xf32, #tpu.memory_space<vmem>>, vector<1x1x16xf32>,
      %get3A_866 = vector.shape_cast %get3A_865 : vector<1x1x16xf32> to vector<16xf32>
      %add3A_867 = arith.addf %get3A_866, %get3A_140 : vector<16xf32>
      %swap3A_868 = arith.constant 0 : i32
      %swap3A_869 = arith.index_cast %swap3A_868 : i32 to index
      %swap3A_870 = arith.index_cast %scan3A_497 : i32 to index
      %swap3A_871 = arith.constant 416 : index
      %swap3A_872 = tpu.vector_load %arg8[%swap3A_869, %swap3A_870, %swap3A_871] {strides = array<i32>} : memref<2x48x768xf32, #tpu.memory_space<vmem>>, vector<1x1x16xf32>,
      %swap3A_873 = vector.shape_cast %swap3A_872 : vector<1x1x16xf32> to vector<16xf32>
      %swap3A_874 = vector.shape_cast %add3A_867 : vector<16xf32> to vector<1x1x16xf32>
      tpu.vector_store %arg8[%swap3A_869, %swap3A_870, %swap3A_871], %swap3A_874 {strides = array<i32>} : memref<2x48x768xf32, #tpu.memory_space<vmem>>, vector<1x1x16xf32>,
      %get3A_875 = arith.constant 0 : i32
      %get3A_876 = arith.index_cast %get3A_875 : i32 to index
      %get3A_877 = arith.index_cast %scan3A_497 : i32 to index
      %get3A_878 = arith.constant 432 : index
      %get3A_879 = tpu.vector_load %arg8[%get3A_876, %get3A_877, %get3A_878] {strides = array<i32>} : memref<2x48x768xf32, #tpu.memory_space<vmem>>, vector<1x1x16xf32>,
      %get3A_880 = vector.shape_cast %get3A_879 : vector<1x1x16xf32> to vector<16xf32>
      %add3A_881 = arith.addf %get3A_880, %get3A_145 : vector<16xf32>
      %swap3A_882 = arith.constant 0 : i32
      %swap3A_883 = arith.index_cast %swap3A_882 : i32 to index
      %swap3A_884 = arith.index_cast %scan3A_497 : i32 to index
      %swap3A_885 = arith.constant 432 : index
      %swap3A_886 = tpu.vector_load %arg8[%swap3A_883, %swap3A_884, %swap3A_885] {strides = array<i32>} : memref<2x48x768xf32, #tpu.memory_space<vmem>>, vector<1x1x16xf32>,
      %swap3A_887 = vector.shape_cast %swap3A_886 : vector<1x1x16xf32> to vector<16xf32>
      %swap3A_888 = vector.shape_cast %add3A_881 : vector<16xf32> to vector<1x1x16xf32>
      tpu.vector_store %arg8[%swap3A_883, %swap3A_884, %swap3A_885], %swap3A_888 {strides = array<i32>} : memref<2x48x768xf32, #tpu.memory_space<vmem>>, vector<1x1x16xf32>,
      %get3A_889 = arith.constant 0 : i32
      %get3A_890 = arith.index_cast %get3A_889 : i32 to index
      %get3A_891 = arith.index_cast %scan3A_497 : i32 to index
      %get3A_892 = arith.constant 448 : index
      %get3A_893 = tpu.vector_load %arg8[%get3A_890, %get3A_891, %get3A_892] {strides = array<i32>} : memref<2x48x768xf32, #tpu.memory_space<vmem>>, vector<1x1x16xf32>,
      %get3A_894 = vector.shape_cast %get3A_893 : vector<1x1x16xf32> to vector<16xf32>
      %add3A_895 = arith.addf %get3A_894, %get3A_150 : vector<16xf32>
      %swap3A_896 = arith.constant 0 : i32
      %swap3A_897 = arith.index_cast %swap3A_896 : i32 to index
      %swap3A_898 = arith.index_cast %scan3A_497 : i32 to index
      %swap3A_899 = arith.constant 448 : index
      %swap3A_900 = tpu.vector_load %arg8[%swap3A_897, %swap3A_898, %swap3A_899] {strides = array<i32>} : memref<2x48x768xf32, #tpu.memory_space<vmem>>, vector<1x1x16xf32>,
      %swap3A_901 = vector.shape_cast %swap3A_900 : vector<1x1x16xf32> to vector<16xf32>
      %swap3A_902 = vector.shape_cast %add3A_895 : vector<16xf32> to vector<1x1x16xf32>
      tpu.vector_store %arg8[%swap3A_897, %swap3A_898, %swap3A_899], %swap3A_902 {strides = array<i32>} : memref<2x48x768xf32, #tpu.memory_space<vmem>>, vector<1x1x16xf32>,
      %get3A_903 = arith.constant 0 : i32
      %get3A_904 = arith.index_cast %get3A_903 : i32 to index
      %get3A_905 = arith.index_cast %scan3A_497 : i32 to index
      %get3A_906 = arith.constant 464 : index
      %get3A_907 = tpu.vector_load %arg8[%get3A_904, %get3A_905, %get3A_906] {strides = array<i32>} : memref<2x48x768xf32, #tpu.memory_space<vmem>>, vector<1x1x16xf32>,
      %get3A_908 = vector.shape_cast %get3A_907 : vector<1x1x16xf32> to vector<16xf32>
      %add3A_909 = arith.addf %get3A_908, %get3A_155 : vector<16xf32>
      %swap3A_910 = arith.constant 0 : i32
      %swap3A_911 = arith.index_cast %swap3A_910 : i32 to index
      %swap3A_912 = arith.index_cast %scan3A_497 : i32 to index
      %swap3A_913 = arith.constant 464 : index
      %swap3A_914 = tpu.vector_load %arg8[%swap3A_911, %swap3A_912, %swap3A_913] {strides = array<i32>} : memref<2x48x768xf32, #tpu.memory_space<vmem>>, vector<1x1x16xf32>,
      %swap3A_915 = vector.shape_cast %swap3A_914 : vector<1x1x16xf32> to vector<16xf32>
      %swap3A_916 = vector.shape_cast %add3A_909 : vector<16xf32> to vector<1x1x16xf32>
      tpu.vector_store %arg8[%swap3A_911, %swap3A_912, %swap3A_913], %swap3A_916 {strides = array<i32>} : memref<2x48x768xf32, #tpu.memory_space<vmem>>, vector<1x1x16xf32>,
      %get3A_917 = arith.constant 0 : i32
      %get3A_918 = arith.index_cast %get3A_917 : i32 to index
      %get3A_919 = arith.index_cast %scan3A_497 : i32 to index
      %get3A_920 = arith.constant 480 : index
      %get3A_921 = tpu.vector_load %arg8[%get3A_918, %get3A_919, %get3A_920] {strides = array<i32>} : memref<2x48x768xf32, #tpu.memory_space<vmem>>, vector<1x1x16xf32>,
      %get3A_922 = vector.shape_cast %get3A_921 : vector<1x1x16xf32> to vector<16xf32>
      %add3A_923 = arith.addf %get3A_922, %get3A_160 : vector<16xf32>
      %swap3A_924 = arith.constant 0 : i32
      %swap3A_925 = arith.index_cast %swap3A_924 : i32 to index
      %swap3A_926 = arith.index_cast %scan3A_497 : i32 to index
      %swap3A_927 = arith.constant 480 : index
      %swap3A_928 = tpu.vector_load %arg8[%swap3A_925, %swap3A_926, %swap3A_927] {strides = array<i32>} : memref<2x48x768xf32, #tpu.memory_space<vmem>>, vector<1x1x16xf32>,
      %swap3A_929 = vector.shape_cast %swap3A_928 : vector<1x1x16xf32> to vector<16xf32>
      %swap3A_930 = vector.shape_cast %add3A_923 : vector<16xf32> to vector<1x1x16xf32>
      tpu.vector_store %arg8[%swap3A_925, %swap3A_926, %swap3A_927], %swap3A_930 {strides = array<i32>} : memref<2x48x768xf32, #tpu.memory_space<vmem>>, vector<1x1x16xf32>,
      %get3A_931 = arith.constant 0 : i32
      %get3A_932 = arith.index_cast %get3A_931 : i32 to index
      %get3A_933 = arith.index_cast %scan3A_497 : i32 to index
      %get3A_934 = arith.constant 496 : index
      %get3A_935 = tpu.vector_load %arg8[%get3A_932, %get3A_933, %get3A_934] {strides = array<i32>} : memref<2x48x768xf32, #tpu.memory_space<vmem>>, vector<1x1x16xf32>,
      %get3A_936 = vector.shape_cast %get3A_935 : vector<1x1x16xf32> to vector<16xf32>
      %add3A_937 = arith.addf %get3A_936, %get3A_165 : vector<16xf32>
      %swap3A_938 = arith.constant 0 : i32
      %swap3A_939 = arith.index_cast %swap3A_938 : i32 to index
      %swap3A_940 = arith.index_cast %scan3A_497 : i32 to index
      %swap3A_941 = arith.constant 496 : index
      %swap3A_942 = tpu.vector_load %arg8[%swap3A_939, %swap3A_940, %swap3A_941] {strides = array<i32>} : memref<2x48x768xf32, #tpu.memory_space<vmem>>, vector<1x1x16xf32>,
      %swap3A_943 = vector.shape_cast %swap3A_942 : vector<1x1x16xf32> to vector<16xf32>
      %swap3A_944 = vector.shape_cast %add3A_937 : vector<16xf32> to vector<1x1x16xf32>
      tpu.vector_store %arg8[%swap3A_939, %swap3A_940, %swap3A_941], %swap3A_944 {strides = array<i32>} : memref<2x48x768xf32, #tpu.memory_space<vmem>>, vector<1x1x16xf32>,
      %get3A_945 = arith.constant 0 : i32
      %get3A_946 = arith.index_cast %get3A_945 : i32 to index
      %get3A_947 = arith.index_cast %scan3A_497 : i32 to index
      %get3A_948 = arith.constant 512 : index
      %get3A_949 = tpu.vector_load %arg8[%get3A_946, %get3A_947, %get3A_948] {strides = array<i32>} : memref<2x48x768xf32, #tpu.memory_space<vmem>>, vector<1x1x16xf32>,
      %get3A_950 = vector.shape_cast %get3A_949 : vector<1x1x16xf32> to vector<16xf32>
      %add3A_951 = arith.addf %get3A_950, %get3A_170 : vector<16xf32>
      %swap3A_952 = arith.constant 0 : i32
      %swap3A_953 = arith.index_cast %swap3A_952 : i32 to index
      %swap3A_954 = arith.index_cast %scan3A_497 : i32 to index
      %swap3A_955 = arith.constant 512 : index
      %swap3A_956 = tpu.vector_load %arg8[%swap3A_953, %swap3A_954, %swap3A_955] {strides = array<i32>} : memref<2x48x768xf32, #tpu.memory_space<vmem>>, vector<1x1x16xf32>,
      %swap3A_957 = vector.shape_cast %swap3A_956 : vector<1x1x16xf32> to vector<16xf32>
      %swap3A_958 = vector.shape_cast %add3A_951 : vector<16xf32> to vector<1x1x16xf32>
      tpu.vector_store %arg8[%swap3A_953, %swap3A_954, %swap3A_955], %swap3A_958 {strides = array<i32>} : memref<2x48x768xf32, #tpu.memory_space<vmem>>, vector<1x1x16xf32>,
      %get3A_959 = arith.constant 0 : i32
      %get3A_960 = arith.index_cast %get3A_959 : i32 to index
      %get3A_961 = arith.index_cast %scan3A_497 : i32 to index
      %get3A_962 = arith.constant 528 : index
      %get3A_963 = tpu.vector_load %arg8[%get3A_960, %get3A_961, %get3A_962] {strides = array<i32>} : memref<2x48x768xf32, #tpu.memory_space<vmem>>, vector<1x1x16xf32>,
      %get3A_964 = vector.shape_cast %get3A_963 : vector<1x1x16xf32> to vector<16xf32>
      %add3A_965 = arith.addf %get3A_964, %get3A_175 : vector<16xf32>
      %swap3A_966 = arith.constant 0 : i32
      %swap3A_967 = arith.index_cast %swap3A_966 : i32 to index
      %swap3A_968 = arith.index_cast %scan3A_497 : i32 to index
      %swap3A_969 = arith.constant 528 : index
      %swap3A_970 = tpu.vector_load %arg8[%swap3A_967, %swap3A_968, %swap3A_969] {strides = array<i32>} : memref<2x48x768xf32, #tpu.memory_space<vmem>>, vector<1x1x16xf32>,
      %swap3A_971 = vector.shape_cast %swap3A_970 : vector<1x1x16xf32> to vector<16xf32>
      %swap3A_972 = vector.shape_cast %add3A_965 : vector<16xf32> to vector<1x1x16xf32>
      tpu.vector_store %arg8[%swap3A_967, %swap3A_968, %swap3A_969], %swap3A_972 {strides = array<i32>} : memref<2x48x768xf32, #tpu.memory_space<vmem>>, vector<1x1x16xf32>,
      %get3A_973 = arith.constant 0 : i32
      %get3A_974 = arith.index_cast %get3A_973 : i32 to index
      %get3A_975 = arith.index_cast %scan3A_497 : i32 to index
      %get3A_976 = arith.constant 544 : index
      %get3A_977 = tpu.vector_load %arg8[%get3A_974, %get3A_975, %get3A_976] {strides = array<i32>} : memref<2x48x768xf32, #tpu.memory_space<vmem>>, vector<1x1x16xf32>,
      %get3A_978 = vector.shape_cast %get3A_977 : vector<1x1x16xf32> to vector<16xf32>
      %add3A_979 = arith.addf %get3A_978, %get3A_180 : vector<16xf32>
      %swap3A_980 = arith.constant 0 : i32
      %swap3A_981 = arith.index_cast %swap3A_980 : i32 to index
      %swap3A_982 = arith.index_cast %scan3A_497 : i32 to index
      %swap3A_983 = arith.constant 544 : index
      %swap3A_984 = tpu.vector_load %arg8[%swap3A_981, %swap3A_982, %swap3A_983] {strides = array<i32>} : memref<2x48x768xf32, #tpu.memory_space<vmem>>, vector<1x1x16xf32>,
      %swap3A_985 = vector.shape_cast %swap3A_984 : vector<1x1x16xf32> to vector<16xf32>
      %swap3A_986 = vector.shape_cast %add3A_979 : vector<16xf32> to vector<1x1x16xf32>
      tpu.vector_store %arg8[%swap3A_981, %swap3A_982, %swap3A_983], %swap3A_986 {strides = array<i32>} : memref<2x48x768xf32, #tpu.memory_space<vmem>>, vector<1x1x16xf32>,
      %get3A_987 = arith.constant 0 : i32
      %get3A_988 = arith.index_cast %get3A_987 : i32 to index
      %get3A_989 = arith.index_cast %scan3A_497 : i32 to index
      %get3A_990 = arith.constant 560 : index
      %get3A_991 = tpu.vector_load %arg8[%get3A_988, %get3A_989, %get3A_990] {strides = array<i32>} : memref<2x48x768xf32, #tpu.memory_space<vmem>>, vector<1x1x16xf32>,
      %get3A_992 = vector.shape_cast %get3A_991 : vector<1x1x16xf32> to vector<16xf32>
      %add3A_993 = arith.addf %get3A_992, %get3A_185 : vector<16xf32>
      %swap3A_994 = arith.constant 0 : i32
      %swap3A_995 = arith.index_cast %swap3A_994 : i32 to index
      %swap3A_996 = arith.index_cast %scan3A_497 : i32 to index
      %swap3A_997 = arith.constant 560 : index
      %swap3A_998 = tpu.vector_load %arg8[%swap3A_995, %swap3A_996, %swap3A_997] {strides = array<i32>} : memref<2x48x768xf32, #tpu.memory_space<vmem>>, vector<1x1x16xf32>,
      %swap3A_999 = vector.shape_cast %swap3A_998 : vector<1x1x16xf32> to vector<16xf32>
      %swap3A_1000 = vector.shape_cast %add3A_993 : vector<16xf32> to vector<1x1x16xf32>
      tpu.vector_store %arg8[%swap3A_995, %swap3A_996, %swap3A_997], %swap3A_1000 {strides = array<i32>} : memref<2x48x768xf32, #tpu.memory_space<vmem>>, vector<1x1x16xf32>,
      %get3A_1001 = arith.constant 0 : i32
      %get3A_1002 = arith.index_cast %get3A_1001 : i32 to index
      %get3A_1003 = arith.index_cast %scan3A_497 : i32 to index
      %get3A_1004 = arith.constant 576 : index
      %get3A_1005 = tpu.vector_load %arg8[%get3A_1002, %get3A_1003, %get3A_1004] {strides = array<i32>} : memref<2x48x768xf32, #tpu.memory_space<vmem>>, vector<1x1x16xf32>,
      %get3A_1006 = vector.shape_cast %get3A_1005 : vector<1x1x16xf32> to vector<16xf32>
      %add3A_1007 = arith.addf %get3A_1006, %get3A_190 : vector<16xf32>
      %swap3A_1008 = arith.constant 0 : i32
      %swap3A_1009 = arith.index_cast %swap3A_1008 : i32 to index
      %swap3A_1010 = arith.index_cast %scan3A_497 : i32 to index
      %swap3A_1011 = arith.constant 576 : index
      %swap3A_1012 = tpu.vector_load %arg8[%swap3A_1009, %swap3A_1010, %swap3A_1011] {strides = array<i32>} : memref<2x48x768xf32, #tpu.memory_space<vmem>>, vector<1x1x16xf32>,
      %swap3A_1013 = vector.shape_cast %swap3A_1012 : vector<1x1x16xf32> to vector<16xf32>
      %swap3A_1014 = vector.shape_cast %add3A_1007 : vector<16xf32> to vector<1x1x16xf32>
      tpu.vector_store %arg8[%swap3A_1009, %swap3A_1010, %swap3A_1011], %swap3A_1014 {strides = array<i32>} : memref<2x48x768xf32, #tpu.memory_space<vmem>>, vector<1x1x16xf32>,
      %get3A_1015 = arith.constant 0 : i32
      %get3A_1016 = arith.index_cast %get3A_1015 : i32 to index
      %get3A_1017 = arith.index_cast %scan3A_497 : i32 to index
      %get3A_1018 = arith.constant 592 : index
      %get3A_1019 = tpu.vector_load %arg8[%get3A_1016, %get3A_1017, %get3A_1018] {strides = array<i32>} : memref<2x48x768xf32, #tpu.memory_space<vmem>>, vector<1x1x16xf32>,
      %get3A_1020 = vector.shape_cast %get3A_1019 : vector<1x1x16xf32> to vector<16xf32>
      %add3A_1021 = arith.addf %get3A_1020, %get3A_195 : vector<16xf32>
      %swap3A_1022 = arith.constant 0 : i32
      %swap3A_1023 = arith.index_cast %swap3A_1022 : i32 to index
      %swap3A_1024 = arith.index_cast %scan3A_497 : i32 to index
      %swap3A_1025 = arith.constant 592 : index
      %swap3A_1026 = tpu.vector_load %arg8[%swap3A_1023, %swap3A_1024, %swap3A_1025] {strides = array<i32>} : memref<2x48x768xf32, #tpu.memory_space<vmem>>, vector<1x1x16xf32>,
      %swap3A_1027 = vector.shape_cast %swap3A_1026 : vector<1x1x16xf32> to vector<16xf32>
      %swap3A_1028 = vector.shape_cast %add3A_1021 : vector<16xf32> to vector<1x1x16xf32>
      tpu.vector_store %arg8[%swap3A_1023, %swap3A_1024, %swap3A_1025], %swap3A_1028 {strides = array<i32>} : memref<2x48x768xf32, #tpu.memory_space<vmem>>, vector<1x1x16xf32>,
      %get3A_1029 = arith.constant 0 : i32
      %get3A_1030 = arith.index_cast %get3A_1029 : i32 to index
      %get3A_1031 = arith.index_cast %scan3A_497 : i32 to index
      %get3A_1032 = arith.constant 608 : index
      %get3A_1033 = tpu.vector_load %arg8[%get3A_1030, %get3A_1031, %get3A_1032] {strides = array<i32>} : memref<2x48x768xf32, #tpu.memory_space<vmem>>, vector<1x1x16xf32>,
      %get3A_1034 = vector.shape_cast %get3A_1033 : vector<1x1x16xf32> to vector<16xf32>
      %add3A_1035 = arith.addf %get3A_1034, %get3A_200 : vector<16xf32>
      %swap3A_1036 = arith.constant 0 : i32
      %swap3A_1037 = arith.index_cast %swap3A_1036 : i32 to index
      %swap3A_1038 = arith.index_cast %scan3A_497 : i32 to index
      %swap3A_1039 = arith.constant 608 : index
      %swap3A_1040 = tpu.vector_load %arg8[%swap3A_1037, %swap3A_1038, %swap3A_1039] {strides = array<i32>} : memref<2x48x768xf32, #tpu.memory_space<vmem>>, vector<1x1x16xf32>,
      %swap3A_1041 = vector.shape_cast %swap3A_1040 : vector<1x1x16xf32> to vector<16xf32>
      %swap3A_1042 = vector.shape_cast %add3A_1035 : vector<16xf32> to vector<1x1x16xf32>
      tpu.vector_store %arg8[%swap3A_1037, %swap3A_1038, %swap3A_1039], %swap3A_1042 {strides = array<i32>} : memref<2x48x768xf32, #tpu.memory_space<vmem>>, vector<1x1x16xf32>,
      %get3A_1043 = arith.constant 0 : i32
      %get3A_1044 = arith.index_cast %get3A_1043 : i32 to index
      %get3A_1045 = arith.index_cast %scan3A_497 : i32 to index
      %get3A_1046 = arith.constant 624 : index
      %get3A_1047 = tpu.vector_load %arg8[%get3A_1044, %get3A_1045, %get3A_1046] {strides = array<i32>} : memref<2x48x768xf32, #tpu.memory_space<vmem>>, vector<1x1x16xf32>,
      %get3A_1048 = vector.shape_cast %get3A_1047 : vector<1x1x16xf32> to vector<16xf32>
      %add3A_1049 = arith.addf %get3A_1048, %get3A_205 : vector<16xf32>
      %swap3A_1050 = arith.constant 0 : i32
      %swap3A_1051 = arith.index_cast %swap3A_1050 : i32 to index
      %swap3A_1052 = arith.index_cast %scan3A_497 : i32 to index
      %swap3A_1053 = arith.constant 624 : index
      %swap3A_1054 = tpu.vector_load %arg8[%swap3A_1051, %swap3A_1052, %swap3A_1053] {strides = array<i32>} : memref<2x48x768xf32, #tpu.memory_space<vmem>>, vector<1x1x16xf32>,
      %swap3A_1055 = vector.shape_cast %swap3A_1054 : vector<1x1x16xf32> to vector<16xf32>
      %swap3A_1056 = vector.shape_cast %add3A_1049 : vector<16xf32> to vector<1x1x16xf32>
      tpu.vector_store %arg8[%swap3A_1051, %swap3A_1052, %swap3A_1053], %swap3A_1056 {strides = array<i32>} : memref<2x48x768xf32, #tpu.memory_space<vmem>>, vector<1x1x16xf32>,
      %get3A_1057 = arith.constant 0 : i32
      %get3A_1058 = arith.index_cast %get3A_1057 : i32 to index
      %get3A_1059 = arith.index_cast %scan3A_497 : i32 to index
      %get3A_1060 = arith.constant 640 : index
      %get3A_1061 = tpu.vector_load %arg8[%get3A_1058, %get3A_1059, %get3A_1060] {strides = array<i32>} : memref<2x48x768xf32, #tpu.memory_space<vmem>>, vector<1x1x16xf32>,
      %get3A_1062 = vector.shape_cast %get3A_1061 : vector<1x1x16xf32> to vector<16xf32>
      %add3A_1063 = arith.addf %get3A_1062, %get3A_210 : vector<16xf32>
      %swap3A_1064 = arith.constant 0 : i32
      %swap3A_1065 = arith.index_cast %swap3A_1064 : i32 to index
      %swap3A_1066 = arith.index_cast %scan3A_497 : i32 to index
      %swap3A_1067 = arith.constant 640 : index
      %swap3A_1068 = tpu.vector_load %arg8[%swap3A_1065, %swap3A_1066, %swap3A_1067] {strides = array<i32>} : memref<2x48x768xf32, #tpu.memory_space<vmem>>, vector<1x1x16xf32>,
      %swap3A_1069 = vector.shape_cast %swap3A_1068 : vector<1x1x16xf32> to vector<16xf32>
      %swap3A_1070 = vector.shape_cast %add3A_1063 : vector<16xf32> to vector<1x1x16xf32>
      tpu.vector_store %arg8[%swap3A_1065, %swap3A_1066, %swap3A_1067], %swap3A_1070 {strides = array<i32>} : memref<2x48x768xf32, #tpu.memory_space<vmem>>, vector<1x1x16xf32>,
      %get3A_1071 = arith.constant 0 : i32
      %get3A_1072 = arith.index_cast %get3A_1071 : i32 to index
      %get3A_1073 = arith.index_cast %scan3A_497 : i32 to index
      %get3A_1074 = arith.constant 656 : index
      %get3A_1075 = tpu.vector_load %arg8[%get3A_1072, %get3A_1073, %get3A_1074] {strides = array<i32>} : memref<2x48x768xf32, #tpu.memory_space<vmem>>, vector<1x1x16xf32>,
      %get3A_1076 = vector.shape_cast %get3A_1075 : vector<1x1x16xf32> to vector<16xf32>
      %add3A_1077 = arith.addf %get3A_1076, %get3A_215 : vector<16xf32>
      %swap3A_1078 = arith.constant 0 : i32
      %swap3A_1079 = arith.index_cast %swap3A_1078 : i32 to index
      %swap3A_1080 = arith.index_cast %scan3A_497 : i32 to index
      %swap3A_1081 = arith.constant 656 : index
      %swap3A_1082 = tpu.vector_load %arg8[%swap3A_1079, %swap3A_1080, %swap3A_1081] {strides = array<i32>} : memref<2x48x768xf32, #tpu.memory_space<vmem>>, vector<1x1x16xf32>,
      %swap3A_1083 = vector.shape_cast %swap3A_1082 : vector<1x1x16xf32> to vector<16xf32>
      %swap3A_1084 = vector.shape_cast %add3A_1077 : vector<16xf32> to vector<1x1x16xf32>
      tpu.vector_store %arg8[%swap3A_1079, %swap3A_1080, %swap3A_1081], %swap3A_1084 {strides = array<i32>} : memref<2x48x768xf32, #tpu.memory_space<vmem>>, vector<1x1x16xf32>,
      %get3A_1085 = arith.constant 0 : i32
      %get3A_1086 = arith.index_cast %get3A_1085 : i32 to index
      %get3A_1087 = arith.index_cast %scan3A_497 : i32 to index
      %get3A_1088 = arith.constant 672 : index
      %get3A_1089 = tpu.vector_load %arg8[%get3A_1086, %get3A_1087, %get3A_1088] {strides = array<i32>} : memref<2x48x768xf32, #tpu.memory_space<vmem>>, vector<1x1x16xf32>,
      %get3A_1090 = vector.shape_cast %get3A_1089 : vector<1x1x16xf32> to vector<16xf32>
      %add3A_1091 = arith.addf %get3A_1090, %get3A_220 : vector<16xf32>
      %swap3A_1092 = arith.constant 0 : i32
      %swap3A_1093 = arith.index_cast %swap3A_1092 : i32 to index
      %swap3A_1094 = arith.index_cast %scan3A_497 : i32 to index
      %swap3A_1095 = arith.constant 672 : index
      %swap3A_1096 = tpu.vector_load %arg8[%swap3A_1093, %swap3A_1094, %swap3A_1095] {strides = array<i32>} : memref<2x48x768xf32, #tpu.memory_space<vmem>>, vector<1x1x16xf32>,
      %swap3A_1097 = vector.shape_cast %swap3A_1096 : vector<1x1x16xf32> to vector<16xf32>
      %swap3A_1098 = vector.shape_cast %add3A_1091 : vector<16xf32> to vector<1x1x16xf32>
      tpu.vector_store %arg8[%swap3A_1093, %swap3A_1094, %swap3A_1095], %swap3A_1098 {strides = array<i32>} : memref<2x48x768xf32, #tpu.memory_space<vmem>>, vector<1x1x16xf32>,
      %get3A_1099 = arith.constant 0 : i32
      %get3A_1100 = arith.index_cast %get3A_1099 : i32 to index
      %get3A_1101 = arith.index_cast %scan3A_497 : i32 to index
      %get3A_1102 = arith.constant 688 : index
      %get3A_1103 = tpu.vector_load %arg8[%get3A_1100, %get3A_1101, %get3A_1102] {strides = array<i32>} : memref<2x48x768xf32, #tpu.memory_space<vmem>>, vector<1x1x16xf32>,
      %get3A_1104 = vector.shape_cast %get3A_1103 : vector<1x1x16xf32> to vector<16xf32>
      %add3A_1105 = arith.addf %get3A_1104, %get3A_225 : vector<16xf32>
      %swap3A_1106 = arith.constant 0 : i32
      %swap3A_1107 = arith.index_cast %swap3A_1106 : i32 to index
      %swap3A_1108 = arith.index_cast %scan3A_497 : i32 to index
      %swap3A_1109 = arith.constant 688 : index
      %swap3A_1110 = tpu.vector_load %arg8[%swap3A_1107, %swap3A_1108, %swap3A_1109] {strides = array<i32>} : memref<2x48x768xf32, #tpu.memory_space<vmem>>, vector<1x1x16xf32>,
      %swap3A_1111 = vector.shape_cast %swap3A_1110 : vector<1x1x16xf32> to vector<16xf32>
      %swap3A_1112 = vector.shape_cast %add3A_1105 : vector<16xf32> to vector<1x1x16xf32>
      tpu.vector_store %arg8[%swap3A_1107, %swap3A_1108, %swap3A_1109], %swap3A_1112 {strides = array<i32>} : memref<2x48x768xf32, #tpu.memory_space<vmem>>, vector<1x1x16xf32>,
      %get3A_1113 = arith.constant 0 : i32
      %get3A_1114 = arith.index_cast %get3A_1113 : i32 to index
      %get3A_1115 = arith.index_cast %scan3A_497 : i32 to index
      %get3A_1116 = arith.constant 704 : index
      %get3A_1117 = tpu.vector_load %arg8[%get3A_1114, %get3A_1115, %get3A_1116] {strides = array<i32>} : memref<2x48x768xf32, #tpu.memory_space<vmem>>, vector<1x1x16xf32>,
      %get3A_1118 = vector.shape_cast %get3A_1117 : vector<1x1x16xf32> to vector<16xf32>
      %add3A_1119 = arith.addf %get3A_1118, %get3A_230 : vector<16xf32>
      %swap3A_1120 = arith.constant 0 : i32
      %swap3A_1121 = arith.index_cast %swap3A_1120 : i32 to index
      %swap3A_1122 = arith.index_cast %scan3A_497 : i32 to index
      %swap3A_1123 = arith.constant 704 : index
      %swap3A_1124 = tpu.vector_load %arg8[%swap3A_1121, %swap3A_1122, %swap3A_1123] {strides = array<i32>} : memref<2x48x768xf32, #tpu.memory_space<vmem>>, vector<1x1x16xf32>,
      %swap3A_1125 = vector.shape_cast %swap3A_1124 : vector<1x1x16xf32> to vector<16xf32>
      %swap3A_1126 = vector.shape_cast %add3A_1119 : vector<16xf32> to vector<1x1x16xf32>
      tpu.vector_store %arg8[%swap3A_1121, %swap3A_1122, %swap3A_1123], %swap3A_1126 {strides = array<i32>} : memref<2x48x768xf32, #tpu.memory_space<vmem>>, vector<1x1x16xf32>,
      %get3A_1127 = arith.constant 0 : i32
      %get3A_1128 = arith.index_cast %get3A_1127 : i32 to index
      %get3A_1129 = arith.index_cast %scan3A_497 : i32 to index
      %get3A_1130 = arith.constant 720 : index
      %get3A_1131 = tpu.vector_load %arg8[%get3A_1128, %get3A_1129, %get3A_1130] {strides = array<i32>} : memref<2x48x768xf32, #tpu.memory_space<vmem>>, vector<1x1x16xf32>,
      %get3A_1132 = vector.shape_cast %get3A_1131 : vector<1x1x16xf32> to vector<16xf32>
      %add3A_1133 = arith.addf %get3A_1132, %get3A_235 : vector<16xf32>
      %swap3A_1134 = arith.constant 0 : i32
      %swap3A_1135 = arith.index_cast %swap3A_1134 : i32 to index
      %swap3A_1136 = arith.index_cast %scan3A_497 : i32 to index
      %swap3A_1137 = arith.constant 720 : index
      %swap3A_1138 = tpu.vector_load %arg8[%swap3A_1135, %swap3A_1136, %swap3A_1137] {strides = array<i32>} : memref<2x48x768xf32, #tpu.memory_space<vmem>>, vector<1x1x16xf32>,
      %swap3A_1139 = vector.shape_cast %swap3A_1138 : vector<1x1x16xf32> to vector<16xf32>
      %swap3A_1140 = vector.shape_cast %add3A_1133 : vector<16xf32> to vector<1x1x16xf32>
      tpu.vector_store %arg8[%swap3A_1135, %swap3A_1136, %swap3A_1137], %swap3A_1140 {strides = array<i32>} : memref<2x48x768xf32, #tpu.memory_space<vmem>>, vector<1x1x16xf32>,
      %get3A_1141 = arith.constant 0 : i32
      %get3A_1142 = arith.index_cast %get3A_1141 : i32 to index
      %get3A_1143 = arith.index_cast %scan3A_497 : i32 to index
      %get3A_1144 = arith.constant 736 : index
      %get3A_1145 = tpu.vector_load %arg8[%get3A_1142, %get3A_1143, %get3A_1144] {strides = array<i32>} : memref<2x48x768xf32, #tpu.memory_space<vmem>>, vector<1x1x16xf32>,
      %get3A_1146 = vector.shape_cast %get3A_1145 : vector<1x1x16xf32> to vector<16xf32>
      %add3A_1147 = arith.addf %get3A_1146, %get3A_240 : vector<16xf32>
      %swap3A_1148 = arith.constant 0 : i32
      %swap3A_1149 = arith.index_cast %swap3A_1148 : i32 to index
      %swap3A_1150 = arith.index_cast %scan3A_497 : i32 to index
      %swap3A_1151 = arith.constant 736 : index
      %swap3A_1152 = tpu.vector_load %arg8[%swap3A_1149, %swap3A_1150, %swap3A_1151] {strides = array<i32>} : memref<2x48x768xf32, #tpu.memory_space<vmem>>, vector<1x1x16xf32>,
      %swap3A_1153 = vector.shape_cast %swap3A_1152 : vector<1x1x16xf32> to vector<16xf32>
      %swap3A_1154 = vector.shape_cast %add3A_1147 : vector<16xf32> to vector<1x1x16xf32>
      tpu.vector_store %arg8[%swap3A_1149, %swap3A_1150, %swap3A_1151], %swap3A_1154 {strides = array<i32>} : memref<2x48x768xf32, #tpu.memory_space<vmem>>, vector<1x1x16xf32>,
      %get3A_1155 = arith.constant 0 : i32
      %get3A_1156 = arith.index_cast %get3A_1155 : i32 to index
      %get3A_1157 = arith.index_cast %scan3A_497 : i32 to index
      %get3A_1158 = arith.constant 752 : index
      %get3A_1159 = tpu.vector_load %arg8[%get3A_1156, %get3A_1157, %get3A_1158] {strides = array<i32>} : memref<2x48x768xf32, #tpu.memory_space<vmem>>, vector<1x1x16xf32>,
      %get3A_1160 = vector.shape_cast %get3A_1159 : vector<1x1x16xf32> to vector<16xf32>
      %add3A_1161 = arith.addf %get3A_1160, %get3A_245 : vector<16xf32>
      %swap3A_1162 = arith.constant 0 : i32
      %swap3A_1163 = arith.index_cast %swap3A_1162 : i32 to index
      %swap3A_1164 = arith.index_cast %scan3A_497 : i32 to index
      %swap3A_1165 = arith.constant 752 : index
      %swap3A_1166 = tpu.vector_load %arg8[%swap3A_1163, %swap3A_1164, %swap3A_1165] {strides = array<i32>} : memref<2x48x768xf32, #tpu.memory_space<vmem>>, vector<1x1x16xf32>,
      %swap3A_1167 = vector.shape_cast %swap3A_1166 : vector<1x1x16xf32> to vector<16xf32>
      %swap3A_1168 = vector.shape_cast %add3A_1161 : vector<16xf32> to vector<1x1x16xf32>
      tpu.vector_store %arg8[%swap3A_1163, %swap3A_1164, %swap3A_1165], %swap3A_1168 {strides = array<i32>} : memref<2x48x768xf32, #tpu.memory_space<vmem>>, vector<1x1x16xf32>,
    }
    %scan3A_296 = arith.constant 48 : i32
    %add3A_297 = arith.constant 0 : i32
    %add3A_298 = arith.addi %mul3A_2, %add3A_297 : i32
    %dma_start3A_299 = arith.constant 0 : i32
    %dma_start3A_300 = arith.constant 0 : i32
    %dma_start3A_301 = arith.constant 0 : i32
    %dma_start3A_302 = tpu.memref_slice %arg8[%dma_start3A_299, %dma_start3A_300, %dma_start3A_301] : memref<2x48x768xf32, #tpu.memory_space<vmem>> -> memref<1x48x768xf32, #tpu.memory_space<vmem>>
    %dma_start3A_303 = tpu.memref_squeeze %dma_start3A_302 : memref<1x48x768xf32, #tpu.memory_space<vmem>> -> memref<48x768xf32, #tpu.memory_space<vmem>>
    %dma_start3A_304 = arith.constant 0 : i32
    %dma_start3A_305 = tpu.memref_slice %arg5[%add3A_298, %dma_start3A_304] : memref<6144x768xf32, #tpu.memory_space<hbm>> -> memref<48x768xf32, #tpu.memory_space<hbm>>
    %dma_start3A_306 = arith.constant 0 : i32
    %dma_start3A_307 = tpu.memref_slice %arg5[%add3A_298, %dma_start3A_306] : memref<6144x768xf32, #tpu.memory_space<hbm>> -> memref<48x768xf32, #tpu.memory_space<hbm>>
    %dma_start3A_308 = arith.constant 0 : i32
    %dma_start3A_309 = arith.constant 0 : i32
    %dma_start3A_310 = tpu.memref_slice %arg8[%dma_start3A_299, %dma_start3A_308, %dma_start3A_309] : memref<2x48x768xf32, #tpu.memory_space<vmem>> -> memref<1x48x768xf32, #tpu.memory_space<vmem>>
    %dma_start3A_311 = tpu.memref_squeeze %dma_start3A_310 : memref<1x48x768xf32, #tpu.memory_space<vmem>> -> memref<48x768xf32, #tpu.memory_space<vmem>>
    tpu.enqueue_dma source(%dma_start3A_311 : memref<48x768xf32, #tpu.memory_space<vmem>>) target(%dma_start3A_307 : memref<48x768xf32, #tpu.memory_space<hbm>>) target_semaphore(%arg11 : memref<!tpu.dma_semaphore, #tpu.memory_space<semaphore_mem>>)
    %dma_wait3A_312 = arith.constant 0 : i32
    %dma_wait3A_313 = arith.constant 0 : i32
    %dma_wait3A_314 = arith.constant 0 : i32
    %dma_wait3A_315 = tpu.memref_slice %arg8[%dma_wait3A_312, %dma_wait3A_313, %dma_wait3A_314] : memref<2x48x768xf32, #tpu.memory_space<vmem>> -> memref<1x48x768xf32, #tpu.memory_space<vmem>>
    %dma_wait3A_316 = tpu.memref_squeeze %dma_wait3A_315 : memref<1x48x768xf32, #tpu.memory_space<vmem>> -> memref<48x768xf32, #tpu.memory_space<vmem>>
    %dma_wait3A_317 = arith.constant 0 : i32
    %dma_wait3A_318 = tpu.memref_slice %arg5[%add3A_298, %dma_wait3A_317] : memref<6144x768xf32, #tpu.memory_space<hbm>> -> memref<48x768xf32, #tpu.memory_space<hbm>>
    %dma_wait3A_319 = arith.constant 0 : i32
    %dma_wait3A_320 = tpu.memref_slice %arg5[%add3A_298, %dma_wait3A_319] : memref<6144x768xf32, #tpu.memory_space<hbm>> -> memref<48x768xf32, #tpu.memory_space<hbm>>
    %dma_wait3A_321 = arith.constant 0 : i32
    %dma_wait3A_322 = arith.constant 0 : i32
    %dma_wait3A_323 = tpu.memref_slice %arg8[%dma_wait3A_312, %dma_wait3A_321, %dma_wait3A_322] : memref<2x48x768xf32, #tpu.memory_space<vmem>> -> memref<1x48x768xf32, #tpu.memory_space<vmem>>
    %dma_wait3A_324 = tpu.memref_squeeze %dma_wait3A_323 : memref<1x48x768xf32, #tpu.memory_space<vmem>> -> memref<48x768xf32, #tpu.memory_space<vmem>>
    tpu.wait_dma2 semaphore(%arg11 : memref<!tpu.dma_semaphore, #tpu.memory_space<semaphore_mem>>) src(%dma_wait3A_324 : memref<48x768xf32, #tpu.memory_space<vmem>>) dst(%dma_wait3A_320 : memref<48x768xf32, #tpu.memory_space<hbm>>)
    %add3A_325 = arith.constant 12288 : i32
    %add3A_326 = arith.addi %add3A_325, %mul3A_2 : i32
    %add3A_327 = arith.constant 96 : i32
    %add3A_328 = arith.addi %add3A_326, %add3A_327 : i32
    %dma_start3A_329 = arith.constant 0 : i32
    %dma_start3A_330 = arith.constant 0 : i32
    %dma_start3A_331 = arith.constant 0 : i32
    %dma_start3A_332 = tpu.memref_slice %arg8[%dma_start3A_329, %dma_start3A_330, %dma_start3A_331] : memref<2x48x768xf32, #tpu.memory_space<vmem>> -> memref<1x48x768xf32, #tpu.memory_space<vmem>>
    %dma_start3A_333 = tpu.memref_squeeze %dma_start3A_332 : memref<1x48x768xf32, #tpu.memory_space<vmem>> -> memref<48x768xf32, #tpu.memory_space<vmem>>
    %dma_start3A_334 = arith.constant 0 : i32
    %dma_start3A_335 = tpu.memref_slice %arg2[%add3A_328, %dma_start3A_334] : memref<18432x768xf32, #tpu.memory_space<hbm>> -> memref<48x768xf32, #tpu.memory_space<hbm>>
    %dma_start3A_336 = arith.constant 0 : i32
    %dma_start3A_337 = arith.constant 0 : i32
    %dma_start3A_338 = tpu.memref_slice %arg8[%dma_start3A_329, %dma_start3A_336, %dma_start3A_337] : memref<2x48x768xf32, #tpu.memory_space<vmem>> -> memref<1x48x768xf32, #tpu.memory_space<vmem>>
    %dma_start3A_339 = tpu.memref_squeeze %dma_start3A_338 : memref<1x48x768xf32, #tpu.memory_space<vmem>> -> memref<48x768xf32, #tpu.memory_space<vmem>>
    %dma_start3A_340 = arith.constant 0 : i32
    %dma_start3A_341 = tpu.memref_slice %arg2[%add3A_328, %dma_start3A_340] : memref<18432x768xf32, #tpu.memory_space<hbm>> -> memref<48x768xf32, #tpu.memory_space<hbm>>
    tpu.enqueue_dma source(%dma_start3A_341 : memref<48x768xf32, #tpu.memory_space<hbm>>) target(%dma_start3A_339 : memref<48x768xf32, #tpu.memory_space<vmem>>) target_semaphore(%arg9 : memref<!tpu.dma_semaphore, #tpu.memory_space<semaphore_mem>>)
    %dma_wait3A_342 = arith.constant 1 : i32
    %dma_wait3A_343 = arith.constant 0 : i32
    %dma_wait3A_344 = arith.constant 0 : i32
    %dma_wait3A_345 = tpu.memref_slice %arg8[%dma_wait3A_342, %dma_wait3A_343, %dma_wait3A_344] : memref<2x48x768xf32, #tpu.memory_space<vmem>> -> memref<1x48x768xf32, #tpu.memory_space<vmem>>
    %dma_wait3A_346 = tpu.memref_squeeze %dma_wait3A_345 : memref<1x48x768xf32, #tpu.memory_space<vmem>> -> memref<48x768xf32, #tpu.memory_space<vmem>>
    %dma_wait3A_347 = arith.constant 0 : i32
    %dma_wait3A_348 = tpu.memref_slice %arg2[%add3A_266, %dma_wait3A_347] : memref<18432x768xf32, #tpu.memory_space<hbm>> -> memref<48x768xf32, #tpu.memory_space<hbm>>
    %dma_wait3A_349 = arith.constant 0 : i32
    %dma_wait3A_350 = arith.constant 0 : i32
    %dma_wait3A_351 = tpu.memref_slice %arg8[%dma_wait3A_342, %dma_wait3A_349, %dma_wait3A_350] : memref<2x48x768xf32, #tpu.memory_space<vmem>> -> memref<1x48x768xf32, #tpu.memory_space<vmem>>
    %dma_wait3A_352 = tpu.memref_squeeze %dma_wait3A_351 : memref<1x48x768xf32, #tpu.memory_space<vmem>> -> memref<48x768xf32, #tpu.memory_space<vmem>>
    %dma_wait3A_353 = arith.constant 0 : i32
    %dma_wait3A_354 = tpu.memref_slice %arg2[%add3A_266, %dma_wait3A_353] : memref<18432x768xf32, #tpu.memory_space<hbm>> -> memref<48x768xf32, #tpu.memory_space<hbm>>
    tpu.wait_dma2 semaphore(%arg10 : memref<!tpu.dma_semaphore, #tpu.memory_space<semaphore_mem>>) src(%dma_wait3A_354 : memref<48x768xf32, #tpu.memory_space<hbm>>) dst(%dma_wait3A_352 : memref<48x768xf32, #tpu.memory_space<vmem>>)
    %scan3A_355 = arith.constant 0 : i32
    %scan3A_356 = arith.constant 48 : i32
    %scan3A_357 = arith.addi %scan3A_355, %scan3A_356 : i32
    %scan3A_358 = arith.constant 1 : i32
    scf.for %scan3A_497 = %scan3A_355 to %scan3A_357 step %scan3A_358  : i32 {
      %get3A_498 = arith.constant 1 : i32
      %get3A_499 = arith.index_cast %get3A_498 : i32 to index
      %get3A_500 = arith.index_cast %scan3A_497 : i32 to index
      %get3A_501 = arith.constant 0 : index
      %get3A_502 = tpu.vector_load %arg8[%get3A_499, %get3A_500, %get3A_501] {strides = array<i32>} : memref<2x48x768xf32, #tpu.memory_space<vmem>>, vector<1x1x16xf32>,
      %get3A_503 = vector.shape_cast %get3A_502 : vector<1x1x16xf32> to vector<16xf32>
      %add3A_504 = arith.addf %get3A_503, %get3A_10 : vector<16xf32>
      %swap3A = arith.constant 1 : i32
      %swap3A_505 = arith.index_cast %swap3A : i32 to index
      %swap3A_506 = arith.index_cast %scan3A_497 : i32 to index
      %swap3A_507 = arith.constant 0 : index
      %swap3A_508 = tpu.vector_load %arg8[%swap3A_505, %swap3A_506, %swap3A_507] {strides = array<i32>} : memref<2x48x768xf32, #tpu.memory_space<vmem>>, vector<1x1x16xf32>,
      %swap3A_509 = vector.shape_cast %swap3A_508 : vector<1x1x16xf32> to vector<16xf32>
      %swap3A_510 = vector.shape_cast %add3A_504 : vector<16xf32> to vector<1x1x16xf32>
      tpu.vector_store %arg8[%swap3A_505, %swap3A_506, %swap3A_507], %swap3A_510 {strides = array<i32>} : memref<2x48x768xf32, #tpu.memory_space<vmem>>, vector<1x1x16xf32>,
      %get3A_511 = arith.constant 1 : i32
      %get3A_512 = arith.index_cast %get3A_511 : i32 to index
      %get3A_513 = arith.index_cast %scan3A_497 : i32 to index
      %get3A_514 = arith.constant 16 : index
      %get3A_515 = tpu.vector_load %arg8[%get3A_512, %get3A_513, %get3A_514] {strides = array<i32>} : memref<2x48x768xf32, #tpu.memory_space<vmem>>, vector<1x1x16xf32>,
      %get3A_516 = vector.shape_cast %get3A_515 : vector<1x1x16xf32> to vector<16xf32>
      %add3A_517 = arith.addf %get3A_516, %get3A_15 : vector<16xf32>
      %swap3A_518 = arith.constant 1 : i32
      %swap3A_519 = arith.index_cast %swap3A_518 : i32 to index
      %swap3A_520 = arith.index_cast %scan3A_497 : i32 to index
      %swap3A_521 = arith.constant 16 : index
      %swap3A_522 = tpu.vector_load %arg8[%swap3A_519, %swap3A_520, %swap3A_521] {strides = array<i32>} : memref<2x48x768xf32, #tpu.memory_space<vmem>>, vector<1x1x16xf32>,
      %swap3A_523 = vector.shape_cast %swap3A_522 : vector<1x1x16xf32> to vector<16xf32>
      %swap3A_524 = vector.shape_cast %add3A_517 : vector<16xf32> to vector<1x1x16xf32>
      tpu.vector_store %arg8[%swap3A_519, %swap3A_520, %swap3A_521], %swap3A_524 {strides = array<i32>} : memref<2x48x768xf32, #tpu.memory_space<vmem>>, vector<1x1x16xf32>,
      %get3A_525 = arith.constant 1 : i32
      %get3A_526 = arith.index_cast %get3A_525 : i32 to index
      %get3A_527 = arith.index_cast %scan3A_497 : i32 to index
      %get3A_528 = arith.constant 32 : index
      %get3A_529 = tpu.vector_load %arg8[%get3A_526, %get3A_527, %get3A_528] {strides = array<i32>} : memref<2x48x768xf32, #tpu.memory_space<vmem>>, vector<1x1x16xf32>,
      %get3A_530 = vector.shape_cast %get3A_529 : vector<1x1x16xf32> to vector<16xf32>
      %add3A_531 = arith.addf %get3A_530, %get3A_20 : vector<16xf32>
      %swap3A_532 = arith.constant 1 : i32
      %swap3A_533 = arith.index_cast %swap3A_532 : i32 to index
      %swap3A_534 = arith.index_cast %scan3A_497 : i32 to index
      %swap3A_535 = arith.constant 32 : index
      %swap3A_536 = tpu.vector_load %arg8[%swap3A_533, %swap3A_534, %swap3A_535] {strides = array<i32>} : memref<2x48x768xf32, #tpu.memory_space<vmem>>, vector<1x1x16xf32>,
      %swap3A_537 = vector.shape_cast %swap3A_536 : vector<1x1x16xf32> to vector<16xf32>
      %swap3A_538 = vector.shape_cast %add3A_531 : vector<16xf32> to vector<1x1x16xf32>
      tpu.vector_store %arg8[%swap3A_533, %swap3A_534, %swap3A_535], %swap3A_538 {strides = array<i32>} : memref<2x48x768xf32, #tpu.memory_space<vmem>>, vector<1x1x16xf32>,
      %get3A_539 = arith.constant 1 : i32
      %get3A_540 = arith.index_cast %get3A_539 : i32 to index
      %get3A_541 = arith.index_cast %scan3A_497 : i32 to index
      %get3A_542 = arith.constant 48 : index
      %get3A_543 = tpu.vector_load %arg8[%get3A_540, %get3A_541, %get3A_542] {strides = array<i32>} : memref<2x48x768xf32, #tpu.memory_space<vmem>>, vector<1x1x16xf32>,
      %get3A_544 = vector.shape_cast %get3A_543 : vector<1x1x16xf32> to vector<16xf32>
      %add3A_545 = arith.addf %get3A_544, %get3A_25 : vector<16xf32>
      %swap3A_546 = arith.constant 1 : i32
      %swap3A_547 = arith.index_cast %swap3A_546 : i32 to index
      %swap3A_548 = arith.index_cast %scan3A_497 : i32 to index
      %swap3A_549 = arith.constant 48 : index
      %swap3A_550 = tpu.vector_load %arg8[%swap3A_547, %swap3A_548, %swap3A_549] {strides = array<i32>} : memref<2x48x768xf32, #tpu.memory_space<vmem>>, vector<1x1x16xf32>,
      %swap3A_551 = vector.shape_cast %swap3A_550 : vector<1x1x16xf32> to vector<16xf32>
      %swap3A_552 = vector.shape_cast %add3A_545 : vector<16xf32> to vector<1x1x16xf32>
      tpu.vector_store %arg8[%swap3A_547, %swap3A_548, %swap3A_549], %swap3A_552 {strides = array<i32>} : memref<2x48x768xf32, #tpu.memory_space<vmem>>, vector<1x1x16xf32>,
      %get3A_553 = arith.constant 1 : i32
      %get3A_554 = arith.index_cast %get3A_553 : i32 to index
      %get3A_555 = arith.index_cast %scan3A_497 : i32 to index
      %get3A_556 = arith.constant 64 : index
      %get3A_557 = tpu.vector_load %arg8[%get3A_554, %get3A_555, %get3A_556] {strides = array<i32>} : memref<2x48x768xf32, #tpu.memory_space<vmem>>, vector<1x1x16xf32>,
      %get3A_558 = vector.shape_cast %get3A_557 : vector<1x1x16xf32> to vector<16xf32>
      %add3A_559 = arith.addf %get3A_558, %get3A_30 : vector<16xf32>
      %swap3A_560 = arith.constant 1 : i32
      %swap3A_561 = arith.index_cast %swap3A_560 : i32 to index
      %swap3A_562 = arith.index_cast %scan3A_497 : i32 to index
      %swap3A_563 = arith.constant 64 : index
      %swap3A_564 = tpu.vector_load %arg8[%swap3A_561, %swap3A_562, %swap3A_563] {strides = array<i32>} : memref<2x48x768xf32, #tpu.memory_space<vmem>>, vector<1x1x16xf32>,
      %swap3A_565 = vector.shape_cast %swap3A_564 : vector<1x1x16xf32> to vector<16xf32>
      %swap3A_566 = vector.shape_cast %add3A_559 : vector<16xf32> to vector<1x1x16xf32>
      tpu.vector_store %arg8[%swap3A_561, %swap3A_562, %swap3A_563], %swap3A_566 {strides = array<i32>} : memref<2x48x768xf32, #tpu.memory_space<vmem>>, vector<1x1x16xf32>,
      %get3A_567 = arith.constant 1 : i32
      %get3A_568 = arith.index_cast %get3A_567 : i32 to index
      %get3A_569 = arith.index_cast %scan3A_497 : i32 to index
      %get3A_570 = arith.constant 80 : index
      %get3A_571 = tpu.vector_load %arg8[%get3A_568, %get3A_569, %get3A_570] {strides = array<i32>} : memref<2x48x768xf32, #tpu.memory_space<vmem>>, vector<1x1x16xf32>,
      %get3A_572 = vector.shape_cast %get3A_571 : vector<1x1x16xf32> to vector<16xf32>
      %add3A_573 = arith.addf %get3A_572, %get3A_35 : vector<16xf32>
      %swap3A_574 = arith.constant 1 : i32
      %swap3A_575 = arith.index_cast %swap3A_574 : i32 to index
      %swap3A_576 = arith.index_cast %scan3A_497 : i32 to index
      %swap3A_577 = arith.constant 80 : index
      %swap3A_578 = tpu.vector_load %arg8[%swap3A_575, %swap3A_576, %swap3A_577] {strides = array<i32>} : memref<2x48x768xf32, #tpu.memory_space<vmem>>, vector<1x1x16xf32>,
      %swap3A_579 = vector.shape_cast %swap3A_578 : vector<1x1x16xf32> to vector<16xf32>
      %swap3A_580 = vector.shape_cast %add3A_573 : vector<16xf32> to vector<1x1x16xf32>
      tpu.vector_store %arg8[%swap3A_575, %swap3A_576, %swap3A_577], %swap3A_580 {strides = array<i32>} : memref<2x48x768xf32, #tpu.memory_space<vmem>>, vector<1x1x16xf32>,
      %get3A_581 = arith.constant 1 : i32
      %get3A_582 = arith.index_cast %get3A_581 : i32 to index
      %get3A_583 = arith.index_cast %scan3A_497 : i32 to index
      %get3A_584 = arith.constant 96 : index
      %get3A_585 = tpu.vector_load %arg8[%get3A_582, %get3A_583, %get3A_584] {strides = array<i32>} : memref<2x48x768xf32, #tpu.memory_space<vmem>>, vector<1x1x16xf32>,
      %get3A_586 = vector.shape_cast %get3A_585 : vector<1x1x16xf32> to vector<16xf32>
      %add3A_587 = arith.addf %get3A_586, %get3A_40 : vector<16xf32>
      %swap3A_588 = arith.constant 1 : i32
      %swap3A_589 = arith.index_cast %swap3A_588 : i32 to index
      %swap3A_590 = arith.index_cast %scan3A_497 : i32 to index
      %swap3A_591 = arith.constant 96 : index
      %swap3A_592 = tpu.vector_load %arg8[%swap3A_589, %swap3A_590, %swap3A_591] {strides = array<i32>} : memref<2x48x768xf32, #tpu.memory_space<vmem>>, vector<1x1x16xf32>,
      %swap3A_593 = vector.shape_cast %swap3A_592 : vector<1x1x16xf32> to vector<16xf32>
      %swap3A_594 = vector.shape_cast %add3A_587 : vector<16xf32> to vector<1x1x16xf32>
      tpu.vector_store %arg8[%swap3A_589, %swap3A_590, %swap3A_591], %swap3A_594 {strides = array<i32>} : memref<2x48x768xf32, #tpu.memory_space<vmem>>, vector<1x1x16xf32>,
      %get3A_595 = arith.constant 1 : i32
      %get3A_596 = arith.index_cast %get3A_595 : i32 to index
      %get3A_597 = arith.index_cast %scan3A_497 : i32 to index
      %get3A_598 = arith.constant 112 : index
      %get3A_599 = tpu.vector_load %arg8[%get3A_596, %get3A_597, %get3A_598] {strides = array<i32>} : memref<2x48x768xf32, #tpu.memory_space<vmem>>, vector<1x1x16xf32>,
      %get3A_600 = vector.shape_cast %get3A_599 : vector<1x1x16xf32> to vector<16xf32>
      %add3A_601 = arith.addf %get3A_600, %get3A_45 : vector<16xf32>
      %swap3A_602 = arith.constant 1 : i32
      %swap3A_603 = arith.index_cast %swap3A_602 : i32 to index
      %swap3A_604 = arith.index_cast %scan3A_497 : i32 to index
      %swap3A_605 = arith.constant 112 : index
      %swap3A_606 = tpu.vector_load %arg8[%swap3A_603, %swap3A_604, %swap3A_605] {strides = array<i32>} : memref<2x48x768xf32, #tpu.memory_space<vmem>>, vector<1x1x16xf32>,
      %swap3A_607 = vector.shape_cast %swap3A_606 : vector<1x1x16xf32> to vector<16xf32>
      %swap3A_608 = vector.shape_cast %add3A_601 : vector<16xf32> to vector<1x1x16xf32>
      tpu.vector_store %arg8[%swap3A_603, %swap3A_604, %swap3A_605], %swap3A_608 {strides = array<i32>} : memref<2x48x768xf32, #tpu.memory_space<vmem>>, vector<1x1x16xf32>,
      %get3A_609 = arith.constant 1 : i32
      %get3A_610 = arith.index_cast %get3A_609 : i32 to index
      %get3A_611 = arith.index_cast %scan3A_497 : i32 to index
      %get3A_612 = arith.constant 128 : index
      %get3A_613 = tpu.vector_load %arg8[%get3A_610, %get3A_611, %get3A_612] {strides = array<i32>} : memref<2x48x768xf32, #tpu.memory_space<vmem>>, vector<1x1x16xf32>,
      %get3A_614 = vector.shape_cast %get3A_613 : vector<1x1x16xf32> to vector<16xf32>
      %add3A_615 = arith.addf %get3A_614, %get3A_50 : vector<16xf32>
      %swap3A_616 = arith.constant 1 : i32
      %swap3A_617 = arith.index_cast %swap3A_616 : i32 to index
      %swap3A_618 = arith.index_cast %scan3A_497 : i32 to index
      %swap3A_619 = arith.constant 128 : index
      %swap3A_620 = tpu.vector_load %arg8[%swap3A_617, %swap3A_618, %swap3A_619] {strides = array<i32>} : memref<2x48x768xf32, #tpu.memory_space<vmem>>, vector<1x1x16xf32>,
      %swap3A_621 = vector.shape_cast %swap3A_620 : vector<1x1x16xf32> to vector<16xf32>
      %swap3A_622 = vector.shape_cast %add3A_615 : vector<16xf32> to vector<1x1x16xf32>
      tpu.vector_store %arg8[%swap3A_617, %swap3A_618, %swap3A_619], %swap3A_622 {strides = array<i32>} : memref<2x48x768xf32, #tpu.memory_space<vmem>>, vector<1x1x16xf32>,
      %get3A_623 = arith.constant 1 : i32
      %get3A_624 = arith.index_cast %get3A_623 : i32 to index
      %get3A_625 = arith.index_cast %scan3A_497 : i32 to index
      %get3A_626 = arith.constant 144 : index
      %get3A_627 = tpu.vector_load %arg8[%get3A_624, %get3A_625, %get3A_626] {strides = array<i32>} : memref<2x48x768xf32, #tpu.memory_space<vmem>>, vector<1x1x16xf32>,
      %get3A_628 = vector.shape_cast %get3A_627 : vector<1x1x16xf32> to vector<16xf32>
      %add3A_629 = arith.addf %get3A_628, %get3A_55 : vector<16xf32>
      %swap3A_630 = arith.constant 1 : i32
      %swap3A_631 = arith.index_cast %swap3A_630 : i32 to index
      %swap3A_632 = arith.index_cast %scan3A_497 : i32 to index
      %swap3A_633 = arith.constant 144 : index
      %swap3A_634 = tpu.vector_load %arg8[%swap3A_631, %swap3A_632, %swap3A_633] {strides = array<i32>} : memref<2x48x768xf32, #tpu.memory_space<vmem>>, vector<1x1x16xf32>,
      %swap3A_635 = vector.shape_cast %swap3A_634 : vector<1x1x16xf32> to vector<16xf32>
      %swap3A_636 = vector.shape_cast %add3A_629 : vector<16xf32> to vector<1x1x16xf32>
      tpu.vector_store %arg8[%swap3A_631, %swap3A_632, %swap3A_633], %swap3A_636 {strides = array<i32>} : memref<2x48x768xf32, #tpu.memory_space<vmem>>, vector<1x1x16xf32>,
      %get3A_637 = arith.constant 1 : i32
      %get3A_638 = arith.index_cast %get3A_637 : i32 to index
      %get3A_639 = arith.index_cast %scan3A_497 : i32 to index
      %get3A_640 = arith.constant 160 : index
      %get3A_641 = tpu.vector_load %arg8[%get3A_638, %get3A_639, %get3A_640] {strides = array<i32>} : memref<2x48x768xf32, #tpu.memory_space<vmem>>, vector<1x1x16xf32>,
      %get3A_642 = vector.shape_cast %get3A_641 : vector<1x1x16xf32> to vector<16xf32>
      %add3A_643 = arith.addf %get3A_642, %get3A_60 : vector<16xf32>
      %swap3A_644 = arith.constant 1 : i32
      %swap3A_645 = arith.index_cast %swap3A_644 : i32 to index
      %swap3A_646 = arith.index_cast %scan3A_497 : i32 to index
      %swap3A_647 = arith.constant 160 : index
      %swap3A_648 = tpu.vector_load %arg8[%swap3A_645, %swap3A_646, %swap3A_647] {strides = array<i32>} : memref<2x48x768xf32, #tpu.memory_space<vmem>>, vector<1x1x16xf32>,
      %swap3A_649 = vector.shape_cast %swap3A_648 : vector<1x1x16xf32> to vector<16xf32>
      %swap3A_650 = vector.shape_cast %add3A_643 : vector<16xf32> to vector<1x1x16xf32>
      tpu.vector_store %arg8[%swap3A_645, %swap3A_646, %swap3A_647], %swap3A_650 {strides = array<i32>} : memref<2x48x768xf32, #tpu.memory_space<vmem>>, vector<1x1x16xf32>,
      %get3A_651 = arith.constant 1 : i32
      %get3A_652 = arith.index_cast %get3A_651 : i32 to index
      %get3A_653 = arith.index_cast %scan3A_497 : i32 to index
      %get3A_654 = arith.constant 176 : index
      %get3A_655 = tpu.vector_load %arg8[%get3A_652, %get3A_653, %get3A_654] {strides = array<i32>} : memref<2x48x768xf32, #tpu.memory_space<vmem>>, vector<1x1x16xf32>,
      %get3A_656 = vector.shape_cast %get3A_655 : vector<1x1x16xf32> to vector<16xf32>
      %add3A_657 = arith.addf %get3A_656, %get3A_65 : vector<16xf32>
      %swap3A_658 = arith.constant 1 : i32
      %swap3A_659 = arith.index_cast %swap3A_658 : i32 to index
      %swap3A_660 = arith.index_cast %scan3A_497 : i32 to index
      %swap3A_661 = arith.constant 176 : index
      %swap3A_662 = tpu.vector_load %arg8[%swap3A_659, %swap3A_660, %swap3A_661] {strides = array<i32>} : memref<2x48x768xf32, #tpu.memory_space<vmem>>, vector<1x1x16xf32>,
      %swap3A_663 = vector.shape_cast %swap3A_662 : vector<1x1x16xf32> to vector<16xf32>
      %swap3A_664 = vector.shape_cast %add3A_657 : vector<16xf32> to vector<1x1x16xf32>
      tpu.vector_store %arg8[%swap3A_659, %swap3A_660, %swap3A_661], %swap3A_664 {strides = array<i32>} : memref<2x48x768xf32, #tpu.memory_space<vmem>>, vector<1x1x16xf32>,
      %get3A_665 = arith.constant 1 : i32
      %get3A_666 = arith.index_cast %get3A_665 : i32 to index
      %get3A_667 = arith.index_cast %scan3A_497 : i32 to index
      %get3A_668 = arith.constant 192 : index
      %get3A_669 = tpu.vector_load %arg8[%get3A_666, %get3A_667, %get3A_668] {strides = array<i32>} : memref<2x48x768xf32, #tpu.memory_space<vmem>>, vector<1x1x16xf32>,
      %get3A_670 = vector.shape_cast %get3A_669 : vector<1x1x16xf32> to vector<16xf32>
      %add3A_671 = arith.addf %get3A_670, %get3A_70 : vector<16xf32>
      %swap3A_672 = arith.constant 1 : i32
      %swap3A_673 = arith.index_cast %swap3A_672 : i32 to index
      %swap3A_674 = arith.index_cast %scan3A_497 : i32 to index
      %swap3A_675 = arith.constant 192 : index
      %swap3A_676 = tpu.vector_load %arg8[%swap3A_673, %swap3A_674, %swap3A_675] {strides = array<i32>} : memref<2x48x768xf32, #tpu.memory_space<vmem>>, vector<1x1x16xf32>,
      %swap3A_677 = vector.shape_cast %swap3A_676 : vector<1x1x16xf32> to vector<16xf32>
      %swap3A_678 = vector.shape_cast %add3A_671 : vector<16xf32> to vector<1x1x16xf32>
      tpu.vector_store %arg8[%swap3A_673, %swap3A_674, %swap3A_675], %swap3A_678 {strides = array<i32>} : memref<2x48x768xf32, #tpu.memory_space<vmem>>, vector<1x1x16xf32>,
      %get3A_679 = arith.constant 1 : i32
      %get3A_680 = arith.index_cast %get3A_679 : i32 to index
      %get3A_681 = arith.index_cast %scan3A_497 : i32 to index
      %get3A_682 = arith.constant 208 : index
      %get3A_683 = tpu.vector_load %arg8[%get3A_680, %get3A_681, %get3A_682] {strides = array<i32>} : memref<2x48x768xf32, #tpu.memory_space<vmem>>, vector<1x1x16xf32>,
      %get3A_684 = vector.shape_cast %get3A_683 : vector<1x1x16xf32> to vector<16xf32>
      %add3A_685 = arith.addf %get3A_684, %get3A_75 : vector<16xf32>
      %swap3A_686 = arith.constant 1 : i32
      %swap3A_687 = arith.index_cast %swap3A_686 : i32 to index
      %swap3A_688 = arith.index_cast %scan3A_497 : i32 to index
      %swap3A_689 = arith.constant 208 : index
      %swap3A_690 = tpu.vector_load %arg8[%swap3A_687, %swap3A_688, %swap3A_689] {strides = array<i32>} : memref<2x48x768xf32, #tpu.memory_space<vmem>>, vector<1x1x16xf32>,
      %swap3A_691 = vector.shape_cast %swap3A_690 : vector<1x1x16xf32> to vector<16xf32>
      %swap3A_692 = vector.shape_cast %add3A_685 : vector<16xf32> to vector<1x1x16xf32>
      tpu.vector_store %arg8[%swap3A_687, %swap3A_688, %swap3A_689], %swap3A_692 {strides = array<i32>} : memref<2x48x768xf32, #tpu.memory_space<vmem>>, vector<1x1x16xf32>,
      %get3A_693 = arith.constant 1 : i32
      %get3A_694 = arith.index_cast %get3A_693 : i32 to index
      %get3A_695 = arith.index_cast %scan3A_497 : i32 to index
      %get3A_696 = arith.constant 224 : index
      %get3A_697 = tpu.vector_load %arg8[%get3A_694, %get3A_695, %get3A_696] {strides = array<i32>} : memref<2x48x768xf32, #tpu.memory_space<vmem>>, vector<1x1x16xf32>,
      %get3A_698 = vector.shape_cast %get3A_697 : vector<1x1x16xf32> to vector<16xf32>
      %add3A_699 = arith.addf %get3A_698, %get3A_80 : vector<16xf32>
      %swap3A_700 = arith.constant 1 : i32
      %swap3A_701 = arith.index_cast %swap3A_700 : i32 to index
      %swap3A_702 = arith.index_cast %scan3A_497 : i32 to index
      %swap3A_703 = arith.constant 224 : index
      %swap3A_704 = tpu.vector_load %arg8[%swap3A_701, %swap3A_702, %swap3A_703] {strides = array<i32>} : memref<2x48x768xf32, #tpu.memory_space<vmem>>, vector<1x1x16xf32>,
      %swap3A_705 = vector.shape_cast %swap3A_704 : vector<1x1x16xf32> to vector<16xf32>
      %swap3A_706 = vector.shape_cast %add3A_699 : vector<16xf32> to vector<1x1x16xf32>
      tpu.vector_store %arg8[%swap3A_701, %swap3A_702, %swap3A_703], %swap3A_706 {strides = array<i32>} : memref<2x48x768xf32, #tpu.memory_space<vmem>>, vector<1x1x16xf32>,
      %get3A_707 = arith.constant 1 : i32
      %get3A_708 = arith.index_cast %get3A_707 : i32 to index
      %get3A_709 = arith.index_cast %scan3A_497 : i32 to index
      %get3A_710 = arith.constant 240 : index
      %get3A_711 = tpu.vector_load %arg8[%get3A_708, %get3A_709, %get3A_710] {strides = array<i32>} : memref<2x48x768xf32, #tpu.memory_space<vmem>>, vector<1x1x16xf32>,
      %get3A_712 = vector.shape_cast %get3A_711 : vector<1x1x16xf32> to vector<16xf32>
      %add3A_713 = arith.addf %get3A_712, %get3A_85 : vector<16xf32>
      %swap3A_714 = arith.constant 1 : i32
      %swap3A_715 = arith.index_cast %swap3A_714 : i32 to index
      %swap3A_716 = arith.index_cast %scan3A_497 : i32 to index
      %swap3A_717 = arith.constant 240 : index
      %swap3A_718 = tpu.vector_load %arg8[%swap3A_715, %swap3A_716, %swap3A_717] {strides = array<i32>} : memref<2x48x768xf32, #tpu.memory_space<vmem>>, vector<1x1x16xf32>,
      %swap3A_719 = vector.shape_cast %swap3A_718 : vector<1x1x16xf32> to vector<16xf32>
      %swap3A_720 = vector.shape_cast %add3A_713 : vector<16xf32> to vector<1x1x16xf32>
      tpu.vector_store %arg8[%swap3A_715, %swap3A_716, %swap3A_717], %swap3A_720 {strides = array<i32>} : memref<2x48x768xf32, #tpu.memory_space<vmem>>, vector<1x1x16xf32>,
      %get3A_721 = arith.constant 1 : i32
      %get3A_722 = arith.index_cast %get3A_721 : i32 to index
      %get3A_723 = arith.index_cast %scan3A_497 : i32 to index
      %get3A_724 = arith.constant 256 : index
      %get3A_725 = tpu.vector_load %arg8[%get3A_722, %get3A_723, %get3A_724] {strides = array<i32>} : memref<2x48x768xf32, #tpu.memory_space<vmem>>, vector<1x1x16xf32>,
      %get3A_726 = vector.shape_cast %get3A_725 : vector<1x1x16xf32> to vector<16xf32>
      %add3A_727 = arith.addf %get3A_726, %get3A_90 : vector<16xf32>
      %swap3A_728 = arith.constant 1 : i32
      %swap3A_729 = arith.index_cast %swap3A_728 : i32 to index
      %swap3A_730 = arith.index_cast %scan3A_497 : i32 to index
      %swap3A_731 = arith.constant 256 : index
      %swap3A_732 = tpu.vector_load %arg8[%swap3A_729, %swap3A_730, %swap3A_731] {strides = array<i32>} : memref<2x48x768xf32, #tpu.memory_space<vmem>>, vector<1x1x16xf32>,
      %swap3A_733 = vector.shape_cast %swap3A_732 : vector<1x1x16xf32> to vector<16xf32>
      %swap3A_734 = vector.shape_cast %add3A_727 : vector<16xf32> to vector<1x1x16xf32>
      tpu.vector_store %arg8[%swap3A_729, %swap3A_730, %swap3A_731], %swap3A_734 {strides = array<i32>} : memref<2x48x768xf32, #tpu.memory_space<vmem>>, vector<1x1x16xf32>,
      %get3A_735 = arith.constant 1 : i32
      %get3A_736 = arith.index_cast %get3A_735 : i32 to index
      %get3A_737 = arith.index_cast %scan3A_497 : i32 to index
      %get3A_738 = arith.constant 272 : index
      %get3A_739 = tpu.vector_load %arg8[%get3A_736, %get3A_737, %get3A_738] {strides = array<i32>} : memref<2x48x768xf32, #tpu.memory_space<vmem>>, vector<1x1x16xf32>,
      %get3A_740 = vector.shape_cast %get3A_739 : vector<1x1x16xf32> to vector<16xf32>
      %add3A_741 = arith.addf %get3A_740, %get3A_95 : vector<16xf32>
      %swap3A_742 = arith.constant 1 : i32
      %swap3A_743 = arith.index_cast %swap3A_742 : i32 to index
      %swap3A_744 = arith.index_cast %scan3A_497 : i32 to index
      %swap3A_745 = arith.constant 272 : index
      %swap3A_746 = tpu.vector_load %arg8[%swap3A_743, %swap3A_744, %swap3A_745] {strides = array<i32>} : memref<2x48x768xf32, #tpu.memory_space<vmem>>, vector<1x1x16xf32>,
      %swap3A_747 = vector.shape_cast %swap3A_746 : vector<1x1x16xf32> to vector<16xf32>
      %swap3A_748 = vector.shape_cast %add3A_741 : vector<16xf32> to vector<1x1x16xf32>
      tpu.vector_store %arg8[%swap3A_743, %swap3A_744, %swap3A_745], %swap3A_748 {strides = array<i32>} : memref<2x48x768xf32, #tpu.memory_space<vmem>>, vector<1x1x16xf32>,
      %get3A_749 = arith.constant 1 : i32
      %get3A_750 = arith.index_cast %get3A_749 : i32 to index
      %get3A_751 = arith.index_cast %scan3A_497 : i32 to index
      %get3A_752 = arith.constant 288 : index
      %get3A_753 = tpu.vector_load %arg8[%get3A_750, %get3A_751, %get3A_752] {strides = array<i32>} : memref<2x48x768xf32, #tpu.memory_space<vmem>>, vector<1x1x16xf32>,
      %get3A_754 = vector.shape_cast %get3A_753 : vector<1x1x16xf32> to vector<16xf32>
      %add3A_755 = arith.addf %get3A_754, %get3A_100 : vector<16xf32>
      %swap3A_756 = arith.constant 1 : i32
      %swap3A_757 = arith.index_cast %swap3A_756 : i32 to index
      %swap3A_758 = arith.index_cast %scan3A_497 : i32 to index
      %swap3A_759 = arith.constant 288 : index
      %swap3A_760 = tpu.vector_load %arg8[%swap3A_757, %swap3A_758, %swap3A_759] {strides = array<i32>} : memref<2x48x768xf32, #tpu.memory_space<vmem>>, vector<1x1x16xf32>,
      %swap3A_761 = vector.shape_cast %swap3A_760 : vector<1x1x16xf32> to vector<16xf32>
      %swap3A_762 = vector.shape_cast %add3A_755 : vector<16xf32> to vector<1x1x16xf32>
      tpu.vector_store %arg8[%swap3A_757, %swap3A_758, %swap3A_759], %swap3A_762 {strides = array<i32>} : memref<2x48x768xf32, #tpu.memory_space<vmem>>, vector<1x1x16xf32>,
      %get3A_763 = arith.constant 1 : i32
      %get3A_764 = arith.index_cast %get3A_763 : i32 to index
      %get3A_765 = arith.index_cast %scan3A_497 : i32 to index
      %get3A_766 = arith.constant 304 : index
      %get3A_767 = tpu.vector_load %arg8[%get3A_764, %get3A_765, %get3A_766] {strides = array<i32>} : memref<2x48x768xf32, #tpu.memory_space<vmem>>, vector<1x1x16xf32>,
      %get3A_768 = vector.shape_cast %get3A_767 : vector<1x1x16xf32> to vector<16xf32>
      %add3A_769 = arith.addf %get3A_768, %get3A_105 : vector<16xf32>
      %swap3A_770 = arith.constant 1 : i32
      %swap3A_771 = arith.index_cast %swap3A_770 : i32 to index
      %swap3A_772 = arith.index_cast %scan3A_497 : i32 to index
      %swap3A_773 = arith.constant 304 : index
      %swap3A_774 = tpu.vector_load %arg8[%swap3A_771, %swap3A_772, %swap3A_773] {strides = array<i32>} : memref<2x48x768xf32, #tpu.memory_space<vmem>>, vector<1x1x16xf32>,
      %swap3A_775 = vector.shape_cast %swap3A_774 : vector<1x1x16xf32> to vector<16xf32>
      %swap3A_776 = vector.shape_cast %add3A_769 : vector<16xf32> to vector<1x1x16xf32>
      tpu.vector_store %arg8[%swap3A_771, %swap3A_772, %swap3A_773], %swap3A_776 {strides = array<i32>} : memref<2x48x768xf32, #tpu.memory_space<vmem>>, vector<1x1x16xf32>,
      %get3A_777 = arith.constant 1 : i32
      %get3A_778 = arith.index_cast %get3A_777 : i32 to index
      %get3A_779 = arith.index_cast %scan3A_497 : i32 to index
      %get3A_780 = arith.constant 320 : index
      %get3A_781 = tpu.vector_load %arg8[%get3A_778, %get3A_779, %get3A_780] {strides = array<i32>} : memref<2x48x768xf32, #tpu.memory_space<vmem>>, vector<1x1x16xf32>,
      %get3A_782 = vector.shape_cast %get3A_781 : vector<1x1x16xf32> to vector<16xf32>
      %add3A_783 = arith.addf %get3A_782, %get3A_110 : vector<16xf32>
      %swap3A_784 = arith.constant 1 : i32
      %swap3A_785 = arith.index_cast %swap3A_784 : i32 to index
      %swap3A_786 = arith.index_cast %scan3A_497 : i32 to index
      %swap3A_787 = arith.constant 320 : index
      %swap3A_788 = tpu.vector_load %arg8[%swap3A_785, %swap3A_786, %swap3A_787] {strides = array<i32>} : memref<2x48x768xf32, #tpu.memory_space<vmem>>, vector<1x1x16xf32>,
      %swap3A_789 = vector.shape_cast %swap3A_788 : vector<1x1x16xf32> to vector<16xf32>
      %swap3A_790 = vector.shape_cast %add3A_783 : vector<16xf32> to vector<1x1x16xf32>
      tpu.vector_store %arg8[%swap3A_785, %swap3A_786, %swap3A_787], %swap3A_790 {strides = array<i32>} : memref<2x48x768xf32, #tpu.memory_space<vmem>>, vector<1x1x16xf32>,
      %get3A_791 = arith.constant 1 : i32
      %get3A_792 = arith.index_cast %get3A_791 : i32 to index
      %get3A_793 = arith.index_cast %scan3A_497 : i32 to index
      %get3A_794 = arith.constant 336 : index
      %get3A_795 = tpu.vector_load %arg8[%get3A_792, %get3A_793, %get3A_794] {strides = array<i32>} : memref<2x48x768xf32, #tpu.memory_space<vmem>>, vector<1x1x16xf32>,
      %get3A_796 = vector.shape_cast %get3A_795 : vector<1x1x16xf32> to vector<16xf32>
      %add3A_797 = arith.addf %get3A_796, %get3A_115 : vector<16xf32>
      %swap3A_798 = arith.constant 1 : i32
      %swap3A_799 = arith.index_cast %swap3A_798 : i32 to index
      %swap3A_800 = arith.index_cast %scan3A_497 : i32 to index
      %swap3A_801 = arith.constant 336 : index
      %swap3A_802 = tpu.vector_load %arg8[%swap3A_799, %swap3A_800, %swap3A_801] {strides = array<i32>} : memref<2x48x768xf32, #tpu.memory_space<vmem>>, vector<1x1x16xf32>,
      %swap3A_803 = vector.shape_cast %swap3A_802 : vector<1x1x16xf32> to vector<16xf32>
      %swap3A_804 = vector.shape_cast %add3A_797 : vector<16xf32> to vector<1x1x16xf32>
      tpu.vector_store %arg8[%swap3A_799, %swap3A_800, %swap3A_801], %swap3A_804 {strides = array<i32>} : memref<2x48x768xf32, #tpu.memory_space<vmem>>, vector<1x1x16xf32>,
      %get3A_805 = arith.constant 1 : i32
      %get3A_806 = arith.index_cast %get3A_805 : i32 to index
      %get3A_807 = arith.index_cast %scan3A_497 : i32 to index
      %get3A_808 = arith.constant 352 : index
      %get3A_809 = tpu.vector_load %arg8[%get3A_806, %get3A_807, %get3A_808] {strides = array<i32>} : memref<2x48x768xf32, #tpu.memory_space<vmem>>, vector<1x1x16xf32>,
      %get3A_810 = vector.shape_cast %get3A_809 : vector<1x1x16xf32> to vector<16xf32>
      %add3A_811 = arith.addf %get3A_810, %get3A_120 : vector<16xf32>
      %swap3A_812 = arith.constant 1 : i32
      %swap3A_813 = arith.index_cast %swap3A_812 : i32 to index
      %swap3A_814 = arith.index_cast %scan3A_497 : i32 to index
      %swap3A_815 = arith.constant 352 : index
      %swap3A_816 = tpu.vector_load %arg8[%swap3A_813, %swap3A_814, %swap3A_815] {strides = array<i32>} : memref<2x48x768xf32, #tpu.memory_space<vmem>>, vector<1x1x16xf32>,
      %swap3A_817 = vector.shape_cast %swap3A_816 : vector<1x1x16xf32> to vector<16xf32>
      %swap3A_818 = vector.shape_cast %add3A_811 : vector<16xf32> to vector<1x1x16xf32>
      tpu.vector_store %arg8[%swap3A_813, %swap3A_814, %swap3A_815], %swap3A_818 {strides = array<i32>} : memref<2x48x768xf32, #tpu.memory_space<vmem>>, vector<1x1x16xf32>,
      %get3A_819 = arith.constant 1 : i32
      %get3A_820 = arith.index_cast %get3A_819 : i32 to index
      %get3A_821 = arith.index_cast %scan3A_497 : i32 to index
      %get3A_822 = arith.constant 368 : index
      %get3A_823 = tpu.vector_load %arg8[%get3A_820, %get3A_821, %get3A_822] {strides = array<i32>} : memref<2x48x768xf32, #tpu.memory_space<vmem>>, vector<1x1x16xf32>,
      %get3A_824 = vector.shape_cast %get3A_823 : vector<1x1x16xf32> to vector<16xf32>
      %add3A_825 = arith.addf %get3A_824, %get3A_125 : vector<16xf32>
      %swap3A_826 = arith.constant 1 : i32
      %swap3A_827 = arith.index_cast %swap3A_826 : i32 to index
      %swap3A_828 = arith.index_cast %scan3A_497 : i32 to index
      %swap3A_829 = arith.constant 368 : index
      %swap3A_830 = tpu.vector_load %arg8[%swap3A_827, %swap3A_828, %swap3A_829] {strides = array<i32>} : memref<2x48x768xf32, #tpu.memory_space<vmem>>, vector<1x1x16xf32>,
      %swap3A_831 = vector.shape_cast %swap3A_830 : vector<1x1x16xf32> to vector<16xf32>
      %swap3A_832 = vector.shape_cast %add3A_825 : vector<16xf32> to vector<1x1x16xf32>
      tpu.vector_store %arg8[%swap3A_827, %swap3A_828, %swap3A_829], %swap3A_832 {strides = array<i32>} : memref<2x48x768xf32, #tpu.memory_space<vmem>>, vector<1x1x16xf32>,
      %get3A_833 = arith.constant 1 : i32
      %get3A_834 = arith.index_cast %get3A_833 : i32 to index
      %get3A_835 = arith.index_cast %scan3A_497 : i32 to index
      %get3A_836 = arith.constant 384 : index
      %get3A_837 = tpu.vector_load %arg8[%get3A_834, %get3A_835, %get3A_836] {strides = array<i32>} : memref<2x48x768xf32, #tpu.memory_space<vmem>>, vector<1x1x16xf32>,
      %get3A_838 = vector.shape_cast %get3A_837 : vector<1x1x16xf32> to vector<16xf32>
      %add3A_839 = arith.addf %get3A_838, %get3A_130 : vector<16xf32>
      %swap3A_840 = arith.constant 1 : i32
      %swap3A_841 = arith.index_cast %swap3A_840 : i32 to index
      %swap3A_842 = arith.index_cast %scan3A_497 : i32 to index
      %swap3A_843 = arith.constant 384 : index
      %swap3A_844 = tpu.vector_load %arg8[%swap3A_841, %swap3A_842, %swap3A_843] {strides = array<i32>} : memref<2x48x768xf32, #tpu.memory_space<vmem>>, vector<1x1x16xf32>,
      %swap3A_845 = vector.shape_cast %swap3A_844 : vector<1x1x16xf32> to vector<16xf32>
      %swap3A_846 = vector.shape_cast %add3A_839 : vector<16xf32> to vector<1x1x16xf32>
      tpu.vector_store %arg8[%swap3A_841, %swap3A_842, %swap3A_843], %swap3A_846 {strides = array<i32>} : memref<2x48x768xf32, #tpu.memory_space<vmem>>, vector<1x1x16xf32>,
      %get3A_847 = arith.constant 1 : i32
      %get3A_848 = arith.index_cast %get3A_847 : i32 to index
      %get3A_849 = arith.index_cast %scan3A_497 : i32 to index
      %get3A_850 = arith.constant 400 : index
      %get3A_851 = tpu.vector_load %arg8[%get3A_848, %get3A_849, %get3A_850] {strides = array<i32>} : memref<2x48x768xf32, #tpu.memory_space<vmem>>, vector<1x1x16xf32>,
      %get3A_852 = vector.shape_cast %get3A_851 : vector<1x1x16xf32> to vector<16xf32>
      %add3A_853 = arith.addf %get3A_852, %get3A_135 : vector<16xf32>
      %swap3A_854 = arith.constant 1 : i32
      %swap3A_855 = arith.index_cast %swap3A_854 : i32 to index
      %swap3A_856 = arith.index_cast %scan3A_497 : i32 to index
      %swap3A_857 = arith.constant 400 : index
      %swap3A_858 = tpu.vector_load %arg8[%swap3A_855, %swap3A_856, %swap3A_857] {strides = array<i32>} : memref<2x48x768xf32, #tpu.memory_space<vmem>>, vector<1x1x16xf32>,
      %swap3A_859 = vector.shape_cast %swap3A_858 : vector<1x1x16xf32> to vector<16xf32>
      %swap3A_860 = vector.shape_cast %add3A_853 : vector<16xf32> to vector<1x1x16xf32>
      tpu.vector_store %arg8[%swap3A_855, %swap3A_856, %swap3A_857], %swap3A_860 {strides = array<i32>} : memref<2x48x768xf32, #tpu.memory_space<vmem>>, vector<1x1x16xf32>,
      %get3A_861 = arith.constant 1 : i32
      %get3A_862 = arith.index_cast %get3A_861 : i32 to index
      %get3A_863 = arith.index_cast %scan3A_497 : i32 to index
      %get3A_864 = arith.constant 416 : index
      %get3A_865 = tpu.vector_load %arg8[%get3A_862, %get3A_863, %get3A_864] {strides = array<i32>} : memref<2x48x768xf32, #tpu.memory_space<vmem>>, vector<1x1x16xf32>,
      %get3A_866 = vector.shape_cast %get3A_865 : vector<1x1x16xf32> to vector<16xf32>
      %add3A_867 = arith.addf %get3A_866, %get3A_140 : vector<16xf32>
      %swap3A_868 = arith.constant 1 : i32
      %swap3A_869 = arith.index_cast %swap3A_868 : i32 to index
      %swap3A_870 = arith.index_cast %scan3A_497 : i32 to index
      %swap3A_871 = arith.constant 416 : index
      %swap3A_872 = tpu.vector_load %arg8[%swap3A_869, %swap3A_870, %swap3A_871] {strides = array<i32>} : memref<2x48x768xf32, #tpu.memory_space<vmem>>, vector<1x1x16xf32>,
      %swap3A_873 = vector.shape_cast %swap3A_872 : vector<1x1x16xf32> to vector<16xf32>
      %swap3A_874 = vector.shape_cast %add3A_867 : vector<16xf32> to vector<1x1x16xf32>
      tpu.vector_store %arg8[%swap3A_869, %swap3A_870, %swap3A_871], %swap3A_874 {strides = array<i32>} : memref<2x48x768xf32, #tpu.memory_space<vmem>>, vector<1x1x16xf32>,
      %get3A_875 = arith.constant 1 : i32
      %get3A_876 = arith.index_cast %get3A_875 : i32 to index
      %get3A_877 = arith.index_cast %scan3A_497 : i32 to index
      %get3A_878 = arith.constant 432 : index
      %get3A_879 = tpu.vector_load %arg8[%get3A_876, %get3A_877, %get3A_878] {strides = array<i32>} : memref<2x48x768xf32, #tpu.memory_space<vmem>>, vector<1x1x16xf32>,
      %get3A_880 = vector.shape_cast %get3A_879 : vector<1x1x16xf32> to vector<16xf32>
      %add3A_881 = arith.addf %get3A_880, %get3A_145 : vector<16xf32>
      %swap3A_882 = arith.constant 1 : i32
      %swap3A_883 = arith.index_cast %swap3A_882 : i32 to index
      %swap3A_884 = arith.index_cast %scan3A_497 : i32 to index
      %swap3A_885 = arith.constant 432 : index
      %swap3A_886 = tpu.vector_load %arg8[%swap3A_883, %swap3A_884, %swap3A_885] {strides = array<i32>} : memref<2x48x768xf32, #tpu.memory_space<vmem>>, vector<1x1x16xf32>,
      %swap3A_887 = vector.shape_cast %swap3A_886 : vector<1x1x16xf32> to vector<16xf32>
      %swap3A_888 = vector.shape_cast %add3A_881 : vector<16xf32> to vector<1x1x16xf32>
      tpu.vector_store %arg8[%swap3A_883, %swap3A_884, %swap3A_885], %swap3A_888 {strides = array<i32>} : memref<2x48x768xf32, #tpu.memory_space<vmem>>, vector<1x1x16xf32>,
      %get3A_889 = arith.constant 1 : i32
      %get3A_890 = arith.index_cast %get3A_889 : i32 to index
      %get3A_891 = arith.index_cast %scan3A_497 : i32 to index
      %get3A_892 = arith.constant 448 : index
      %get3A_893 = tpu.vector_load %arg8[%get3A_890, %get3A_891, %get3A_892] {strides = array<i32>} : memref<2x48x768xf32, #tpu.memory_space<vmem>>, vector<1x1x16xf32>,
      %get3A_894 = vector.shape_cast %get3A_893 : vector<1x1x16xf32> to vector<16xf32>
      %add3A_895 = arith.addf %get3A_894, %get3A_150 : vector<16xf32>
      %swap3A_896 = arith.constant 1 : i32
      %swap3A_897 = arith.index_cast %swap3A_896 : i32 to index
      %swap3A_898 = arith.index_cast %scan3A_497 : i32 to index
      %swap3A_899 = arith.constant 448 : index
      %swap3A_900 = tpu.vector_load %arg8[%swap3A_897, %swap3A_898, %swap3A_899] {strides = array<i32>} : memref<2x48x768xf32, #tpu.memory_space<vmem>>, vector<1x1x16xf32>,
      %swap3A_901 = vector.shape_cast %swap3A_900 : vector<1x1x16xf32> to vector<16xf32>
      %swap3A_902 = vector.shape_cast %add3A_895 : vector<16xf32> to vector<1x1x16xf32>
      tpu.vector_store %arg8[%swap3A_897, %swap3A_898, %swap3A_899], %swap3A_902 {strides = array<i32>} : memref<2x48x768xf32, #tpu.memory_space<vmem>>, vector<1x1x16xf32>,
      %get3A_903 = arith.constant 1 : i32
      %get3A_904 = arith.index_cast %get3A_903 : i32 to index
      %get3A_905 = arith.index_cast %scan3A_497 : i32 to index
      %get3A_906 = arith.constant 464 : index
      %get3A_907 = tpu.vector_load %arg8[%get3A_904, %get3A_905, %get3A_906] {strides = array<i32>} : memref<2x48x768xf32, #tpu.memory_space<vmem>>, vector<1x1x16xf32>,
      %get3A_908 = vector.shape_cast %get3A_907 : vector<1x1x16xf32> to vector<16xf32>
      %add3A_909 = arith.addf %get3A_908, %get3A_155 : vector<16xf32>
      %swap3A_910 = arith.constant 1 : i32
      %swap3A_911 = arith.index_cast %swap3A_910 : i32 to index
      %swap3A_912 = arith.index_cast %scan3A_497 : i32 to index
      %swap3A_913 = arith.constant 464 : index
      %swap3A_914 = tpu.vector_load %arg8[%swap3A_911, %swap3A_912, %swap3A_913] {strides = array<i32>} : memref<2x48x768xf32, #tpu.memory_space<vmem>>, vector<1x1x16xf32>,
      %swap3A_915 = vector.shape_cast %swap3A_914 : vector<1x1x16xf32> to vector<16xf32>
      %swap3A_916 = vector.shape_cast %add3A_909 : vector<16xf32> to vector<1x1x16xf32>
      tpu.vector_store %arg8[%swap3A_911, %swap3A_912, %swap3A_913], %swap3A_916 {strides = array<i32>} : memref<2x48x768xf32, #tpu.memory_space<vmem>>, vector<1x1x16xf32>,
      %get3A_917 = arith.constant 1 : i32
      %get3A_918 = arith.index_cast %get3A_917 : i32 to index
      %get3A_919 = arith.index_cast %scan3A_497 : i32 to index
      %get3A_920 = arith.constant 480 : index
      %get3A_921 = tpu.vector_load %arg8[%get3A_918, %get3A_919, %get3A_920] {strides = array<i32>} : memref<2x48x768xf32, #tpu.memory_space<vmem>>, vector<1x1x16xf32>,
      %get3A_922 = vector.shape_cast %get3A_921 : vector<1x1x16xf32> to vector<16xf32>
      %add3A_923 = arith.addf %get3A_922, %get3A_160 : vector<16xf32>
      %swap3A_924 = arith.constant 1 : i32
      %swap3A_925 = arith.index_cast %swap3A_924 : i32 to index
      %swap3A_926 = arith.index_cast %scan3A_497 : i32 to index
      %swap3A_927 = arith.constant 480 : index
      %swap3A_928 = tpu.vector_load %arg8[%swap3A_925, %swap3A_926, %swap3A_927] {strides = array<i32>} : memref<2x48x768xf32, #tpu.memory_space<vmem>>, vector<1x1x16xf32>,
      %swap3A_929 = vector.shape_cast %swap3A_928 : vector<1x1x16xf32> to vector<16xf32>
      %swap3A_930 = vector.shape_cast %add3A_923 : vector<16xf32> to vector<1x1x16xf32>
      tpu.vector_store %arg8[%swap3A_925, %swap3A_926, %swap3A_927], %swap3A_930 {strides = array<i32>} : memref<2x48x768xf32, #tpu.memory_space<vmem>>, vector<1x1x16xf32>,
      %get3A_931 = arith.constant 1 : i32
      %get3A_932 = arith.index_cast %get3A_931 : i32 to index
      %get3A_933 = arith.index_cast %scan3A_497 : i32 to index
      %get3A_934 = arith.constant 496 : index
      %get3A_935 = tpu.vector_load %arg8[%get3A_932, %get3A_933, %get3A_934] {strides = array<i32>} : memref<2x48x768xf32, #tpu.memory_space<vmem>>, vector<1x1x16xf32>,
      %get3A_936 = vector.shape_cast %get3A_935 : vector<1x1x16xf32> to vector<16xf32>
      %add3A_937 = arith.addf %get3A_936, %get3A_165 : vector<16xf32>
      %swap3A_938 = arith.constant 1 : i32
      %swap3A_939 = arith.index_cast %swap3A_938 : i32 to index
      %swap3A_940 = arith.index_cast %scan3A_497 : i32 to index
      %swap3A_941 = arith.constant 496 : index
      %swap3A_942 = tpu.vector_load %arg8[%swap3A_939, %swap3A_940, %swap3A_941] {strides = array<i32>} : memref<2x48x768xf32, #tpu.memory_space<vmem>>, vector<1x1x16xf32>,
      %swap3A_943 = vector.shape_cast %swap3A_942 : vector<1x1x16xf32> to vector<16xf32>
      %swap3A_944 = vector.shape_cast %add3A_937 : vector<16xf32> to vector<1x1x16xf32>
      tpu.vector_store %arg8[%swap3A_939, %swap3A_940, %swap3A_941], %swap3A_944 {strides = array<i32>} : memref<2x48x768xf32, #tpu.memory_space<vmem>>, vector<1x1x16xf32>,
      %get3A_945 = arith.constant 1 : i32
      %get3A_946 = arith.index_cast %get3A_945 : i32 to index
      %get3A_947 = arith.index_cast %scan3A_497 : i32 to index
      %get3A_948 = arith.constant 512 : index
      %get3A_949 = tpu.vector_load %arg8[%get3A_946, %get3A_947, %get3A_948] {strides = array<i32>} : memref<2x48x768xf32, #tpu.memory_space<vmem>>, vector<1x1x16xf32>,
      %get3A_950 = vector.shape_cast %get3A_949 : vector<1x1x16xf32> to vector<16xf32>
      %add3A_951 = arith.addf %get3A_950, %get3A_170 : vector<16xf32>
      %swap3A_952 = arith.constant 1 : i32
      %swap3A_953 = arith.index_cast %swap3A_952 : i32 to index
      %swap3A_954 = arith.index_cast %scan3A_497 : i32 to index
      %swap3A_955 = arith.constant 512 : index
      %swap3A_956 = tpu.vector_load %arg8[%swap3A_953, %swap3A_954, %swap3A_955] {strides = array<i32>} : memref<2x48x768xf32, #tpu.memory_space<vmem>>, vector<1x1x16xf32>,
      %swap3A_957 = vector.shape_cast %swap3A_956 : vector<1x1x16xf32> to vector<16xf32>
      %swap3A_958 = vector.shape_cast %add3A_951 : vector<16xf32> to vector<1x1x16xf32>
      tpu.vector_store %arg8[%swap3A_953, %swap3A_954, %swap3A_955], %swap3A_958 {strides = array<i32>} : memref<2x48x768xf32, #tpu.memory_space<vmem>>, vector<1x1x16xf32>,
      %get3A_959 = arith.constant 1 : i32
      %get3A_960 = arith.index_cast %get3A_959 : i32 to index
      %get3A_961 = arith.index_cast %scan3A_497 : i32 to index
      %get3A_962 = arith.constant 528 : index
      %get3A_963 = tpu.vector_load %arg8[%get3A_960, %get3A_961, %get3A_962] {strides = array<i32>} : memref<2x48x768xf32, #tpu.memory_space<vmem>>, vector<1x1x16xf32>,
      %get3A_964 = vector.shape_cast %get3A_963 : vector<1x1x16xf32> to vector<16xf32>
      %add3A_965 = arith.addf %get3A_964, %get3A_175 : vector<16xf32>
      %swap3A_966 = arith.constant 1 : i32
      %swap3A_967 = arith.index_cast %swap3A_966 : i32 to index
      %swap3A_968 = arith.index_cast %scan3A_497 : i32 to index
      %swap3A_969 = arith.constant 528 : index
      %swap3A_970 = tpu.vector_load %arg8[%swap3A_967, %swap3A_968, %swap3A_969] {strides = array<i32>} : memref<2x48x768xf32, #tpu.memory_space<vmem>>, vector<1x1x16xf32>,
      %swap3A_971 = vector.shape_cast %swap3A_970 : vector<1x1x16xf32> to vector<16xf32>
      %swap3A_972 = vector.shape_cast %add3A_965 : vector<16xf32> to vector<1x1x16xf32>
      tpu.vector_store %arg8[%swap3A_967, %swap3A_968, %swap3A_969], %swap3A_972 {strides = array<i32>} : memref<2x48x768xf32, #tpu.memory_space<vmem>>, vector<1x1x16xf32>,
      %get3A_973 = arith.constant 1 : i32
      %get3A_974 = arith.index_cast %get3A_973 : i32 to index
      %get3A_975 = arith.index_cast %scan3A_497 : i32 to index
      %get3A_976 = arith.constant 544 : index
      %get3A_977 = tpu.vector_load %arg8[%get3A_974, %get3A_975, %get3A_976] {strides = array<i32>} : memref<2x48x768xf32, #tpu.memory_space<vmem>>, vector<1x1x16xf32>,
      %get3A_978 = vector.shape_cast %get3A_977 : vector<1x1x16xf32> to vector<16xf32>
      %add3A_979 = arith.addf %get3A_978, %get3A_180 : vector<16xf32>
      %swap3A_980 = arith.constant 1 : i32
      %swap3A_981 = arith.index_cast %swap3A_980 : i32 to index
      %swap3A_982 = arith.index_cast %scan3A_497 : i32 to index
      %swap3A_983 = arith.constant 544 : index
      %swap3A_984 = tpu.vector_load %arg8[%swap3A_981, %swap3A_982, %swap3A_983] {strides = array<i32>} : memref<2x48x768xf32, #tpu.memory_space<vmem>>, vector<1x1x16xf32>,
      %swap3A_985 = vector.shape_cast %swap3A_984 : vector<1x1x16xf32> to vector<16xf32>
      %swap3A_986 = vector.shape_cast %add3A_979 : vector<16xf32> to vector<1x1x16xf32>
      tpu.vector_store %arg8[%swap3A_981, %swap3A_982, %swap3A_983], %swap3A_986 {strides = array<i32>} : memref<2x48x768xf32, #tpu.memory_space<vmem>>, vector<1x1x16xf32>,
      %get3A_987 = arith.constant 1 : i32
      %get3A_988 = arith.index_cast %get3A_987 : i32 to index
      %get3A_989 = arith.index_cast %scan3A_497 : i32 to index
      %get3A_990 = arith.constant 560 : index
      %get3A_991 = tpu.vector_load %arg8[%get3A_988, %get3A_989, %get3A_990] {strides = array<i32>} : memref<2x48x768xf32, #tpu.memory_space<vmem>>, vector<1x1x16xf32>,
      %get3A_992 = vector.shape_cast %get3A_991 : vector<1x1x16xf32> to vector<16xf32>
      %add3A_993 = arith.addf %get3A_992, %get3A_185 : vector<16xf32>
      %swap3A_994 = arith.constant 1 : i32
      %swap3A_995 = arith.index_cast %swap3A_994 : i32 to index
      %swap3A_996 = arith.index_cast %scan3A_497 : i32 to index
      %swap3A_997 = arith.constant 560 : index
      %swap3A_998 = tpu.vector_load %arg8[%swap3A_995, %swap3A_996, %swap3A_997] {strides = array<i32>} : memref<2x48x768xf32, #tpu.memory_space<vmem>>, vector<1x1x16xf32>,
      %swap3A_999 = vector.shape_cast %swap3A_998 : vector<1x1x16xf32> to vector<16xf32>
      %swap3A_1000 = vector.shape_cast %add3A_993 : vector<16xf32> to vector<1x1x16xf32>
      tpu.vector_store %arg8[%swap3A_995, %swap3A_996, %swap3A_997], %swap3A_1000 {strides = array<i32>} : memref<2x48x768xf32, #tpu.memory_space<vmem>>, vector<1x1x16xf32>,
      %get3A_1001 = arith.constant 1 : i32
      %get3A_1002 = arith.index_cast %get3A_1001 : i32 to index
      %get3A_1003 = arith.index_cast %scan3A_497 : i32 to index
      %get3A_1004 = arith.constant 576 : index
      %get3A_1005 = tpu.vector_load %arg8[%get3A_1002, %get3A_1003, %get3A_1004] {strides = array<i32>} : memref<2x48x768xf32, #tpu.memory_space<vmem>>, vector<1x1x16xf32>,
      %get3A_1006 = vector.shape_cast %get3A_1005 : vector<1x1x16xf32> to vector<16xf32>
      %add3A_1007 = arith.addf %get3A_1006, %get3A_190 : vector<16xf32>
      %swap3A_1008 = arith.constant 1 : i32
      %swap3A_1009 = arith.index_cast %swap3A_1008 : i32 to index
      %swap3A_1010 = arith.index_cast %scan3A_497 : i32 to index
      %swap3A_1011 = arith.constant 576 : index
      %swap3A_1012 = tpu.vector_load %arg8[%swap3A_1009, %swap3A_1010, %swap3A_1011] {strides = array<i32>} : memref<2x48x768xf32, #tpu.memory_space<vmem>>, vector<1x1x16xf32>,
      %swap3A_1013 = vector.shape_cast %swap3A_1012 : vector<1x1x16xf32> to vector<16xf32>
      %swap3A_1014 = vector.shape_cast %add3A_1007 : vector<16xf32> to vector<1x1x16xf32>
      tpu.vector_store %arg8[%swap3A_1009, %swap3A_1010, %swap3A_1011], %swap3A_1014 {strides = array<i32>} : memref<2x48x768xf32, #tpu.memory_space<vmem>>, vector<1x1x16xf32>,
      %get3A_1015 = arith.constant 1 : i32
      %get3A_1016 = arith.index_cast %get3A_1015 : i32 to index
      %get3A_1017 = arith.index_cast %scan3A_497 : i32 to index
      %get3A_1018 = arith.constant 592 : index
      %get3A_1019 = tpu.vector_load %arg8[%get3A_1016, %get3A_1017, %get3A_1018] {strides = array<i32>} : memref<2x48x768xf32, #tpu.memory_space<vmem>>, vector<1x1x16xf32>,
      %get3A_1020 = vector.shape_cast %get3A_1019 : vector<1x1x16xf32> to vector<16xf32>
      %add3A_1021 = arith.addf %get3A_1020, %get3A_195 : vector<16xf32>
      %swap3A_1022 = arith.constant 1 : i32
      %swap3A_1023 = arith.index_cast %swap3A_1022 : i32 to index
      %swap3A_1024 = arith.index_cast %scan3A_497 : i32 to index
      %swap3A_1025 = arith.constant 592 : index
      %swap3A_1026 = tpu.vector_load %arg8[%swap3A_1023, %swap3A_1024, %swap3A_1025] {strides = array<i32>} : memref<2x48x768xf32, #tpu.memory_space<vmem>>, vector<1x1x16xf32>,
      %swap3A_1027 = vector.shape_cast %swap3A_1026 : vector<1x1x16xf32> to vector<16xf32>
      %swap3A_1028 = vector.shape_cast %add3A_1021 : vector<16xf32> to vector<1x1x16xf32>
      tpu.vector_store %arg8[%swap3A_1023, %swap3A_1024, %swap3A_1025], %swap3A_1028 {strides = array<i32>} : memref<2x48x768xf32, #tpu.memory_space<vmem>>, vector<1x1x16xf32>,
      %get3A_1029 = arith.constant 1 : i32
      %get3A_1030 = arith.index_cast %get3A_1029 : i32 to index
      %get3A_1031 = arith.index_cast %scan3A_497 : i32 to index
      %get3A_1032 = arith.constant 608 : index
      %get3A_1033 = tpu.vector_load %arg8[%get3A_1030, %get3A_1031, %get3A_1032] {strides = array<i32>} : memref<2x48x768xf32, #tpu.memory_space<vmem>>, vector<1x1x16xf32>,
      %get3A_1034 = vector.shape_cast %get3A_1033 : vector<1x1x16xf32> to vector<16xf32>
      %add3A_1035 = arith.addf %get3A_1034, %get3A_200 : vector<16xf32>
      %swap3A_1036 = arith.constant 1 : i32
      %swap3A_1037 = arith.index_cast %swap3A_1036 : i32 to index
      %swap3A_1038 = arith.index_cast %scan3A_497 : i32 to index
      %swap3A_1039 = arith.constant 608 : index
      %swap3A_1040 = tpu.vector_load %arg8[%swap3A_1037, %swap3A_1038, %swap3A_1039] {strides = array<i32>} : memref<2x48x768xf32, #tpu.memory_space<vmem>>, vector<1x1x16xf32>,
      %swap3A_1041 = vector.shape_cast %swap3A_1040 : vector<1x1x16xf32> to vector<16xf32>
      %swap3A_1042 = vector.shape_cast %add3A_1035 : vector<16xf32> to vector<1x1x16xf32>
      tpu.vector_store %arg8[%swap3A_1037, %swap3A_1038, %swap3A_1039], %swap3A_1042 {strides = array<i32>} : memref<2x48x768xf32, #tpu.memory_space<vmem>>, vector<1x1x16xf32>,
      %get3A_1043 = arith.constant 1 : i32
      %get3A_1044 = arith.index_cast %get3A_1043 : i32 to index
      %get3A_1045 = arith.index_cast %scan3A_497 : i32 to index
      %get3A_1046 = arith.constant 624 : index
      %get3A_1047 = tpu.vector_load %arg8[%get3A_1044, %get3A_1045, %get3A_1046] {strides = array<i32>} : memref<2x48x768xf32, #tpu.memory_space<vmem>>, vector<1x1x16xf32>,
      %get3A_1048 = vector.shape_cast %get3A_1047 : vector<1x1x16xf32> to vector<16xf32>
      %add3A_1049 = arith.addf %get3A_1048, %get3A_205 : vector<16xf32>
      %swap3A_1050 = arith.constant 1 : i32
      %swap3A_1051 = arith.index_cast %swap3A_1050 : i32 to index
      %swap3A_1052 = arith.index_cast %scan3A_497 : i32 to index
      %swap3A_1053 = arith.constant 624 : index
      %swap3A_1054 = tpu.vector_load %arg8[%swap3A_1051, %swap3A_1052, %swap3A_1053] {strides = array<i32>} : memref<2x48x768xf32, #tpu.memory_space<vmem>>, vector<1x1x16xf32>,
      %swap3A_1055 = vector.shape_cast %swap3A_1054 : vector<1x1x16xf32> to vector<16xf32>
      %swap3A_1056 = vector.shape_cast %add3A_1049 : vector<16xf32> to vector<1x1x16xf32>
      tpu.vector_store %arg8[%swap3A_1051, %swap3A_1052, %swap3A_1053], %swap3A_1056 {strides = array<i32>} : memref<2x48x768xf32, #tpu.memory_space<vmem>>, vector<1x1x16xf32>,
      %get3A_1057 = arith.constant 1 : i32
      %get3A_1058 = arith.index_cast %get3A_1057 : i32 to index
      %get3A_1059 = arith.index_cast %scan3A_497 : i32 to index
      %get3A_1060 = arith.constant 640 : index
      %get3A_1061 = tpu.vector_load %arg8[%get3A_1058, %get3A_1059, %get3A_1060] {strides = array<i32>} : memref<2x48x768xf32, #tpu.memory_space<vmem>>, vector<1x1x16xf32>,
      %get3A_1062 = vector.shape_cast %get3A_1061 : vector<1x1x16xf32> to vector<16xf32>
      %add3A_1063 = arith.addf %get3A_1062, %get3A_210 : vector<16xf32>
      %swap3A_1064 = arith.constant 1 : i32
      %swap3A_1065 = arith.index_cast %swap3A_1064 : i32 to index
      %swap3A_1066 = arith.index_cast %scan3A_497 : i32 to index
      %swap3A_1067 = arith.constant 640 : index
      %swap3A_1068 = tpu.vector_load %arg8[%swap3A_1065, %swap3A_1066, %swap3A_1067] {strides = array<i32>} : memref<2x48x768xf32, #tpu.memory_space<vmem>>, vector<1x1x16xf32>,
      %swap3A_1069 = vector.shape_cast %swap3A_1068 : vector<1x1x16xf32> to vector<16xf32>
      %swap3A_1070 = vector.shape_cast %add3A_1063 : vector<16xf32> to vector<1x1x16xf32>
      tpu.vector_store %arg8[%swap3A_1065, %swap3A_1066, %swap3A_1067], %swap3A_1070 {strides = array<i32>} : memref<2x48x768xf32, #tpu.memory_space<vmem>>, vector<1x1x16xf32>,
      %get3A_1071 = arith.constant 1 : i32
      %get3A_1072 = arith.index_cast %get3A_1071 : i32 to index
      %get3A_1073 = arith.index_cast %scan3A_497 : i32 to index
      %get3A_1074 = arith.constant 656 : index
      %get3A_1075 = tpu.vector_load %arg8[%get3A_1072, %get3A_1073, %get3A_1074] {strides = array<i32>} : memref<2x48x768xf32, #tpu.memory_space<vmem>>, vector<1x1x16xf32>,
      %get3A_1076 = vector.shape_cast %get3A_1075 : vector<1x1x16xf32> to vector<16xf32>
      %add3A_1077 = arith.addf %get3A_1076, %get3A_215 : vector<16xf32>
      %swap3A_1078 = arith.constant 1 : i32
      %swap3A_1079 = arith.index_cast %swap3A_1078 : i32 to index
      %swap3A_1080 = arith.index_cast %scan3A_497 : i32 to index
      %swap3A_1081 = arith.constant 656 : index
      %swap3A_1082 = tpu.vector_load %arg8[%swap3A_1079, %swap3A_1080, %swap3A_1081] {strides = array<i32>} : memref<2x48x768xf32, #tpu.memory_space<vmem>>, vector<1x1x16xf32>,
      %swap3A_1083 = vector.shape_cast %swap3A_1082 : vector<1x1x16xf32> to vector<16xf32>
      %swap3A_1084 = vector.shape_cast %add3A_1077 : vector<16xf32> to vector<1x1x16xf32>
      tpu.vector_store %arg8[%swap3A_1079, %swap3A_1080, %swap3A_1081], %swap3A_1084 {strides = array<i32>} : memref<2x48x768xf32, #tpu.memory_space<vmem>>, vector<1x1x16xf32>,
      %get3A_1085 = arith.constant 1 : i32
      %get3A_1086 = arith.index_cast %get3A_1085 : i32 to index
      %get3A_1087 = arith.index_cast %scan3A_497 : i32 to index
      %get3A_1088 = arith.constant 672 : index
      %get3A_1089 = tpu.vector_load %arg8[%get3A_1086, %get3A_1087, %get3A_1088] {strides = array<i32>} : memref<2x48x768xf32, #tpu.memory_space<vmem>>, vector<1x1x16xf32>,
      %get3A_1090 = vector.shape_cast %get3A_1089 : vector<1x1x16xf32> to vector<16xf32>
      %add3A_1091 = arith.addf %get3A_1090, %get3A_220 : vector<16xf32>
      %swap3A_1092 = arith.constant 1 : i32
      %swap3A_1093 = arith.index_cast %swap3A_1092 : i32 to index
      %swap3A_1094 = arith.index_cast %scan3A_497 : i32 to index
      %swap3A_1095 = arith.constant 672 : index
      %swap3A_1096 = tpu.vector_load %arg8[%swap3A_1093, %swap3A_1094, %swap3A_1095] {strides = array<i32>} : memref<2x48x768xf32, #tpu.memory_space<vmem>>, vector<1x1x16xf32>,
      %swap3A_1097 = vector.shape_cast %swap3A_1096 : vector<1x1x16xf32> to vector<16xf32>
      %swap3A_1098 = vector.shape_cast %add3A_1091 : vector<16xf32> to vector<1x1x16xf32>
      tpu.vector_store %arg8[%swap3A_1093, %swap3A_1094, %swap3A_1095], %swap3A_1098 {strides = array<i32>} : memref<2x48x768xf32, #tpu.memory_space<vmem>>, vector<1x1x16xf32>,
      %get3A_1099 = arith.constant 1 : i32
      %get3A_1100 = arith.index_cast %get3A_1099 : i32 to index
      %get3A_1101 = arith.index_cast %scan3A_497 : i32 to index
      %get3A_1102 = arith.constant 688 : index
      %get3A_1103 = tpu.vector_load %arg8[%get3A_1100, %get3A_1101, %get3A_1102] {strides = array<i32>} : memref<2x48x768xf32, #tpu.memory_space<vmem>>, vector<1x1x16xf32>,
      %get3A_1104 = vector.shape_cast %get3A_1103 : vector<1x1x16xf32> to vector<16xf32>
      %add3A_1105 = arith.addf %get3A_1104, %get3A_225 : vector<16xf32>
      %swap3A_1106 = arith.constant 1 : i32
      %swap3A_1107 = arith.index_cast %swap3A_1106 : i32 to index
      %swap3A_1108 = arith.index_cast %scan3A_497 : i32 to index
      %swap3A_1109 = arith.constant 688 : index
      %swap3A_1110 = tpu.vector_load %arg8[%swap3A_1107, %swap3A_1108, %swap3A_1109] {strides = array<i32>} : memref<2x48x768xf32, #tpu.memory_space<vmem>>, vector<1x1x16xf32>,
      %swap3A_1111 = vector.shape_cast %swap3A_1110 : vector<1x1x16xf32> to vector<16xf32>
      %swap3A_1112 = vector.shape_cast %add3A_1105 : vector<16xf32> to vector<1x1x16xf32>
      tpu.vector_store %arg8[%swap3A_1107, %swap3A_1108, %swap3A_1109], %swap3A_1112 {strides = array<i32>} : memref<2x48x768xf32, #tpu.memory_space<vmem>>, vector<1x1x16xf32>,
      %get3A_1113 = arith.constant 1 : i32
      %get3A_1114 = arith.index_cast %get3A_1113 : i32 to index
      %get3A_1115 = arith.index_cast %scan3A_497 : i32 to index
      %get3A_1116 = arith.constant 704 : index
      %get3A_1117 = tpu.vector_load %arg8[%get3A_1114, %get3A_1115, %get3A_1116] {strides = array<i32>} : memref<2x48x768xf32, #tpu.memory_space<vmem>>, vector<1x1x16xf32>,
      %get3A_1118 = vector.shape_cast %get3A_1117 : vector<1x1x16xf32> to vector<16xf32>
      %add3A_1119 = arith.addf %get3A_1118, %get3A_230 : vector<16xf32>
      %swap3A_1120 = arith.constant 1 : i32
      %swap3A_1121 = arith.index_cast %swap3A_1120 : i32 to index
      %swap3A_1122 = arith.index_cast %scan3A_497 : i32 to index
      %swap3A_1123 = arith.constant 704 : index
      %swap3A_1124 = tpu.vector_load %arg8[%swap3A_1121, %swap3A_1122, %swap3A_1123] {strides = array<i32>} : memref<2x48x768xf32, #tpu.memory_space<vmem>>, vector<1x1x16xf32>,
      %swap3A_1125 = vector.shape_cast %swap3A_1124 : vector<1x1x16xf32> to vector<16xf32>
      %swap3A_1126 = vector.shape_cast %add3A_1119 : vector<16xf32> to vector<1x1x16xf32>
      tpu.vector_store %arg8[%swap3A_1121, %swap3A_1122, %swap3A_1123], %swap3A_1126 {strides = array<i32>} : memref<2x48x768xf32, #tpu.memory_space<vmem>>, vector<1x1x16xf32>,
      %get3A_1127 = arith.constant 1 : i32
      %get3A_1128 = arith.index_cast %get3A_1127 : i32 to index
      %get3A_1129 = arith.index_cast %scan3A_497 : i32 to index
      %get3A_1130 = arith.constant 720 : index
      %get3A_1131 = tpu.vector_load %arg8[%get3A_1128, %get3A_1129, %get3A_1130] {strides = array<i32>} : memref<2x48x768xf32, #tpu.memory_space<vmem>>, vector<1x1x16xf32>,
      %get3A_1132 = vector.shape_cast %get3A_1131 : vector<1x1x16xf32> to vector<16xf32>
      %add3A_1133 = arith.addf %get3A_1132, %get3A_235 : vector<16xf32>
      %swap3A_1134 = arith.constant 1 : i32
      %swap3A_1135 = arith.index_cast %swap3A_1134 : i32 to index
      %swap3A_1136 = arith.index_cast %scan3A_497 : i32 to index
      %swap3A_1137 = arith.constant 720 : index
      %swap3A_1138 = tpu.vector_load %arg8[%swap3A_1135, %swap3A_1136, %swap3A_1137] {strides = array<i32>} : memref<2x48x768xf32, #tpu.memory_space<vmem>>, vector<1x1x16xf32>,
      %swap3A_1139 = vector.shape_cast %swap3A_1138 : vector<1x1x16xf32> to vector<16xf32>
      %swap3A_1140 = vector.shape_cast %add3A_1133 : vector<16xf32> to vector<1x1x16xf32>
      tpu.vector_store %arg8[%swap3A_1135, %swap3A_1136, %swap3A_1137], %swap3A_1140 {strides = array<i32>} : memref<2x48x768xf32, #tpu.memory_space<vmem>>, vector<1x1x16xf32>,
      %get3A_1141 = arith.constant 1 : i32
      %get3A_1142 = arith.index_cast %get3A_1141 : i32 to index
      %get3A_1143 = arith.index_cast %scan3A_497 : i32 to index
      %get3A_1144 = arith.constant 736 : index
      %get3A_1145 = tpu.vector_load %arg8[%get3A_1142, %get3A_1143, %get3A_1144] {strides = array<i32>} : memref<2x48x768xf32, #tpu.memory_space<vmem>>, vector<1x1x16xf32>,
      %get3A_1146 = vector.shape_cast %get3A_1145 : vector<1x1x16xf32> to vector<16xf32>
      %add3A_1147 = arith.addf %get3A_1146, %get3A_240 : vector<16xf32>
      %swap3A_1148 = arith.constant 1 : i32
      %swap3A_1149 = arith.index_cast %swap3A_1148 : i32 to index
      %swap3A_1150 = arith.index_cast %scan3A_497 : i32 to index
      %swap3A_1151 = arith.constant 736 : index
      %swap3A_1152 = tpu.vector_load %arg8[%swap3A_1149, %swap3A_1150, %swap3A_1151] {strides = array<i32>} : memref<2x48x768xf32, #tpu.memory_space<vmem>>, vector<1x1x16xf32>,
      %swap3A_1153 = vector.shape_cast %swap3A_1152 : vector<1x1x16xf32> to vector<16xf32>
      %swap3A_1154 = vector.shape_cast %add3A_1147 : vector<16xf32> to vector<1x1x16xf32>
      tpu.vector_store %arg8[%swap3A_1149, %swap3A_1150, %swap3A_1151], %swap3A_1154 {strides = array<i32>} : memref<2x48x768xf32, #tpu.memory_space<vmem>>, vector<1x1x16xf32>,
      %get3A_1155 = arith.constant 1 : i32
      %get3A_1156 = arith.index_cast %get3A_1155 : i32 to index
      %get3A_1157 = arith.index_cast %scan3A_497 : i32 to index
      %get3A_1158 = arith.constant 752 : index
      %get3A_1159 = tpu.vector_load %arg8[%get3A_1156, %get3A_1157, %get3A_1158] {strides = array<i32>} : memref<2x48x768xf32, #tpu.memory_space<vmem>>, vector<1x1x16xf32>,
      %get3A_1160 = vector.shape_cast %get3A_1159 : vector<1x1x16xf32> to vector<16xf32>
      %add3A_1161 = arith.addf %get3A_1160, %get3A_245 : vector<16xf32>
      %swap3A_1162 = arith.constant 1 : i32
      %swap3A_1163 = arith.index_cast %swap3A_1162 : i32 to index
      %swap3A_1164 = arith.index_cast %scan3A_497 : i32 to index
      %swap3A_1165 = arith.constant 752 : index
      %swap3A_1166 = tpu.vector_load %arg8[%swap3A_1163, %swap3A_1164, %swap3A_1165] {strides = array<i32>} : memref<2x48x768xf32, #tpu.memory_space<vmem>>, vector<1x1x16xf32>,
      %swap3A_1167 = vector.shape_cast %swap3A_1166 : vector<1x1x16xf32> to vector<16xf32>
      %swap3A_1168 = vector.shape_cast %add3A_1161 : vector<16xf32> to vector<1x1x16xf32>
      tpu.vector_store %arg8[%swap3A_1163, %swap3A_1164, %swap3A_1165], %swap3A_1168 {strides = array<i32>} : memref<2x48x768xf32, #tpu.memory_space<vmem>>, vector<1x1x16xf32>,
    }
    %scan3A_359 = arith.constant 48 : i32
    %add3A_360 = arith.constant 48 : i32
    %add3A_361 = arith.addi %mul3A_2, %add3A_360 : i32
    %dma_start3A_362 = arith.constant 1 : i32
    %dma_start3A_363 = arith.constant 0 : i32
    %dma_start3A_364 = arith.constant 0 : i32
    %dma_start3A_365 = tpu.memref_slice %arg8[%dma_start3A_362, %dma_start3A_363, %dma_start3A_364] : memref<2x48x768xf32, #tpu.memory_space<vmem>> -> memref<1x48x768xf32, #tpu.memory_space<vmem>>
    %dma_start3A_366 = tpu.memref_squeeze %dma_start3A_365 : memref<1x48x768xf32, #tpu.memory_space<vmem>> -> memref<48x768xf32, #tpu.memory_space<vmem>>
    %dma_start3A_367 = arith.constant 0 : i32
    %dma_start3A_368 = tpu.memref_slice %arg5[%add3A_361, %dma_start3A_367] : memref<6144x768xf32, #tpu.memory_space<hbm>> -> memref<48x768xf32, #tpu.memory_space<hbm>>
    %dma_start3A_369 = arith.constant 0 : i32
    %dma_start3A_370 = tpu.memref_slice %arg5[%add3A_361, %dma_start3A_369] : memref<6144x768xf32, #tpu.memory_space<hbm>> -> memref<48x768xf32, #tpu.memory_space<hbm>>
    %dma_start3A_371 = arith.constant 0 : i32
    %dma_start3A_372 = arith.constant 0 : i32
    %dma_start3A_373 = tpu.memref_slice %arg8[%dma_start3A_362, %dma_start3A_371, %dma_start3A_372] : memref<2x48x768xf32, #tpu.memory_space<vmem>> -> memref<1x48x768xf32, #tpu.memory_space<vmem>>
    %dma_start3A_374 = tpu.memref_squeeze %dma_start3A_373 : memref<1x48x768xf32, #tpu.memory_space<vmem>> -> memref<48x768xf32, #tpu.memory_space<vmem>>
    tpu.enqueue_dma source(%dma_start3A_374 : memref<48x768xf32, #tpu.memory_space<vmem>>) target(%dma_start3A_370 : memref<48x768xf32, #tpu.memory_space<hbm>>) target_semaphore(%arg12 : memref<!tpu.dma_semaphore, #tpu.memory_space<semaphore_mem>>)
    %dma_wait3A_375 = arith.constant 1 : i32
    %dma_wait3A_376 = arith.constant 0 : i32
    %dma_wait3A_377 = arith.constant 0 : i32
    %dma_wait3A_378 = tpu.memref_slice %arg8[%dma_wait3A_375, %dma_wait3A_376, %dma_wait3A_377] : memref<2x48x768xf32, #tpu.memory_space<vmem>> -> memref<1x48x768xf32, #tpu.memory_space<vmem>>
    %dma_wait3A_379 = tpu.memref_squeeze %dma_wait3A_378 : memref<1x48x768xf32, #tpu.memory_space<vmem>> -> memref<48x768xf32, #tpu.memory_space<vmem>>
    %dma_wait3A_380 = arith.constant 0 : i32
    %dma_wait3A_381 = tpu.memref_slice %arg5[%add3A_361, %dma_wait3A_380] : memref<6144x768xf32, #tpu.memory_space<hbm>> -> memref<48x768xf32, #tpu.memory_space<hbm>>
    %dma_wait3A_382 = arith.constant 0 : i32
    %dma_wait3A_383 = tpu.memref_slice %arg5[%add3A_361, %dma_wait3A_382] : memref<6144x768xf32, #tpu.memory_space<hbm>> -> memref<48x768xf32, #tpu.memory_space<hbm>>
    %dma_wait3A_384 = arith.constant 0 : i32
    %dma_wait3A_385 = arith.constant 0 : i32
    %dma_wait3A_386 = tpu.memref_slice %arg8[%dma_wait3A_375, %dma_wait3A_384, %dma_wait3A_385] : memref<2x48x768xf32, #tpu.memory_space<vmem>> -> memref<1x48x768xf32, #tpu.memory_space<vmem>>
    %dma_wait3A_387 = tpu.memref_squeeze %dma_wait3A_386 : memref<1x48x768xf32, #tpu.memory_space<vmem>> -> memref<48x768xf32, #tpu.memory_space<vmem>>
    tpu.wait_dma2 semaphore(%arg12 : memref<!tpu.dma_semaphore, #tpu.memory_space<semaphore_mem>>) src(%dma_wait3A_387 : memref<48x768xf32, #tpu.memory_space<vmem>>) dst(%dma_wait3A_383 : memref<48x768xf32, #tpu.memory_space<hbm>>)
    %add3A_388 = arith.constant 12288 : i32
    %add3A_389 = arith.addi %add3A_388, %mul3A_2 : i32
    %add3A_390 = arith.constant 144 : i32
    %add3A_391 = arith.addi %add3A_389, %add3A_390 : i32
    %dma_start3A_392 = arith.constant 1 : i32
    %dma_start3A_393 = arith.constant 0 : i32
    %dma_start3A_394 = arith.constant 0 : i32
    %dma_start3A_395 = tpu.memref_slice %arg8[%dma_start3A_392, %dma_start3A_393, %dma_start3A_394] : memref<2x48x768xf32, #tpu.memory_space<vmem>> -> memref<1x48x768xf32, #tpu.memory_space<vmem>>
    %dma_start3A_396 = tpu.memref_squeeze %dma_start3A_395 : memref<1x48x768xf32, #tpu.memory_space<vmem>> -> memref<48x768xf32, #tpu.memory_space<vmem>>
    %dma_start3A_397 = arith.constant 0 : i32
    %dma_start3A_398 = tpu.memref_slice %arg2[%add3A_391, %dma_start3A_397] : memref<18432x768xf32, #tpu.memory_space<hbm>> -> memref<48x768xf32, #tpu.memory_space<hbm>>
    %dma_start3A_399 = arith.constant 0 : i32
    %dma_start3A_400 = arith.constant 0 : i32
    %dma_start3A_401 = tpu.memref_slice %arg8[%dma_start3A_392, %dma_start3A_399, %dma_start3A_400] : memref<2x48x768xf32, #tpu.memory_space<vmem>> -> memref<1x48x768xf32, #tpu.memory_space<vmem>>
    %dma_start3A_402 = tpu.memref_squeeze %dma_start3A_401 : memref<1x48x768xf32, #tpu.memory_space<vmem>> -> memref<48x768xf32, #tpu.memory_space<vmem>>
    %dma_start3A_403 = arith.constant 0 : i32
    %dma_start3A_404 = tpu.memref_slice %arg2[%add3A_391, %dma_start3A_403] : memref<18432x768xf32, #tpu.memory_space<hbm>> -> memref<48x768xf32, #tpu.memory_space<hbm>>
    tpu.enqueue_dma source(%dma_start3A_404 : memref<48x768xf32, #tpu.memory_space<hbm>>) target(%dma_start3A_402 : memref<48x768xf32, #tpu.memory_space<vmem>>) target_semaphore(%arg10 : memref<!tpu.dma_semaphore, #tpu.memory_space<semaphore_mem>>)
    %dma_wait3A_405 = arith.constant 0 : i32
    %dma_wait3A_406 = arith.constant 0 : i32
    %dma_wait3A_407 = arith.constant 0 : i32
    %dma_wait3A_408 = tpu.memref_slice %arg8[%dma_wait3A_405, %dma_wait3A_406, %dma_wait3A_407] : memref<2x48x768xf32, #tpu.memory_space<vmem>> -> memref<1x48x768xf32, #tpu.memory_space<vmem>>
    %dma_wait3A_409 = tpu.memref_squeeze %dma_wait3A_408 : memref<1x48x768xf32, #tpu.memory_space<vmem>> -> memref<48x768xf32, #tpu.memory_space<vmem>>
    %dma_wait3A_410 = arith.constant 0 : i32
    %dma_wait3A_411 = tpu.memref_slice %arg2[%add3A_328, %dma_wait3A_410] : memref<18432x768xf32, #tpu.memory_space<hbm>> -> memref<48x768xf32, #tpu.memory_space<hbm>>
    %dma_wait3A_412 = arith.constant 0 : i32
    %dma_wait3A_413 = arith.constant 0 : i32
    %dma_wait3A_414 = tpu.memref_slice %arg8[%dma_wait3A_405, %dma_wait3A_412, %dma_wait3A_413] : memref<2x48x768xf32, #tpu.memory_space<vmem>> -> memref<1x48x768xf32, #tpu.memory_space<vmem>>
    %dma_wait3A_415 = tpu.memref_squeeze %dma_wait3A_414 : memref<1x48x768xf32, #tpu.memory_space<vmem>> -> memref<48x768xf32, #tpu.memory_space<vmem>>
    %dma_wait3A_416 = arith.constant 0 : i32
    %dma_wait3A_417 = tpu.memref_slice %arg2[%add3A_328, %dma_wait3A_416] : memref<18432x768xf32, #tpu.memory_space<hbm>> -> memref<48x768xf32, #tpu.memory_space<hbm>>
    tpu.wait_dma2 semaphore(%arg9 : memref<!tpu.dma_semaphore, #tpu.memory_space<semaphore_mem>>) src(%dma_wait3A_417 : memref<48x768xf32, #tpu.memory_space<hbm>>) dst(%dma_wait3A_415 : memref<48x768xf32, #tpu.memory_space<vmem>>)
    %scan3A_418 = arith.constant 0 : i32
    %scan3A_419 = arith.constant 48 : i32
    %scan3A_420 = arith.addi %scan3A_418, %scan3A_419 : i32
    %scan3A_421 = arith.constant 1 : i32
    scf.for %scan3A_497 = %scan3A_418 to %scan3A_420 step %scan3A_421  : i32 {
      %get3A_498 = arith.constant 0 : i32
      %get3A_499 = arith.index_cast %get3A_498 : i32 to index
      %get3A_500 = arith.index_cast %scan3A_497 : i32 to index
      %get3A_501 = arith.constant 0 : index
      %get3A_502 = tpu.vector_load %arg8[%get3A_499, %get3A_500, %get3A_501] {strides = array<i32>} : memref<2x48x768xf32, #tpu.memory_space<vmem>>, vector<1x1x16xf32>,
      %get3A_503 = vector.shape_cast %get3A_502 : vector<1x1x16xf32> to vector<16xf32>
      %add3A_504 = arith.addf %get3A_503, %get3A_10 : vector<16xf32>
      %swap3A = arith.constant 0 : i32
      %swap3A_505 = arith.index_cast %swap3A : i32 to index
      %swap3A_506 = arith.index_cast %scan3A_497 : i32 to index
      %swap3A_507 = arith.constant 0 : index
      %swap3A_508 = tpu.vector_load %arg8[%swap3A_505, %swap3A_506, %swap3A_507] {strides = array<i32>} : memref<2x48x768xf32, #tpu.memory_space<vmem>>, vector<1x1x16xf32>,
      %swap3A_509 = vector.shape_cast %swap3A_508 : vector<1x1x16xf32> to vector<16xf32>
      %swap3A_510 = vector.shape_cast %add3A_504 : vector<16xf32> to vector<1x1x16xf32>
      tpu.vector_store %arg8[%swap3A_505, %swap3A_506, %swap3A_507], %swap3A_510 {strides = array<i32>} : memref<2x48x768xf32, #tpu.memory_space<vmem>>, vector<1x1x16xf32>,
      %get3A_511 = arith.constant 0 : i32
      %get3A_512 = arith.index_cast %get3A_511 : i32 to index
      %get3A_513 = arith.index_cast %scan3A_497 : i32 to index
      %get3A_514 = arith.constant 16 : index
      %get3A_515 = tpu.vector_load %arg8[%get3A_512, %get3A_513, %get3A_514] {strides = array<i32>} : memref<2x48x768xf32, #tpu.memory_space<vmem>>, vector<1x1x16xf32>,
      %get3A_516 = vector.shape_cast %get3A_515 : vector<1x1x16xf32> to vector<16xf32>
      %add3A_517 = arith.addf %get3A_516, %get3A_15 : vector<16xf32>
      %swap3A_518 = arith.constant 0 : i32
      %swap3A_519 = arith.index_cast %swap3A_518 : i32 to index
      %swap3A_520 = arith.index_cast %scan3A_497 : i32 to index
      %swap3A_521 = arith.constant 16 : index
      %swap3A_522 = tpu.vector_load %arg8[%swap3A_519, %swap3A_520, %swap3A_521] {strides = array<i32>} : memref<2x48x768xf32, #tpu.memory_space<vmem>>, vector<1x1x16xf32>,
      %swap3A_523 = vector.shape_cast %swap3A_522 : vector<1x1x16xf32> to vector<16xf32>
      %swap3A_524 = vector.shape_cast %add3A_517 : vector<16xf32> to vector<1x1x16xf32>
      tpu.vector_store %arg8[%swap3A_519, %swap3A_520, %swap3A_521], %swap3A_524 {strides = array<i32>} : memref<2x48x768xf32, #tpu.memory_space<vmem>>, vector<1x1x16xf32>,
      %get3A_525 = arith.constant 0 : i32
      %get3A_526 = arith.index_cast %get3A_525 : i32 to index
      %get3A_527 = arith.index_cast %scan3A_497 : i32 to index
      %get3A_528 = arith.constant 32 : index
      %get3A_529 = tpu.vector_load %arg8[%get3A_526, %get3A_527, %get3A_528] {strides = array<i32>} : memref<2x48x768xf32, #tpu.memory_space<vmem>>, vector<1x1x16xf32>,
      %get3A_530 = vector.shape_cast %get3A_529 : vector<1x1x16xf32> to vector<16xf32>
      %add3A_531 = arith.addf %get3A_530, %get3A_20 : vector<16xf32>
      %swap3A_532 = arith.constant 0 : i32
      %swap3A_533 = arith.index_cast %swap3A_532 : i32 to index
      %swap3A_534 = arith.index_cast %scan3A_497 : i32 to index
      %swap3A_535 = arith.constant 32 : index
      %swap3A_536 = tpu.vector_load %arg8[%swap3A_533, %swap3A_534, %swap3A_535] {strides = array<i32>} : memref<2x48x768xf32, #tpu.memory_space<vmem>>, vector<1x1x16xf32>,
      %swap3A_537 = vector.shape_cast %swap3A_536 : vector<1x1x16xf32> to vector<16xf32>
      %swap3A_538 = vector.shape_cast %add3A_531 : vector<16xf32> to vector<1x1x16xf32>
      tpu.vector_store %arg8[%swap3A_533, %swap3A_534, %swap3A_535], %swap3A_538 {strides = array<i32>} : memref<2x48x768xf32, #tpu.memory_space<vmem>>, vector<1x1x16xf32>,
      %get3A_539 = arith.constant 0 : i32
      %get3A_540 = arith.index_cast %get3A_539 : i32 to index
      %get3A_541 = arith.index_cast %scan3A_497 : i32 to index
      %get3A_542 = arith.constant 48 : index
      %get3A_543 = tpu.vector_load %arg8[%get3A_540, %get3A_541, %get3A_542] {strides = array<i32>} : memref<2x48x768xf32, #tpu.memory_space<vmem>>, vector<1x1x16xf32>,
      %get3A_544 = vector.shape_cast %get3A_543 : vector<1x1x16xf32> to vector<16xf32>
      %add3A_545 = arith.addf %get3A_544, %get3A_25 : vector<16xf32>
      %swap3A_546 = arith.constant 0 : i32
      %swap3A_547 = arith.index_cast %swap3A_546 : i32 to index
      %swap3A_548 = arith.index_cast %scan3A_497 : i32 to index
      %swap3A_549 = arith.constant 48 : index
      %swap3A_550 = tpu.vector_load %arg8[%swap3A_547, %swap3A_548, %swap3A_549] {strides = array<i32>} : memref<2x48x768xf32, #tpu.memory_space<vmem>>, vector<1x1x16xf32>,
      %swap3A_551 = vector.shape_cast %swap3A_550 : vector<1x1x16xf32> to vector<16xf32>
      %swap3A_552 = vector.shape_cast %add3A_545 : vector<16xf32> to vector<1x1x16xf32>
      tpu.vector_store %arg8[%swap3A_547, %swap3A_548, %swap3A_549], %swap3A_552 {strides = array<i32>} : memref<2x48x768xf32, #tpu.memory_space<vmem>>, vector<1x1x16xf32>,
      %get3A_553 = arith.constant 0 : i32
      %get3A_554 = arith.index_cast %get3A_553 : i32 to index
      %get3A_555 = arith.index_cast %scan3A_497 : i32 to index
      %get3A_556 = arith.constant 64 : index
      %get3A_557 = tpu.vector_load %arg8[%get3A_554, %get3A_555, %get3A_556] {strides = array<i32>} : memref<2x48x768xf32, #tpu.memory_space<vmem>>, vector<1x1x16xf32>,
      %get3A_558 = vector.shape_cast %get3A_557 : vector<1x1x16xf32> to vector<16xf32>
      %add3A_559 = arith.addf %get3A_558, %get3A_30 : vector<16xf32>
      %swap3A_560 = arith.constant 0 : i32
      %swap3A_561 = arith.index_cast %swap3A_560 : i32 to index
      %swap3A_562 = arith.index_cast %scan3A_497 : i32 to index
      %swap3A_563 = arith.constant 64 : index
      %swap3A_564 = tpu.vector_load %arg8[%swap3A_561, %swap3A_562, %swap3A_563] {strides = array<i32>} : memref<2x48x768xf32, #tpu.memory_space<vmem>>, vector<1x1x16xf32>,
      %swap3A_565 = vector.shape_cast %swap3A_564 : vector<1x1x16xf32> to vector<16xf32>
      %swap3A_566 = vector.shape_cast %add3A_559 : vector<16xf32> to vector<1x1x16xf32>
      tpu.vector_store %arg8[%swap3A_561, %swap3A_562, %swap3A_563], %swap3A_566 {strides = array<i32>} : memref<2x48x768xf32, #tpu.memory_space<vmem>>, vector<1x1x16xf32>,
      %get3A_567 = arith.constant 0 : i32
      %get3A_568 = arith.index_cast %get3A_567 : i32 to index
      %get3A_569 = arith.index_cast %scan3A_497 : i32 to index
      %get3A_570 = arith.constant 80 : index
      %get3A_571 = tpu.vector_load %arg8[%get3A_568, %get3A_569, %get3A_570] {strides = array<i32>} : memref<2x48x768xf32, #tpu.memory_space<vmem>>, vector<1x1x16xf32>,
      %get3A_572 = vector.shape_cast %get3A_571 : vector<1x1x16xf32> to vector<16xf32>
      %add3A_573 = arith.addf %get3A_572, %get3A_35 : vector<16xf32>
      %swap3A_574 = arith.constant 0 : i32
      %swap3A_575 = arith.index_cast %swap3A_574 : i32 to index
      %swap3A_576 = arith.index_cast %scan3A_497 : i32 to index
      %swap3A_577 = arith.constant 80 : index
      %swap3A_578 = tpu.vector_load %arg8[%swap3A_575, %swap3A_576, %swap3A_577] {strides = array<i32>} : memref<2x48x768xf32, #tpu.memory_space<vmem>>, vector<1x1x16xf32>,
      %swap3A_579 = vector.shape_cast %swap3A_578 : vector<1x1x16xf32> to vector<16xf32>
      %swap3A_580 = vector.shape_cast %add3A_573 : vector<16xf32> to vector<1x1x16xf32>
      tpu.vector_store %arg8[%swap3A_575, %swap3A_576, %swap3A_577], %swap3A_580 {strides = array<i32>} : memref<2x48x768xf32, #tpu.memory_space<vmem>>, vector<1x1x16xf32>,
      %get3A_581 = arith.constant 0 : i32
      %get3A_582 = arith.index_cast %get3A_581 : i32 to index
      %get3A_583 = arith.index_cast %scan3A_497 : i32 to index
      %get3A_584 = arith.constant 96 : index
      %get3A_585 = tpu.vector_load %arg8[%get3A_582, %get3A_583, %get3A_584] {strides = array<i32>} : memref<2x48x768xf32, #tpu.memory_space<vmem>>, vector<1x1x16xf32>,
      %get3A_586 = vector.shape_cast %get3A_585 : vector<1x1x16xf32> to vector<16xf32>
      %add3A_587 = arith.addf %get3A_586, %get3A_40 : vector<16xf32>
      %swap3A_588 = arith.constant 0 : i32
      %swap3A_589 = arith.index_cast %swap3A_588 : i32 to index
      %swap3A_590 = arith.index_cast %scan3A_497 : i32 to index
      %swap3A_591 = arith.constant 96 : index
      %swap3A_592 = tpu.vector_load %arg8[%swap3A_589, %swap3A_590, %swap3A_591] {strides = array<i32>} : memref<2x48x768xf32, #tpu.memory_space<vmem>>, vector<1x1x16xf32>,
      %swap3A_593 = vector.shape_cast %swap3A_592 : vector<1x1x16xf32> to vector<16xf32>
      %swap3A_594 = vector.shape_cast %add3A_587 : vector<16xf32> to vector<1x1x16xf32>
      tpu.vector_store %arg8[%swap3A_589, %swap3A_590, %swap3A_591], %swap3A_594 {strides = array<i32>} : memref<2x48x768xf32, #tpu.memory_space<vmem>>, vector<1x1x16xf32>,
      %get3A_595 = arith.constant 0 : i32
      %get3A_596 = arith.index_cast %get3A_595 : i32 to index
      %get3A_597 = arith.index_cast %scan3A_497 : i32 to index
      %get3A_598 = arith.constant 112 : index
      %get3A_599 = tpu.vector_load %arg8[%get3A_596, %get3A_597, %get3A_598] {strides = array<i32>} : memref<2x48x768xf32, #tpu.memory_space<vmem>>, vector<1x1x16xf32>,
      %get3A_600 = vector.shape_cast %get3A_599 : vector<1x1x16xf32> to vector<16xf32>
      %add3A_601 = arith.addf %get3A_600, %get3A_45 : vector<16xf32>
      %swap3A_602 = arith.constant 0 : i32
      %swap3A_603 = arith.index_cast %swap3A_602 : i32 to index
      %swap3A_604 = arith.index_cast %scan3A_497 : i32 to index
      %swap3A_605 = arith.constant 112 : index
      %swap3A_606 = tpu.vector_load %arg8[%swap3A_603, %swap3A_604, %swap3A_605] {strides = array<i32>} : memref<2x48x768xf32, #tpu.memory_space<vmem>>, vector<1x1x16xf32>,
      %swap3A_607 = vector.shape_cast %swap3A_606 : vector<1x1x16xf32> to vector<16xf32>
      %swap3A_608 = vector.shape_cast %add3A_601 : vector<16xf32> to vector<1x1x16xf32>
      tpu.vector_store %arg8[%swap3A_603, %swap3A_604, %swap3A_605], %swap3A_608 {strides = array<i32>} : memref<2x48x768xf32, #tpu.memory_space<vmem>>, vector<1x1x16xf32>,
      %get3A_609 = arith.constant 0 : i32
      %get3A_610 = arith.index_cast %get3A_609 : i32 to index
      %get3A_611 = arith.index_cast %scan3A_497 : i32 to index
      %get3A_612 = arith.constant 128 : index
      %get3A_613 = tpu.vector_load %arg8[%get3A_610, %get3A_611, %get3A_612] {strides = array<i32>} : memref<2x48x768xf32, #tpu.memory_space<vmem>>, vector<1x1x16xf32>,
      %get3A_614 = vector.shape_cast %get3A_613 : vector<1x1x16xf32> to vector<16xf32>
      %add3A_615 = arith.addf %get3A_614, %get3A_50 : vector<16xf32>
      %swap3A_616 = arith.constant 0 : i32
      %swap3A_617 = arith.index_cast %swap3A_616 : i32 to index
      %swap3A_618 = arith.index_cast %scan3A_497 : i32 to index
      %swap3A_619 = arith.constant 128 : index
      %swap3A_620 = tpu.vector_load %arg8[%swap3A_617, %swap3A_618, %swap3A_619] {strides = array<i32>} : memref<2x48x768xf32, #tpu.memory_space<vmem>>, vector<1x1x16xf32>,
      %swap3A_621 = vector.shape_cast %swap3A_620 : vector<1x1x16xf32> to vector<16xf32>
      %swap3A_622 = vector.shape_cast %add3A_615 : vector<16xf32> to vector<1x1x16xf32>
      tpu.vector_store %arg8[%swap3A_617, %swap3A_618, %swap3A_619], %swap3A_622 {strides = array<i32>} : memref<2x48x768xf32, #tpu.memory_space<vmem>>, vector<1x1x16xf32>,
      %get3A_623 = arith.constant 0 : i32
      %get3A_624 = arith.index_cast %get3A_623 : i32 to index
      %get3A_625 = arith.index_cast %scan3A_497 : i32 to index
      %get3A_626 = arith.constant 144 : index
      %get3A_627 = tpu.vector_load %arg8[%get3A_624, %get3A_625, %get3A_626] {strides = array<i32>} : memref<2x48x768xf32, #tpu.memory_space<vmem>>, vector<1x1x16xf32>,
      %get3A_628 = vector.shape_cast %get3A_627 : vector<1x1x16xf32> to vector<16xf32>
      %add3A_629 = arith.addf %get3A_628, %get3A_55 : vector<16xf32>
      %swap3A_630 = arith.constant 0 : i32
      %swap3A_631 = arith.index_cast %swap3A_630 : i32 to index
      %swap3A_632 = arith.index_cast %scan3A_497 : i32 to index
      %swap3A_633 = arith.constant 144 : index
      %swap3A_634 = tpu.vector_load %arg8[%swap3A_631, %swap3A_632, %swap3A_633] {strides = array<i32>} : memref<2x48x768xf32, #tpu.memory_space<vmem>>, vector<1x1x16xf32>,
      %swap3A_635 = vector.shape_cast %swap3A_634 : vector<1x1x16xf32> to vector<16xf32>
      %swap3A_636 = vector.shape_cast %add3A_629 : vector<16xf32> to vector<1x1x16xf32>
      tpu.vector_store %arg8[%swap3A_631, %swap3A_632, %swap3A_633], %swap3A_636 {strides = array<i32>} : memref<2x48x768xf32, #tpu.memory_space<vmem>>, vector<1x1x16xf32>,
      %get3A_637 = arith.constant 0 : i32
      %get3A_638 = arith.index_cast %get3A_637 : i32 to index
      %get3A_639 = arith.index_cast %scan3A_497 : i32 to index
      %get3A_640 = arith.constant 160 : index
      %get3A_641 = tpu.vector_load %arg8[%get3A_638, %get3A_639, %get3A_640] {strides = array<i32>} : memref<2x48x768xf32, #tpu.memory_space<vmem>>, vector<1x1x16xf32>,
      %get3A_642 = vector.shape_cast %get3A_641 : vector<1x1x16xf32> to vector<16xf32>
      %add3A_643 = arith.addf %get3A_642, %get3A_60 : vector<16xf32>
      %swap3A_644 = arith.constant 0 : i32
      %swap3A_645 = arith.index_cast %swap3A_644 : i32 to index
      %swap3A_646 = arith.index_cast %scan3A_497 : i32 to index
      %swap3A_647 = arith.constant 160 : index
      %swap3A_648 = tpu.vector_load %arg8[%swap3A_645, %swap3A_646, %swap3A_647] {strides = array<i32>} : memref<2x48x768xf32, #tpu.memory_space<vmem>>, vector<1x1x16xf32>,
      %swap3A_649 = vector.shape_cast %swap3A_648 : vector<1x1x16xf32> to vector<16xf32>
      %swap3A_650 = vector.shape_cast %add3A_643 : vector<16xf32> to vector<1x1x16xf32>
      tpu.vector_store %arg8[%swap3A_645, %swap3A_646, %swap3A_647], %swap3A_650 {strides = array<i32>} : memref<2x48x768xf32, #tpu.memory_space<vmem>>, vector<1x1x16xf32>,
      %get3A_651 = arith.constant 0 : i32
      %get3A_652 = arith.index_cast %get3A_651 : i32 to index
      %get3A_653 = arith.index_cast %scan3A_497 : i32 to index
      %get3A_654 = arith.constant 176 : index
      %get3A_655 = tpu.vector_load %arg8[%get3A_652, %get3A_653, %get3A_654] {strides = array<i32>} : memref<2x48x768xf32, #tpu.memory_space<vmem>>, vector<1x1x16xf32>,
      %get3A_656 = vector.shape_cast %get3A_655 : vector<1x1x16xf32> to vector<16xf32>
      %add3A_657 = arith.addf %get3A_656, %get3A_65 : vector<16xf32>
      %swap3A_658 = arith.constant 0 : i32
      %swap3A_659 = arith.index_cast %swap3A_658 : i32 to index
      %swap3A_660 = arith.index_cast %scan3A_497 : i32 to index
      %swap3A_661 = arith.constant 176 : index
      %swap3A_662 = tpu.vector_load %arg8[%swap3A_659, %swap3A_660, %swap3A_661] {strides = array<i32>} : memref<2x48x768xf32, #tpu.memory_space<vmem>>, vector<1x1x16xf32>,
      %swap3A_663 = vector.shape_cast %swap3A_662 : vector<1x1x16xf32> to vector<16xf32>
      %swap3A_664 = vector.shape_cast %add3A_657 : vector<16xf32> to vector<1x1x16xf32>
      tpu.vector_store %arg8[%swap3A_659, %swap3A_660, %swap3A_661], %swap3A_664 {strides = array<i32>} : memref<2x48x768xf32, #tpu.memory_space<vmem>>, vector<1x1x16xf32>,
      %get3A_665 = arith.constant 0 : i32
      %get3A_666 = arith.index_cast %get3A_665 : i32 to index
      %get3A_667 = arith.index_cast %scan3A_497 : i32 to index
      %get3A_668 = arith.constant 192 : index
      %get3A_669 = tpu.vector_load %arg8[%get3A_666, %get3A_667, %get3A_668] {strides = array<i32>} : memref<2x48x768xf32, #tpu.memory_space<vmem>>, vector<1x1x16xf32>,
      %get3A_670 = vector.shape_cast %get3A_669 : vector<1x1x16xf32> to vector<16xf32>
      %add3A_671 = arith.addf %get3A_670, %get3A_70 : vector<16xf32>
      %swap3A_672 = arith.constant 0 : i32
      %swap3A_673 = arith.index_cast %swap3A_672 : i32 to index
      %swap3A_674 = arith.index_cast %scan3A_497 : i32 to index
      %swap3A_675 = arith.constant 192 : index
      %swap3A_676 = tpu.vector_load %arg8[%swap3A_673, %swap3A_674, %swap3A_675] {strides = array<i32>} : memref<2x48x768xf32, #tpu.memory_space<vmem>>, vector<1x1x16xf32>,
      %swap3A_677 = vector.shape_cast %swap3A_676 : vector<1x1x16xf32> to vector<16xf32>
      %swap3A_678 = vector.shape_cast %add3A_671 : vector<16xf32> to vector<1x1x16xf32>
      tpu.vector_store %arg8[%swap3A_673, %swap3A_674, %swap3A_675], %swap3A_678 {strides = array<i32>} : memref<2x48x768xf32, #tpu.memory_space<vmem>>, vector<1x1x16xf32>,
      %get3A_679 = arith.constant 0 : i32
      %get3A_680 = arith.index_cast %get3A_679 : i32 to index
      %get3A_681 = arith.index_cast %scan3A_497 : i32 to index
      %get3A_682 = arith.constant 208 : index
      %get3A_683 = tpu.vector_load %arg8[%get3A_680, %get3A_681, %get3A_682] {strides = array<i32>} : memref<2x48x768xf32, #tpu.memory_space<vmem>>, vector<1x1x16xf32>,
      %get3A_684 = vector.shape_cast %get3A_683 : vector<1x1x16xf32> to vector<16xf32>
      %add3A_685 = arith.addf %get3A_684, %get3A_75 : vector<16xf32>
      %swap3A_686 = arith.constant 0 : i32
      %swap3A_687 = arith.index_cast %swap3A_686 : i32 to index
      %swap3A_688 = arith.index_cast %scan3A_497 : i32 to index
      %swap3A_689 = arith.constant 208 : index
      %swap3A_690 = tpu.vector_load %arg8[%swap3A_687, %swap3A_688, %swap3A_689] {strides = array<i32>} : memref<2x48x768xf32, #tpu.memory_space<vmem>>, vector<1x1x16xf32>,
      %swap3A_691 = vector.shape_cast %swap3A_690 : vector<1x1x16xf32> to vector<16xf32>
      %swap3A_692 = vector.shape_cast %add3A_685 : vector<16xf32> to vector<1x1x16xf32>
      tpu.vector_store %arg8[%swap3A_687, %swap3A_688, %swap3A_689], %swap3A_692 {strides = array<i32>} : memref<2x48x768xf32, #tpu.memory_space<vmem>>, vector<1x1x16xf32>,
      %get3A_693 = arith.constant 0 : i32
      %get3A_694 = arith.index_cast %get3A_693 : i32 to index
      %get3A_695 = arith.index_cast %scan3A_497 : i32 to index
      %get3A_696 = arith.constant 224 : index
      %get3A_697 = tpu.vector_load %arg8[%get3A_694, %get3A_695, %get3A_696] {strides = array<i32>} : memref<2x48x768xf32, #tpu.memory_space<vmem>>, vector<1x1x16xf32>,
      %get3A_698 = vector.shape_cast %get3A_697 : vector<1x1x16xf32> to vector<16xf32>
      %add3A_699 = arith.addf %get3A_698, %get3A_80 : vector<16xf32>
      %swap3A_700 = arith.constant 0 : i32
      %swap3A_701 = arith.index_cast %swap3A_700 : i32 to index
      %swap3A_702 = arith.index_cast %scan3A_497 : i32 to index
      %swap3A_703 = arith.constant 224 : index
      %swap3A_704 = tpu.vector_load %arg8[%swap3A_701, %swap3A_702, %swap3A_703] {strides = array<i32>} : memref<2x48x768xf32, #tpu.memory_space<vmem>>, vector<1x1x16xf32>,
      %swap3A_705 = vector.shape_cast %swap3A_704 : vector<1x1x16xf32> to vector<16xf32>
      %swap3A_706 = vector.shape_cast %add3A_699 : vector<16xf32> to vector<1x1x16xf32>
      tpu.vector_store %arg8[%swap3A_701, %swap3A_702, %swap3A_703], %swap3A_706 {strides = array<i32>} : memref<2x48x768xf32, #tpu.memory_space<vmem>>, vector<1x1x16xf32>,
      %get3A_707 = arith.constant 0 : i32
      %get3A_708 = arith.index_cast %get3A_707 : i32 to index
      %get3A_709 = arith.index_cast %scan3A_497 : i32 to index
      %get3A_710 = arith.constant 240 : index
      %get3A_711 = tpu.vector_load %arg8[%get3A_708, %get3A_709, %get3A_710] {strides = array<i32>} : memref<2x48x768xf32, #tpu.memory_space<vmem>>, vector<1x1x16xf32>,
      %get3A_712 = vector.shape_cast %get3A_711 : vector<1x1x16xf32> to vector<16xf32>
      %add3A_713 = arith.addf %get3A_712, %get3A_85 : vector<16xf32>
      %swap3A_714 = arith.constant 0 : i32
      %swap3A_715 = arith.index_cast %swap3A_714 : i32 to index
      %swap3A_716 = arith.index_cast %scan3A_497 : i32 to index
      %swap3A_717 = arith.constant 240 : index
      %swap3A_718 = tpu.vector_load %arg8[%swap3A_715, %swap3A_716, %swap3A_717] {strides = array<i32>} : memref<2x48x768xf32, #tpu.memory_space<vmem>>, vector<1x1x16xf32>,
      %swap3A_719 = vector.shape_cast %swap3A_718 : vector<1x1x16xf32> to vector<16xf32>
      %swap3A_720 = vector.shape_cast %add3A_713 : vector<16xf32> to vector<1x1x16xf32>
      tpu.vector_store %arg8[%swap3A_715, %swap3A_716, %swap3A_717], %swap3A_720 {strides = array<i32>} : memref<2x48x768xf32, #tpu.memory_space<vmem>>, vector<1x1x16xf32>,
      %get3A_721 = arith.constant 0 : i32
      %get3A_722 = arith.index_cast %get3A_721 : i32 to index
      %get3A_723 = arith.index_cast %scan3A_497 : i32 to index
      %get3A_724 = arith.constant 256 : index
      %get3A_725 = tpu.vector_load %arg8[%get3A_722, %get3A_723, %get3A_724] {strides = array<i32>} : memref<2x48x768xf32, #tpu.memory_space<vmem>>, vector<1x1x16xf32>,
      %get3A_726 = vector.shape_cast %get3A_725 : vector<1x1x16xf32> to vector<16xf32>
      %add3A_727 = arith.addf %get3A_726, %get3A_90 : vector<16xf32>
      %swap3A_728 = arith.constant 0 : i32
      %swap3A_729 = arith.index_cast %swap3A_728 : i32 to index
      %swap3A_730 = arith.index_cast %scan3A_497 : i32 to index
      %swap3A_731 = arith.constant 256 : index
      %swap3A_732 = tpu.vector_load %arg8[%swap3A_729, %swap3A_730, %swap3A_731] {strides = array<i32>} : memref<2x48x768xf32, #tpu.memory_space<vmem>>, vector<1x1x16xf32>,
      %swap3A_733 = vector.shape_cast %swap3A_732 : vector<1x1x16xf32> to vector<16xf32>
      %swap3A_734 = vector.shape_cast %add3A_727 : vector<16xf32> to vector<1x1x16xf32>
      tpu.vector_store %arg8[%swap3A_729, %swap3A_730, %swap3A_731], %swap3A_734 {strides = array<i32>} : memref<2x48x768xf32, #tpu.memory_space<vmem>>, vector<1x1x16xf32>,
      %get3A_735 = arith.constant 0 : i32
      %get3A_736 = arith.index_cast %get3A_735 : i32 to index
      %get3A_737 = arith.index_cast %scan3A_497 : i32 to index
      %get3A_738 = arith.constant 272 : index
      %get3A_739 = tpu.vector_load %arg8[%get3A_736, %get3A_737, %get3A_738] {strides = array<i32>} : memref<2x48x768xf32, #tpu.memory_space<vmem>>, vector<1x1x16xf32>,
      %get3A_740 = vector.shape_cast %get3A_739 : vector<1x1x16xf32> to vector<16xf32>
      %add3A_741 = arith.addf %get3A_740, %get3A_95 : vector<16xf32>
      %swap3A_742 = arith.constant 0 : i32
      %swap3A_743 = arith.index_cast %swap3A_742 : i32 to index
      %swap3A_744 = arith.index_cast %scan3A_497 : i32 to index
      %swap3A_745 = arith.constant 272 : index
      %swap3A_746 = tpu.vector_load %arg8[%swap3A_743, %swap3A_744, %swap3A_745] {strides = array<i32>} : memref<2x48x768xf32, #tpu.memory_space<vmem>>, vector<1x1x16xf32>,
      %swap3A_747 = vector.shape_cast %swap3A_746 : vector<1x1x16xf32> to vector<16xf32>
      %swap3A_748 = vector.shape_cast %add3A_741 : vector<16xf32> to vector<1x1x16xf32>
      tpu.vector_store %arg8[%swap3A_743, %swap3A_744, %swap3A_745], %swap3A_748 {strides = array<i32>} : memref<2x48x768xf32, #tpu.memory_space<vmem>>, vector<1x1x16xf32>,
      %get3A_749 = arith.constant 0 : i32
      %get3A_750 = arith.index_cast %get3A_749 : i32 to index
      %get3A_751 = arith.index_cast %scan3A_497 : i32 to index
      %get3A_752 = arith.constant 288 : index
      %get3A_753 = tpu.vector_load %arg8[%get3A_750, %get3A_751, %get3A_752] {strides = array<i32>} : memref<2x48x768xf32, #tpu.memory_space<vmem>>, vector<1x1x16xf32>,
      %get3A_754 = vector.shape_cast %get3A_753 : vector<1x1x16xf32> to vector<16xf32>
      %add3A_755 = arith.addf %get3A_754, %get3A_100 : vector<16xf32>
      %swap3A_756 = arith.constant 0 : i32
      %swap3A_757 = arith.index_cast %swap3A_756 : i32 to index
      %swap3A_758 = arith.index_cast %scan3A_497 : i32 to index
      %swap3A_759 = arith.constant 288 : index
      %swap3A_760 = tpu.vector_load %arg8[%swap3A_757, %swap3A_758, %swap3A_759] {strides = array<i32>} : memref<2x48x768xf32, #tpu.memory_space<vmem>>, vector<1x1x16xf32>,
      %swap3A_761 = vector.shape_cast %swap3A_760 : vector<1x1x16xf32> to vector<16xf32>
      %swap3A_762 = vector.shape_cast %add3A_755 : vector<16xf32> to vector<1x1x16xf32>
      tpu.vector_store %arg8[%swap3A_757, %swap3A_758, %swap3A_759], %swap3A_762 {strides = array<i32>} : memref<2x48x768xf32, #tpu.memory_space<vmem>>, vector<1x1x16xf32>,
      %get3A_763 = arith.constant 0 : i32
      %get3A_764 = arith.index_cast %get3A_763 : i32 to index
      %get3A_765 = arith.index_cast %scan3A_497 : i32 to index
      %get3A_766 = arith.constant 304 : index
      %get3A_767 = tpu.vector_load %arg8[%get3A_764, %get3A_765, %get3A_766] {strides = array<i32>} : memref<2x48x768xf32, #tpu.memory_space<vmem>>, vector<1x1x16xf32>,
      %get3A_768 = vector.shape_cast %get3A_767 : vector<1x1x16xf32> to vector<16xf32>
      %add3A_769 = arith.addf %get3A_768, %get3A_105 : vector<16xf32>
      %swap3A_770 = arith.constant 0 : i32
      %swap3A_771 = arith.index_cast %swap3A_770 : i32 to index
      %swap3A_772 = arith.index_cast %scan3A_497 : i32 to index
      %swap3A_773 = arith.constant 304 : index
      %swap3A_774 = tpu.vector_load %arg8[%swap3A_771, %swap3A_772, %swap3A_773] {strides = array<i32>} : memref<2x48x768xf32, #tpu.memory_space<vmem>>, vector<1x1x16xf32>,
      %swap3A_775 = vector.shape_cast %swap3A_774 : vector<1x1x16xf32> to vector<16xf32>
      %swap3A_776 = vector.shape_cast %add3A_769 : vector<16xf32> to vector<1x1x16xf32>
      tpu.vector_store %arg8[%swap3A_771, %swap3A_772, %swap3A_773], %swap3A_776 {strides = array<i32>} : memref<2x48x768xf32, #tpu.memory_space<vmem>>, vector<1x1x16xf32>,
      %get3A_777 = arith.constant 0 : i32
      %get3A_778 = arith.index_cast %get3A_777 : i32 to index
      %get3A_779 = arith.index_cast %scan3A_497 : i32 to index
      %get3A_780 = arith.constant 320 : index
      %get3A_781 = tpu.vector_load %arg8[%get3A_778, %get3A_779, %get3A_780] {strides = array<i32>} : memref<2x48x768xf32, #tpu.memory_space<vmem>>, vector<1x1x16xf32>,
      %get3A_782 = vector.shape_cast %get3A_781 : vector<1x1x16xf32> to vector<16xf32>
      %add3A_783 = arith.addf %get3A_782, %get3A_110 : vector<16xf32>
      %swap3A_784 = arith.constant 0 : i32
      %swap3A_785 = arith.index_cast %swap3A_784 : i32 to index
      %swap3A_786 = arith.index_cast %scan3A_497 : i32 to index
      %swap3A_787 = arith.constant 320 : index
      %swap3A_788 = tpu.vector_load %arg8[%swap3A_785, %swap3A_786, %swap3A_787] {strides = array<i32>} : memref<2x48x768xf32, #tpu.memory_space<vmem>>, vector<1x1x16xf32>,
      %swap3A_789 = vector.shape_cast %swap3A_788 : vector<1x1x16xf32> to vector<16xf32>
      %swap3A_790 = vector.shape_cast %add3A_783 : vector<16xf32> to vector<1x1x16xf32>
      tpu.vector_store %arg8[%swap3A_785, %swap3A_786, %swap3A_787], %swap3A_790 {strides = array<i32>} : memref<2x48x768xf32, #tpu.memory_space<vmem>>, vector<1x1x16xf32>,
      %get3A_791 = arith.constant 0 : i32
      %get3A_792 = arith.index_cast %get3A_791 : i32 to index
      %get3A_793 = arith.index_cast %scan3A_497 : i32 to index
      %get3A_794 = arith.constant 336 : index
      %get3A_795 = tpu.vector_load %arg8[%get3A_792, %get3A_793, %get3A_794] {strides = array<i32>} : memref<2x48x768xf32, #tpu.memory_space<vmem>>, vector<1x1x16xf32>,
      %get3A_796 = vector.shape_cast %get3A_795 : vector<1x1x16xf32> to vector<16xf32>
      %add3A_797 = arith.addf %get3A_796, %get3A_115 : vector<16xf32>
      %swap3A_798 = arith.constant 0 : i32
      %swap3A_799 = arith.index_cast %swap3A_798 : i32 to index
      %swap3A_800 = arith.index_cast %scan3A_497 : i32 to index
      %swap3A_801 = arith.constant 336 : index
      %swap3A_802 = tpu.vector_load %arg8[%swap3A_799, %swap3A_800, %swap3A_801] {strides = array<i32>} : memref<2x48x768xf32, #tpu.memory_space<vmem>>, vector<1x1x16xf32>,
      %swap3A_803 = vector.shape_cast %swap3A_802 : vector<1x1x16xf32> to vector<16xf32>
      %swap3A_804 = vector.shape_cast %add3A_797 : vector<16xf32> to vector<1x1x16xf32>
      tpu.vector_store %arg8[%swap3A_799, %swap3A_800, %swap3A_801], %swap3A_804 {strides = array<i32>} : memref<2x48x768xf32, #tpu.memory_space<vmem>>, vector<1x1x16xf32>,
      %get3A_805 = arith.constant 0 : i32
      %get3A_806 = arith.index_cast %get3A_805 : i32 to index
      %get3A_807 = arith.index_cast %scan3A_497 : i32 to index
      %get3A_808 = arith.constant 352 : index
      %get3A_809 = tpu.vector_load %arg8[%get3A_806, %get3A_807, %get3A_808] {strides = array<i32>} : memref<2x48x768xf32, #tpu.memory_space<vmem>>, vector<1x1x16xf32>,
      %get3A_810 = vector.shape_cast %get3A_809 : vector<1x1x16xf32> to vector<16xf32>
      %add3A_811 = arith.addf %get3A_810, %get3A_120 : vector<16xf32>
      %swap3A_812 = arith.constant 0 : i32
      %swap3A_813 = arith.index_cast %swap3A_812 : i32 to index
      %swap3A_814 = arith.index_cast %scan3A_497 : i32 to index
      %swap3A_815 = arith.constant 352 : index
      %swap3A_816 = tpu.vector_load %arg8[%swap3A_813, %swap3A_814, %swap3A_815] {strides = array<i32>} : memref<2x48x768xf32, #tpu.memory_space<vmem>>, vector<1x1x16xf32>,
      %swap3A_817 = vector.shape_cast %swap3A_816 : vector<1x1x16xf32> to vector<16xf32>
      %swap3A_818 = vector.shape_cast %add3A_811 : vector<16xf32> to vector<1x1x16xf32>
      tpu.vector_store %arg8[%swap3A_813, %swap3A_814, %swap3A_815], %swap3A_818 {strides = array<i32>} : memref<2x48x768xf32, #tpu.memory_space<vmem>>, vector<1x1x16xf32>,
      %get3A_819 = arith.constant 0 : i32
      %get3A_820 = arith.index_cast %get3A_819 : i32 to index
      %get3A_821 = arith.index_cast %scan3A_497 : i32 to index
      %get3A_822 = arith.constant 368 : index
      %get3A_823 = tpu.vector_load %arg8[%get3A_820, %get3A_821, %get3A_822] {strides = array<i32>} : memref<2x48x768xf32, #tpu.memory_space<vmem>>, vector<1x1x16xf32>,
      %get3A_824 = vector.shape_cast %get3A_823 : vector<1x1x16xf32> to vector<16xf32>
      %add3A_825 = arith.addf %get3A_824, %get3A_125 : vector<16xf32>
      %swap3A_826 = arith.constant 0 : i32
      %swap3A_827 = arith.index_cast %swap3A_826 : i32 to index
      %swap3A_828 = arith.index_cast %scan3A_497 : i32 to index
      %swap3A_829 = arith.constant 368 : index
      %swap3A_830 = tpu.vector_load %arg8[%swap3A_827, %swap3A_828, %swap3A_829] {strides = array<i32>} : memref<2x48x768xf32, #tpu.memory_space<vmem>>, vector<1x1x16xf32>,
      %swap3A_831 = vector.shape_cast %swap3A_830 : vector<1x1x16xf32> to vector<16xf32>
      %swap3A_832 = vector.shape_cast %add3A_825 : vector<16xf32> to vector<1x1x16xf32>
      tpu.vector_store %arg8[%swap3A_827, %swap3A_828, %swap3A_829], %swap3A_832 {strides = array<i32>} : memref<2x48x768xf32, #tpu.memory_space<vmem>>, vector<1x1x16xf32>,
      %get3A_833 = arith.constant 0 : i32
      %get3A_834 = arith.index_cast %get3A_833 : i32 to index
      %get3A_835 = arith.index_cast %scan3A_497 : i32 to index
      %get3A_836 = arith.constant 384 : index
      %get3A_837 = tpu.vector_load %arg8[%get3A_834, %get3A_835, %get3A_836] {strides = array<i32>} : memref<2x48x768xf32, #tpu.memory_space<vmem>>, vector<1x1x16xf32>,
      %get3A_838 = vector.shape_cast %get3A_837 : vector<1x1x16xf32> to vector<16xf32>
      %add3A_839 = arith.addf %get3A_838, %get3A_130 : vector<16xf32>
      %swap3A_840 = arith.constant 0 : i32
      %swap3A_841 = arith.index_cast %swap3A_840 : i32 to index
      %swap3A_842 = arith.index_cast %scan3A_497 : i32 to index
      %swap3A_843 = arith.constant 384 : index
      %swap3A_844 = tpu.vector_load %arg8[%swap3A_841, %swap3A_842, %swap3A_843] {strides = array<i32>} : memref<2x48x768xf32, #tpu.memory_space<vmem>>, vector<1x1x16xf32>,
      %swap3A_845 = vector.shape_cast %swap3A_844 : vector<1x1x16xf32> to vector<16xf32>
      %swap3A_846 = vector.shape_cast %add3A_839 : vector<16xf32> to vector<1x1x16xf32>
      tpu.vector_store %arg8[%swap3A_841, %swap3A_842, %swap3A_843], %swap3A_846 {strides = array<i32>} : memref<2x48x768xf32, #tpu.memory_space<vmem>>, vector<1x1x16xf32>,
      %get3A_847 = arith.constant 0 : i32
      %get3A_848 = arith.index_cast %get3A_847 : i32 to index
      %get3A_849 = arith.index_cast %scan3A_497 : i32 to index
      %get3A_850 = arith.constant 400 : index
      %get3A_851 = tpu.vector_load %arg8[%get3A_848, %get3A_849, %get3A_850] {strides = array<i32>} : memref<2x48x768xf32, #tpu.memory_space<vmem>>, vector<1x1x16xf32>,
      %get3A_852 = vector.shape_cast %get3A_851 : vector<1x1x16xf32> to vector<16xf32>
      %add3A_853 = arith.addf %get3A_852, %get3A_135 : vector<16xf32>
      %swap3A_854 = arith.constant 0 : i32
      %swap3A_855 = arith.index_cast %swap3A_854 : i32 to index
      %swap3A_856 = arith.index_cast %scan3A_497 : i32 to index
      %swap3A_857 = arith.constant 400 : index
      %swap3A_858 = tpu.vector_load %arg8[%swap3A_855, %swap3A_856, %swap3A_857] {strides = array<i32>} : memref<2x48x768xf32, #tpu.memory_space<vmem>>, vector<1x1x16xf32>,
      %swap3A_859 = vector.shape_cast %swap3A_858 : vector<1x1x16xf32> to vector<16xf32>
      %swap3A_860 = vector.shape_cast %add3A_853 : vector<16xf32> to vector<1x1x16xf32>
      tpu.vector_store %arg8[%swap3A_855, %swap3A_856, %swap3A_857], %swap3A_860 {strides = array<i32>} : memref<2x48x768xf32, #tpu.memory_space<vmem>>, vector<1x1x16xf32>,
      %get3A_861 = arith.constant 0 : i32
      %get3A_862 = arith.index_cast %get3A_861 : i32 to index
      %get3A_863 = arith.index_cast %scan3A_497 : i32 to index
      %get3A_864 = arith.constant 416 : index
      %get3A_865 = tpu.vector_load %arg8[%get3A_862, %get3A_863, %get3A_864] {strides = array<i32>} : memref<2x48x768xf32, #tpu.memory_space<vmem>>, vector<1x1x16xf32>,
      %get3A_866 = vector.shape_cast %get3A_865 : vector<1x1x16xf32> to vector<16xf32>
      %add3A_867 = arith.addf %get3A_866, %get3A_140 : vector<16xf32>
      %swap3A_868 = arith.constant 0 : i32
      %swap3A_869 = arith.index_cast %swap3A_868 : i32 to index
      %swap3A_870 = arith.index_cast %scan3A_497 : i32 to index
      %swap3A_871 = arith.constant 416 : index
      %swap3A_872 = tpu.vector_load %arg8[%swap3A_869, %swap3A_870, %swap3A_871] {strides = array<i32>} : memref<2x48x768xf32, #tpu.memory_space<vmem>>, vector<1x1x16xf32>,
      %swap3A_873 = vector.shape_cast %swap3A_872 : vector<1x1x16xf32> to vector<16xf32>
      %swap3A_874 = vector.shape_cast %add3A_867 : vector<16xf32> to vector<1x1x16xf32>
      tpu.vector_store %arg8[%swap3A_869, %swap3A_870, %swap3A_871], %swap3A_874 {strides = array<i32>} : memref<2x48x768xf32, #tpu.memory_space<vmem>>, vector<1x1x16xf32>,
      %get3A_875 = arith.constant 0 : i32
      %get3A_876 = arith.index_cast %get3A_875 : i32 to index
      %get3A_877 = arith.index_cast %scan3A_497 : i32 to index
      %get3A_878 = arith.constant 432 : index
      %get3A_879 = tpu.vector_load %arg8[%get3A_876, %get3A_877, %get3A_878] {strides = array<i32>} : memref<2x48x768xf32, #tpu.memory_space<vmem>>, vector<1x1x16xf32>,
      %get3A_880 = vector.shape_cast %get3A_879 : vector<1x1x16xf32> to vector<16xf32>
      %add3A_881 = arith.addf %get3A_880, %get3A_145 : vector<16xf32>
      %swap3A_882 = arith.constant 0 : i32
      %swap3A_883 = arith.index_cast %swap3A_882 : i32 to index
      %swap3A_884 = arith.index_cast %scan3A_497 : i32 to index
      %swap3A_885 = arith.constant 432 : index
      %swap3A_886 = tpu.vector_load %arg8[%swap3A_883, %swap3A_884, %swap3A_885] {strides = array<i32>} : memref<2x48x768xf32, #tpu.memory_space<vmem>>, vector<1x1x16xf32>,
      %swap3A_887 = vector.shape_cast %swap3A_886 : vector<1x1x16xf32> to vector<16xf32>
      %swap3A_888 = vector.shape_cast %add3A_881 : vector<16xf32> to vector<1x1x16xf32>
      tpu.vector_store %arg8[%swap3A_883, %swap3A_884, %swap3A_885], %swap3A_888 {strides = array<i32>} : memref<2x48x768xf32, #tpu.memory_space<vmem>>, vector<1x1x16xf32>,
      %get3A_889 = arith.constant 0 : i32
      %get3A_890 = arith.index_cast %get3A_889 : i32 to index
      %get3A_891 = arith.index_cast %scan3A_497 : i32 to index
      %get3A_892 = arith.constant 448 : index
      %get3A_893 = tpu.vector_load %arg8[%get3A_890, %get3A_891, %get3A_892] {strides = array<i32>} : memref<2x48x768xf32, #tpu.memory_space<vmem>>, vector<1x1x16xf32>,
      %get3A_894 = vector.shape_cast %get3A_893 : vector<1x1x16xf32> to vector<16xf32>
      %add3A_895 = arith.addf %get3A_894, %get3A_150 : vector<16xf32>
      %swap3A_896 = arith.constant 0 : i32
      %swap3A_897 = arith.index_cast %swap3A_896 : i32 to index
      %swap3A_898 = arith.index_cast %scan3A_497 : i32 to index
      %swap3A_899 = arith.constant 448 : index
      %swap3A_900 = tpu.vector_load %arg8[%swap3A_897, %swap3A_898, %swap3A_899] {strides = array<i32>} : memref<2x48x768xf32, #tpu.memory_space<vmem>>, vector<1x1x16xf32>,
      %swap3A_901 = vector.shape_cast %swap3A_900 : vector<1x1x16xf32> to vector<16xf32>
      %swap3A_902 = vector.shape_cast %add3A_895 : vector<16xf32> to vector<1x1x16xf32>
      tpu.vector_store %arg8[%swap3A_897, %swap3A_898, %swap3A_899], %swap3A_902 {strides = array<i32>} : memref<2x48x768xf32, #tpu.memory_space<vmem>>, vector<1x1x16xf32>,
      %get3A_903 = arith.constant 0 : i32
      %get3A_904 = arith.index_cast %get3A_903 : i32 to index
      %get3A_905 = arith.index_cast %scan3A_497 : i32 to index
      %get3A_906 = arith.constant 464 : index
      %get3A_907 = tpu.vector_load %arg8[%get3A_904, %get3A_905, %get3A_906] {strides = array<i32>} : memref<2x48x768xf32, #tpu.memory_space<vmem>>, vector<1x1x16xf32>,
      %get3A_908 = vector.shape_cast %get3A_907 : vector<1x1x16xf32> to vector<16xf32>
      %add3A_909 = arith.addf %get3A_908, %get3A_155 : vector<16xf32>
      %swap3A_910 = arith.constant 0 : i32
      %swap3A_911 = arith.index_cast %swap3A_910 : i32 to index
      %swap3A_912 = arith.index_cast %scan3A_497 : i32 to index
      %swap3A_913 = arith.constant 464 : index
      %swap3A_914 = tpu.vector_load %arg8[%swap3A_911, %swap3A_912, %swap3A_913] {strides = array<i32>} : memref<2x48x768xf32, #tpu.memory_space<vmem>>, vector<1x1x16xf32>,
      %swap3A_915 = vector.shape_cast %swap3A_914 : vector<1x1x16xf32> to vector<16xf32>
      %swap3A_916 = vector.shape_cast %add3A_909 : vector<16xf32> to vector<1x1x16xf32>
      tpu.vector_store %arg8[%swap3A_911, %swap3A_912, %swap3A_913], %swap3A_916 {strides = array<i32>} : memref<2x48x768xf32, #tpu.memory_space<vmem>>, vector<1x1x16xf32>,
      %get3A_917 = arith.constant 0 : i32
      %get3A_918 = arith.index_cast %get3A_917 : i32 to index
      %get3A_919 = arith.index_cast %scan3A_497 : i32 to index
      %get3A_920 = arith.constant 480 : index
      %get3A_921 = tpu.vector_load %arg8[%get3A_918, %get3A_919, %get3A_920] {strides = array<i32>} : memref<2x48x768xf32, #tpu.memory_space<vmem>>, vector<1x1x16xf32>,
      %get3A_922 = vector.shape_cast %get3A_921 : vector<1x1x16xf32> to vector<16xf32>
      %add3A_923 = arith.addf %get3A_922, %get3A_160 : vector<16xf32>
      %swap3A_924 = arith.constant 0 : i32
      %swap3A_925 = arith.index_cast %swap3A_924 : i32 to index
      %swap3A_926 = arith.index_cast %scan3A_497 : i32 to index
      %swap3A_927 = arith.constant 480 : index
      %swap3A_928 = tpu.vector_load %arg8[%swap3A_925, %swap3A_926, %swap3A_927] {strides = array<i32>} : memref<2x48x768xf32, #tpu.memory_space<vmem>>, vector<1x1x16xf32>,
      %swap3A_929 = vector.shape_cast %swap3A_928 : vector<1x1x16xf32> to vector<16xf32>
      %swap3A_930 = vector.shape_cast %add3A_923 : vector<16xf32> to vector<1x1x16xf32>
      tpu.vector_store %arg8[%swap3A_925, %swap3A_926, %swap3A_927], %swap3A_930 {strides = array<i32>} : memref<2x48x768xf32, #tpu.memory_space<vmem>>, vector<1x1x16xf32>,
      %get3A_931 = arith.constant 0 : i32
      %get3A_932 = arith.index_cast %get3A_931 : i32 to index
      %get3A_933 = arith.index_cast %scan3A_497 : i32 to index
      %get3A_934 = arith.constant 496 : index
      %get3A_935 = tpu.vector_load %arg8[%get3A_932, %get3A_933, %get3A_934] {strides = array<i32>} : memref<2x48x768xf32, #tpu.memory_space<vmem>>, vector<1x1x16xf32>,
      %get3A_936 = vector.shape_cast %get3A_935 : vector<1x1x16xf32> to vector<16xf32>
      %add3A_937 = arith.addf %get3A_936, %get3A_165 : vector<16xf32>
      %swap3A_938 = arith.constant 0 : i32
      %swap3A_939 = arith.index_cast %swap3A_938 : i32 to index
      %swap3A_940 = arith.index_cast %scan3A_497 : i32 to index
      %swap3A_941 = arith.constant 496 : index
      %swap3A_942 = tpu.vector_load %arg8[%swap3A_939, %swap3A_940, %swap3A_941] {strides = array<i32>} : memref<2x48x768xf32, #tpu.memory_space<vmem>>, vector<1x1x16xf32>,
      %swap3A_943 = vector.shape_cast %swap3A_942 : vector<1x1x16xf32> to vector<16xf32>
      %swap3A_944 = vector.shape_cast %add3A_937 : vector<16xf32> to vector<1x1x16xf32>
      tpu.vector_store %arg8[%swap3A_939, %swap3A_940, %swap3A_941], %swap3A_944 {strides = array<i32>} : memref<2x48x768xf32, #tpu.memory_space<vmem>>, vector<1x1x16xf32>,
      %get3A_945 = arith.constant 0 : i32
      %get3A_946 = arith.index_cast %get3A_945 : i32 to index
      %get3A_947 = arith.index_cast %scan3A_497 : i32 to index
      %get3A_948 = arith.constant 512 : index
      %get3A_949 = tpu.vector_load %arg8[%get3A_946, %get3A_947, %get3A_948] {strides = array<i32>} : memref<2x48x768xf32, #tpu.memory_space<vmem>>, vector<1x1x16xf32>,
      %get3A_950 = vector.shape_cast %get3A_949 : vector<1x1x16xf32> to vector<16xf32>
      %add3A_951 = arith.addf %get3A_950, %get3A_170 : vector<16xf32>
      %swap3A_952 = arith.constant 0 : i32
      %swap3A_953 = arith.index_cast %swap3A_952 : i32 to index
      %swap3A_954 = arith.index_cast %scan3A_497 : i32 to index
      %swap3A_955 = arith.constant 512 : index
      %swap3A_956 = tpu.vector_load %arg8[%swap3A_953, %swap3A_954, %swap3A_955] {strides = array<i32>} : memref<2x48x768xf32, #tpu.memory_space<vmem>>, vector<1x1x16xf32>,
      %swap3A_957 = vector.shape_cast %swap3A_956 : vector<1x1x16xf32> to vector<16xf32>
      %swap3A_958 = vector.shape_cast %add3A_951 : vector<16xf32> to vector<1x1x16xf32>
      tpu.vector_store %arg8[%swap3A_953, %swap3A_954, %swap3A_955], %swap3A_958 {strides = array<i32>} : memref<2x48x768xf32, #tpu.memory_space<vmem>>, vector<1x1x16xf32>,
      %get3A_959 = arith.constant 0 : i32
      %get3A_960 = arith.index_cast %get3A_959 : i32 to index
      %get3A_961 = arith.index_cast %scan3A_497 : i32 to index
      %get3A_962 = arith.constant 528 : index
      %get3A_963 = tpu.vector_load %arg8[%get3A_960, %get3A_961, %get3A_962] {strides = array<i32>} : memref<2x48x768xf32, #tpu.memory_space<vmem>>, vector<1x1x16xf32>,
      %get3A_964 = vector.shape_cast %get3A_963 : vector<1x1x16xf32> to vector<16xf32>
      %add3A_965 = arith.addf %get3A_964, %get3A_175 : vector<16xf32>
      %swap3A_966 = arith.constant 0 : i32
      %swap3A_967 = arith.index_cast %swap3A_966 : i32 to index
      %swap3A_968 = arith.index_cast %scan3A_497 : i32 to index
      %swap3A_969 = arith.constant 528 : index
      %swap3A_970 = tpu.vector_load %arg8[%swap3A_967, %swap3A_968, %swap3A_969] {strides = array<i32>} : memref<2x48x768xf32, #tpu.memory_space<vmem>>, vector<1x1x16xf32>,
      %swap3A_971 = vector.shape_cast %swap3A_970 : vector<1x1x16xf32> to vector<16xf32>
      %swap3A_972 = vector.shape_cast %add3A_965 : vector<16xf32> to vector<1x1x16xf32>
      tpu.vector_store %arg8[%swap3A_967, %swap3A_968, %swap3A_969], %swap3A_972 {strides = array<i32>} : memref<2x48x768xf32, #tpu.memory_space<vmem>>, vector<1x1x16xf32>,
      %get3A_973 = arith.constant 0 : i32
      %get3A_974 = arith.index_cast %get3A_973 : i32 to index
      %get3A_975 = arith.index_cast %scan3A_497 : i32 to index
      %get3A_976 = arith.constant 544 : index
      %get3A_977 = tpu.vector_load %arg8[%get3A_974, %get3A_975, %get3A_976] {strides = array<i32>} : memref<2x48x768xf32, #tpu.memory_space<vmem>>, vector<1x1x16xf32>,
      %get3A_978 = vector.shape_cast %get3A_977 : vector<1x1x16xf32> to vector<16xf32>
      %add3A_979 = arith.addf %get3A_978, %get3A_180 : vector<16xf32>
      %swap3A_980 = arith.constant 0 : i32
      %swap3A_981 = arith.index_cast %swap3A_980 : i32 to index
      %swap3A_982 = arith.index_cast %scan3A_497 : i32 to index
      %swap3A_983 = arith.constant 544 : index
      %swap3A_984 = tpu.vector_load %arg8[%swap3A_981, %swap3A_982, %swap3A_983] {strides = array<i32>} : memref<2x48x768xf32, #tpu.memory_space<vmem>>, vector<1x1x16xf32>,
      %swap3A_985 = vector.shape_cast %swap3A_984 : vector<1x1x16xf32> to vector<16xf32>
      %swap3A_986 = vector.shape_cast %add3A_979 : vector<16xf32> to vector<1x1x16xf32>
      tpu.vector_store %arg8[%swap3A_981, %swap3A_982, %swap3A_983], %swap3A_986 {strides = array<i32>} : memref<2x48x768xf32, #tpu.memory_space<vmem>>, vector<1x1x16xf32>,
      %get3A_987 = arith.constant 0 : i32
      %get3A_988 = arith.index_cast %get3A_987 : i32 to index
      %get3A_989 = arith.index_cast %scan3A_497 : i32 to index
      %get3A_990 = arith.constant 560 : index
      %get3A_991 = tpu.vector_load %arg8[%get3A_988, %get3A_989, %get3A_990] {strides = array<i32>} : memref<2x48x768xf32, #tpu.memory_space<vmem>>, vector<1x1x16xf32>,
      %get3A_992 = vector.shape_cast %get3A_991 : vector<1x1x16xf32> to vector<16xf32>
      %add3A_993 = arith.addf %get3A_992, %get3A_185 : vector<16xf32>
      %swap3A_994 = arith.constant 0 : i32
      %swap3A_995 = arith.index_cast %swap3A_994 : i32 to index
      %swap3A_996 = arith.index_cast %scan3A_497 : i32 to index
      %swap3A_997 = arith.constant 560 : index
      %swap3A_998 = tpu.vector_load %arg8[%swap3A_995, %swap3A_996, %swap3A_997] {strides = array<i32>} : memref<2x48x768xf32, #tpu.memory_space<vmem>>, vector<1x1x16xf32>,
      %swap3A_999 = vector.shape_cast %swap3A_998 : vector<1x1x16xf32> to vector<16xf32>
      %swap3A_1000 = vector.shape_cast %add3A_993 : vector<16xf32> to vector<1x1x16xf32>
      tpu.vector_store %arg8[%swap3A_995, %swap3A_996, %swap3A_997], %swap3A_1000 {strides = array<i32>} : memref<2x48x768xf32, #tpu.memory_space<vmem>>, vector<1x1x16xf32>,
      %get3A_1001 = arith.constant 0 : i32
      %get3A_1002 = arith.index_cast %get3A_1001 : i32 to index
      %get3A_1003 = arith.index_cast %scan3A_497 : i32 to index
      %get3A_1004 = arith.constant 576 : index
      %get3A_1005 = tpu.vector_load %arg8[%get3A_1002, %get3A_1003, %get3A_1004] {strides = array<i32>} : memref<2x48x768xf32, #tpu.memory_space<vmem>>, vector<1x1x16xf32>,
      %get3A_1006 = vector.shape_cast %get3A_1005 : vector<1x1x16xf32> to vector<16xf32>
      %add3A_1007 = arith.addf %get3A_1006, %get3A_190 : vector<16xf32>
      %swap3A_1008 = arith.constant 0 : i32
      %swap3A_1009 = arith.index_cast %swap3A_1008 : i32 to index
      %swap3A_1010 = arith.index_cast %scan3A_497 : i32 to index
      %swap3A_1011 = arith.constant 576 : index
      %swap3A_1012 = tpu.vector_load %arg8[%swap3A_1009, %swap3A_1010, %swap3A_1011] {strides = array<i32>} : memref<2x48x768xf32, #tpu.memory_space<vmem>>, vector<1x1x16xf32>,
      %swap3A_1013 = vector.shape_cast %swap3A_1012 : vector<1x1x16xf32> to vector<16xf32>
      %swap3A_1014 = vector.shape_cast %add3A_1007 : vector<16xf32> to vector<1x1x16xf32>
      tpu.vector_store %arg8[%swap3A_1009, %swap3A_1010, %swap3A_1011], %swap3A_1014 {strides = array<i32>} : memref<2x48x768xf32, #tpu.memory_space<vmem>>, vector<1x1x16xf32>,
      %get3A_1015 = arith.constant 0 : i32
      %get3A_1016 = arith.index_cast %get3A_1015 : i32 to index
      %get3A_1017 = arith.index_cast %scan3A_497 : i32 to index
      %get3A_1018 = arith.constant 592 : index
      %get3A_1019 = tpu.vector_load %arg8[%get3A_1016, %get3A_1017, %get3A_1018] {strides = array<i32>} : memref<2x48x768xf32, #tpu.memory_space<vmem>>, vector<1x1x16xf32>,
      %get3A_1020 = vector.shape_cast %get3A_1019 : vector<1x1x16xf32> to vector<16xf32>
      %add3A_1021 = arith.addf %get3A_1020, %get3A_195 : vector<16xf32>
      %swap3A_1022 = arith.constant 0 : i32
      %swap3A_1023 = arith.index_cast %swap3A_1022 : i32 to index
      %swap3A_1024 = arith.index_cast %scan3A_497 : i32 to index
      %swap3A_1025 = arith.constant 592 : index
      %swap3A_1026 = tpu.vector_load %arg8[%swap3A_1023, %swap3A_1024, %swap3A_1025] {strides = array<i32>} : memref<2x48x768xf32, #tpu.memory_space<vmem>>, vector<1x1x16xf32>,
      %swap3A_1027 = vector.shape_cast %swap3A_1026 : vector<1x1x16xf32> to vector<16xf32>
      %swap3A_1028 = vector.shape_cast %add3A_1021 : vector<16xf32> to vector<1x1x16xf32>
      tpu.vector_store %arg8[%swap3A_1023, %swap3A_1024, %swap3A_1025], %swap3A_1028 {strides = array<i32>} : memref<2x48x768xf32, #tpu.memory_space<vmem>>, vector<1x1x16xf32>,
      %get3A_1029 = arith.constant 0 : i32
      %get3A_1030 = arith.index_cast %get3A_1029 : i32 to index
      %get3A_1031 = arith.index_cast %scan3A_497 : i32 to index
      %get3A_1032 = arith.constant 608 : index
      %get3A_1033 = tpu.vector_load %arg8[%get3A_1030, %get3A_1031, %get3A_1032] {strides = array<i32>} : memref<2x48x768xf32, #tpu.memory_space<vmem>>, vector<1x1x16xf32>,
      %get3A_1034 = vector.shape_cast %get3A_1033 : vector<1x1x16xf32> to vector<16xf32>
      %add3A_1035 = arith.addf %get3A_1034, %get3A_200 : vector<16xf32>
      %swap3A_1036 = arith.constant 0 : i32
      %swap3A_1037 = arith.index_cast %swap3A_1036 : i32 to index
      %swap3A_1038 = arith.index_cast %scan3A_497 : i32 to index
      %swap3A_1039 = arith.constant 608 : index
      %swap3A_1040 = tpu.vector_load %arg8[%swap3A_1037, %swap3A_1038, %swap3A_1039] {strides = array<i32>} : memref<2x48x768xf32, #tpu.memory_space<vmem>>, vector<1x1x16xf32>,
      %swap3A_1041 = vector.shape_cast %swap3A_1040 : vector<1x1x16xf32> to vector<16xf32>
      %swap3A_1042 = vector.shape_cast %add3A_1035 : vector<16xf32> to vector<1x1x16xf32>
      tpu.vector_store %arg8[%swap3A_1037, %swap3A_1038, %swap3A_1039], %swap3A_1042 {strides = array<i32>} : memref<2x48x768xf32, #tpu.memory_space<vmem>>, vector<1x1x16xf32>,
      %get3A_1043 = arith.constant 0 : i32
      %get3A_1044 = arith.index_cast %get3A_1043 : i32 to index
      %get3A_1045 = arith.index_cast %scan3A_497 : i32 to index
      %get3A_1046 = arith.constant 624 : index
      %get3A_1047 = tpu.vector_load %arg8[%get3A_1044, %get3A_1045, %get3A_1046] {strides = array<i32>} : memref<2x48x768xf32, #tpu.memory_space<vmem>>, vector<1x1x16xf32>,
      %get3A_1048 = vector.shape_cast %get3A_1047 : vector<1x1x16xf32> to vector<16xf32>
      %add3A_1049 = arith.addf %get3A_1048, %get3A_205 : vector<16xf32>
      %swap3A_1050 = arith.constant 0 : i32
      %swap3A_1051 = arith.index_cast %swap3A_1050 : i32 to index
      %swap3A_1052 = arith.index_cast %scan3A_497 : i32 to index
      %swap3A_1053 = arith.constant 624 : index
      %swap3A_1054 = tpu.vector_load %arg8[%swap3A_1051, %swap3A_1052, %swap3A_1053] {strides = array<i32>} : memref<2x48x768xf32, #tpu.memory_space<vmem>>, vector<1x1x16xf32>,
      %swap3A_1055 = vector.shape_cast %swap3A_1054 : vector<1x1x16xf32> to vector<16xf32>
      %swap3A_1056 = vector.shape_cast %add3A_1049 : vector<16xf32> to vector<1x1x16xf32>
      tpu.vector_store %arg8[%swap3A_1051, %swap3A_1052, %swap3A_1053], %swap3A_1056 {strides = array<i32>} : memref<2x48x768xf32, #tpu.memory_space<vmem>>, vector<1x1x16xf32>,
      %get3A_1057 = arith.constant 0 : i32
      %get3A_1058 = arith.index_cast %get3A_1057 : i32 to index
      %get3A_1059 = arith.index_cast %scan3A_497 : i32 to index
      %get3A_1060 = arith.constant 640 : index
      %get3A_1061 = tpu.vector_load %arg8[%get3A_1058, %get3A_1059, %get3A_1060] {strides = array<i32>} : memref<2x48x768xf32, #tpu.memory_space<vmem>>, vector<1x1x16xf32>,
      %get3A_1062 = vector.shape_cast %get3A_1061 : vector<1x1x16xf32> to vector<16xf32>
      %add3A_1063 = arith.addf %get3A_1062, %get3A_210 : vector<16xf32>
      %swap3A_1064 = arith.constant 0 : i32
      %swap3A_1065 = arith.index_cast %swap3A_1064 : i32 to index
      %swap3A_1066 = arith.index_cast %scan3A_497 : i32 to index
      %swap3A_1067 = arith.constant 640 : index
      %swap3A_1068 = tpu.vector_load %arg8[%swap3A_1065, %swap3A_1066, %swap3A_1067] {strides = array<i32>} : memref<2x48x768xf32, #tpu.memory_space<vmem>>, vector<1x1x16xf32>,
      %swap3A_1069 = vector.shape_cast %swap3A_1068 : vector<1x1x16xf32> to vector<16xf32>
      %swap3A_1070 = vector.shape_cast %add3A_1063 : vector<16xf32> to vector<1x1x16xf32>
      tpu.vector_store %arg8[%swap3A_1065, %swap3A_1066, %swap3A_1067], %swap3A_1070 {strides = array<i32>} : memref<2x48x768xf32, #tpu.memory_space<vmem>>, vector<1x1x16xf32>,
      %get3A_1071 = arith.constant 0 : i32
      %get3A_1072 = arith.index_cast %get3A_1071 : i32 to index
      %get3A_1073 = arith.index_cast %scan3A_497 : i32 to index
      %get3A_1074 = arith.constant 656 : index
      %get3A_1075 = tpu.vector_load %arg8[%get3A_1072, %get3A_1073, %get3A_1074] {strides = array<i32>} : memref<2x48x768xf32, #tpu.memory_space<vmem>>, vector<1x1x16xf32>,
      %get3A_1076 = vector.shape_cast %get3A_1075 : vector<1x1x16xf32> to vector<16xf32>
      %add3A_1077 = arith.addf %get3A_1076, %get3A_215 : vector<16xf32>
      %swap3A_1078 = arith.constant 0 : i32
      %swap3A_1079 = arith.index_cast %swap3A_1078 : i32 to index
      %swap3A_1080 = arith.index_cast %scan3A_497 : i32 to index
      %swap3A_1081 = arith.constant 656 : index
      %swap3A_1082 = tpu.vector_load %arg8[%swap3A_1079, %swap3A_1080, %swap3A_1081] {strides = array<i32>} : memref<2x48x768xf32, #tpu.memory_space<vmem>>, vector<1x1x16xf32>,
      %swap3A_1083 = vector.shape_cast %swap3A_1082 : vector<1x1x16xf32> to vector<16xf32>
      %swap3A_1084 = vector.shape_cast %add3A_1077 : vector<16xf32> to vector<1x1x16xf32>
      tpu.vector_store %arg8[%swap3A_1079, %swap3A_1080, %swap3A_1081], %swap3A_1084 {strides = array<i32>} : memref<2x48x768xf32, #tpu.memory_space<vmem>>, vector<1x1x16xf32>,
      %get3A_1085 = arith.constant 0 : i32
      %get3A_1086 = arith.index_cast %get3A_1085 : i32 to index
      %get3A_1087 = arith.index_cast %scan3A_497 : i32 to index
      %get3A_1088 = arith.constant 672 : index
      %get3A_1089 = tpu.vector_load %arg8[%get3A_1086, %get3A_1087, %get3A_1088] {strides = array<i32>} : memref<2x48x768xf32, #tpu.memory_space<vmem>>, vector<1x1x16xf32>,
      %get3A_1090 = vector.shape_cast %get3A_1089 : vector<1x1x16xf32> to vector<16xf32>
      %add3A_1091 = arith.addf %get3A_1090, %get3A_220 : vector<16xf32>
      %swap3A_1092 = arith.constant 0 : i32
      %swap3A_1093 = arith.index_cast %swap3A_1092 : i32 to index
      %swap3A_1094 = arith.index_cast %scan3A_497 : i32 to index
      %swap3A_1095 = arith.constant 672 : index
      %swap3A_1096 = tpu.vector_load %arg8[%swap3A_1093, %swap3A_1094, %swap3A_1095] {strides = array<i32>} : memref<2x48x768xf32, #tpu.memory_space<vmem>>, vector<1x1x16xf32>,
      %swap3A_1097 = vector.shape_cast %swap3A_1096 : vector<1x1x16xf32> to vector<16xf32>
      %swap3A_1098 = vector.shape_cast %add3A_1091 : vector<16xf32> to vector<1x1x16xf32>
      tpu.vector_store %arg8[%swap3A_1093, %swap3A_1094, %swap3A_1095], %swap3A_1098 {strides = array<i32>} : memref<2x48x768xf32, #tpu.memory_space<vmem>>, vector<1x1x16xf32>,
      %get3A_1099 = arith.constant 0 : i32
      %get3A_1100 = arith.index_cast %get3A_1099 : i32 to index
      %get3A_1101 = arith.index_cast %scan3A_497 : i32 to index
      %get3A_1102 = arith.constant 688 : index
      %get3A_1103 = tpu.vector_load %arg8[%get3A_1100, %get3A_1101, %get3A_1102] {strides = array<i32>} : memref<2x48x768xf32, #tpu.memory_space<vmem>>, vector<1x1x16xf32>,
      %get3A_1104 = vector.shape_cast %get3A_1103 : vector<1x1x16xf32> to vector<16xf32>
      %add3A_1105 = arith.addf %get3A_1104, %get3A_225 : vector<16xf32>
      %swap3A_1106 = arith.constant 0 : i32
      %swap3A_1107 = arith.index_cast %swap3A_1106 : i32 to index
      %swap3A_1108 = arith.index_cast %scan3A_497 : i32 to index
      %swap3A_1109 = arith.constant 688 : index
      %swap3A_1110 = tpu.vector_load %arg8[%swap3A_1107, %swap3A_1108, %swap3A_1109] {strides = array<i32>} : memref<2x48x768xf32, #tpu.memory_space<vmem>>, vector<1x1x16xf32>,
      %swap3A_1111 = vector.shape_cast %swap3A_1110 : vector<1x1x16xf32> to vector<16xf32>
      %swap3A_1112 = vector.shape_cast %add3A_1105 : vector<16xf32> to vector<1x1x16xf32>
      tpu.vector_store %arg8[%swap3A_1107, %swap3A_1108, %swap3A_1109], %swap3A_1112 {strides = array<i32>} : memref<2x48x768xf32, #tpu.memory_space<vmem>>, vector<1x1x16xf32>,
      %get3A_1113 = arith.constant 0 : i32
      %get3A_1114 = arith.index_cast %get3A_1113 : i32 to index
      %get3A_1115 = arith.index_cast %scan3A_497 : i32 to index
      %get3A_1116 = arith.constant 704 : index
      %get3A_1117 = tpu.vector_load %arg8[%get3A_1114, %get3A_1115, %get3A_1116] {strides = array<i32>} : memref<2x48x768xf32, #tpu.memory_space<vmem>>, vector<1x1x16xf32>,
      %get3A_1118 = vector.shape_cast %get3A_1117 : vector<1x1x16xf32> to vector<16xf32>
      %add3A_1119 = arith.addf %get3A_1118, %get3A_230 : vector<16xf32>
      %swap3A_1120 = arith.constant 0 : i32
      %swap3A_1121 = arith.index_cast %swap3A_1120 : i32 to index
      %swap3A_1122 = arith.index_cast %scan3A_497 : i32 to index
      %swap3A_1123 = arith.constant 704 : index
      %swap3A_1124 = tpu.vector_load %arg8[%swap3A_1121, %swap3A_1122, %swap3A_1123] {strides = array<i32>} : memref<2x48x768xf32, #tpu.memory_space<vmem>>, vector<1x1x16xf32>,
      %swap3A_1125 = vector.shape_cast %swap3A_1124 : vector<1x1x16xf32> to vector<16xf32>
      %swap3A_1126 = vector.shape_cast %add3A_1119 : vector<16xf32> to vector<1x1x16xf32>
      tpu.vector_store %arg8[%swap3A_1121, %swap3A_1122, %swap3A_1123], %swap3A_1126 {strides = array<i32>} : memref<2x48x768xf32, #tpu.memory_space<vmem>>, vector<1x1x16xf32>,
      %get3A_1127 = arith.constant 0 : i32
      %get3A_1128 = arith.index_cast %get3A_1127 : i32 to index
      %get3A_1129 = arith.index_cast %scan3A_497 : i32 to index
      %get3A_1130 = arith.constant 720 : index
      %get3A_1131 = tpu.vector_load %arg8[%get3A_1128, %get3A_1129, %get3A_1130] {strides = array<i32>} : memref<2x48x768xf32, #tpu.memory_space<vmem>>, vector<1x1x16xf32>,
      %get3A_1132 = vector.shape_cast %get3A_1131 : vector<1x1x16xf32> to vector<16xf32>
      %add3A_1133 = arith.addf %get3A_1132, %get3A_235 : vector<16xf32>
      %swap3A_1134 = arith.constant 0 : i32
      %swap3A_1135 = arith.index_cast %swap3A_1134 : i32 to index
      %swap3A_1136 = arith.index_cast %scan3A_497 : i32 to index
      %swap3A_1137 = arith.constant 720 : index
      %swap3A_1138 = tpu.vector_load %arg8[%swap3A_1135, %swap3A_1136, %swap3A_1137] {strides = array<i32>} : memref<2x48x768xf32, #tpu.memory_space<vmem>>, vector<1x1x16xf32>,
      %swap3A_1139 = vector.shape_cast %swap3A_1138 : vector<1x1x16xf32> to vector<16xf32>
      %swap3A_1140 = vector.shape_cast %add3A_1133 : vector<16xf32> to vector<1x1x16xf32>
      tpu.vector_store %arg8[%swap3A_1135, %swap3A_1136, %swap3A_1137], %swap3A_1140 {strides = array<i32>} : memref<2x48x768xf32, #tpu.memory_space<vmem>>, vector<1x1x16xf32>,
      %get3A_1141 = arith.constant 0 : i32
      %get3A_1142 = arith.index_cast %get3A_1141 : i32 to index
      %get3A_1143 = arith.index_cast %scan3A_497 : i32 to index
      %get3A_1144 = arith.constant 736 : index
      %get3A_1145 = tpu.vector_load %arg8[%get3A_1142, %get3A_1143, %get3A_1144] {strides = array<i32>} : memref<2x48x768xf32, #tpu.memory_space<vmem>>, vector<1x1x16xf32>,
      %get3A_1146 = vector.shape_cast %get3A_1145 : vector<1x1x16xf32> to vector<16xf32>
      %add3A_1147 = arith.addf %get3A_1146, %get3A_240 : vector<16xf32>
      %swap3A_1148 = arith.constant 0 : i32
      %swap3A_1149 = arith.index_cast %swap3A_1148 : i32 to index
      %swap3A_1150 = arith.index_cast %scan3A_497 : i32 to index
      %swap3A_1151 = arith.constant 736 : index
      %swap3A_1152 = tpu.vector_load %arg8[%swap3A_1149, %swap3A_1150, %swap3A_1151] {strides = array<i32>} : memref<2x48x768xf32, #tpu.memory_space<vmem>>, vector<1x1x16xf32>,
      %swap3A_1153 = vector.shape_cast %swap3A_1152 : vector<1x1x16xf32> to vector<16xf32>
      %swap3A_1154 = vector.shape_cast %add3A_1147 : vector<16xf32> to vector<1x1x16xf32>
      tpu.vector_store %arg8[%swap3A_1149, %swap3A_1150, %swap3A_1151], %swap3A_1154 {strides = array<i32>} : memref<2x48x768xf32, #tpu.memory_space<vmem>>, vector<1x1x16xf32>,
      %get3A_1155 = arith.constant 0 : i32
      %get3A_1156 = arith.index_cast %get3A_1155 : i32 to index
      %get3A_1157 = arith.index_cast %scan3A_497 : i32 to index
      %get3A_1158 = arith.constant 752 : index
      %get3A_1159 = tpu.vector_load %arg8[%get3A_1156, %get3A_1157, %get3A_1158] {strides = array<i32>} : memref<2x48x768xf32, #tpu.memory_space<vmem>>, vector<1x1x16xf32>,
      %get3A_1160 = vector.shape_cast %get3A_1159 : vector<1x1x16xf32> to vector<16xf32>
      %add3A_1161 = arith.addf %get3A_1160, %get3A_245 : vector<16xf32>
      %swap3A_1162 = arith.constant 0 : i32
      %swap3A_1163 = arith.index_cast %swap3A_1162 : i32 to index
      %swap3A_1164 = arith.index_cast %scan3A_497 : i32 to index
      %swap3A_1165 = arith.constant 752 : index
      %swap3A_1166 = tpu.vector_load %arg8[%swap3A_1163, %swap3A_1164, %swap3A_1165] {strides = array<i32>} : memref<2x48x768xf32, #tpu.memory_space<vmem>>, vector<1x1x16xf32>,
      %swap3A_1167 = vector.shape_cast %swap3A_1166 : vector<1x1x16xf32> to vector<16xf32>
      %swap3A_1168 = vector.shape_cast %add3A_1161 : vector<16xf32> to vector<1x1x16xf32>
      tpu.vector_store %arg8[%swap3A_1163, %swap3A_1164, %swap3A_1165], %swap3A_1168 {strides = array<i32>} : memref<2x48x768xf32, #tpu.memory_space<vmem>>, vector<1x1x16xf32>,
    }
    %scan3A_422 = arith.constant 48 : i32
    %add3A_423 = arith.constant 96 : i32
    %add3A_424 = arith.addi %mul3A_2, %add3A_423 : i32
    %dma_start3A_425 = arith.constant 0 : i32
    %dma_start3A_426 = arith.constant 0 : i32
    %dma_start3A_427 = arith.constant 0 : i32
    %dma_start3A_428 = tpu.memref_slice %arg8[%dma_start3A_425, %dma_start3A_426, %dma_start3A_427] : memref<2x48x768xf32, #tpu.memory_space<vmem>> -> memref<1x48x768xf32, #tpu.memory_space<vmem>>
    %dma_start3A_429 = tpu.memref_squeeze %dma_start3A_428 : memref<1x48x768xf32, #tpu.memory_space<vmem>> -> memref<48x768xf32, #tpu.memory_space<vmem>>
    %dma_start3A_430 = arith.constant 0 : i32
    %dma_start3A_431 = tpu.memref_slice %arg5[%add3A_424, %dma_start3A_430] : memref<6144x768xf32, #tpu.memory_space<hbm>> -> memref<48x768xf32, #tpu.memory_space<hbm>>
    %dma_start3A_432 = arith.constant 0 : i32
    %dma_start3A_433 = tpu.memref_slice %arg5[%add3A_424, %dma_start3A_432] : memref<6144x768xf32, #tpu.memory_space<hbm>> -> memref<48x768xf32, #tpu.memory_space<hbm>>
    %dma_start3A_434 = arith.constant 0 : i32
    %dma_start3A_435 = arith.constant 0 : i32
    %dma_start3A_436 = tpu.memref_slice %arg8[%dma_start3A_425, %dma_start3A_434, %dma_start3A_435] : memref<2x48x768xf32, #tpu.memory_space<vmem>> -> memref<1x48x768xf32, #tpu.memory_space<vmem>>
    %dma_start3A_437 = tpu.memref_squeeze %dma_start3A_436 : memref<1x48x768xf32, #tpu.memory_space<vmem>> -> memref<48x768xf32, #tpu.memory_space<vmem>>
    tpu.enqueue_dma source(%dma_start3A_437 : memref<48x768xf32, #tpu.memory_space<vmem>>) target(%dma_start3A_433 : memref<48x768xf32, #tpu.memory_space<hbm>>) target_semaphore(%arg11 : memref<!tpu.dma_semaphore, #tpu.memory_space<semaphore_mem>>)
    %dma_wait3A_438 = arith.constant 1 : i32
    %dma_wait3A_439 = arith.constant 0 : i32
    %dma_wait3A_440 = arith.constant 0 : i32
    %dma_wait3A_441 = tpu.memref_slice %arg8[%dma_wait3A_438, %dma_wait3A_439, %dma_wait3A_440] : memref<2x48x768xf32, #tpu.memory_space<vmem>> -> memref<1x48x768xf32, #tpu.memory_space<vmem>>
    %dma_wait3A_442 = tpu.memref_squeeze %dma_wait3A_441 : memref<1x48x768xf32, #tpu.memory_space<vmem>> -> memref<48x768xf32, #tpu.memory_space<vmem>>
    %dma_wait3A_443 = arith.constant 0 : i32
    %dma_wait3A_444 = tpu.memref_slice %arg2[%add3A_391, %dma_wait3A_443] : memref<18432x768xf32, #tpu.memory_space<hbm>> -> memref<48x768xf32, #tpu.memory_space<hbm>>
    %dma_wait3A_445 = arith.constant 0 : i32
    %dma_wait3A_446 = arith.constant 0 : i32
    %dma_wait3A_447 = tpu.memref_slice %arg8[%dma_wait3A_438, %dma_wait3A_445, %dma_wait3A_446] : memref<2x48x768xf32, #tpu.memory_space<vmem>> -> memref<1x48x768xf32, #tpu.memory_space<vmem>>
    %dma_wait3A_448 = tpu.memref_squeeze %dma_wait3A_447 : memref<1x48x768xf32, #tpu.memory_space<vmem>> -> memref<48x768xf32, #tpu.memory_space<vmem>>
    %dma_wait3A_449 = arith.constant 0 : i32
    %dma_wait3A_450 = tpu.memref_slice %arg2[%add3A_391, %dma_wait3A_449] : memref<18432x768xf32, #tpu.memory_space<hbm>> -> memref<48x768xf32, #tpu.memory_space<hbm>>
    tpu.wait_dma2 semaphore(%arg10 : memref<!tpu.dma_semaphore, #tpu.memory_space<semaphore_mem>>) src(%dma_wait3A_450 : memref<48x768xf32, #tpu.memory_space<hbm>>) dst(%dma_wait3A_448 : memref<48x768xf32, #tpu.memory_space<vmem>>)
    %scan3A_451 = arith.constant 0 : i32
    %scan3A_452 = arith.constant 48 : i32
    %scan3A_453 = arith.addi %scan3A_451, %scan3A_452 : i32
    %scan3A_454 = arith.constant 1 : i32
    scf.for %scan3A_497 = %scan3A_451 to %scan3A_453 step %scan3A_454  : i32 {
      %get3A_498 = arith.constant 1 : i32
      %get3A_499 = arith.index_cast %get3A_498 : i32 to index
      %get3A_500 = arith.index_cast %scan3A_497 : i32 to index
      %get3A_501 = arith.constant 0 : index
      %get3A_502 = tpu.vector_load %arg8[%get3A_499, %get3A_500, %get3A_501] {strides = array<i32>} : memref<2x48x768xf32, #tpu.memory_space<vmem>>, vector<1x1x16xf32>,
      %get3A_503 = vector.shape_cast %get3A_502 : vector<1x1x16xf32> to vector<16xf32>
      %add3A_504 = arith.addf %get3A_503, %get3A_10 : vector<16xf32>
      %swap3A = arith.constant 1 : i32
      %swap3A_505 = arith.index_cast %swap3A : i32 to index
      %swap3A_506 = arith.index_cast %scan3A_497 : i32 to index
      %swap3A_507 = arith.constant 0 : index
      %swap3A_508 = tpu.vector_load %arg8[%swap3A_505, %swap3A_506, %swap3A_507] {strides = array<i32>} : memref<2x48x768xf32, #tpu.memory_space<vmem>>, vector<1x1x16xf32>,
      %swap3A_509 = vector.shape_cast %swap3A_508 : vector<1x1x16xf32> to vector<16xf32>
      %swap3A_510 = vector.shape_cast %add3A_504 : vector<16xf32> to vector<1x1x16xf32>
      tpu.vector_store %arg8[%swap3A_505, %swap3A_506, %swap3A_507], %swap3A_510 {strides = array<i32>} : memref<2x48x768xf32, #tpu.memory_space<vmem>>, vector<1x1x16xf32>,
      %get3A_511 = arith.constant 1 : i32
      %get3A_512 = arith.index_cast %get3A_511 : i32 to index
      %get3A_513 = arith.index_cast %scan3A_497 : i32 to index
      %get3A_514 = arith.constant 16 : index
      %get3A_515 = tpu.vector_load %arg8[%get3A_512, %get3A_513, %get3A_514] {strides = array<i32>} : memref<2x48x768xf32, #tpu.memory_space<vmem>>, vector<1x1x16xf32>,
      %get3A_516 = vector.shape_cast %get3A_515 : vector<1x1x16xf32> to vector<16xf32>
      %add3A_517 = arith.addf %get3A_516, %get3A_15 : vector<16xf32>
      %swap3A_518 = arith.constant 1 : i32
      %swap3A_519 = arith.index_cast %swap3A_518 : i32 to index
      %swap3A_520 = arith.index_cast %scan3A_497 : i32 to index
      %swap3A_521 = arith.constant 16 : index
      %swap3A_522 = tpu.vector_load %arg8[%swap3A_519, %swap3A_520, %swap3A_521] {strides = array<i32>} : memref<2x48x768xf32, #tpu.memory_space<vmem>>, vector<1x1x16xf32>,
      %swap3A_523 = vector.shape_cast %swap3A_522 : vector<1x1x16xf32> to vector<16xf32>
      %swap3A_524 = vector.shape_cast %add3A_517 : vector<16xf32> to vector<1x1x16xf32>
      tpu.vector_store %arg8[%swap3A_519, %swap3A_520, %swap3A_521], %swap3A_524 {strides = array<i32>} : memref<2x48x768xf32, #tpu.memory_space<vmem>>, vector<1x1x16xf32>,
      %get3A_525 = arith.constant 1 : i32
      %get3A_526 = arith.index_cast %get3A_525 : i32 to index
      %get3A_527 = arith.index_cast %scan3A_497 : i32 to index
      %get3A_528 = arith.constant 32 : index
      %get3A_529 = tpu.vector_load %arg8[%get3A_526, %get3A_527, %get3A_528] {strides = array<i32>} : memref<2x48x768xf32, #tpu.memory_space<vmem>>, vector<1x1x16xf32>,
      %get3A_530 = vector.shape_cast %get3A_529 : vector<1x1x16xf32> to vector<16xf32>
      %add3A_531 = arith.addf %get3A_530, %get3A_20 : vector<16xf32>
      %swap3A_532 = arith.constant 1 : i32
      %swap3A_533 = arith.index_cast %swap3A_532 : i32 to index
      %swap3A_534 = arith.index_cast %scan3A_497 : i32 to index
      %swap3A_535 = arith.constant 32 : index
      %swap3A_536 = tpu.vector_load %arg8[%swap3A_533, %swap3A_534, %swap3A_535] {strides = array<i32>} : memref<2x48x768xf32, #tpu.memory_space<vmem>>, vector<1x1x16xf32>,
      %swap3A_537 = vector.shape_cast %swap3A_536 : vector<1x1x16xf32> to vector<16xf32>
      %swap3A_538 = vector.shape_cast %add3A_531 : vector<16xf32> to vector<1x1x16xf32>
      tpu.vector_store %arg8[%swap3A_533, %swap3A_534, %swap3A_535], %swap3A_538 {strides = array<i32>} : memref<2x48x768xf32, #tpu.memory_space<vmem>>, vector<1x1x16xf32>,
      %get3A_539 = arith.constant 1 : i32
      %get3A_540 = arith.index_cast %get3A_539 : i32 to index
      %get3A_541 = arith.index_cast %scan3A_497 : i32 to index
      %get3A_542 = arith.constant 48 : index
      %get3A_543 = tpu.vector_load %arg8[%get3A_540, %get3A_541, %get3A_542] {strides = array<i32>} : memref<2x48x768xf32, #tpu.memory_space<vmem>>, vector<1x1x16xf32>,
      %get3A_544 = vector.shape_cast %get3A_543 : vector<1x1x16xf32> to vector<16xf32>
      %add3A_545 = arith.addf %get3A_544, %get3A_25 : vector<16xf32>
      %swap3A_546 = arith.constant 1 : i32
      %swap3A_547 = arith.index_cast %swap3A_546 : i32 to index
      %swap3A_548 = arith.index_cast %scan3A_497 : i32 to index
      %swap3A_549 = arith.constant 48 : index
      %swap3A_550 = tpu.vector_load %arg8[%swap3A_547, %swap3A_548, %swap3A_549] {strides = array<i32>} : memref<2x48x768xf32, #tpu.memory_space<vmem>>, vector<1x1x16xf32>,
      %swap3A_551 = vector.shape_cast %swap3A_550 : vector<1x1x16xf32> to vector<16xf32>
      %swap3A_552 = vector.shape_cast %add3A_545 : vector<16xf32> to vector<1x1x16xf32>
      tpu.vector_store %arg8[%swap3A_547, %swap3A_548, %swap3A_549], %swap3A_552 {strides = array<i32>} : memref<2x48x768xf32, #tpu.memory_space<vmem>>, vector<1x1x16xf32>,
      %get3A_553 = arith.constant 1 : i32
      %get3A_554 = arith.index_cast %get3A_553 : i32 to index
      %get3A_555 = arith.index_cast %scan3A_497 : i32 to index
      %get3A_556 = arith.constant 64 : index
      %get3A_557 = tpu.vector_load %arg8[%get3A_554, %get3A_555, %get3A_556] {strides = array<i32>} : memref<2x48x768xf32, #tpu.memory_space<vmem>>, vector<1x1x16xf32>,
      %get3A_558 = vector.shape_cast %get3A_557 : vector<1x1x16xf32> to vector<16xf32>
      %add3A_559 = arith.addf %get3A_558, %get3A_30 : vector<16xf32>
      %swap3A_560 = arith.constant 1 : i32
      %swap3A_561 = arith.index_cast %swap3A_560 : i32 to index
      %swap3A_562 = arith.index_cast %scan3A_497 : i32 to index
      %swap3A_563 = arith.constant 64 : index
      %swap3A_564 = tpu.vector_load %arg8[%swap3A_561, %swap3A_562, %swap3A_563] {strides = array<i32>} : memref<2x48x768xf32, #tpu.memory_space<vmem>>, vector<1x1x16xf32>,
      %swap3A_565 = vector.shape_cast %swap3A_564 : vector<1x1x16xf32> to vector<16xf32>
      %swap3A_566 = vector.shape_cast %add3A_559 : vector<16xf32> to vector<1x1x16xf32>
      tpu.vector_store %arg8[%swap3A_561, %swap3A_562, %swap3A_563], %swap3A_566 {strides = array<i32>} : memref<2x48x768xf32, #tpu.memory_space<vmem>>, vector<1x1x16xf32>,
      %get3A_567 = arith.constant 1 : i32
      %get3A_568 = arith.index_cast %get3A_567 : i32 to index
      %get3A_569 = arith.index_cast %scan3A_497 : i32 to index
      %get3A_570 = arith.constant 80 : index
      %get3A_571 = tpu.vector_load %arg8[%get3A_568, %get3A_569, %get3A_570] {strides = array<i32>} : memref<2x48x768xf32, #tpu.memory_space<vmem>>, vector<1x1x16xf32>,
      %get3A_572 = vector.shape_cast %get3A_571 : vector<1x1x16xf32> to vector<16xf32>
      %add3A_573 = arith.addf %get3A_572, %get3A_35 : vector<16xf32>
      %swap3A_574 = arith.constant 1 : i32
      %swap3A_575 = arith.index_cast %swap3A_574 : i32 to index
      %swap3A_576 = arith.index_cast %scan3A_497 : i32 to index
      %swap3A_577 = arith.constant 80 : index
      %swap3A_578 = tpu.vector_load %arg8[%swap3A_575, %swap3A_576, %swap3A_577] {strides = array<i32>} : memref<2x48x768xf32, #tpu.memory_space<vmem>>, vector<1x1x16xf32>,
      %swap3A_579 = vector.shape_cast %swap3A_578 : vector<1x1x16xf32> to vector<16xf32>
      %swap3A_580 = vector.shape_cast %add3A_573 : vector<16xf32> to vector<1x1x16xf32>
      tpu.vector_store %arg8[%swap3A_575, %swap3A_576, %swap3A_577], %swap3A_580 {strides = array<i32>} : memref<2x48x768xf32, #tpu.memory_space<vmem>>, vector<1x1x16xf32>,
      %get3A_581 = arith.constant 1 : i32
      %get3A_582 = arith.index_cast %get3A_581 : i32 to index
      %get3A_583 = arith.index_cast %scan3A_497 : i32 to index
      %get3A_584 = arith.constant 96 : index
      %get3A_585 = tpu.vector_load %arg8[%get3A_582, %get3A_583, %get3A_584] {strides = array<i32>} : memref<2x48x768xf32, #tpu.memory_space<vmem>>, vector<1x1x16xf32>,
      %get3A_586 = vector.shape_cast %get3A_585 : vector<1x1x16xf32> to vector<16xf32>
      %add3A_587 = arith.addf %get3A_586, %get3A_40 : vector<16xf32>
      %swap3A_588 = arith.constant 1 : i32
      %swap3A_589 = arith.index_cast %swap3A_588 : i32 to index
      %swap3A_590 = arith.index_cast %scan3A_497 : i32 to index
      %swap3A_591 = arith.constant 96 : index
      %swap3A_592 = tpu.vector_load %arg8[%swap3A_589, %swap3A_590, %swap3A_591] {strides = array<i32>} : memref<2x48x768xf32, #tpu.memory_space<vmem>>, vector<1x1x16xf32>,
      %swap3A_593 = vector.shape_cast %swap3A_592 : vector<1x1x16xf32> to vector<16xf32>
      %swap3A_594 = vector.shape_cast %add3A_587 : vector<16xf32> to vector<1x1x16xf32>
      tpu.vector_store %arg8[%swap3A_589, %swap3A_590, %swap3A_591], %swap3A_594 {strides = array<i32>} : memref<2x48x768xf32, #tpu.memory_space<vmem>>, vector<1x1x16xf32>,
      %get3A_595 = arith.constant 1 : i32
      %get3A_596 = arith.index_cast %get3A_595 : i32 to index
      %get3A_597 = arith.index_cast %scan3A_497 : i32 to index
      %get3A_598 = arith.constant 112 : index
      %get3A_599 = tpu.vector_load %arg8[%get3A_596, %get3A_597, %get3A_598] {strides = array<i32>} : memref<2x48x768xf32, #tpu.memory_space<vmem>>, vector<1x1x16xf32>,
      %get3A_600 = vector.shape_cast %get3A_599 : vector<1x1x16xf32> to vector<16xf32>
      %add3A_601 = arith.addf %get3A_600, %get3A_45 : vector<16xf32>
      %swap3A_602 = arith.constant 1 : i32
      %swap3A_603 = arith.index_cast %swap3A_602 : i32 to index
      %swap3A_604 = arith.index_cast %scan3A_497 : i32 to index
      %swap3A_605 = arith.constant 112 : index
      %swap3A_606 = tpu.vector_load %arg8[%swap3A_603, %swap3A_604, %swap3A_605] {strides = array<i32>} : memref<2x48x768xf32, #tpu.memory_space<vmem>>, vector<1x1x16xf32>,
      %swap3A_607 = vector.shape_cast %swap3A_606 : vector<1x1x16xf32> to vector<16xf32>
      %swap3A_608 = vector.shape_cast %add3A_601 : vector<16xf32> to vector<1x1x16xf32>
      tpu.vector_store %arg8[%swap3A_603, %swap3A_604, %swap3A_605], %swap3A_608 {strides = array<i32>} : memref<2x48x768xf32, #tpu.memory_space<vmem>>, vector<1x1x16xf32>,
      %get3A_609 = arith.constant 1 : i32
      %get3A_610 = arith.index_cast %get3A_609 : i32 to index
      %get3A_611 = arith.index_cast %scan3A_497 : i32 to index
      %get3A_612 = arith.constant 128 : index
      %get3A_613 = tpu.vector_load %arg8[%get3A_610, %get3A_611, %get3A_612] {strides = array<i32>} : memref<2x48x768xf32, #tpu.memory_space<vmem>>, vector<1x1x16xf32>,
      %get3A_614 = vector.shape_cast %get3A_613 : vector<1x1x16xf32> to vector<16xf32>
      %add3A_615 = arith.addf %get3A_614, %get3A_50 : vector<16xf32>
      %swap3A_616 = arith.constant 1 : i32
      %swap3A_617 = arith.index_cast %swap3A_616 : i32 to index
      %swap3A_618 = arith.index_cast %scan3A_497 : i32 to index
      %swap3A_619 = arith.constant 128 : index
      %swap3A_620 = tpu.vector_load %arg8[%swap3A_617, %swap3A_618, %swap3A_619] {strides = array<i32>} : memref<2x48x768xf32, #tpu.memory_space<vmem>>, vector<1x1x16xf32>,
      %swap3A_621 = vector.shape_cast %swap3A_620 : vector<1x1x16xf32> to vector<16xf32>
      %swap3A_622 = vector.shape_cast %add3A_615 : vector<16xf32> to vector<1x1x16xf32>
      tpu.vector_store %arg8[%swap3A_617, %swap3A_618, %swap3A_619], %swap3A_622 {strides = array<i32>} : memref<2x48x768xf32, #tpu.memory_space<vmem>>, vector<1x1x16xf32>,
      %get3A_623 = arith.constant 1 : i32
      %get3A_624 = arith.index_cast %get3A_623 : i32 to index
      %get3A_625 = arith.index_cast %scan3A_497 : i32 to index
      %get3A_626 = arith.constant 144 : index
      %get3A_627 = tpu.vector_load %arg8[%get3A_624, %get3A_625, %get3A_626] {strides = array<i32>} : memref<2x48x768xf32, #tpu.memory_space<vmem>>, vector<1x1x16xf32>,
      %get3A_628 = vector.shape_cast %get3A_627 : vector<1x1x16xf32> to vector<16xf32>
      %add3A_629 = arith.addf %get3A_628, %get3A_55 : vector<16xf32>
      %swap3A_630 = arith.constant 1 : i32
      %swap3A_631 = arith.index_cast %swap3A_630 : i32 to index
      %swap3A_632 = arith.index_cast %scan3A_497 : i32 to index
      %swap3A_633 = arith.constant 144 : index
      %swap3A_634 = tpu.vector_load %arg8[%swap3A_631, %swap3A_632, %swap3A_633] {strides = array<i32>} : memref<2x48x768xf32, #tpu.memory_space<vmem>>, vector<1x1x16xf32>,
      %swap3A_635 = vector.shape_cast %swap3A_634 : vector<1x1x16xf32> to vector<16xf32>
      %swap3A_636 = vector.shape_cast %add3A_629 : vector<16xf32> to vector<1x1x16xf32>
      tpu.vector_store %arg8[%swap3A_631, %swap3A_632, %swap3A_633], %swap3A_636 {strides = array<i32>} : memref<2x48x768xf32, #tpu.memory_space<vmem>>, vector<1x1x16xf32>,
      %get3A_637 = arith.constant 1 : i32
      %get3A_638 = arith.index_cast %get3A_637 : i32 to index
      %get3A_639 = arith.index_cast %scan3A_497 : i32 to index
      %get3A_640 = arith.constant 160 : index
      %get3A_641 = tpu.vector_load %arg8[%get3A_638, %get3A_639, %get3A_640] {strides = array<i32>} : memref<2x48x768xf32, #tpu.memory_space<vmem>>, vector<1x1x16xf32>,
      %get3A_642 = vector.shape_cast %get3A_641 : vector<1x1x16xf32> to vector<16xf32>
      %add3A_643 = arith.addf %get3A_642, %get3A_60 : vector<16xf32>
      %swap3A_644 = arith.constant 1 : i32
      %swap3A_645 = arith.index_cast %swap3A_644 : i32 to index
      %swap3A_646 = arith.index_cast %scan3A_497 : i32 to index
      %swap3A_647 = arith.constant 160 : index
      %swap3A_648 = tpu.vector_load %arg8[%swap3A_645, %swap3A_646, %swap3A_647] {strides = array<i32>} : memref<2x48x768xf32, #tpu.memory_space<vmem>>, vector<1x1x16xf32>,
      %swap3A_649 = vector.shape_cast %swap3A_648 : vector<1x1x16xf32> to vector<16xf32>
      %swap3A_650 = vector.shape_cast %add3A_643 : vector<16xf32> to vector<1x1x16xf32>
      tpu.vector_store %arg8[%swap3A_645, %swap3A_646, %swap3A_647], %swap3A_650 {strides = array<i32>} : memref<2x48x768xf32, #tpu.memory_space<vmem>>, vector<1x1x16xf32>,
      %get3A_651 = arith.constant 1 : i32
      %get3A_652 = arith.index_cast %get3A_651 : i32 to index
      %get3A_653 = arith.index_cast %scan3A_497 : i32 to index
      %get3A_654 = arith.constant 176 : index
      %get3A_655 = tpu.vector_load %arg8[%get3A_652, %get3A_653, %get3A_654] {strides = array<i32>} : memref<2x48x768xf32, #tpu.memory_space<vmem>>, vector<1x1x16xf32>,
      %get3A_656 = vector.shape_cast %get3A_655 : vector<1x1x16xf32> to vector<16xf32>
      %add3A_657 = arith.addf %get3A_656, %get3A_65 : vector<16xf32>
      %swap3A_658 = arith.constant 1 : i32
      %swap3A_659 = arith.index_cast %swap3A_658 : i32 to index
      %swap3A_660 = arith.index_cast %scan3A_497 : i32 to index
      %swap3A_661 = arith.constant 176 : index
      %swap3A_662 = tpu.vector_load %arg8[%swap3A_659, %swap3A_660, %swap3A_661] {strides = array<i32>} : memref<2x48x768xf32, #tpu.memory_space<vmem>>, vector<1x1x16xf32>,
      %swap3A_663 = vector.shape_cast %swap3A_662 : vector<1x1x16xf32> to vector<16xf32>
      %swap3A_664 = vector.shape_cast %add3A_657 : vector<16xf32> to vector<1x1x16xf32>
      tpu.vector_store %arg8[%swap3A_659, %swap3A_660, %swap3A_661], %swap3A_664 {strides = array<i32>} : memref<2x48x768xf32, #tpu.memory_space<vmem>>, vector<1x1x16xf32>,
      %get3A_665 = arith.constant 1 : i32
      %get3A_666 = arith.index_cast %get3A_665 : i32 to index
      %get3A_667 = arith.index_cast %scan3A_497 : i32 to index
      %get3A_668 = arith.constant 192 : index
      %get3A_669 = tpu.vector_load %arg8[%get3A_666, %get3A_667, %get3A_668] {strides = array<i32>} : memref<2x48x768xf32, #tpu.memory_space<vmem>>, vector<1x1x16xf32>,
      %get3A_670 = vector.shape_cast %get3A_669 : vector<1x1x16xf32> to vector<16xf32>
      %add3A_671 = arith.addf %get3A_670, %get3A_70 : vector<16xf32>
      %swap3A_672 = arith.constant 1 : i32
      %swap3A_673 = arith.index_cast %swap3A_672 : i32 to index
      %swap3A_674 = arith.index_cast %scan3A_497 : i32 to index
      %swap3A_675 = arith.constant 192 : index
      %swap3A_676 = tpu.vector_load %arg8[%swap3A_673, %swap3A_674, %swap3A_675] {strides = array<i32>} : memref<2x48x768xf32, #tpu.memory_space<vmem>>, vector<1x1x16xf32>,
      %swap3A_677 = vector.shape_cast %swap3A_676 : vector<1x1x16xf32> to vector<16xf32>
      %swap3A_678 = vector.shape_cast %add3A_671 : vector<16xf32> to vector<1x1x16xf32>
      tpu.vector_store %arg8[%swap3A_673, %swap3A_674, %swap3A_675], %swap3A_678 {strides = array<i32>} : memref<2x48x768xf32, #tpu.memory_space<vmem>>, vector<1x1x16xf32>,
      %get3A_679 = arith.constant 1 : i32
      %get3A_680 = arith.index_cast %get3A_679 : i32 to index
      %get3A_681 = arith.index_cast %scan3A_497 : i32 to index
      %get3A_682 = arith.constant 208 : index
      %get3A_683 = tpu.vector_load %arg8[%get3A_680, %get3A_681, %get3A_682] {strides = array<i32>} : memref<2x48x768xf32, #tpu.memory_space<vmem>>, vector<1x1x16xf32>,
      %get3A_684 = vector.shape_cast %get3A_683 : vector<1x1x16xf32> to vector<16xf32>
      %add3A_685 = arith.addf %get3A_684, %get3A_75 : vector<16xf32>
      %swap3A_686 = arith.constant 1 : i32
      %swap3A_687 = arith.index_cast %swap3A_686 : i32 to index
      %swap3A_688 = arith.index_cast %scan3A_497 : i32 to index
      %swap3A_689 = arith.constant 208 : index
      %swap3A_690 = tpu.vector_load %arg8[%swap3A_687, %swap3A_688, %swap3A_689] {strides = array<i32>} : memref<2x48x768xf32, #tpu.memory_space<vmem>>, vector<1x1x16xf32>,
      %swap3A_691 = vector.shape_cast %swap3A_690 : vector<1x1x16xf32> to vector<16xf32>
      %swap3A_692 = vector.shape_cast %add3A_685 : vector<16xf32> to vector<1x1x16xf32>
      tpu.vector_store %arg8[%swap3A_687, %swap3A_688, %swap3A_689], %swap3A_692 {strides = array<i32>} : memref<2x48x768xf32, #tpu.memory_space<vmem>>, vector<1x1x16xf32>,
      %get3A_693 = arith.constant 1 : i32
      %get3A_694 = arith.index_cast %get3A_693 : i32 to index
      %get3A_695 = arith.index_cast %scan3A_497 : i32 to index
      %get3A_696 = arith.constant 224 : index
      %get3A_697 = tpu.vector_load %arg8[%get3A_694, %get3A_695, %get3A_696] {strides = array<i32>} : memref<2x48x768xf32, #tpu.memory_space<vmem>>, vector<1x1x16xf32>,
      %get3A_698 = vector.shape_cast %get3A_697 : vector<1x1x16xf32> to vector<16xf32>
      %add3A_699 = arith.addf %get3A_698, %get3A_80 : vector<16xf32>
      %swap3A_700 = arith.constant 1 : i32
      %swap3A_701 = arith.index_cast %swap3A_700 : i32 to index
      %swap3A_702 = arith.index_cast %scan3A_497 : i32 to index
      %swap3A_703 = arith.constant 224 : index
      %swap3A_704 = tpu.vector_load %arg8[%swap3A_701, %swap3A_702, %swap3A_703] {strides = array<i32>} : memref<2x48x768xf32, #tpu.memory_space<vmem>>, vector<1x1x16xf32>,
      %swap3A_705 = vector.shape_cast %swap3A_704 : vector<1x1x16xf32> to vector<16xf32>
      %swap3A_706 = vector.shape_cast %add3A_699 : vector<16xf32> to vector<1x1x16xf32>
      tpu.vector_store %arg8[%swap3A_701, %swap3A_702, %swap3A_703], %swap3A_706 {strides = array<i32>} : memref<2x48x768xf32, #tpu.memory_space<vmem>>, vector<1x1x16xf32>,
      %get3A_707 = arith.constant 1 : i32
      %get3A_708 = arith.index_cast %get3A_707 : i32 to index
      %get3A_709 = arith.index_cast %scan3A_497 : i32 to index
      %get3A_710 = arith.constant 240 : index
      %get3A_711 = tpu.vector_load %arg8[%get3A_708, %get3A_709, %get3A_710] {strides = array<i32>} : memref<2x48x768xf32, #tpu.memory_space<vmem>>, vector<1x1x16xf32>,
      %get3A_712 = vector.shape_cast %get3A_711 : vector<1x1x16xf32> to vector<16xf32>
      %add3A_713 = arith.addf %get3A_712, %get3A_85 : vector<16xf32>
      %swap3A_714 = arith.constant 1 : i32
      %swap3A_715 = arith.index_cast %swap3A_714 : i32 to index
      %swap3A_716 = arith.index_cast %scan3A_497 : i32 to index
      %swap3A_717 = arith.constant 240 : index
      %swap3A_718 = tpu.vector_load %arg8[%swap3A_715, %swap3A_716, %swap3A_717] {strides = array<i32>} : memref<2x48x768xf32, #tpu.memory_space<vmem>>, vector<1x1x16xf32>,
      %swap3A_719 = vector.shape_cast %swap3A_718 : vector<1x1x16xf32> to vector<16xf32>
      %swap3A_720 = vector.shape_cast %add3A_713 : vector<16xf32> to vector<1x1x16xf32>
      tpu.vector_store %arg8[%swap3A_715, %swap3A_716, %swap3A_717], %swap3A_720 {strides = array<i32>} : memref<2x48x768xf32, #tpu.memory_space<vmem>>, vector<1x1x16xf32>,
      %get3A_721 = arith.constant 1 : i32
      %get3A_722 = arith.index_cast %get3A_721 : i32 to index
      %get3A_723 = arith.index_cast %scan3A_497 : i32 to index
      %get3A_724 = arith.constant 256 : index
      %get3A_725 = tpu.vector_load %arg8[%get3A_722, %get3A_723, %get3A_724] {strides = array<i32>} : memref<2x48x768xf32, #tpu.memory_space<vmem>>, vector<1x1x16xf32>,
      %get3A_726 = vector.shape_cast %get3A_725 : vector<1x1x16xf32> to vector<16xf32>
      %add3A_727 = arith.addf %get3A_726, %get3A_90 : vector<16xf32>
      %swap3A_728 = arith.constant 1 : i32
      %swap3A_729 = arith.index_cast %swap3A_728 : i32 to index
      %swap3A_730 = arith.index_cast %scan3A_497 : i32 to index
      %swap3A_731 = arith.constant 256 : index
      %swap3A_732 = tpu.vector_load %arg8[%swap3A_729, %swap3A_730, %swap3A_731] {strides = array<i32>} : memref<2x48x768xf32, #tpu.memory_space<vmem>>, vector<1x1x16xf32>,
      %swap3A_733 = vector.shape_cast %swap3A_732 : vector<1x1x16xf32> to vector<16xf32>
      %swap3A_734 = vector.shape_cast %add3A_727 : vector<16xf32> to vector<1x1x16xf32>
      tpu.vector_store %arg8[%swap3A_729, %swap3A_730, %swap3A_731], %swap3A_734 {strides = array<i32>} : memref<2x48x768xf32, #tpu.memory_space<vmem>>, vector<1x1x16xf32>,
      %get3A_735 = arith.constant 1 : i32
      %get3A_736 = arith.index_cast %get3A_735 : i32 to index
      %get3A_737 = arith.index_cast %scan3A_497 : i32 to index
      %get3A_738 = arith.constant 272 : index
      %get3A_739 = tpu.vector_load %arg8[%get3A_736, %get3A_737, %get3A_738] {strides = array<i32>} : memref<2x48x768xf32, #tpu.memory_space<vmem>>, vector<1x1x16xf32>,
      %get3A_740 = vector.shape_cast %get3A_739 : vector<1x1x16xf32> to vector<16xf32>
      %add3A_741 = arith.addf %get3A_740, %get3A_95 : vector<16xf32>
      %swap3A_742 = arith.constant 1 : i32
      %swap3A_743 = arith.index_cast %swap3A_742 : i32 to index
      %swap3A_744 = arith.index_cast %scan3A_497 : i32 to index
      %swap3A_745 = arith.constant 272 : index
      %swap3A_746 = tpu.vector_load %arg8[%swap3A_743, %swap3A_744, %swap3A_745] {strides = array<i32>} : memref<2x48x768xf32, #tpu.memory_space<vmem>>, vector<1x1x16xf32>,
      %swap3A_747 = vector.shape_cast %swap3A_746 : vector<1x1x16xf32> to vector<16xf32>
      %swap3A_748 = vector.shape_cast %add3A_741 : vector<16xf32> to vector<1x1x16xf32>
      tpu.vector_store %arg8[%swap3A_743, %swap3A_744, %swap3A_745], %swap3A_748 {strides = array<i32>} : memref<2x48x768xf32, #tpu.memory_space<vmem>>, vector<1x1x16xf32>,
      %get3A_749 = arith.constant 1 : i32
      %get3A_750 = arith.index_cast %get3A_749 : i32 to index
      %get3A_751 = arith.index_cast %scan3A_497 : i32 to index
      %get3A_752 = arith.constant 288 : index
      %get3A_753 = tpu.vector_load %arg8[%get3A_750, %get3A_751, %get3A_752] {strides = array<i32>} : memref<2x48x768xf32, #tpu.memory_space<vmem>>, vector<1x1x16xf32>,
      %get3A_754 = vector.shape_cast %get3A_753 : vector<1x1x16xf32> to vector<16xf32>
      %add3A_755 = arith.addf %get3A_754, %get3A_100 : vector<16xf32>
      %swap3A_756 = arith.constant 1 : i32
      %swap3A_757 = arith.index_cast %swap3A_756 : i32 to index
      %swap3A_758 = arith.index_cast %scan3A_497 : i32 to index
      %swap3A_759 = arith.constant 288 : index
      %swap3A_760 = tpu.vector_load %arg8[%swap3A_757, %swap3A_758, %swap3A_759] {strides = array<i32>} : memref<2x48x768xf32, #tpu.memory_space<vmem>>, vector<1x1x16xf32>,
      %swap3A_761 = vector.shape_cast %swap3A_760 : vector<1x1x16xf32> to vector<16xf32>
      %swap3A_762 = vector.shape_cast %add3A_755 : vector<16xf32> to vector<1x1x16xf32>
      tpu.vector_store %arg8[%swap3A_757, %swap3A_758, %swap3A_759], %swap3A_762 {strides = array<i32>} : memref<2x48x768xf32, #tpu.memory_space<vmem>>, vector<1x1x16xf32>,
      %get3A_763 = arith.constant 1 : i32
      %get3A_764 = arith.index_cast %get3A_763 : i32 to index
      %get3A_765 = arith.index_cast %scan3A_497 : i32 to index
      %get3A_766 = arith.constant 304 : index
      %get3A_767 = tpu.vector_load %arg8[%get3A_764, %get3A_765, %get3A_766] {strides = array<i32>} : memref<2x48x768xf32, #tpu.memory_space<vmem>>, vector<1x1x16xf32>,
      %get3A_768 = vector.shape_cast %get3A_767 : vector<1x1x16xf32> to vector<16xf32>
      %add3A_769 = arith.addf %get3A_768, %get3A_105 : vector<16xf32>
      %swap3A_770 = arith.constant 1 : i32
      %swap3A_771 = arith.index_cast %swap3A_770 : i32 to index
      %swap3A_772 = arith.index_cast %scan3A_497 : i32 to index
      %swap3A_773 = arith.constant 304 : index
      %swap3A_774 = tpu.vector_load %arg8[%swap3A_771, %swap3A_772, %swap3A_773] {strides = array<i32>} : memref<2x48x768xf32, #tpu.memory_space<vmem>>, vector<1x1x16xf32>,
      %swap3A_775 = vector.shape_cast %swap3A_774 : vector<1x1x16xf32> to vector<16xf32>
      %swap3A_776 = vector.shape_cast %add3A_769 : vector<16xf32> to vector<1x1x16xf32>
      tpu.vector_store %arg8[%swap3A_771, %swap3A_772, %swap3A_773], %swap3A_776 {strides = array<i32>} : memref<2x48x768xf32, #tpu.memory_space<vmem>>, vector<1x1x16xf32>,
      %get3A_777 = arith.constant 1 : i32
      %get3A_778 = arith.index_cast %get3A_777 : i32 to index
      %get3A_779 = arith.index_cast %scan3A_497 : i32 to index
      %get3A_780 = arith.constant 320 : index
      %get3A_781 = tpu.vector_load %arg8[%get3A_778, %get3A_779, %get3A_780] {strides = array<i32>} : memref<2x48x768xf32, #tpu.memory_space<vmem>>, vector<1x1x16xf32>,
      %get3A_782 = vector.shape_cast %get3A_781 : vector<1x1x16xf32> to vector<16xf32>
      %add3A_783 = arith.addf %get3A_782, %get3A_110 : vector<16xf32>
      %swap3A_784 = arith.constant 1 : i32
      %swap3A_785 = arith.index_cast %swap3A_784 : i32 to index
      %swap3A_786 = arith.index_cast %scan3A_497 : i32 to index
      %swap3A_787 = arith.constant 320 : index
      %swap3A_788 = tpu.vector_load %arg8[%swap3A_785, %swap3A_786, %swap3A_787] {strides = array<i32>} : memref<2x48x768xf32, #tpu.memory_space<vmem>>, vector<1x1x16xf32>,
      %swap3A_789 = vector.shape_cast %swap3A_788 : vector<1x1x16xf32> to vector<16xf32>
      %swap3A_790 = vector.shape_cast %add3A_783 : vector<16xf32> to vector<1x1x16xf32>
      tpu.vector_store %arg8[%swap3A_785, %swap3A_786, %swap3A_787], %swap3A_790 {strides = array<i32>} : memref<2x48x768xf32, #tpu.memory_space<vmem>>, vector<1x1x16xf32>,
      %get3A_791 = arith.constant 1 : i32
      %get3A_792 = arith.index_cast %get3A_791 : i32 to index
      %get3A_793 = arith.index_cast %scan3A_497 : i32 to index
      %get3A_794 = arith.constant 336 : index
      %get3A_795 = tpu.vector_load %arg8[%get3A_792, %get3A_793, %get3A_794] {strides = array<i32>} : memref<2x48x768xf32, #tpu.memory_space<vmem>>, vector<1x1x16xf32>,
      %get3A_796 = vector.shape_cast %get3A_795 : vector<1x1x16xf32> to vector<16xf32>
      %add3A_797 = arith.addf %get3A_796, %get3A_115 : vector<16xf32>
      %swap3A_798 = arith.constant 1 : i32
      %swap3A_799 = arith.index_cast %swap3A_798 : i32 to index
      %swap3A_800 = arith.index_cast %scan3A_497 : i32 to index
      %swap3A_801 = arith.constant 336 : index
      %swap3A_802 = tpu.vector_load %arg8[%swap3A_799, %swap3A_800, %swap3A_801] {strides = array<i32>} : memref<2x48x768xf32, #tpu.memory_space<vmem>>, vector<1x1x16xf32>,
      %swap3A_803 = vector.shape_cast %swap3A_802 : vector<1x1x16xf32> to vector<16xf32>
      %swap3A_804 = vector.shape_cast %add3A_797 : vector<16xf32> to vector<1x1x16xf32>
      tpu.vector_store %arg8[%swap3A_799, %swap3A_800, %swap3A_801], %swap3A_804 {strides = array<i32>} : memref<2x48x768xf32, #tpu.memory_space<vmem>>, vector<1x1x16xf32>,
      %get3A_805 = arith.constant 1 : i32
      %get3A_806 = arith.index_cast %get3A_805 : i32 to index
      %get3A_807 = arith.index_cast %scan3A_497 : i32 to index
      %get3A_808 = arith.constant 352 : index
      %get3A_809 = tpu.vector_load %arg8[%get3A_806, %get3A_807, %get3A_808] {strides = array<i32>} : memref<2x48x768xf32, #tpu.memory_space<vmem>>, vector<1x1x16xf32>,
      %get3A_810 = vector.shape_cast %get3A_809 : vector<1x1x16xf32> to vector<16xf32>
      %add3A_811 = arith.addf %get3A_810, %get3A_120 : vector<16xf32>
      %swap3A_812 = arith.constant 1 : i32
      %swap3A_813 = arith.index_cast %swap3A_812 : i32 to index
      %swap3A_814 = arith.index_cast %scan3A_497 : i32 to index
      %swap3A_815 = arith.constant 352 : index
      %swap3A_816 = tpu.vector_load %arg8[%swap3A_813, %swap3A_814, %swap3A_815] {strides = array<i32>} : memref<2x48x768xf32, #tpu.memory_space<vmem>>, vector<1x1x16xf32>,
      %swap3A_817 = vector.shape_cast %swap3A_816 : vector<1x1x16xf32> to vector<16xf32>
      %swap3A_818 = vector.shape_cast %add3A_811 : vector<16xf32> to vector<1x1x16xf32>
      tpu.vector_store %arg8[%swap3A_813, %swap3A_814, %swap3A_815], %swap3A_818 {strides = array<i32>} : memref<2x48x768xf32, #tpu.memory_space<vmem>>, vector<1x1x16xf32>,
      %get3A_819 = arith.constant 1 : i32
      %get3A_820 = arith.index_cast %get3A_819 : i32 to index
      %get3A_821 = arith.index_cast %scan3A_497 : i32 to index
      %get3A_822 = arith.constant 368 : index
      %get3A_823 = tpu.vector_load %arg8[%get3A_820, %get3A_821, %get3A_822] {strides = array<i32>} : memref<2x48x768xf32, #tpu.memory_space<vmem>>, vector<1x1x16xf32>,
      %get3A_824 = vector.shape_cast %get3A_823 : vector<1x1x16xf32> to vector<16xf32>
      %add3A_825 = arith.addf %get3A_824, %get3A_125 : vector<16xf32>
      %swap3A_826 = arith.constant 1 : i32
      %swap3A_827 = arith.index_cast %swap3A_826 : i32 to index
      %swap3A_828 = arith.index_cast %scan3A_497 : i32 to index
      %swap3A_829 = arith.constant 368 : index
      %swap3A_830 = tpu.vector_load %arg8[%swap3A_827, %swap3A_828, %swap3A_829] {strides = array<i32>} : memref<2x48x768xf32, #tpu.memory_space<vmem>>, vector<1x1x16xf32>,
      %swap3A_831 = vector.shape_cast %swap3A_830 : vector<1x1x16xf32> to vector<16xf32>
      %swap3A_832 = vector.shape_cast %add3A_825 : vector<16xf32> to vector<1x1x16xf32>
      tpu.vector_store %arg8[%swap3A_827, %swap3A_828, %swap3A_829], %swap3A_832 {strides = array<i32>} : memref<2x48x768xf32, #tpu.memory_space<vmem>>, vector<1x1x16xf32>,
      %get3A_833 = arith.constant 1 : i32
      %get3A_834 = arith.index_cast %get3A_833 : i32 to index
      %get3A_835 = arith.index_cast %scan3A_497 : i32 to index
      %get3A_836 = arith.constant 384 : index
      %get3A_837 = tpu.vector_load %arg8[%get3A_834, %get3A_835, %get3A_836] {strides = array<i32>} : memref<2x48x768xf32, #tpu.memory_space<vmem>>, vector<1x1x16xf32>,
      %get3A_838 = vector.shape_cast %get3A_837 : vector<1x1x16xf32> to vector<16xf32>
      %add3A_839 = arith.addf %get3A_838, %get3A_130 : vector<16xf32>
      %swap3A_840 = arith.constant 1 : i32
      %swap3A_841 = arith.index_cast %swap3A_840 : i32 to index
      %swap3A_842 = arith.index_cast %scan3A_497 : i32 to index
      %swap3A_843 = arith.constant 384 : index
      %swap3A_844 = tpu.vector_load %arg8[%swap3A_841, %swap3A_842, %swap3A_843] {strides = array<i32>} : memref<2x48x768xf32, #tpu.memory_space<vmem>>, vector<1x1x16xf32>,
      %swap3A_845 = vector.shape_cast %swap3A_844 : vector<1x1x16xf32> to vector<16xf32>
      %swap3A_846 = vector.shape_cast %add3A_839 : vector<16xf32> to vector<1x1x16xf32>
      tpu.vector_store %arg8[%swap3A_841, %swap3A_842, %swap3A_843], %swap3A_846 {strides = array<i32>} : memref<2x48x768xf32, #tpu.memory_space<vmem>>, vector<1x1x16xf32>,
      %get3A_847 = arith.constant 1 : i32
      %get3A_848 = arith.index_cast %get3A_847 : i32 to index
      %get3A_849 = arith.index_cast %scan3A_497 : i32 to index
      %get3A_850 = arith.constant 400 : index
      %get3A_851 = tpu.vector_load %arg8[%get3A_848, %get3A_849, %get3A_850] {strides = array<i32>} : memref<2x48x768xf32, #tpu.memory_space<vmem>>, vector<1x1x16xf32>,
      %get3A_852 = vector.shape_cast %get3A_851 : vector<1x1x16xf32> to vector<16xf32>
      %add3A_853 = arith.addf %get3A_852, %get3A_135 : vector<16xf32>
      %swap3A_854 = arith.constant 1 : i32
      %swap3A_855 = arith.index_cast %swap3A_854 : i32 to index
      %swap3A_856 = arith.index_cast %scan3A_497 : i32 to index
      %swap3A_857 = arith.constant 400 : index
      %swap3A_858 = tpu.vector_load %arg8[%swap3A_855, %swap3A_856, %swap3A_857] {strides = array<i32>} : memref<2x48x768xf32, #tpu.memory_space<vmem>>, vector<1x1x16xf32>,
      %swap3A_859 = vector.shape_cast %swap3A_858 : vector<1x1x16xf32> to vector<16xf32>
      %swap3A_860 = vector.shape_cast %add3A_853 : vector<16xf32> to vector<1x1x16xf32>
      tpu.vector_store %arg8[%swap3A_855, %swap3A_856, %swap3A_857], %swap3A_860 {strides = array<i32>} : memref<2x48x768xf32, #tpu.memory_space<vmem>>, vector<1x1x16xf32>,
      %get3A_861 = arith.constant 1 : i32
      %get3A_862 = arith.index_cast %get3A_861 : i32 to index
      %get3A_863 = arith.index_cast %scan3A_497 : i32 to index
      %get3A_864 = arith.constant 416 : index
      %get3A_865 = tpu.vector_load %arg8[%get3A_862, %get3A_863, %get3A_864] {strides = array<i32>} : memref<2x48x768xf32, #tpu.memory_space<vmem>>, vector<1x1x16xf32>,
      %get3A_866 = vector.shape_cast %get3A_865 : vector<1x1x16xf32> to vector<16xf32>
      %add3A_867 = arith.addf %get3A_866, %get3A_140 : vector<16xf32>
      %swap3A_868 = arith.constant 1 : i32
      %swap3A_869 = arith.index_cast %swap3A_868 : i32 to index
      %swap3A_870 = arith.index_cast %scan3A_497 : i32 to index
      %swap3A_871 = arith.constant 416 : index
      %swap3A_872 = tpu.vector_load %arg8[%swap3A_869, %swap3A_870, %swap3A_871] {strides = array<i32>} : memref<2x48x768xf32, #tpu.memory_space<vmem>>, vector<1x1x16xf32>,
      %swap3A_873 = vector.shape_cast %swap3A_872 : vector<1x1x16xf32> to vector<16xf32>
      %swap3A_874 = vector.shape_cast %add3A_867 : vector<16xf32> to vector<1x1x16xf32>
      tpu.vector_store %arg8[%swap3A_869, %swap3A_870, %swap3A_871], %swap3A_874 {strides = array<i32>} : memref<2x48x768xf32, #tpu.memory_space<vmem>>, vector<1x1x16xf32>,
      %get3A_875 = arith.constant 1 : i32
      %get3A_876 = arith.index_cast %get3A_875 : i32 to index
      %get3A_877 = arith.index_cast %scan3A_497 : i32 to index
      %get3A_878 = arith.constant 432 : index
      %get3A_879 = tpu.vector_load %arg8[%get3A_876, %get3A_877, %get3A_878] {strides = array<i32>} : memref<2x48x768xf32, #tpu.memory_space<vmem>>, vector<1x1x16xf32>,
      %get3A_880 = vector.shape_cast %get3A_879 : vector<1x1x16xf32> to vector<16xf32>
      %add3A_881 = arith.addf %get3A_880, %get3A_145 : vector<16xf32>
      %swap3A_882 = arith.constant 1 : i32
      %swap3A_883 = arith.index_cast %swap3A_882 : i32 to index
      %swap3A_884 = arith.index_cast %scan3A_497 : i32 to index
      %swap3A_885 = arith.constant 432 : index
      %swap3A_886 = tpu.vector_load %arg8[%swap3A_883, %swap3A_884, %swap3A_885] {strides = array<i32>} : memref<2x48x768xf32, #tpu.memory_space<vmem>>, vector<1x1x16xf32>,
      %swap3A_887 = vector.shape_cast %swap3A_886 : vector<1x1x16xf32> to vector<16xf32>
      %swap3A_888 = vector.shape_cast %add3A_881 : vector<16xf32> to vector<1x1x16xf32>
      tpu.vector_store %arg8[%swap3A_883, %swap3A_884, %swap3A_885], %swap3A_888 {strides = array<i32>} : memref<2x48x768xf32, #tpu.memory_space<vmem>>, vector<1x1x16xf32>,
      %get3A_889 = arith.constant 1 : i32
      %get3A_890 = arith.index_cast %get3A_889 : i32 to index
      %get3A_891 = arith.index_cast %scan3A_497 : i32 to index
      %get3A_892 = arith.constant 448 : index
      %get3A_893 = tpu.vector_load %arg8[%get3A_890, %get3A_891, %get3A_892] {strides = array<i32>} : memref<2x48x768xf32, #tpu.memory_space<vmem>>, vector<1x1x16xf32>,
      %get3A_894 = vector.shape_cast %get3A_893 : vector<1x1x16xf32> to vector<16xf32>
      %add3A_895 = arith.addf %get3A_894, %get3A_150 : vector<16xf32>
      %swap3A_896 = arith.constant 1 : i32
      %swap3A_897 = arith.index_cast %swap3A_896 : i32 to index
      %swap3A_898 = arith.index_cast %scan3A_497 : i32 to index
      %swap3A_899 = arith.constant 448 : index
      %swap3A_900 = tpu.vector_load %arg8[%swap3A_897, %swap3A_898, %swap3A_899] {strides = array<i32>} : memref<2x48x768xf32, #tpu.memory_space<vmem>>, vector<1x1x16xf32>,
      %swap3A_901 = vector.shape_cast %swap3A_900 : vector<1x1x16xf32> to vector<16xf32>
      %swap3A_902 = vector.shape_cast %add3A_895 : vector<16xf32> to vector<1x1x16xf32>
      tpu.vector_store %arg8[%swap3A_897, %swap3A_898, %swap3A_899], %swap3A_902 {strides = array<i32>} : memref<2x48x768xf32, #tpu.memory_space<vmem>>, vector<1x1x16xf32>,
      %get3A_903 = arith.constant 1 : i32
      %get3A_904 = arith.index_cast %get3A_903 : i32 to index
      %get3A_905 = arith.index_cast %scan3A_497 : i32 to index
      %get3A_906 = arith.constant 464 : index
      %get3A_907 = tpu.vector_load %arg8[%get3A_904, %get3A_905, %get3A_906] {strides = array<i32>} : memref<2x48x768xf32, #tpu.memory_space<vmem>>, vector<1x1x16xf32>,
      %get3A_908 = vector.shape_cast %get3A_907 : vector<1x1x16xf32> to vector<16xf32>
      %add3A_909 = arith.addf %get3A_908, %get3A_155 : vector<16xf32>
      %swap3A_910 = arith.constant 1 : i32
      %swap3A_911 = arith.index_cast %swap3A_910 : i32 to index
      %swap3A_912 = arith.index_cast %scan3A_497 : i32 to index
      %swap3A_913 = arith.constant 464 : index
      %swap3A_914 = tpu.vector_load %arg8[%swap3A_911, %swap3A_912, %swap3A_913] {strides = array<i32>} : memref<2x48x768xf32, #tpu.memory_space<vmem>>, vector<1x1x16xf32>,
      %swap3A_915 = vector.shape_cast %swap3A_914 : vector<1x1x16xf32> to vector<16xf32>
      %swap3A_916 = vector.shape_cast %add3A_909 : vector<16xf32> to vector<1x1x16xf32>
      tpu.vector_store %arg8[%swap3A_911, %swap3A_912, %swap3A_913], %swap3A_916 {strides = array<i32>} : memref<2x48x768xf32, #tpu.memory_space<vmem>>, vector<1x1x16xf32>,
      %get3A_917 = arith.constant 1 : i32
      %get3A_918 = arith.index_cast %get3A_917 : i32 to index
      %get3A_919 = arith.index_cast %scan3A_497 : i32 to index
      %get3A_920 = arith.constant 480 : index
      %get3A_921 = tpu.vector_load %arg8[%get3A_918, %get3A_919, %get3A_920] {strides = array<i32>} : memref<2x48x768xf32, #tpu.memory_space<vmem>>, vector<1x1x16xf32>,
      %get3A_922 = vector.shape_cast %get3A_921 : vector<1x1x16xf32> to vector<16xf32>
      %add3A_923 = arith.addf %get3A_922, %get3A_160 : vector<16xf32>
      %swap3A_924 = arith.constant 1 : i32
      %swap3A_925 = arith.index_cast %swap3A_924 : i32 to index
      %swap3A_926 = arith.index_cast %scan3A_497 : i32 to index
      %swap3A_927 = arith.constant 480 : index
      %swap3A_928 = tpu.vector_load %arg8[%swap3A_925, %swap3A_926, %swap3A_927] {strides = array<i32>} : memref<2x48x768xf32, #tpu.memory_space<vmem>>, vector<1x1x16xf32>,
      %swap3A_929 = vector.shape_cast %swap3A_928 : vector<1x1x16xf32> to vector<16xf32>
      %swap3A_930 = vector.shape_cast %add3A_923 : vector<16xf32> to vector<1x1x16xf32>
      tpu.vector_store %arg8[%swap3A_925, %swap3A_926, %swap3A_927], %swap3A_930 {strides = array<i32>} : memref<2x48x768xf32, #tpu.memory_space<vmem>>, vector<1x1x16xf32>,
      %get3A_931 = arith.constant 1 : i32
      %get3A_932 = arith.index_cast %get3A_931 : i32 to index
      %get3A_933 = arith.index_cast %scan3A_497 : i32 to index
      %get3A_934 = arith.constant 496 : index
      %get3A_935 = tpu.vector_load %arg8[%get3A_932, %get3A_933, %get3A_934] {strides = array<i32>} : memref<2x48x768xf32, #tpu.memory_space<vmem>>, vector<1x1x16xf32>,
      %get3A_936 = vector.shape_cast %get3A_935 : vector<1x1x16xf32> to vector<16xf32>
      %add3A_937 = arith.addf %get3A_936, %get3A_165 : vector<16xf32>
      %swap3A_938 = arith.constant 1 : i32
      %swap3A_939 = arith.index_cast %swap3A_938 : i32 to index
      %swap3A_940 = arith.index_cast %scan3A_497 : i32 to index
      %swap3A_941 = arith.constant 496 : index
      %swap3A_942 = tpu.vector_load %arg8[%swap3A_939, %swap3A_940, %swap3A_941] {strides = array<i32>} : memref<2x48x768xf32, #tpu.memory_space<vmem>>, vector<1x1x16xf32>,
      %swap3A_943 = vector.shape_cast %swap3A_942 : vector<1x1x16xf32> to vector<16xf32>
      %swap3A_944 = vector.shape_cast %add3A_937 : vector<16xf32> to vector<1x1x16xf32>
      tpu.vector_store %arg8[%swap3A_939, %swap3A_940, %swap3A_941], %swap3A_944 {strides = array<i32>} : memref<2x48x768xf32, #tpu.memory_space<vmem>>, vector<1x1x16xf32>,
      %get3A_945 = arith.constant 1 : i32
      %get3A_946 = arith.index_cast %get3A_945 : i32 to index
      %get3A_947 = arith.index_cast %scan3A_497 : i32 to index
      %get3A_948 = arith.constant 512 : index
      %get3A_949 = tpu.vector_load %arg8[%get3A_946, %get3A_947, %get3A_948] {strides = array<i32>} : memref<2x48x768xf32, #tpu.memory_space<vmem>>, vector<1x1x16xf32>,
      %get3A_950 = vector.shape_cast %get3A_949 : vector<1x1x16xf32> to vector<16xf32>
      %add3A_951 = arith.addf %get3A_950, %get3A_170 : vector<16xf32>
      %swap3A_952 = arith.constant 1 : i32
      %swap3A_953 = arith.index_cast %swap3A_952 : i32 to index
      %swap3A_954 = arith.index_cast %scan3A_497 : i32 to index
      %swap3A_955 = arith.constant 512 : index
      %swap3A_956 = tpu.vector_load %arg8[%swap3A_953, %swap3A_954, %swap3A_955] {strides = array<i32>} : memref<2x48x768xf32, #tpu.memory_space<vmem>>, vector<1x1x16xf32>,
      %swap3A_957 = vector.shape_cast %swap3A_956 : vector<1x1x16xf32> to vector<16xf32>
      %swap3A_958 = vector.shape_cast %add3A_951 : vector<16xf32> to vector<1x1x16xf32>
      tpu.vector_store %arg8[%swap3A_953, %swap3A_954, %swap3A_955], %swap3A_958 {strides = array<i32>} : memref<2x48x768xf32, #tpu.memory_space<vmem>>, vector<1x1x16xf32>,
      %get3A_959 = arith.constant 1 : i32
      %get3A_960 = arith.index_cast %get3A_959 : i32 to index
      %get3A_961 = arith.index_cast %scan3A_497 : i32 to index
      %get3A_962 = arith.constant 528 : index
      %get3A_963 = tpu.vector_load %arg8[%get3A_960, %get3A_961, %get3A_962] {strides = array<i32>} : memref<2x48x768xf32, #tpu.memory_space<vmem>>, vector<1x1x16xf32>,
      %get3A_964 = vector.shape_cast %get3A_963 : vector<1x1x16xf32> to vector<16xf32>
      %add3A_965 = arith.addf %get3A_964, %get3A_175 : vector<16xf32>
      %swap3A_966 = arith.constant 1 : i32
      %swap3A_967 = arith.index_cast %swap3A_966 : i32 to index
      %swap3A_968 = arith.index_cast %scan3A_497 : i32 to index
      %swap3A_969 = arith.constant 528 : index
      %swap3A_970 = tpu.vector_load %arg8[%swap3A_967, %swap3A_968, %swap3A_969] {strides = array<i32>} : memref<2x48x768xf32, #tpu.memory_space<vmem>>, vector<1x1x16xf32>,
      %swap3A_971 = vector.shape_cast %swap3A_970 : vector<1x1x16xf32> to vector<16xf32>
      %swap3A_972 = vector.shape_cast %add3A_965 : vector<16xf32> to vector<1x1x16xf32>
      tpu.vector_store %arg8[%swap3A_967, %swap3A_968, %swap3A_969], %swap3A_972 {strides = array<i32>} : memref<2x48x768xf32, #tpu.memory_space<vmem>>, vector<1x1x16xf32>,
      %get3A_973 = arith.constant 1 : i32
      %get3A_974 = arith.index_cast %get3A_973 : i32 to index
      %get3A_975 = arith.index_cast %scan3A_497 : i32 to index
      %get3A_976 = arith.constant 544 : index
      %get3A_977 = tpu.vector_load %arg8[%get3A_974, %get3A_975, %get3A_976] {strides = array<i32>} : memref<2x48x768xf32, #tpu.memory_space<vmem>>, vector<1x1x16xf32>,
      %get3A_978 = vector.shape_cast %get3A_977 : vector<1x1x16xf32> to vector<16xf32>
      %add3A_979 = arith.addf %get3A_978, %get3A_180 : vector<16xf32>
      %swap3A_980 = arith.constant 1 : i32
      %swap3A_981 = arith.index_cast %swap3A_980 : i32 to index
      %swap3A_982 = arith.index_cast %scan3A_497 : i32 to index
      %swap3A_983 = arith.constant 544 : index
      %swap3A_984 = tpu.vector_load %arg8[%swap3A_981, %swap3A_982, %swap3A_983] {strides = array<i32>} : memref<2x48x768xf32, #tpu.memory_space<vmem>>, vector<1x1x16xf32>,
      %swap3A_985 = vector.shape_cast %swap3A_984 : vector<1x1x16xf32> to vector<16xf32>
      %swap3A_986 = vector.shape_cast %add3A_979 : vector<16xf32> to vector<1x1x16xf32>
      tpu.vector_store %arg8[%swap3A_981, %swap3A_982, %swap3A_983], %swap3A_986 {strides = array<i32>} : memref<2x48x768xf32, #tpu.memory_space<vmem>>, vector<1x1x16xf32>,
      %get3A_987 = arith.constant 1 : i32
      %get3A_988 = arith.index_cast %get3A_987 : i32 to index
      %get3A_989 = arith.index_cast %scan3A_497 : i32 to index
      %get3A_990 = arith.constant 560 : index
      %get3A_991 = tpu.vector_load %arg8[%get3A_988, %get3A_989, %get3A_990] {strides = array<i32>} : memref<2x48x768xf32, #tpu.memory_space<vmem>>, vector<1x1x16xf32>,
      %get3A_992 = vector.shape_cast %get3A_991 : vector<1x1x16xf32> to vector<16xf32>
      %add3A_993 = arith.addf %get3A_992, %get3A_185 : vector<16xf32>
      %swap3A_994 = arith.constant 1 : i32
      %swap3A_995 = arith.index_cast %swap3A_994 : i32 to index
      %swap3A_996 = arith.index_cast %scan3A_497 : i32 to index
      %swap3A_997 = arith.constant 560 : index
      %swap3A_998 = tpu.vector_load %arg8[%swap3A_995, %swap3A_996, %swap3A_997] {strides = array<i32>} : memref<2x48x768xf32, #tpu.memory_space<vmem>>, vector<1x1x16xf32>,
      %swap3A_999 = vector.shape_cast %swap3A_998 : vector<1x1x16xf32> to vector<16xf32>
      %swap3A_1000 = vector.shape_cast %add3A_993 : vector<16xf32> to vector<1x1x16xf32>
      tpu.vector_store %arg8[%swap3A_995, %swap3A_996, %swap3A_997], %swap3A_1000 {strides = array<i32>} : memref<2x48x768xf32, #tpu.memory_space<vmem>>, vector<1x1x16xf32>,
      %get3A_1001 = arith.constant 1 : i32
      %get3A_1002 = arith.index_cast %get3A_1001 : i32 to index
      %get3A_1003 = arith.index_cast %scan3A_497 : i32 to index
      %get3A_1004 = arith.constant 576 : index
      %get3A_1005 = tpu.vector_load %arg8[%get3A_1002, %get3A_1003, %get3A_1004] {strides = array<i32>} : memref<2x48x768xf32, #tpu.memory_space<vmem>>, vector<1x1x16xf32>,
      %get3A_1006 = vector.shape_cast %get3A_1005 : vector<1x1x16xf32> to vector<16xf32>
      %add3A_1007 = arith.addf %get3A_1006, %get3A_190 : vector<16xf32>
      %swap3A_1008 = arith.constant 1 : i32
      %swap3A_1009 = arith.index_cast %swap3A_1008 : i32 to index
      %swap3A_1010 = arith.index_cast %scan3A_497 : i32 to index
      %swap3A_1011 = arith.constant 576 : index
      %swap3A_1012 = tpu.vector_load %arg8[%swap3A_1009, %swap3A_1010, %swap3A_1011] {strides = array<i32>} : memref<2x48x768xf32, #tpu.memory_space<vmem>>, vector<1x1x16xf32>,
      %swap3A_1013 = vector.shape_cast %swap3A_1012 : vector<1x1x16xf32> to vector<16xf32>
      %swap3A_1014 = vector.shape_cast %add3A_1007 : vector<16xf32> to vector<1x1x16xf32>
      tpu.vector_store %arg8[%swap3A_1009, %swap3A_1010, %swap3A_1011], %swap3A_1014 {strides = array<i32>} : memref<2x48x768xf32, #tpu.memory_space<vmem>>, vector<1x1x16xf32>,
      %get3A_1015 = arith.constant 1 : i32
      %get3A_1016 = arith.index_cast %get3A_1015 : i32 to index
      %get3A_1017 = arith.index_cast %scan3A_497 : i32 to index
      %get3A_1018 = arith.constant 592 : index
      %get3A_1019 = tpu.vector_load %arg8[%get3A_1016, %get3A_1017, %get3A_1018] {strides = array<i32>} : memref<2x48x768xf32, #tpu.memory_space<vmem>>, vector<1x1x16xf32>,
      %get3A_1020 = vector.shape_cast %get3A_1019 : vector<1x1x16xf32> to vector<16xf32>
      %add3A_1021 = arith.addf %get3A_1020, %get3A_195 : vector<16xf32>
      %swap3A_1022 = arith.constant 1 : i32
      %swap3A_1023 = arith.index_cast %swap3A_1022 : i32 to index
      %swap3A_1024 = arith.index_cast %scan3A_497 : i32 to index
      %swap3A_1025 = arith.constant 592 : index
      %swap3A_1026 = tpu.vector_load %arg8[%swap3A_1023, %swap3A_1024, %swap3A_1025] {strides = array<i32>} : memref<2x48x768xf32, #tpu.memory_space<vmem>>, vector<1x1x16xf32>,
      %swap3A_1027 = vector.shape_cast %swap3A_1026 : vector<1x1x16xf32> to vector<16xf32>
      %swap3A_1028 = vector.shape_cast %add3A_1021 : vector<16xf32> to vector<1x1x16xf32>
      tpu.vector_store %arg8[%swap3A_1023, %swap3A_1024, %swap3A_1025], %swap3A_1028 {strides = array<i32>} : memref<2x48x768xf32, #tpu.memory_space<vmem>>, vector<1x1x16xf32>,
      %get3A_1029 = arith.constant 1 : i32
      %get3A_1030 = arith.index_cast %get3A_1029 : i32 to index
      %get3A_1031 = arith.index_cast %scan3A_497 : i32 to index
      %get3A_1032 = arith.constant 608 : index
      %get3A_1033 = tpu.vector_load %arg8[%get3A_1030, %get3A_1031, %get3A_1032] {strides = array<i32>} : memref<2x48x768xf32, #tpu.memory_space<vmem>>, vector<1x1x16xf32>,
      %get3A_1034 = vector.shape_cast %get3A_1033 : vector<1x1x16xf32> to vector<16xf32>
      %add3A_1035 = arith.addf %get3A_1034, %get3A_200 : vector<16xf32>
      %swap3A_1036 = arith.constant 1 : i32
      %swap3A_1037 = arith.index_cast %swap3A_1036 : i32 to index
      %swap3A_1038 = arith.index_cast %scan3A_497 : i32 to index
      %swap3A_1039 = arith.constant 608 : index
      %swap3A_1040 = tpu.vector_load %arg8[%swap3A_1037, %swap3A_1038, %swap3A_1039] {strides = array<i32>} : memref<2x48x768xf32, #tpu.memory_space<vmem>>, vector<1x1x16xf32>,
      %swap3A_1041 = vector.shape_cast %swap3A_1040 : vector<1x1x16xf32> to vector<16xf32>
      %swap3A_1042 = vector.shape_cast %add3A_1035 : vector<16xf32> to vector<1x1x16xf32>
      tpu.vector_store %arg8[%swap3A_1037, %swap3A_1038, %swap3A_1039], %swap3A_1042 {strides = array<i32>} : memref<2x48x768xf32, #tpu.memory_space<vmem>>, vector<1x1x16xf32>,
      %get3A_1043 = arith.constant 1 : i32
      %get3A_1044 = arith.index_cast %get3A_1043 : i32 to index
      %get3A_1045 = arith.index_cast %scan3A_497 : i32 to index
      %get3A_1046 = arith.constant 624 : index
      %get3A_1047 = tpu.vector_load %arg8[%get3A_1044, %get3A_1045, %get3A_1046] {strides = array<i32>} : memref<2x48x768xf32, #tpu.memory_space<vmem>>, vector<1x1x16xf32>,
      %get3A_1048 = vector.shape_cast %get3A_1047 : vector<1x1x16xf32> to vector<16xf32>
      %add3A_1049 = arith.addf %get3A_1048, %get3A_205 : vector<16xf32>
      %swap3A_1050 = arith.constant 1 : i32
      %swap3A_1051 = arith.index_cast %swap3A_1050 : i32 to index
      %swap3A_1052 = arith.index_cast %scan3A_497 : i32 to index
      %swap3A_1053 = arith.constant 624 : index
      %swap3A_1054 = tpu.vector_load %arg8[%swap3A_1051, %swap3A_1052, %swap3A_1053] {strides = array<i32>} : memref<2x48x768xf32, #tpu.memory_space<vmem>>, vector<1x1x16xf32>,
      %swap3A_1055 = vector.shape_cast %swap3A_1054 : vector<1x1x16xf32> to vector<16xf32>
      %swap3A_1056 = vector.shape_cast %add3A_1049 : vector<16xf32> to vector<1x1x16xf32>
      tpu.vector_store %arg8[%swap3A_1051, %swap3A_1052, %swap3A_1053], %swap3A_1056 {strides = array<i32>} : memref<2x48x768xf32, #tpu.memory_space<vmem>>, vector<1x1x16xf32>,
      %get3A_1057 = arith.constant 1 : i32
      %get3A_1058 = arith.index_cast %get3A_1057 : i32 to index
      %get3A_1059 = arith.index_cast %scan3A_497 : i32 to index
      %get3A_1060 = arith.constant 640 : index
      %get3A_1061 = tpu.vector_load %arg8[%get3A_1058, %get3A_1059, %get3A_1060] {strides = array<i32>} : memref<2x48x768xf32, #tpu.memory_space<vmem>>, vector<1x1x16xf32>,
      %get3A_1062 = vector.shape_cast %get3A_1061 : vector<1x1x16xf32> to vector<16xf32>
      %add3A_1063 = arith.addf %get3A_1062, %get3A_210 : vector<16xf32>
      %swap3A_1064 = arith.constant 1 : i32
      %swap3A_1065 = arith.index_cast %swap3A_1064 : i32 to index
      %swap3A_1066 = arith.index_cast %scan3A_497 : i32 to index
      %swap3A_1067 = arith.constant 640 : index
      %swap3A_1068 = tpu.vector_load %arg8[%swap3A_1065, %swap3A_1066, %swap3A_1067] {strides = array<i32>} : memref<2x48x768xf32, #tpu.memory_space<vmem>>, vector<1x1x16xf32>,
      %swap3A_1069 = vector.shape_cast %swap3A_1068 : vector<1x1x16xf32> to vector<16xf32>
      %swap3A_1070 = vector.shape_cast %add3A_1063 : vector<16xf32> to vector<1x1x16xf32>
      tpu.vector_store %arg8[%swap3A_1065, %swap3A_1066, %swap3A_1067], %swap3A_1070 {strides = array<i32>} : memref<2x48x768xf32, #tpu.memory_space<vmem>>, vector<1x1x16xf32>,
      %get3A_1071 = arith.constant 1 : i32
      %get3A_1072 = arith.index_cast %get3A_1071 : i32 to index
      %get3A_1073 = arith.index_cast %scan3A_497 : i32 to index
      %get3A_1074 = arith.constant 656 : index
      %get3A_1075 = tpu.vector_load %arg8[%get3A_1072, %get3A_1073, %get3A_1074] {strides = array<i32>} : memref<2x48x768xf32, #tpu.memory_space<vmem>>, vector<1x1x16xf32>,
      %get3A_1076 = vector.shape_cast %get3A_1075 : vector<1x1x16xf32> to vector<16xf32>
      %add3A_1077 = arith.addf %get3A_1076, %get3A_215 : vector<16xf32>
      %swap3A_1078 = arith.constant 1 : i32
      %swap3A_1079 = arith.index_cast %swap3A_1078 : i32 to index
      %swap3A_1080 = arith.index_cast %scan3A_497 : i32 to index
      %swap3A_1081 = arith.constant 656 : index
      %swap3A_1082 = tpu.vector_load %arg8[%swap3A_1079, %swap3A_1080, %swap3A_1081] {strides = array<i32>} : memref<2x48x768xf32, #tpu.memory_space<vmem>>, vector<1x1x16xf32>,
      %swap3A_1083 = vector.shape_cast %swap3A_1082 : vector<1x1x16xf32> to vector<16xf32>
      %swap3A_1084 = vector.shape_cast %add3A_1077 : vector<16xf32> to vector<1x1x16xf32>
      tpu.vector_store %arg8[%swap3A_1079, %swap3A_1080, %swap3A_1081], %swap3A_1084 {strides = array<i32>} : memref<2x48x768xf32, #tpu.memory_space<vmem>>, vector<1x1x16xf32>,
      %get3A_1085 = arith.constant 1 : i32
      %get3A_1086 = arith.index_cast %get3A_1085 : i32 to index
      %get3A_1087 = arith.index_cast %scan3A_497 : i32 to index
      %get3A_1088 = arith.constant 672 : index
      %get3A_1089 = tpu.vector_load %arg8[%get3A_1086, %get3A_1087, %get3A_1088] {strides = array<i32>} : memref<2x48x768xf32, #tpu.memory_space<vmem>>, vector<1x1x16xf32>,
      %get3A_1090 = vector.shape_cast %get3A_1089 : vector<1x1x16xf32> to vector<16xf32>
      %add3A_1091 = arith.addf %get3A_1090, %get3A_220 : vector<16xf32>
      %swap3A_1092 = arith.constant 1 : i32
      %swap3A_1093 = arith.index_cast %swap3A_1092 : i32 to index
      %swap3A_1094 = arith.index_cast %scan3A_497 : i32 to index
      %swap3A_1095 = arith.constant 672 : index
      %swap3A_1096 = tpu.vector_load %arg8[%swap3A_1093, %swap3A_1094, %swap3A_1095] {strides = array<i32>} : memref<2x48x768xf32, #tpu.memory_space<vmem>>, vector<1x1x16xf32>,
      %swap3A_1097 = vector.shape_cast %swap3A_1096 : vector<1x1x16xf32> to vector<16xf32>
      %swap3A_1098 = vector.shape_cast %add3A_1091 : vector<16xf32> to vector<1x1x16xf32>
      tpu.vector_store %arg8[%swap3A_1093, %swap3A_1094, %swap3A_1095], %swap3A_1098 {strides = array<i32>} : memref<2x48x768xf32, #tpu.memory_space<vmem>>, vector<1x1x16xf32>,
      %get3A_1099 = arith.constant 1 : i32
      %get3A_1100 = arith.index_cast %get3A_1099 : i32 to index
      %get3A_1101 = arith.index_cast %scan3A_497 : i32 to index
      %get3A_1102 = arith.constant 688 : index
      %get3A_1103 = tpu.vector_load %arg8[%get3A_1100, %get3A_1101, %get3A_1102] {strides = array<i32>} : memref<2x48x768xf32, #tpu.memory_space<vmem>>, vector<1x1x16xf32>,
      %get3A_1104 = vector.shape_cast %get3A_1103 : vector<1x1x16xf32> to vector<16xf32>
      %add3A_1105 = arith.addf %get3A_1104, %get3A_225 : vector<16xf32>
      %swap3A_1106 = arith.constant 1 : i32
      %swap3A_1107 = arith.index_cast %swap3A_1106 : i32 to index
      %swap3A_1108 = arith.index_cast %scan3A_497 : i32 to index
      %swap3A_1109 = arith.constant 688 : index
      %swap3A_1110 = tpu.vector_load %arg8[%swap3A_1107, %swap3A_1108, %swap3A_1109] {strides = array<i32>} : memref<2x48x768xf32, #tpu.memory_space<vmem>>, vector<1x1x16xf32>,
      %swap3A_1111 = vector.shape_cast %swap3A_1110 : vector<1x1x16xf32> to vector<16xf32>
      %swap3A_1112 = vector.shape_cast %add3A_1105 : vector<16xf32> to vector<1x1x16xf32>
      tpu.vector_store %arg8[%swap3A_1107, %swap3A_1108, %swap3A_1109], %swap3A_1112 {strides = array<i32>} : memref<2x48x768xf32, #tpu.memory_space<vmem>>, vector<1x1x16xf32>,
      %get3A_1113 = arith.constant 1 : i32
      %get3A_1114 = arith.index_cast %get3A_1113 : i32 to index
      %get3A_1115 = arith.index_cast %scan3A_497 : i32 to index
      %get3A_1116 = arith.constant 704 : index
      %get3A_1117 = tpu.vector_load %arg8[%get3A_1114, %get3A_1115, %get3A_1116] {strides = array<i32>} : memref<2x48x768xf32, #tpu.memory_space<vmem>>, vector<1x1x16xf32>,
      %get3A_1118 = vector.shape_cast %get3A_1117 : vector<1x1x16xf32> to vector<16xf32>
      %add3A_1119 = arith.addf %get3A_1118, %get3A_230 : vector<16xf32>
      %swap3A_1120 = arith.constant 1 : i32
      %swap3A_1121 = arith.index_cast %swap3A_1120 : i32 to index
      %swap3A_1122 = arith.index_cast %scan3A_497 : i32 to index
      %swap3A_1123 = arith.constant 704 : index
      %swap3A_1124 = tpu.vector_load %arg8[%swap3A_1121, %swap3A_1122, %swap3A_1123] {strides = array<i32>} : memref<2x48x768xf32, #tpu.memory_space<vmem>>, vector<1x1x16xf32>,
      %swap3A_1125 = vector.shape_cast %swap3A_1124 : vector<1x1x16xf32> to vector<16xf32>
      %swap3A_1126 = vector.shape_cast %add3A_1119 : vector<16xf32> to vector<1x1x16xf32>
      tpu.vector_store %arg8[%swap3A_1121, %swap3A_1122, %swap3A_1123], %swap3A_1126 {strides = array<i32>} : memref<2x48x768xf32, #tpu.memory_space<vmem>>, vector<1x1x16xf32>,
      %get3A_1127 = arith.constant 1 : i32
      %get3A_1128 = arith.index_cast %get3A_1127 : i32 to index
      %get3A_1129 = arith.index_cast %scan3A_497 : i32 to index
      %get3A_1130 = arith.constant 720 : index
      %get3A_1131 = tpu.vector_load %arg8[%get3A_1128, %get3A_1129, %get3A_1130] {strides = array<i32>} : memref<2x48x768xf32, #tpu.memory_space<vmem>>, vector<1x1x16xf32>,
      %get3A_1132 = vector.shape_cast %get3A_1131 : vector<1x1x16xf32> to vector<16xf32>
      %add3A_1133 = arith.addf %get3A_1132, %get3A_235 : vector<16xf32>
      %swap3A_1134 = arith.constant 1 : i32
      %swap3A_1135 = arith.index_cast %swap3A_1134 : i32 to index
      %swap3A_1136 = arith.index_cast %scan3A_497 : i32 to index
      %swap3A_1137 = arith.constant 720 : index
      %swap3A_1138 = tpu.vector_load %arg8[%swap3A_1135, %swap3A_1136, %swap3A_1137] {strides = array<i32>} : memref<2x48x768xf32, #tpu.memory_space<vmem>>, vector<1x1x16xf32>,
      %swap3A_1139 = vector.shape_cast %swap3A_1138 : vector<1x1x16xf32> to vector<16xf32>
      %swap3A_1140 = vector.shape_cast %add3A_1133 : vector<16xf32> to vector<1x1x16xf32>
      tpu.vector_store %arg8[%swap3A_1135, %swap3A_1136, %swap3A_1137], %swap3A_1140 {strides = array<i32>} : memref<2x48x768xf32, #tpu.memory_space<vmem>>, vector<1x1x16xf32>,
      %get3A_1141 = arith.constant 1 : i32
      %get3A_1142 = arith.index_cast %get3A_1141 : i32 to index
      %get3A_1143 = arith.index_cast %scan3A_497 : i32 to index
      %get3A_1144 = arith.constant 736 : index
      %get3A_1145 = tpu.vector_load %arg8[%get3A_1142, %get3A_1143, %get3A_1144] {strides = array<i32>} : memref<2x48x768xf32, #tpu.memory_space<vmem>>, vector<1x1x16xf32>,
      %get3A_1146 = vector.shape_cast %get3A_1145 : vector<1x1x16xf32> to vector<16xf32>
      %add3A_1147 = arith.addf %get3A_1146, %get3A_240 : vector<16xf32>
      %swap3A_1148 = arith.constant 1 : i32
      %swap3A_1149 = arith.index_cast %swap3A_1148 : i32 to index
      %swap3A_1150 = arith.index_cast %scan3A_497 : i32 to index
      %swap3A_1151 = arith.constant 736 : index
      %swap3A_1152 = tpu.vector_load %arg8[%swap3A_1149, %swap3A_1150, %swap3A_1151] {strides = array<i32>} : memref<2x48x768xf32, #tpu.memory_space<vmem>>, vector<1x1x16xf32>,
      %swap3A_1153 = vector.shape_cast %swap3A_1152 : vector<1x1x16xf32> to vector<16xf32>
      %swap3A_1154 = vector.shape_cast %add3A_1147 : vector<16xf32> to vector<1x1x16xf32>
      tpu.vector_store %arg8[%swap3A_1149, %swap3A_1150, %swap3A_1151], %swap3A_1154 {strides = array<i32>} : memref<2x48x768xf32, #tpu.memory_space<vmem>>, vector<1x1x16xf32>,
      %get3A_1155 = arith.constant 1 : i32
      %get3A_1156 = arith.index_cast %get3A_1155 : i32 to index
      %get3A_1157 = arith.index_cast %scan3A_497 : i32 to index
      %get3A_1158 = arith.constant 752 : index
      %get3A_1159 = tpu.vector_load %arg8[%get3A_1156, %get3A_1157, %get3A_1158] {strides = array<i32>} : memref<2x48x768xf32, #tpu.memory_space<vmem>>, vector<1x1x16xf32>,
      %get3A_1160 = vector.shape_cast %get3A_1159 : vector<1x1x16xf32> to vector<16xf32>
      %add3A_1161 = arith.addf %get3A_1160, %get3A_245 : vector<16xf32>
      %swap3A_1162 = arith.constant 1 : i32
      %swap3A_1163 = arith.index_cast %swap3A_1162 : i32 to index
      %swap3A_1164 = arith.index_cast %scan3A_497 : i32 to index
      %swap3A_1165 = arith.constant 752 : index
      %swap3A_1166 = tpu.vector_load %arg8[%swap3A_1163, %swap3A_1164, %swap3A_1165] {strides = array<i32>} : memref<2x48x768xf32, #tpu.memory_space<vmem>>, vector<1x1x16xf32>,
      %swap3A_1167 = vector.shape_cast %swap3A_1166 : vector<1x1x16xf32> to vector<16xf32>
      %swap3A_1168 = vector.shape_cast %add3A_1161 : vector<16xf32> to vector<1x1x16xf32>
      tpu.vector_store %arg8[%swap3A_1163, %swap3A_1164, %swap3A_1165], %swap3A_1168 {strides = array<i32>} : memref<2x48x768xf32, #tpu.memory_space<vmem>>, vector<1x1x16xf32>,
    }
    %scan3A_455 = arith.constant 48 : i32
    %add3A_456 = arith.constant 144 : i32
    %add3A_457 = arith.addi %mul3A_2, %add3A_456 : i32
    %dma_start3A_458 = arith.constant 1 : i32
    %dma_start3A_459 = arith.constant 0 : i32
    %dma_start3A_460 = arith.constant 0 : i32
    %dma_start3A_461 = tpu.memref_slice %arg8[%dma_start3A_458, %dma_start3A_459, %dma_start3A_460] : memref<2x48x768xf32, #tpu.memory_space<vmem>> -> memref<1x48x768xf32, #tpu.memory_space<vmem>>
    %dma_start3A_462 = tpu.memref_squeeze %dma_start3A_461 : memref<1x48x768xf32, #tpu.memory_space<vmem>> -> memref<48x768xf32, #tpu.memory_space<vmem>>
    %dma_start3A_463 = arith.constant 0 : i32
    %dma_start3A_464 = tpu.memref_slice %arg5[%add3A_457, %dma_start3A_463] : memref<6144x768xf32, #tpu.memory_space<hbm>> -> memref<48x768xf32, #tpu.memory_space<hbm>>
    %dma_start3A_465 = arith.constant 0 : i32
    %dma_start3A_466 = tpu.memref_slice %arg5[%add3A_457, %dma_start3A_465] : memref<6144x768xf32, #tpu.memory_space<hbm>> -> memref<48x768xf32, #tpu.memory_space<hbm>>
    %dma_start3A_467 = arith.constant 0 : i32
    %dma_start3A_468 = arith.constant 0 : i32
    %dma_start3A_469 = tpu.memref_slice %arg8[%dma_start3A_458, %dma_start3A_467, %dma_start3A_468] : memref<2x48x768xf32, #tpu.memory_space<vmem>> -> memref<1x48x768xf32, #tpu.memory_space<vmem>>
    %dma_start3A_470 = tpu.memref_squeeze %dma_start3A_469 : memref<1x48x768xf32, #tpu.memory_space<vmem>> -> memref<48x768xf32, #tpu.memory_space<vmem>>
    tpu.enqueue_dma source(%dma_start3A_470 : memref<48x768xf32, #tpu.memory_space<vmem>>) target(%dma_start3A_466 : memref<48x768xf32, #tpu.memory_space<hbm>>) target_semaphore(%arg12 : memref<!tpu.dma_semaphore, #tpu.memory_space<semaphore_mem>>)
    %dma_wait3A_471 = arith.constant 0 : i32
    %dma_wait3A_472 = arith.constant 0 : i32
    %dma_wait3A_473 = arith.constant 0 : i32
    %dma_wait3A_474 = tpu.memref_slice %arg8[%dma_wait3A_471, %dma_wait3A_472, %dma_wait3A_473] : memref<2x48x768xf32, #tpu.memory_space<vmem>> -> memref<1x48x768xf32, #tpu.memory_space<vmem>>
    %dma_wait3A_475 = tpu.memref_squeeze %dma_wait3A_474 : memref<1x48x768xf32, #tpu.memory_space<vmem>> -> memref<48x768xf32, #tpu.memory_space<vmem>>
    %dma_wait3A_476 = arith.constant 0 : i32
    %dma_wait3A_477 = tpu.memref_slice %arg5[%add3A_424, %dma_wait3A_476] : memref<6144x768xf32, #tpu.memory_space<hbm>> -> memref<48x768xf32, #tpu.memory_space<hbm>>
    %dma_wait3A_478 = arith.constant 0 : i32
    %dma_wait3A_479 = tpu.memref_slice %arg5[%add3A_424, %dma_wait3A_478] : memref<6144x768xf32, #tpu.memory_space<hbm>> -> memref<48x768xf32, #tpu.memory_space<hbm>>
    %dma_wait3A_480 = arith.constant 0 : i32
    %dma_wait3A_481 = arith.constant 0 : i32
    %dma_wait3A_482 = tpu.memref_slice %arg8[%dma_wait3A_471, %dma_wait3A_480, %dma_wait3A_481] : memref<2x48x768xf32, #tpu.memory_space<vmem>> -> memref<1x48x768xf32, #tpu.memory_space<vmem>>
    %dma_wait3A_483 = tpu.memref_squeeze %dma_wait3A_482 : memref<1x48x768xf32, #tpu.memory_space<vmem>> -> memref<48x768xf32, #tpu.memory_space<vmem>>
    tpu.wait_dma2 semaphore(%arg11 : memref<!tpu.dma_semaphore, #tpu.memory_space<semaphore_mem>>) src(%dma_wait3A_483 : memref<48x768xf32, #tpu.memory_space<vmem>>) dst(%dma_wait3A_479 : memref<48x768xf32, #tpu.memory_space<hbm>>)
    %dma_wait3A_484 = arith.constant 1 : i32
    %dma_wait3A_485 = arith.constant 0 : i32
    %dma_wait3A_486 = arith.constant 0 : i32
    %dma_wait3A_487 = tpu.memref_slice %arg8[%dma_wait3A_484, %dma_wait3A_485, %dma_wait3A_486] : memref<2x48x768xf32, #tpu.memory_space<vmem>> -> memref<1x48x768xf32, #tpu.memory_space<vmem>>
    %dma_wait3A_488 = tpu.memref_squeeze %dma_wait3A_487 : memref<1x48x768xf32, #tpu.memory_space<vmem>> -> memref<48x768xf32, #tpu.memory_space<vmem>>
    %dma_wait3A_489 = arith.constant 0 : i32
    %dma_wait3A_490 = tpu.memref_slice %arg5[%add3A_457, %dma_wait3A_489] : memref<6144x768xf32, #tpu.memory_space<hbm>> -> memref<48x768xf32, #tpu.memory_space<hbm>>
    %dma_wait3A_491 = arith.constant 0 : i32
    %dma_wait3A_492 = tpu.memref_slice %arg5[%add3A_457, %dma_wait3A_491] : memref<6144x768xf32, #tpu.memory_space<hbm>> -> memref<48x768xf32, #tpu.memory_space<hbm>>
    %dma_wait3A_493 = arith.constant 0 : i32
    %dma_wait3A_494 = arith.constant 0 : i32
    %dma_wait3A_495 = tpu.memref_slice %arg8[%dma_wait3A_484, %dma_wait3A_493, %dma_wait3A_494] : memref<2x48x768xf32, #tpu.memory_space<vmem>> -> memref<1x48x768xf32, #tpu.memory_space<vmem>>
    %dma_wait3A_496 = tpu.memref_squeeze %dma_wait3A_495 : memref<1x48x768xf32, #tpu.memory_space<vmem>> -> memref<48x768xf32, #tpu.memory_space<vmem>>
    tpu.wait_dma2 semaphore(%arg12 : memref<!tpu.dma_semaphore, #tpu.memory_space<semaphore_mem>>) src(%dma_wait3A_496 : memref<48x768xf32, #tpu.memory_space<vmem>>) dst(%dma_wait3A_492 : memref<48x768xf32, #tpu.memory_space<hbm>>)
    return
  }
}

module attributes {stable_mosaic.version = 14 : i64} {
  func.func @_tc_body(%arg0: i32, %arg1: memref<1xi32, #tpu.memory_space<smem>>, %arg2: memref<16x768xf32, #tpu.memory_space<vmem>>, %arg3: memref<3072x768xf32, #tpu.memory_space<vmem>>, %arg4: memref<3072x768xf32, #tpu.memory_space<vmem>>) attributes {dimension_semantics = [#tpu.dimension_semantics<arbitrary>], iteration_bounds = array<i64: 4>, scalar_prefetch = 0 : i64, scratch_operands = 0 : i64, tpu.core_type = #tpu.core_type<tc>, window_params = [{transform_indices = @transform_0, window_bounds = array<i64: 1>}, {pipeline_mode = #tpu.pipeline_mode<synchronous>, transform_indices = @transform_1, window_bounds = array<i64: 16, 768>}, {transform_indices = @transform_2, window_bounds = array<i64: 3072, 768>}, {transform_indices = @transform_3, window_bounds = array<i64: 3072, 768>}]} {
    %get3A = arith.constant 0 : index
    %get3A_0 = memref.load %arg1[%get3A] : memref<1xi32, #tpu.memory_space<smem>>
    %get3A_1 = arith.index_cast %get3A_0 : i32 to index
    %get3A_2 = arith.constant 0 : index
    %get3A_3 = vector.load %arg2[%get3A_1, %get3A_2] : memref<16x768xf32, #tpu.memory_space<vmem>>, vector<1x768xf32>
    %get3A_4 = arith.constant 0 : index
    %get3A_5 = arith.constant 0 : index
    %get3A_6 = vector.load %arg3[%get3A_4, %get3A_5] : memref<3072x768xf32, #tpu.memory_space<vmem>>, vector<3072x768xf32>
    %add3A = vector.broadcast %get3A_3 : vector<1x768xf32> to vector<3072x768xf32>
    %add3A_7 = arith.addf %get3A_6, %add3A : vector<3072x768xf32>
    %swap3A = arith.constant 0 : index
    %swap3A_8 = arith.constant 0 : index
    %swap3A_9 = vector.load %arg4[%swap3A, %swap3A_8] : memref<3072x768xf32, #tpu.memory_space<vmem>>, vector<3072x768xf32>
    tpu.vector_store %arg4[%swap3A, %swap3A_8], %add3A_7 {strides = array<i32>} : memref<3072x768xf32, #tpu.memory_space<vmem>>, vector<3072x768xf32>,
    return
  }
  func.func @transform_0(%arg0: i32) -> i32 {
    %c0_i32 = arith.constant 0 : i32
    %c0_i32_0 = arith.constant 0 : i32
    return %c0_i32 : i32
  }
  func.func @transform_1(%arg0: i32) -> (i32, i32) {
    %c0_i32 = arith.constant 0 : i32
    %c0_i32_0 = arith.constant 0 : i32
    %c0_i32_1 = arith.constant 0 : i32
    return %c0_i32, %c0_i32_0 : i32, i32
  }
  func.func @transform_2(%arg0: i32) -> (i32, i32) {
    %c0_i32 = arith.constant 0 : i32
    %c0_i32_0 = arith.constant 0 : i32
    return %arg0, %c0_i32 : i32, i32
  }
  func.func @transform_3(%arg0: i32) -> (i32, i32) {
    %c0_i32 = arith.constant 0 : i32
    %c0_i32_0 = arith.constant 0 : i32
    return %arg0, %c0_i32 : i32, i32
  }
}

</mosaic_0001>

<sc_bundles>
// kernel: kernel.4.cloned.1.call-start
scs
__scs_entry_jumppad:
0x0: {  	(pc) =	sbr.rel $0x88, $3  }
0x1: {  	(tag) =	ssettag $0x0;
	lr =	simm.s32 $0x1  }
0x2: {  	[smem:$0x3F9E] =	sst lr;
	_ =	strace $0xD0000000  }
0x3: {  	_ = 	snop  }
0x4: {  	_ = 	snop  }
0x5: {  	_ = 	snop  }
0x6: {  	_ = 	snop  }
0x7: {  	_ = 	snop  }
__scs_overlays_trampoline_lowered:
0x8: {  	[smem:$0x3FAD] =	sst s0  }
0x9: {  	[smem:$0x3FAE] =	sst s1  }
0xa: {  	[smem:$0x3FAF] =	sst s2  }
0xb: {  	[smem:$0x3FB0] =	sst s3  }
0xc: {  	[smem:$0x3FB1] =	sst s4  }
0xd: {  	[smem:$0x3FB2] =	sst s5  }
0xe: {  	[smem:$0x3FB3] =	sst s6  }
0xf: {  	[smem:$0x3FB4] =	sst s7  }
0x10: {  	[smem:$0x3FB5] =	sst s8  }
0x11: {  	[smem:$0x3FB6] =	sst s9;
	s0 =	simm.s32 @!p0 $0x0  }
0x12: {  	s1 =	sld [smem:$0x3F9C];
	s0 =	simm.s32 @p0 $0x1  }
0x13: {  	[smem:$0x3FB7] =	sst s0;
	s0 =	simm.s32 @!p1 $0x0  }
0x14: {  	s2 =	sld [smem:$0x3F9B];
	s0 =	simm.s32 @p1 $0x1  }
0x15: {  	[smem:$0x3FB8] =	sst s0;
	s0 =	simm.s32 @!p2 $0x0  }
0x16: {  	s3 =	sld [smem:$0x3FDB];
	s0 =	simm.s32 @p2 $0x1  }
0x17: {  	s4 =	simm.s32 $0x1BF5;
	[smem:$0x3FBA] =	sst s0  }
0x18: {  	s0 =	sld [smem:$0x3F9D];
	_ =	swait.ge [sflag:s4], $0x0  }
0x19: {  	s7 =	sld [smem:$0x3F9E]  }
0x1a: {  	s8 =	sadd.s32 $0xFFFFE003, lr  }
0x1b: {  	s9 =	sadd.s32 $0xFFFFFEF7, lr;
	s5 =	simm.s32 $0xFFFFFFFF;
	p2 =	slt.u32 s8, $0xFFFFF086  }
0x1c: {  	p1 =	slt.u32 s9, $0xF7A;
	s5 =	simm.s32 @!p2 $0x0  }
0x1d: {  	s5 =	simm.s32 @p1 $0x1;
	p0 =	seq.s32 s7, s2  }
0x1e: {  	s7 =	smul.u32 @!p0 $0xF7A, s2;
	p2 =	seq.s32 @!p0 s5, $0x0  }
0x1f: {  	s9 =	smul.u32 $0xF7A, s1;
	s8 =	simm.s32 @!p0 $0x1BF5;
	p2 =	por !p2, p0  }
0x20: {  	[sflag:s8] =	ssyncset.s32 @!p0 $0xFFFFF086;
	s6 =	sadd.s32 @!p0 s3, s7;
	s7 =	simm.s32 @!p0 $0x108  }
0x21: {  	s3 =	sadd.s32 s3, s9;
	s6 =	sadd.s32 @!p0 $0x88, s6;
	s7 =	simm.s32 @p2 $0x1082  }
0x22: {  	[simem:s7], [sflag:s8] =	dma.local @!p0 [hbm:s6], $0xF7A  }
0x23: {  	s9 =	sor.u32 $0xD0000000, s2;
	s6 =	simm.s32 $0x108;
	_ =	swait.ge @!p0 [sflag:s8], $0x0  }
0x24: {  	s3 =	sadd.s32 $0x88, s3;
	s6 =	simm.s32 @!p1 $0x1082;
	[sflag:s4] =	ssyncset.s32 $0xFFFFF086  }
0x25: {  	[simem:s6], [sflag:s4] =	dma.local [hbm:s3], $0xF7A  }
0x26: {  	[smem:$0x3F9E] =	sst s1;
	(tag) =	ssettag s2;
	_ =	strace s9  }
0x27: {  	s1 =	sld [smem:$0x3FAE]  }
0x28: {  	s2 =	sld [smem:$0x3FAF]  }
0x29: {  	s4 =	sld [smem:$0x3FB1]  }
0x2a: {  	p0 =	seq.s32 s5, $0x0;
	s5 =	sld [smem:$0x3FB2]  }
0x2b: {  	s6 =	sld [smem:$0x3FB3]  }
0x2c: {  	s7 =	sld [smem:$0x3FB4]  }
0x2d: {  	s3 =	simm.s32 $0x108;
	s8 =	sld [smem:$0x3FB5]  }
0x2e: {  	s3 =	simm.s32 @!p0 $0x1082;
	s9 =	sld [smem:$0x3FB6]  }
0x2f: {  	lr =	sadd.s32 s0, s3;
	s0 =	sld [smem:$0x3FAD]  }
0x30: {  	s3 =	sld [smem:$0x3FB0]  }
0x31: {  	[smem:$0x3FB9] =	sst s10  }
0x32: {  	s10 =	sld [smem:$0x3FB7];
	_ =	sdelay $0x3  }
0x33: {  	p0 =	seq.s32 s10, $0x1;
	s10 =	sld [smem:$0x3FB9];
	_ =	sdelay $0x3  }
0x34: {  	[smem:$0x3FB9] =	sst s10  }
0x35: {  	s10 =	sld [smem:$0x3FB8];
	_ =	sdelay $0x3  }
0x36: {  	p1 =	seq.s32 s10, $0x1;
	s10 =	sld [smem:$0x3FB9];
	_ =	sdelay $0x3  }
0x37: {  	[smem:$0x3FB9] =	sst s10  }
0x38: {  	s10 =	sld [smem:$0x3FBA]  }
0x39: {  	_ = 	snop;
	(pc) =	sbr.ind lr, $3  }
0x3a: {  	_ = 	snop  }
0x3b: {  	_ = 	snop  }
0x3c: {  	p2 =	seq.s32 s10, $0x1;
	s10 =	sld [smem:$0x3FB9]  }
0x3d: {  	_ =	shalt  }
0x3e: {  	_ =	shalt  }
0x3f: {  	_ =	shalt  }
0x40: {  	_ =	shalt  }
0x41: {  	_ =	shalt  }
0x42: {  	_ =	shalt  }
0x43: {  	_ =	shalt  }
0x44: {  	_ =	shalt  }
0x45: {  	_ =	shalt  }
0x46: {  	_ =	shalt  }
0x47: {  	_ =	shalt  }
0x48: {  	_ =	shalt  }
0x49: {  	_ =	shalt  }
0x4a: {  	_ =	shalt  }
0x4b: {  	_ =	shalt  }
0x4c: {  	_ =	shalt  }
0x4d: {  	_ =	shalt  }
0x4e: {  	_ =	shalt  }
0x4f: {  	_ =	shalt  }
0x50: {  	_ =	shalt  }
0x51: {  	_ =	shalt  }
0x52: {  	_ =	shalt  }
0x53: {  	_ =	shalt  }
0x54: {  	_ =	shalt  }
0x55: {  	_ =	shalt  }
0x56: {  	_ =	shalt  }
0x57: {  	_ =	shalt  }
0x58: {  	_ =	shalt  }
0x59: {  	_ =	shalt  }
0x5a: {  	_ =	shalt  }
0x5b: {  	_ =	shalt  }
0x5c: {  	_ =	shalt  }
0x5d: {  	_ =	shalt  }
0x5e: {  	_ =	shalt  }
0x5f: {  	_ =	shalt  }
0x60: {  	_ =	shalt  }
0x61: {  	_ =	shalt  }
0x62: {  	_ =	shalt  }
0x63: {  	_ =	shalt  }
0x64: {  	_ =	shalt  }
0x65: {  	_ =	shalt  }
0x66: {  	_ =	shalt  }
0x67: {  	_ =	shalt  }
0x68: {  	_ =	shalt  }
0x69: {  	_ =	shalt  }
0x6a: {  	_ =	shalt  }
0x6b: {  	_ =	shalt  }
0x6c: {  	_ =	shalt  }
0x6d: {  	_ =	shalt  }
0x6e: {  	_ =	shalt  }
0x6f: {  	_ =	shalt  }
0x70: {  	_ =	shalt  }
0x71: {  	_ =	shalt  }
0x72: {  	_ =	shalt  }
0x73: {  	_ =	shalt  }
0x74: {  	_ =	shalt  }
0x75: {  	_ =	shalt  }
0x76: {  	_ =	shalt  }
0x77: {  	_ =	shalt  }
0x78: {  	_ =	shalt  }
0x79: {  	_ =	shalt  }
0x7a: {  	_ =	shalt  }
0x7b: {  	_ =	shalt  }
0x7c: {  	_ =	shalt  }
0x7d: {  	_ =	shalt  }
0x7e: {  	_ =	shalt  }
0x7f: {  	_ =	shalt  }
0x80: {  	_ =	shalt  }
0x81: {  	_ =	shalt  }
0x82: {  	_ =	shalt  }
0x83: {  	_ =	shalt  }
0x84: {  	_ =	shalt  }
0x85: {  	_ =	shalt  }
0x86: {  	_ =	shalt  }
0x87: {  	_ =	shalt  }
.Lfunc_end0:
.L_simem_size_0:
called_computation_lowered:
.L_overlay_start_0:
0x88: {  	s2 =	sld [smem:$0x3FD9]  }
0x89: {  	s3 =	sld [smem:$0x3FFE];
	_ =	sdelay $0x1  }
0x8a: {  	s1 =	srdreg.scid  }
0x8b: {  	s0 =	sand.u32 $0x1, s1  }
0x8c: {  	s17 =	sshll.u32 s0, $0xA;
	s2 =	sadd.s32 s3, s2  }
0x8d: {  	s2 =	sadd.s32 s2, s17  }
0x8e: {  	[smem:$0x3FC5] =	sst s2  }
0x8f: {  	_ = 	snop  }
0x90: {  	s2 =	sld [smem:$0x3FC9]  }
0x91: {  	s18 =	sld [smem:$0x3FC8];
	(tm) =	ssettm $0x1  }
0x92: {  	s4 =	sld [smem:$0x3FFB];
	_ =	sdelay $0x3  }
0x93: {  	_ =	strace s4  }
0x94: {  	s4 =	sld [smem:$0x3FFC];
	_ =	sdelay $0x3  }
0x95: {  	_ =	strace s4  }
0x96: {  	s4 =	sld [smem:$0x3FFD];
	_ =	sdelay $0x3  }
0x97: {  	_ =	strace s4  }
0x98: {  	_ =	strace $0x8FFFFFFF  }
0x99: {  	s19 =	sld [smem:$0x3FDB];
	_ =	sdelay $0x1  }
0x9a: {  	s5 =	simm.s32 $_scs_section_size  }
0x9b: {  	s6 =	simm.s32 $_size__tile_overlayer_lowered;
	s7 =	simm.s32 $_tile_overlayer_lowered  }
0x9c: {  	s22 =	simm.s32 $0x1BFF;
	s21 =	sshll.u32 s7, $0x1;
	s4 =	sadd.s32 s5, s19  }
0x9d: {  	s8 =	simm.s32 $0x0;
	s20 =	sshll.u32 s6, $0x1;
	s6 =	sadd.s32 s21, s4  }
0x9e: {  	[timem:s8], [sflag:s22] =	dma.local [hbm:s6], s20  }
0x9f: {  	_ =	swait.ge [sflag:s22], s20  }
0xa0: {  	s5 =	ssub.s32 $0x0, s20;
	[sflag:s22] =	ssyncset.done $0x0  }
0xa1: {  	[sflag:s22] =	ssyncadd.s32 s5;
	_ =	sdelay $0x1  }
0xa2: {  	s23 =	simm.s32 $0x1B8B  }
0xa3: {  	_ =	swait.ge [sflag:s23], $0x1  }
0xa4: {  	[sflag:s23] =	ssyncset.done $0x0  }
0xa5: {  	s25 =	simm.s32 $0x1B8E;
	s24 =	sld [smem:$0x3FFE];
	[sflag:s23] =	ssyncadd.s32 $0xFFFFFFFF  }
0xa6: {  	s26 =	simm.s32 $execute0_lowered;
	[smem:$0x3FD2] =	sst s25  }
0xa7: {  	s6 =	sshll.u32 s26, $0x1;
	_ =	strace $0x80000046;
	[dreg:$0x1] =	wrdreg $0xFFFFFFFF  }
0xa8: {  	s28 =	simm.s32 $_size_execute0_lowered;
	s4 =	sadd.s32 s4, s6;
	[dreg:$0x0] =	wrdreg $0x0  }
0xa9: {  	s6 =	sshll.u32 s28, $0x1;
	[dreg:$0x2] =	wrdreg s4  }
0xaa: {  	[dreg:$0x3] =	wrdreg s6  }
0xab: {  	[dreg:$0x4] =	wrdreg $0xC0  }
0xac: {  	_ =	task [dreg:s8], $0x5FFFF  }
0xad: {  	[dreg:$0x1] =	wrdreg $0xFFFFFFFF  }
0xae: {  	[dreg:$0x0] =	wrdreg $0x60  }
0xaf: {  	[dreg:$0x2] =	wrdreg s2  }
0xb0: {  	[dreg:$0x3] =	wrdreg s18  }
0xb1: {  	[dreg:$0x4] =	wrdreg s24  }
0xb2: {  	[dreg:$0x5] =	wrdreg $0x9  }
0xb3: {  	_ =	task.clear_ibuf [dreg:s8], $0x6FFFF;
	_ =	strace $0x90000046  }
0xb4: {  	s29 =	simm.s32 $0x9;
	_ =	strace $0x80000048  }
0xb5: {  	_ =	swait.ge [sflag:s29], $0x1  }
0xb6: {  	[sflag:s29] =	ssyncadd.s32 $0xFFFFFFFF  }
0xb7: {  	_ =	strace $0x90000048  }
0xb8: {  	_ =	sfence  }
0xb9: {  	s30 =	sld [smem:$0x0];
	_ =	sdelay $0x2  }
0xba: {  	s31 =	sshll.u32 s1, $0xD;
	s1 =	sshrl.u32 s1, $0x2  }
0xbb: {  	s3 =	sand.u32 $0x4000, s31;
	s1 =	sadd.s32 s1, s30  }
0xbc: {  	s0 =	sor.u32 s3, s0;
	s1 =	sshll.u32 s1, $0x11  }
0xbd: {  	s0 =	sor.u32 s1, s0  }
0xbe: {  	s0 =	sadd.s32 $0x8F2B, s0  }
0xbf: {  	[sflag:s0] =	ssyncadd.remote.s32 $0x1  }
0xc0: {  	_ =	sfence.sel $0xFFFF  }
0xc1: {  	[dreg:$0x0] =	wrdreg $0xFFFFFFFF;
	(pc) =	sbr.abs _section_cstart, $3  }
0xc2: {  	[dreg:$0x1] =	wrdreg $0xFFFFFFFF  }
0xc3: {  	_ =	task.clear_ibuf [dreg:s8], $0x2FFFF;
	_ =	strace $0x9FFFFFFF  }
0xc4: {  	(tm) =	ssettm $0x7FFFFFFF  }
0xc5: {  	_ =	shalt  }
tec
execute0_lowered:
.L_overlay_start_1:
0x0: {  	(tag) =	ssettag $0x1  }
0x1: {  	s7 =	rddreg [dreg:$0x0]  }
0x2: {  	s1 =	srdreg.scid;
	s2 =	rddreg [dreg:$0x1]  }
0x3: {  	s0 =	stileid.u32;
	s5 =	rddreg [dreg:$0x2];
	s3 =	simm.s32 $0x0  }
0x4: {  	s16 =	simm.s32 $0x5;
	s17 =	simm.s32 $0x80;
	s18 =	simm.s32 $0x880  }
0x5: {  	s19 =	simm.s32 $0x1080;
	s4 =	sand.u32 $0x1, s1;
	s30 =	sshll.u32 s0, $0x1  }
0x6: {  	s20 =	simm.s32 $0x1;
	s21 =	simm.s32 $0x1880;
	s1 =	sor.u32 s4, s30  }
0x7: {  	s22 =	simm.s32 $0xA880;
	s23 =	simm.s32 $0x3;
	s6 =	smul.u32 $0xC0, s1  }
0x8: {  	s24 =	simm.s32 $0x2;
	s25 =	simm.s32 $0x4;
	s26 =	simm.s32 $0x0  }
0x9: {  	[smem:$0x7FF] =	sst s3;
	s8 =	ssub.s32 $0x2, s4;
	s6 =	sshrl.u32 s6, $0x3  }
0xa: {  	s12 =	sadd.s32 $0x600, s5;
	s10 =	sshrl.u32 s8, $0x1;
	s9 =	smul.u32 $0x300, s6  }
0xb: {  	_ =	strace $0x80000047;
	s15 =	ssub.s32 s8, s10;
	s11 =	smul.u32 $0x1800, s6  }
0xc: {  	s4 =	sadd.s32 $0x400, s5;
	s5 =	sadd.s32 $0x100, s2;
	s15 =	smax.u32 s15, $0x1  }
0xd: {  	s6 =	sadd.s32 $0x200, s2;
	s13 =	sadd.s32 s7, s9;
	s31 =	sshrl.u32 s11, $0x3  }
0xe: {  	v0 =	vlaneseq.u32;
	s9 =	sadd.s32 s12, s9;
	s7 =	sadd.s32 $0x120000, s13;
	s8 =	sadd.s32 $0x121200, s13  }
0xf: {  	v1 =	vshrl.u32 v0, $0x3;
	s11 =	sadd.s32 s12, s31;
	s10 =	sadd.s32 $0x122400, s13;
	s12 =	sadd.s32 $0x123600, s13  }
0x10: {  	vm0 =	vmmov $0xffff;
	v0 =	vand.u32 $0x7, v0;
	v1 =	vmul.u32 $0x8, v1;
	s13 =	sadd.s32 $0x2400, s9;
	s14 =	sadd.s32 $0x3600, s9;
	s11 =	sadd.s32 $0x1200, s11  }
.LBB2_1:
0x11: {  	[tilespmem:s3], [sflag:$0x5] =	stream.linear.gather [hbm4b:s4+s3], $0x80, $0x38;
	[tilespmem:$0x13880] =	vst v63  }
0x12: {  	_ =	swait.ge [sflag:s16], $0x80  }
0x13: {  	[sflag:s16] =	ssyncset.done $0x0  }
0x14: {  	[sflag:s16] =	ssyncadd.s32 $0xFFFFFF80  }
0x15: {  	v2 =	vld.msk [tilespmem:$0x0], $0xff;
	_ =	sdelay $0x4  }
0x16: {  	v3 =	vshrl.u32 v2, $0x3  }
0x17: {  	v3 =	vmul.u32 $0x30, v3  }
0x18: {  	v2 =	vand.u32 $0x7, v2  }
0x19: {  	v2 =	vor.u32 v2, v3  }
0x1a: {  	v2 =	vperm.xlane v2, v0;
	_ =	sdelay $0x1  }
0x1b: {  	v2 =	vadd.s32 v1, v2;
	_ =	sdelay $0x4  }
0x1c: {  	[tilespmem:s17], [sflag:$0x1] =	stream.indirect_vreg.gather [hbm4b:s2+s3], $0x80, v2, vm0, $0xb8;
	[tilespmem:$0x13880] =	vst v63  }
0x1d: {  	_ = 	snop  }
0x1e: {  	[tilespmem:s18], [sflag:$0x1] =	stream.indirect_vreg.gather [hbm4b:s5+s3], $0x80, v2, vm0, $0xb8;
	[tilespmem:$0x13880] =	vst v63  }
0x1f: {  	_ = 	snop  }
0x20: {  	[tilespmem:s19], [sflag:$0x1] =	stream.indirect_vreg.gather [hbm4b:s6+s3], $0x80, v2, vm0, $0xb8;
	[tilespmem:$0x13880] =	vst v63  }
0x21: {  	_ =	swait.ge [sflag:s20], $0x1800  }
0x22: {  	[sflag:s20] =	ssyncset.done $0x0  }
0x23: {  	[sflag:s20] =	ssyncadd.s32 $0xFFFFE800  }
0x24: {  	v2 =	vld [tilespmem:$0x80]  }
0x25: {  	v3 =	vld [tilespmem:$0x90]  }
0x26: {  	v4 =	vld [tilespmem:$0xA0]  }
0x27: {  	v5 =	vld [tilespmem:$0xB0]  }
0x28: {  	v6 =	vld [tilespmem:$0xC0]  }
0x29: {  	v7 =	vld [tilespmem:$0xD0]  }
0x2a: {  	v8 =	vld [tilespmem:$0xE0]  }
0x2b: {  	v9 =	vld [tilespmem:$0xF0]  }
0x2c: {  	v10 =	vld [tilespmem:$0x480]  }
0x2d: {  	v11 =	vld [tilespmem:$0x490]  }
0x2e: {  	v12 =	vld [tilespmem:$0x4A0]  }
0x2f: {  	v13 =	vld [tilespmem:$0x4B0]  }
0x30: {  	v14 =	vld [tilespmem:$0x4C0]  }
0x31: {  	v15 =	vld [tilespmem:$0x4D0]  }
0x32: {  	v16 =	vld [tilespmem:$0x4E0]  }
0x33: {  	v17 =	vld [tilespmem:$0x4F0]  }
0x34: {  	v18 =	vld [tilespmem:$0x880]  }
0x35: {  	v19 =	vld [tilespmem:$0x890]  }
0x36: {  	v20 =	vld [tilespmem:$0x8A0]  }
0x37: {  	v21 =	vld [tilespmem:$0x8B0]  }
0x38: {  	v22 =	vld [tilespmem:$0x8C0]  }
0x39: {  	v23 =	vld [tilespmem:$0x8D0]  }
0x3a: {  	v25 =	vld [tilespmem:$0x8E0]  }
0x3b: {  	v27 =	vld [tilespmem:$0x8F0]  }
0x3c: {  	v29 =	vld [tilespmem:$0xC80]  }
0x3d: {  	v31 =	vld [tilespmem:$0xC90]  }
0x3e: {  	v33 =	vld [tilespmem:$0xCA0]  }
0x3f: {  	v34 =	vld [tilespmem:$0xCB0]  }
0x40: {  	v36 =	vld [tilespmem:$0xCC0]  }
0x41: {  	v37 =	vld [tilespmem:$0xCD0]  }
0x42: {  	v39 =	vld [tilespmem:$0xCE0]  }
0x43: {  	v41 =	vld [tilespmem:$0xCF0]  }
0x44: {  	v42 =	vld [tilespmem:$0x1080]  }
0x45: {  	v44 =	vld [tilespmem:$0x1090]  }
0x46: {  	v45 =	vld [tilespmem:$0x10A0]  }
0x47: {  	v47 =	vld [tilespmem:$0x10B0]  }
0x48: {  	v48 =	vld [tilespmem:$0x10C0]  }
0x49: {  	v49 =	vld [tilespmem:$0x10D0]  }
0x4a: {  	v46 =	vld [tilespmem:$0x10E0]  }
0x4b: {  	v43 =	vld [tilespmem:$0x10F0]  }
0x4c: {  	v40 =	vld [tilespmem:$0x1480]  }
0x4d: {  	v38 =	vld [tilespmem:$0x1490]  }
0x4e: {  	v35 =	vld [tilespmem:$0x14A0]  }
0x4f: {  	v32 =	vld [tilespmem:$0x14B0]  }
0x50: {  	v30 =	vld [tilespmem:$0x14C0]  }
0x51: {  	v28 =	vld [tilespmem:$0x14D0]  }
0x52: {  	s28 =	simm.s32 $0x0;
	v26 =	vld [tilespmem:$0x14E0]  }
0x53: {  	v24 =	vld [tilespmem:$0x14F0];
	[tilespmem:s21], [sflag:$0x1] =	stream.linear.gather [hbm4b:s7+s3], $0x9000, $0x38  }
0x54: {  	s28 =	smul.u32 $0x6000, s28  }
0x55: {  	[tilespmem:s22], [sflag:$0x2] =	stream.linear.gather [hbm4b:s8+s3], $0x9000, $0x38;
	[tilespmem:$0x13880] =	vst v63  }
0x56: {  	_ =	swait.ge [sflag:s20], $0x9000  }
0x57: {  	s29 =	sand.u32 $0x380, s3;
	s28 =	sshra.s32 s28, $0x2;
	[sflag:s20] =	ssyncset.done $0x0  }
0x58: {  	s28 =	sor.u32 s29, s28;
	[sflag:s20] =	ssyncadd.s32 $0xFFFF7000  }
0x59: {  	v50 =	vld [tilespmem:s28+$0x1880]  }
0x5a: {  	v51 =	vld [tilespmem:s28+$0x1890]  }
0x5b: {  	v52 =	vld [tilespmem:s28+$0x18A0]  }
0x5c: {  	v53 =	vld [tilespmem:s28+$0x18B0]  }
0x5d: {  	v54 =	vld [tilespmem:s28+$0x18C0]  }
0x5e: {  	v55 =	vld [tilespmem:s28+$0x18D0]  }
0x5f: {  	v56 =	vld [tilespmem:s28+$0x18E0]  }
0x60: {  	v58 =	vld [tilespmem:s28+$0x1C80];
	v50 =	vadd.f32 v50, v2  }
0x61: {  	v60 =	vld [tilespmem:s28+$0x1C90];
	v51 =	vadd.f32 v51, v3  }
0x62: {  	v62 =	vld [tilespmem:s28+$0x1CA0];
	v63 =	vadd.f32 v52, v4;
	[tilespmem:s28+$0x1880] =	vst v50  }
0x63: {  	v52 =	vld [tilespmem:s28+$0x18F0];
	v57 =	vadd.f32 v53, v5;
	[tilespmem:s28+$0x1890] =	vst v51  }
0x64: {  	v59 =	vadd.f32 v54, v6;
	v54 =	vld [tilespmem:s28+$0x2090];
	[tilespmem:s28+$0x18A0] =	vst v63  }
0x65: {  	v61 =	vadd.f32 v55, v7;
	[tilespmem:s28+$0x18B0] =	vst v57;
	v57 =	vld [tilespmem:s28+$0x1CB0]  }
0x66: {  	v58 =	vadd.f32 v58, v10;
	[tilespmem:s28+$0x18C0] =	vst v59;
	v59 =	vadd.f32 v60, v11;
	v60 =	vld [tilespmem:s28+$0x1CC0]  }
0x67: {  	v63 =	vadd.f32 v56, v8;
	[tilespmem:s28+$0x18D0] =	vst v61;
	v51 =	vld [tilespmem:s28+$0x2080]  }
0x68: {  	[tilespmem:s28+$0x1C80] =	vst v58;
	v61 =	vadd.f32 v62, v12;
	v62 =	vld [tilespmem:s28+$0x1CE0]  }
0x69: {  	[tilespmem:s28+$0x18E0] =	vst v63;
	v63 =	vld [tilespmem:s28+$0x1CF0]  }
0x6a: {  	v50 =	vld [tilespmem:s28+$0x1CD0];
	[tilespmem:s28+$0x1C90] =	vst v59;
	v56 =	vadd.f32 v52, v9  }
0x6b: {  	[tilespmem:s28+$0x1CA0] =	vst v61;
	v61 =	vld [tilespmem:s28+$0x20B0];
	v54 =	vadd.f32 v54, v19  }
0x6c: {  	[tilespmem:s28+$0x18F0] =	vst v56;
	v52 =	vadd.f32 v57, v13;
	v53 =	vadd.f32 v60, v14;
	v60 =	vld [tilespmem:s28+$0x20A0]  }
0x6d: {  	v55 =	vadd.f32 v62, v16;
	v62 =	vld [tilespmem:s28+$0x20C0];
	v51 =	vadd.f32 v51, v18;
	[tilespmem:s28+$0x2090] =	vst v54  }
0x6e: {  	[tilespmem:s28+$0x1CB0] =	vst v52;
	v56 =	vadd.f32 v63, v17;
	v63 =	vld [tilespmem:s28+$0x20D0]  }
0x6f: {  	v50 =	vadd.f32 v50, v15;
	[tilespmem:s28+$0x2080] =	vst v51;
	v51 =	vld [tilespmem:s28+$0x2490]  }
0x70: {  	[tilespmem:s28+$0x1CC0] =	vst v53;
	v52 =	vld [tilespmem:s28+$0x2480]  }
0x71: {  	[tilespmem:s28+$0x1CD0] =	vst v50  }
0x72: {  	[tilespmem:s28+$0x1CE0] =	vst v55;
	v53 =	vadd.f32 v61, v21;
	v61 =	vld [tilespmem:s28+$0x20F0]  }
0x73: {  	[tilespmem:s28+$0x1CF0] =	vst v56;
	v59 =	vadd.f32 v60, v20;
	v60 =	vld [tilespmem:s28+$0x20E0]  }
0x74: {  	[tilespmem:s28+$0x20B0] =	vst v53;
	v50 =	vadd.f32 v62, v22;
	v62 =	vld [tilespmem:s28+$0x24A0];
	v51 =	vadd.f32 v51, v31  }
0x75: {  	[tilespmem:s28+$0x20A0] =	vst v59;
	v55 =	vadd.f32 v63, v23;
	v63 =	vld [tilespmem:s28+$0x24B0];
	v52 =	vadd.f32 v52, v29  }
0x76: {  	[tilespmem:s28+$0x2490] =	vst v51;
	v51 =	vld [tilespmem:s28+$0x2880]  }
0x77: {  	[tilespmem:s28+$0x2480] =	vst v52;
	v52 =	vld [tilespmem:s28+$0x2890]  }
0x78: {  	[tilespmem:s28+$0x20C0] =	vst v50;
	v56 =	vadd.f32 v61, v27;
	v54 =	vadd.f32 v60, v25;
	v60 =	vld [tilespmem:s28+$0x24C0]  }
0x79: {  	[tilespmem:s28+$0x20D0] =	vst v55  }
0x7a: {  	[tilespmem:s28+$0x20F0] =	vst v56;
	v61 =	vadd.f32 v62, v33;
	v62 =	vld [tilespmem:s28+$0x24E0]  }
0x7b: {  	[tilespmem:s28+$0x20E0] =	vst v54;
	v54 =	vld [tilespmem:s28+$0x24D0];
	v50 =	vadd.f32 v63, v34  }
0x7c: {  	[tilespmem:s28+$0x24A0] =	vst v61;
	v63 =	vld [tilespmem:s28+$0x24F0];
	v51 =	vadd.f32 v51, v42  }
0x7d: {  	[tilespmem:s28+$0x24B0] =	vst v50;
	v52 =	vadd.f32 v52, v44;
	v55 =	vadd.f32 v60, v36;
	v60 =	vld [tilespmem:s28+$0x28A0]  }
0x7e: {  	v61 =	vld [tilespmem:s28+$0x28B0];
	[tilespmem:s28+$0x2880] =	vst v51  }
0x7f: {  	v57 =	vld [tilespmem:s28+$0x28C0];
	v53 =	vadd.f32 v62, v39;
	[tilespmem:s28+$0x2890] =	vst v52  }
0x80: {  	v58 =	vld [tilespmem:s28+$0x28D0];
	v54 =	vadd.f32 v54, v37;
	[tilespmem:s28+$0x24C0] =	vst v55  }
0x81: {  	v62 =	vadd.f32 v63, v41;
	[tilespmem:s28+$0x24E0] =	vst v53;
	v53 =	vld [tilespmem:s28+$0x28E0]  }
0x82: {  	[tilespmem:s28+$0x24D0] =	vst v54;
	v54 =	vld [tilespmem:s28+$0x28F0];
	v50 =	vadd.f32 v60, v45  }
0x83: {  	v51 =	vld [tilespmem:s28+$0x2C80];
	v63 =	vadd.f32 v61, v47;
	[tilespmem:s28+$0x24F0] =	vst v62  }
0x84: {  	v56 =	vadd.f32 v57, v48;
	[tilespmem:s28+$0x28A0] =	vst v50;
	v50 =	vld [tilespmem:s28+$0x2C90]  }
0x85: {  	s30 =	simm.s32 $0x0;
	s29 =	simm.s32 $0x1;
	v52 =	vld [tilespmem:s28+$0x2CA0];
	v55 =	vadd.f32 v58, v49;
	[tilespmem:s28+$0x28B0] =	vst v63  }
.LBB2_2:
0x86: {  	s31 =	sshrl.u32 s29, $0x3;
	p0 =	sne.s32 s29, $0x2F;
	[tilespmem:s28+$0x28C0] =	vst v56;
	v53 =	vadd.f32 v53, v46;
	v56 =	vld [tilespmem:s28+$0x2CB0]  }
0x87: {  	s31 =	smul.u32 $0x6000, s31;
	[tilespmem:s28+$0x28D0] =	vst v55;
	v54 =	vadd.f32 v54, v43;
	v55 =	vld [tilespmem:s28+$0x2CC0]  }
0x88: {  	s30 =	sadd.s32 $0x80, s30;
	[tilespmem:s28+$0x28E0] =	vst v53;
	v51 =	vadd.f32 v51, v40;
	v53 =	vld [tilespmem:s28+$0x2CD0]  }
0x89: {  	s1 =	sand.u32 $0x380, s30;
	s31 =	sshra.s32 s31, $0x2;
	[tilespmem:s28+$0x28F0] =	vst v54;
	v50 =	vadd.f32 v50, v38;
	v54 =	vld [tilespmem:s28+$0x2CE0]  }
0x8a: {  	s1 =	sor.u32 s1, s31;
	[tilespmem:s28+$0x2C80] =	vst v51;
	v51 =	vadd.f32 v52, v35;
	v52 =	vld [tilespmem:s28+$0x2CF0]  }
0x8b: {  	v57 =	vld [tilespmem:s1+$0x1880];
	[tilespmem:s28+$0x2C90] =	vst v50;
	v50 =	vadd.f32 v56, v32  }
0x8c: {  	v56 =	vld [tilespmem:s1+$0x1890];
	[tilespmem:s28+$0x2CA0] =	vst v51;
	v51 =	vadd.f32 v55, v30  }
0x8d: {  	v55 =	vld [tilespmem:s1+$0x18A0];
	[tilespmem:s28+$0x2CB0] =	vst v50;
	v50 =	vadd.f32 v53, v28  }
0x8e: {  	v53 =	vld [tilespmem:s1+$0x18B0];
	[tilespmem:s28+$0x2CC0] =	vst v51;
	v51 =	vadd.f32 v54, v26  }
0x8f: {  	v54 =	vld [tilespmem:s1+$0x18C0];
	[tilespmem:s28+$0x2CD0] =	vst v50;
	v50 =	vadd.f32 v52, v24  }
0x90: {  	v52 =	vadd.f32 v57, v2;
	v57 =	vld [tilespmem:s1+$0x18D0];
	[tilespmem:s28+$0x2CE0] =	vst v51  }
0x91: {  	v51 =	vadd.f32 v56, v3;
	v56 =	vld [tilespmem:s1+$0x18E0];
	[tilespmem:s28+$0x2CF0] =	vst v50;
	s28 =	smov.u32 s1  }
0x92: {  	[tilespmem:s28+$0x1880] =	vst v52;
	v50 =	vadd.f32 v55, v4;
	v52 =	vld [tilespmem:s28+$0x18F0]  }
0x93: {  	[tilespmem:s28+$0x1890] =	vst v51;
	v51 =	vadd.f32 v53, v5;
	v53 =	vld [tilespmem:s28+$0x1C80]  }
0x94: {  	[tilespmem:s28+$0x18A0] =	vst v50;
	v50 =	vadd.f32 v54, v6;
	v54 =	vld [tilespmem:s28+$0x1C90]  }
0x95: {  	[tilespmem:s28+$0x18B0] =	vst v51;
	v51 =	vadd.f32 v57, v7;
	v55 =	vld [tilespmem:s28+$0x1CA0]  }
0x96: {  	[tilespmem:s28+$0x18C0] =	vst v50;
	v50 =	vadd.f32 v56, v8;
	v56 =	vld [tilespmem:s28+$0x1CB0]  }
0x97: {  	[tilespmem:s28+$0x18D0] =	vst v51;
	v51 =	vadd.f32 v52, v9;
	v52 =	vld [tilespmem:s28+$0x1CC0]  }
0x98: {  	[tilespmem:s28+$0x18E0] =	vst v50;
	v50 =	vadd.f32 v53, v10;
	v53 =	vld [tilespmem:s28+$0x1CD0]  }
0x99: {  	[tilespmem:s28+$0x18F0] =	vst v51;
	v51 =	vadd.f32 v54, v11;
	v54 =	vld [tilespmem:s28+$0x1CE0]  }
0x9a: {  	[tilespmem:s28+$0x1C80] =	vst v50;
	v50 =	vadd.f32 v55, v12;
	v55 =	vld [tilespmem:s28+$0x1CF0]  }
0x9b: {  	[tilespmem:s28+$0x1C90] =	vst v51;
	v51 =	vadd.f32 v56, v13;
	v56 =	vld [tilespmem:s28+$0x2080]  }
0x9c: {  	[tilespmem:s28+$0x1CA0] =	vst v50;
	v50 =	vadd.f32 v52, v14;
	v52 =	vld [tilespmem:s28+$0x2090]  }
0x9d: {  	[tilespmem:s28+$0x1CB0] =	vst v51;
	v51 =	vadd.f32 v53, v15;
	v53 =	vld [tilespmem:s28+$0x20A0]  }
0x9e: {  	[tilespmem:s28+$0x1CC0] =	vst v50;
	v50 =	vadd.f32 v54, v16;
	v54 =	vld [tilespmem:s28+$0x20B0]  }
0x9f: {  	[tilespmem:s28+$0x1CD0] =	vst v51;
	v51 =	vadd.f32 v55, v17;
	v55 =	vld [tilespmem:s28+$0x20C0]  }
0xa0: {  	[tilespmem:s28+$0x1CE0] =	vst v50;
	v50 =	vadd.f32 v56, v18;
	v56 =	vld [tilespmem:s28+$0x20D0]  }
0xa1: {  	[tilespmem:s28+$0x1CF0] =	vst v51;
	v51 =	vadd.f32 v52, v19;
	v52 =	vld [tilespmem:s28+$0x20E0]  }
0xa2: {  	[tilespmem:s28+$0x2080] =	vst v50;
	v50 =	vadd.f32 v53, v20;
	v53 =	vld [tilespmem:s28+$0x20F0]  }
0xa3: {  	[tilespmem:s28+$0x2090] =	vst v51;
	v51 =	vadd.f32 v54, v21;
	v54 =	vld [tilespmem:s28+$0x2480]  }
0xa4: {  	[tilespmem:s28+$0x20A0] =	vst v50;
	v50 =	vadd.f32 v55, v22;
	v55 =	vld [tilespmem:s28+$0x2490]  }
0xa5: {  	[tilespmem:s28+$0x20B0] =	vst v51;
	v51 =	vadd.f32 v56, v23;
	v56 =	vld [tilespmem:s28+$0x24A0]  }
0xa6: {  	[tilespmem:s28+$0x20C0] =	vst v50;
	v50 =	vadd.f32 v52, v25;
	v52 =	vld [tilespmem:s28+$0x24B0]  }
0xa7: {  	[tilespmem:s28+$0x20D0] =	vst v51;
	v51 =	vadd.f32 v53, v27;
	v53 =	vld [tilespmem:s28+$0x24C0]  }
0xa8: {  	[tilespmem:s28+$0x20E0] =	vst v50;
	v50 =	vadd.f32 v54, v29;
	v54 =	vld [tilespmem:s28+$0x24D0]  }
0xa9: {  	[tilespmem:s28+$0x20F0] =	vst v51;
	v51 =	vadd.f32 v55, v31;
	v55 =	vld [tilespmem:s28+$0x24E0]  }
0xaa: {  	[tilespmem:s28+$0x2480] =	vst v50;
	v50 =	vadd.f32 v56, v33;
	v56 =	vld [tilespmem:s28+$0x24F0]  }
0xab: {  	[tilespmem:s28+$0x2490] =	vst v51;
	v51 =	vadd.f32 v52, v34;
	v52 =	vld [tilespmem:s28+$0x2880]  }
0xac: {  	[tilespmem:s28+$0x24A0] =	vst v50;
	v50 =	vadd.f32 v53, v36;
	v53 =	vld [tilespmem:s28+$0x2890]  }
0xad: {  	[tilespmem:s28+$0x24B0] =	vst v51;
	v51 =	vadd.f32 v54, v37;
	v54 =	vld [tilespmem:s28+$0x28A0]  }
0xae: {  	[tilespmem:s28+$0x24C0] =	vst v50;
	v50 =	vadd.f32 v55, v39;
	v55 =	vld [tilespmem:s28+$0x28B0]  }
0xaf: {  	[tilespmem:s28+$0x24D0] =	vst v51;
	v51 =	vadd.f32 v56, v41;
	v56 =	vld [tilespmem:s28+$0x28C0]  }
0xb0: {  	[tilespmem:s28+$0x24E0] =	vst v50;
	v50 =	vadd.f32 v52, v42;
	v52 =	vld [tilespmem:s28+$0x28D0]  }
.Ltmp0:
0xb1: {  	[tilespmem:s28+$0x24F0] =	vst v51;
	v51 =	vadd.f32 v53, v44;
	v53 =	vld [tilespmem:s28+$0x28E0];
	(pc) =	sbr.rel @p0 .LBB2_2-.Ltmp0, $4  }
0xb2: {  	[tilespmem:s28+$0x2880] =	vst v50;
	v50 =	vadd.f32 v54, v45;
	v54 =	vld [tilespmem:s28+$0x28F0]  }
0xb3: {  	[tilespmem:s28+$0x2890] =	vst v51;
	v55 =	vadd.f32 v55, v47;
	v51 =	vld [tilespmem:s28+$0x2C80]  }
0xb4: {  	[tilespmem:s28+$0x28A0] =	vst v50;
	v56 =	vadd.f32 v56, v48;
	v50 =	vld [tilespmem:s28+$0x2C90]  }
0xb5: {  	s29 =	sadd.s32 $0x1, s29;
	[tilespmem:s28+$0x28B0] =	vst v55;
	v55 =	vadd.f32 v52, v49;
	v52 =	vld [tilespmem:s28+$0x2CA0]  }
0xb6: {  	[tilespmem:s28+$0x28C0] =	vst v56;
	v62 =	vld [tilespmem:s28+$0x2CB0];
	v53 =	vadd.f32 v53, v46  }
0xb7: {  	v63 =	vld [tilespmem:s28+$0x2CC0];
	[tilespmem:s28+$0x28D0] =	vst v55;
	v54 =	vadd.f32 v54, v43  }
0xb8: {  	v57 =	vld [tilespmem:s28+$0x2CD0];
	[tilespmem:s28+$0x28E0] =	vst v53;
	v51 =	vadd.f32 v51, v40  }
0xb9: {  	v58 =	vld [tilespmem:s28+$0x2CE0];
	[tilespmem:s28+$0x28F0] =	vst v54;
	v50 =	vadd.f32 v50, v38  }
0xba: {  	v60 =	vld [tilespmem:s28+$0x2CF0];
	[tilespmem:s28+$0x2C80] =	vst v51;
	v59 =	vadd.f32 v52, v35  }
0xbb: {  	[tilespmem:s28+$0x2C90] =	vst v50;
	v61 =	vadd.f32 v62, v32  }
0xbc: {  	v62 =	vadd.f32 v63, v30;
	[tilespmem:s28+$0x2CA0] =	vst v59  }
0xbd: {  	v63 =	vadd.f32 v57, v28;
	[tilespmem:s28+$0x2CB0] =	vst v61  }
0xbe: {  	v55 =	vadd.f32 v58, v26;
	[tilespmem:s28+$0x2CC0] =	vst v62  }
0xbf: {  	v56 =	vadd.f32 v60, v24;
	[tilespmem:s28+$0x2CD0] =	vst v63  }
0xc0: {  	[tilespmem:s28+$0x2CE0] =	vst v55  }
0xc1: {  	s29 =	simm.s32 $0x0;
	[tilespmem:s28+$0x2CF0] =	vst v56  }
0xc2: {  	[hbm4b:s9+s29] =	stream.linear.scatter [tilespmem:s21], [sflag:$0x3], $0x9000, $0x38;
	[tilespmem:$0x13880] =	vst v63  }
0xc3: {  	_ =	swait.ge [sflag:s23], $0x9000  }
0xc4: {  	s1 =	simm.s32 $0x0;
	[sflag:s23] =	ssyncset.done $0x0  }
0xc5: {  	s1 =	smul.u32 $0x6000, s1;
	[sflag:s23] =	ssyncadd.s32 $0xFFFF7000  }
0xc6: {  	[tilespmem:s21], [sflag:$0x1] =	stream.linear.gather [hbm4b:s10+s29], $0x9000, $0x38;
	[tilespmem:$0x13880] =	vst v63  }
0xc7: {  	_ =	swait.ge [sflag:s24], $0x9000  }
0xc8: {  	s1 =	sshra.s32 s1, $0x2;
	s28 =	sand.u32 $0x380, s29;
	[sflag:s24] =	ssyncset.done $0x0  }
0xc9: {  	s28 =	sor.u32 s28, s1;
	[sflag:s24] =	ssyncadd.s32 $0xFFFF7000  }
0xca: {  	v57 =	vld [tilespmem:s28+$0xA880]  }
0xcb: {  	v58 =	vld [tilespmem:s28+$0xA890]  }
0xcc: {  	v59 =	vld [tilespmem:s28+$0xA8A0]  }
0xcd: {  	v60 =	vld [tilespmem:s28+$0xA8B0]  }
0xce: {  	v61 =	vld [tilespmem:s28+$0xA8C0]  }
0xcf: {  	v63 =	vld [tilespmem:s28+$0xA8E0];
	_ =	sdelay $0x1  }
0xd0: {  	v62 =	vld [tilespmem:s28+$0xA8D0];
	v50 =	vadd.f32 v57, v2  }
0xd1: {  	v51 =	vadd.f32 v58, v3;
	v53 =	vadd.f32 v60, v5;
	v60 =	vld [tilespmem:s28+$0xA8F0]  }
0xd2: {  	v52 =	vadd.f32 v59, v4;
	v54 =	vadd.f32 v61, v6;
	v61 =	vld [tilespmem:s28+$0xACA0];
	[tilespmem:s28+$0xA880] =	vst v50  }
0xd3: {  	v55 =	vadd.f32 v63, v8;
	v63 =	vld [tilespmem:s28+$0xACC0];
	[tilespmem:s28+$0xA890] =	vst v51  }
0xd4: {  	v51 =	vld [tilespmem:s28+$0xAC80];
	[tilespmem:s28+$0xA8A0] =	vst v52  }
0xd5: {  	[tilespmem:s28+$0xA8B0] =	vst v53;
	v50 =	vadd.f32 v62, v7;
	v62 =	vld [tilespmem:s28+$0xACB0]  }
0xd6: {  	v52 =	vld [tilespmem:s28+$0xAC90];
	[tilespmem:s28+$0xA8C0] =	vst v54  }
0xd7: {  	[tilespmem:s28+$0xA8E0] =	vst v55;
	v56 =	vadd.f32 v60, v9  }
0xd8: {  	v55 =	vld [tilespmem:s28+$0xACD0];
	[tilespmem:s28+$0xA8D0] =	vst v50;
	v60 =	vadd.f32 v61, v12  }
0xd9: {  	v61 =	vld [tilespmem:s28+$0xACE0];
	v50 =	vadd.f32 v63, v14;
	[tilespmem:s28+$0xA8F0] =	vst v56  }
0xda: {  	v51 =	vadd.f32 v51, v10;
	v54 =	vadd.f32 v62, v13;
	[tilespmem:s28+$0xACA0] =	vst v60;
	v62 =	vld [tilespmem:s28+$0xACF0]  }
0xdb: {  	v63 =	vld [tilespmem:s28+$0xB0A0];
	v52 =	vadd.f32 v52, v11;
	[tilespmem:s28+$0xACC0] =	vst v50  }
0xdc: {  	v60 =	vld [tilespmem:s28+$0xB0B0];
	[tilespmem:s28+$0xAC80] =	vst v51  }
0xdd: {  	v55 =	vadd.f32 v55, v15;
	[tilespmem:s28+$0xAC90] =	vst v52;
	v52 =	vld [tilespmem:s28+$0xB080]  }
0xde: {  	v51 =	vld [tilespmem:s28+$0xB090];
	[tilespmem:s28+$0xACB0] =	vst v54;
	v53 =	vadd.f32 v61, v16  }
0xdf: {  	[tilespmem:s28+$0xACD0] =	vst v55;
	v61 =	vld [tilespmem:s28+$0xB0C0];
	v56 =	vadd.f32 v62, v17  }
0xe0: {  	[tilespmem:s28+$0xACE0] =	vst v53;
	v53 =	vld [tilespmem:s28+$0xB0D0];
	v62 =	vadd.f32 v63, v20  }
0xe1: {  	v63 =	vld [tilespmem:s28+$0xB0E0];
	v50 =	vadd.f32 v60, v21;
	[tilespmem:s28+$0xACF0] =	vst v56  }
0xe2: {  	v60 =	vld [tilespmem:s28+$0xB0F0];
	v52 =	vadd.f32 v52, v18;
	[tilespmem:s28+$0xB0A0] =	vst v62  }
0xe3: {  	v51 =	vadd.f32 v51, v19;
	[tilespmem:s28+$0xB0B0] =	vst v50;
	v62 =	vld [tilespmem:s28+$0xB4B0]  }
0xe4: {  	v55 =	vadd.f32 v61, v22;
	v61 =	vld [tilespmem:s28+$0xB4A0];
	[tilespmem:s28+$0xB080] =	vst v52  }
0xe5: {  	[tilespmem:s28+$0xB090] =	vst v51;
	v51 =	vld [tilespmem:s28+$0xB480];
	v53 =	vadd.f32 v53, v23  }
0xe6: {  	v52 =	vld [tilespmem:s28+$0xB490];
	[tilespmem:s28+$0xB0C0] =	vst v55;
	v54 =	vadd.f32 v63, v25  }
0xe7: {  	v63 =	vld [tilespmem:s28+$0xB4C0];
	v56 =	vadd.f32 v60, v27;
	[tilespmem:s28+$0xB0D0] =	vst v53  }
0xe8: {  	v60 =	vld [tilespmem:s28+$0xB4D0];
	[tilespmem:s28+$0xB0E0] =	vst v54;
	v55 =	vadd.f32 v62, v34  }
0xe9: {  	[tilespmem:s28+$0xB0F0] =	vst v56;
	v62 =	vld [tilespmem:s28+$0xB4F0];
	v50 =	vadd.f32 v61, v33  }
0xea: {  	v61 =	vld [tilespmem:s28+$0xB4E0];
	v51 =	vadd.f32 v51, v29;
	[tilespmem:s28+$0xB4B0] =	vst v55  }
0xeb: {  	v52 =	vadd.f32 v52, v31;
	[tilespmem:s28+$0xB4A0] =	vst v50;
	v50 =	vld [tilespmem:s28+$0xB890]  }
0xec: {  	v53 =	vadd.f32 v63, v36;
	[tilespmem:s28+$0xB480] =	vst v51;
	v51 =	vld [tilespmem:s28+$0xB880]  }
0xed: {  	v63 =	vld [tilespmem:s28+$0xB8A0];
	v54 =	vadd.f32 v60, v37;
	[tilespmem:s28+$0xB490] =	vst v52  }
0xee: {  	v57 =	vld [tilespmem:s28+$0xB8B0];
	[tilespmem:s28+$0xB4C0] =	vst v53;
	v60 =	vadd.f32 v62, v41  }
0xef: {  	v58 =	vld [tilespmem:s28+$0xB8C0];
	[tilespmem:s28+$0xB4D0] =	vst v54;
	v52 =	vadd.f32 v61, v39  }
0xf0: {  	v61 =	vld [tilespmem:s28+$0xB8D0];
	[tilespmem:s28+$0xB4F0] =	vst v60;
	v50 =	vadd.f32 v50, v44  }
0xf1: {  	v53 =	vld [tilespmem:s28+$0xB8E0];
	[tilespmem:s28+$0xB4E0] =	vst v52;
	v51 =	vadd.f32 v51, v42  }
0xf2: {  	v54 =	vld [tilespmem:s28+$0xB8F0];
	v62 =	vadd.f32 v63, v45;
	[tilespmem:s28+$0xB890] =	vst v50  }
0xf3: {  	v63 =	vadd.f32 v57, v47;
	[tilespmem:s28+$0xB880] =	vst v51;
	v51 =	vld [tilespmem:s28+$0xBC80]  }
0xf4: {  	v56 =	vadd.f32 v58, v48;
	[tilespmem:s28+$0xB8A0] =	vst v62;
	v50 =	vld [tilespmem:s28+$0xBC90]  }
0xf5: {  	s30 =	simm.s32 $0x1;
	v52 =	vld [tilespmem:s28+$0xBCA0];
	[tilespmem:s28+$0xB8B0] =	vst v63;
	v55 =	vadd.f32 v61, v49  }
.LBB2_4:
0xf6: {  	s1 =	sshrl.u32 s30, $0x3;
	p0 =	sne.s32 s30, $0x2F;
	[tilespmem:s28+$0xB8C0] =	vst v56;
	v53 =	vadd.f32 v53, v46;
	v56 =	vld [tilespmem:s28+$0xBCB0]  }
0xf7: {  	s1 =	smul.u32 $0x6000, s1;
	[tilespmem:s28+$0xB8D0] =	vst v55;
	v54 =	vadd.f32 v54, v43;
	v55 =	vld [tilespmem:s28+$0xBCC0]  }
0xf8: {  	s29 =	sadd.s32 $0x80, s29;
	[tilespmem:s28+$0xB8E0] =	vst v53;
	v51 =	vadd.f32 v51, v40;
	v53 =	vld [tilespmem:s28+$0xBCD0]  }
0xf9: {  	s31 =	sand.u32 $0x380, s29;
	s1 =	sshra.s32 s1, $0x2;
	[tilespmem:s28+$0xB8F0] =	vst v54;
	v50 =	vadd.f32 v50, v38;
	v54 =	vld [tilespmem:s28+$0xBCE0]  }
0xfa: {  	s1 =	sor.u32 s31, s1;
	[tilespmem:s28+$0xBC80] =	vst v51;
	v51 =	vadd.f32 v52, v35;
	v52 =	vld [tilespmem:s28+$0xBCF0]  }
0xfb: {  	v57 =	vld [tilespmem:s1+$0xA880];
	[tilespmem:s28+$0xBC90] =	vst v50;
	v50 =	vadd.f32 v56, v32  }
0xfc: {  	v56 =	vld [tilespmem:s1+$0xA890];
	[tilespmem:s28+$0xBCA0] =	vst v51;
	v51 =	vadd.f32 v55, v30  }
0xfd: {  	v55 =	vld [tilespmem:s1+$0xA8A0];
	[tilespmem:s28+$0xBCB0] =	vst v50;
	v50 =	vadd.f32 v53, v28  }
0xfe: {  	v53 =	vld [tilespmem:s1+$0xA8B0];
	[tilespmem:s28+$0xBCC0] =	vst v51;
	v51 =	vadd.f32 v54, v26  }
0xff: {  	v54 =	vld [tilespmem:s1+$0xA8C0];
	[tilespmem:s28+$0xBCD0] =	vst v50;
	v50 =	vadd.f32 v52, v24  }
0x100: {  	v52 =	vadd.f32 v57, v2;
	v57 =	vld [tilespmem:s1+$0xA8D0];
	[tilespmem:s28+$0xBCE0] =	vst v51  }
0x101: {  	v51 =	vadd.f32 v56, v3;
	v56 =	vld [tilespmem:s1+$0xA8E0];
	[tilespmem:s28+$0xBCF0] =	vst v50;
	s28 =	smov.u32 s1  }
0x102: {  	[tilespmem:s28+$0xA880] =	vst v52;
	v50 =	vadd.f32 v55, v4;
	v52 =	vld [tilespmem:s28+$0xA8F0]  }
0x103: {  	[tilespmem:s28+$0xA890] =	vst v51;
	v51 =	vadd.f32 v53, v5;
	v53 =	vld [tilespmem:s28+$0xAC80]  }
0x104: {  	[tilespmem:s28+$0xA8A0] =	vst v50;
	v50 =	vadd.f32 v54, v6;
	v54 =	vld [tilespmem:s28+$0xAC90]  }
0x105: {  	[tilespmem:s28+$0xA8B0] =	vst v51;
	v51 =	vadd.f32 v57, v7;
	v55 =	vld [tilespmem:s28+$0xACA0]  }
0x106: {  	[tilespmem:s28+$0xA8C0] =	vst v50;
	v50 =	vadd.f32 v56, v8;
	v56 =	vld [tilespmem:s28+$0xACB0]  }
0x107: {  	[tilespmem:s28+$0xA8D0] =	vst v51;
	v51 =	vadd.f32 v52, v9;
	v52 =	vld [tilespmem:s28+$0xACC0]  }
0x108: {  	[tilespmem:s28+$0xA8E0] =	vst v50;
	v50 =	vadd.f32 v53, v10;
	v53 =	vld [tilespmem:s28+$0xACD0]  }
0x109: {  	[tilespmem:s28+$0xA8F0] =	vst v51;
	v51 =	vadd.f32 v54, v11;
	v54 =	vld [tilespmem:s28+$0xACE0]  }
0x10a: {  	[tilespmem:s28+$0xAC80] =	vst v50;
	v50 =	vadd.f32 v55, v12;
	v55 =	vld [tilespmem:s28+$0xACF0]  }
0x10b: {  	[tilespmem:s28+$0xAC90] =	vst v51;
	v51 =	vadd.f32 v56, v13;
	v56 =	vld [tilespmem:s28+$0xB080]  }
0x10c: {  	[tilespmem:s28+$0xACA0] =	vst v50;
	v50 =	vadd.f32 v52, v14;
	v52 =	vld [tilespmem:s28+$0xB090]  }
0x10d: {  	[tilespmem:s28+$0xACB0] =	vst v51;
	v51 =	vadd.f32 v53, v15;
	v53 =	vld [tilespmem:s28+$0xB0A0]  }
0x10e: {  	[tilespmem:s28+$0xACC0] =	vst v50;
	v50 =	vadd.f32 v54, v16;
	v54 =	vld [tilespmem:s28+$0xB0B0]  }
0x10f: {  	[tilespmem:s28+$0xACD0] =	vst v51;
	v51 =	vadd.f32 v55, v17;
	v55 =	vld [tilespmem:s28+$0xB0C0]  }
0x110: {  	[tilespmem:s28+$0xACE0] =	vst v50;
	v50 =	vadd.f32 v56, v18;
	v56 =	vld [tilespmem:s28+$0xB0D0]  }
0x111: {  	[tilespmem:s28+$0xACF0] =	vst v51;
	v51 =	vadd.f32 v52, v19;
	v52 =	vld [tilespmem:s28+$0xB0E0]  }
0x112: {  	[tilespmem:s28+$0xB080] =	vst v50;
	v50 =	vadd.f32 v53, v20;
	v53 =	vld [tilespmem:s28+$0xB0F0]  }
0x113: {  	[tilespmem:s28+$0xB090] =	vst v51;
	v51 =	vadd.f32 v54, v21;
	v54 =	vld [tilespmem:s28+$0xB480]  }
0x114: {  	[tilespmem:s28+$0xB0A0] =	vst v50;
	v50 =	vadd.f32 v55, v22;
	v55 =	vld [tilespmem:s28+$0xB490]  }
0x115: {  	[tilespmem:s28+$0xB0B0] =	vst v51;
	v51 =	vadd.f32 v56, v23;
	v56 =	vld [tilespmem:s28+$0xB4A0]  }
0x116: {  	[tilespmem:s28+$0xB0C0] =	vst v50;
	v50 =	vadd.f32 v52, v25;
	v52 =	vld [tilespmem:s28+$0xB4B0]  }
0x117: {  	[tilespmem:s28+$0xB0D0] =	vst v51;
	v51 =	vadd.f32 v53, v27;
	v53 =	vld [tilespmem:s28+$0xB4C0]  }
0x118: {  	[tilespmem:s28+$0xB0E0] =	vst v50;
	v50 =	vadd.f32 v54, v29;
	v54 =	vld [tilespmem:s28+$0xB4D0]  }
0x119: {  	[tilespmem:s28+$0xB0F0] =	vst v51;
	v51 =	vadd.f32 v55, v31;
	v55 =	vld [tilespmem:s28+$0xB4E0]  }
0x11a: {  	[tilespmem:s28+$0xB480] =	vst v50;
	v50 =	vadd.f32 v56, v33;
	v56 =	vld [tilespmem:s28+$0xB4F0]  }
0x11b: {  	[tilespmem:s28+$0xB490] =	vst v51;
	v51 =	vadd.f32 v52, v34;
	v52 =	vld [tilespmem:s28+$0xB880]  }
0x11c: {  	[tilespmem:s28+$0xB4A0] =	vst v50;
	v50 =	vadd.f32 v53, v36;
	v53 =	vld [tilespmem:s28+$0xB890]  }
0x11d: {  	[tilespmem:s28+$0xB4B0] =	vst v51;
	v51 =	vadd.f32 v54, v37;
	v54 =	vld [tilespmem:s28+$0xB8A0]  }
0x11e: {  	[tilespmem:s28+$0xB4C0] =	vst v50;
	v50 =	vadd.f32 v55, v39;
	v55 =	vld [tilespmem:s28+$0xB8B0]  }
0x11f: {  	[tilespmem:s28+$0xB4D0] =	vst v51;
	v51 =	vadd.f32 v56, v41;
	v56 =	vld [tilespmem:s28+$0xB8C0]  }
0x120: {  	[tilespmem:s28+$0xB4E0] =	vst v50;
	v50 =	vadd.f32 v52, v42;
	v52 =	vld [tilespmem:s28+$0xB8D0]  }
.Ltmp1:
0x121: {  	[tilespmem:s28+$0xB4F0] =	vst v51;
	v51 =	vadd.f32 v53, v44;
	v53 =	vld [tilespmem:s28+$0xB8E0];
	(pc) =	sbr.rel @p0 .LBB2_4-.Ltmp1, $4  }
0x122: {  	[tilespmem:s28+$0xB880] =	vst v50;
	v50 =	vadd.f32 v54, v45;
	v54 =	vld [tilespmem:s28+$0xB8F0]  }
0x123: {  	[tilespmem:s28+$0xB890] =	vst v51;
	v55 =	vadd.f32 v55, v47;
	v51 =	vld [tilespmem:s28+$0xBC80]  }
0x124: {  	[tilespmem:s28+$0xB8A0] =	vst v50;
	v56 =	vadd.f32 v56, v48;
	v50 =	vld [tilespmem:s28+$0xBC90]  }
0x125: {  	s30 =	sadd.s32 $0x1, s30;
	[tilespmem:s28+$0xB8B0] =	vst v55;
	v55 =	vadd.f32 v52, v49;
	v52 =	vld [tilespmem:s28+$0xBCA0]  }
0x126: {  	[tilespmem:s28+$0xB8C0] =	vst v56;
	v63 =	vld [tilespmem:s28+$0xBCB0];
	v53 =	vadd.f32 v53, v46  }
0x127: {  	v57 =	vld [tilespmem:s28+$0xBCC0];
	[tilespmem:s28+$0xB8D0] =	vst v55;
	v54 =	vadd.f32 v54, v43  }
0x128: {  	v58 =	vld [tilespmem:s28+$0xBCD0];
	[tilespmem:s28+$0xB8E0] =	vst v53;
	v51 =	vadd.f32 v51, v40  }
0x129: {  	v59 =	vld [tilespmem:s28+$0xBCE0];
	[tilespmem:s28+$0xB8F0] =	vst v54;
	v50 =	vadd.f32 v50, v38  }
0x12a: {  	v61 =	vld [tilespmem:s28+$0xBCF0];
	[tilespmem:s28+$0xBC80] =	vst v51;
	v60 =	vadd.f32 v52, v35  }
0x12b: {  	[tilespmem:s28+$0xBC90] =	vst v50;
	v62 =	vadd.f32 v63, v32  }
0x12c: {  	v63 =	vadd.f32 v57, v30;
	[tilespmem:s28+$0xBCA0] =	vst v60  }
0x12d: {  	v55 =	vadd.f32 v58, v28;
	[tilespmem:s28+$0xBCB0] =	vst v62  }
0x12e: {  	v56 =	vadd.f32 v59, v26;
	[tilespmem:s28+$0xBCC0] =	vst v63  }
0x12f: {  	v57 =	vadd.f32 v61, v24;
	[tilespmem:s28+$0xBCD0] =	vst v55  }
0x130: {  	[tilespmem:s28+$0xBCE0] =	vst v56  }
0x131: {  	s29 =	simm.s32 $0x0;
	[tilespmem:s28+$0xBCF0] =	vst v57  }
0x132: {  	[hbm4b:s11+s29] =	stream.linear.scatter [tilespmem:s22], [sflag:$0x4], $0x9000, $0x38;
	[tilespmem:$0x13880] =	vst v63  }
0x133: {  	_ =	swait.ge [sflag:s25], $0x9000  }
0x134: {  	s1 =	simm.s32 $0x0;
	[sflag:s25] =	ssyncset.done $0x0  }
0x135: {  	s1 =	smul.u32 $0x6000, s1;
	[sflag:s25] =	ssyncadd.s32 $0xFFFF7000  }
0x136: {  	[tilespmem:s22], [sflag:$0x2] =	stream.linear.gather [hbm4b:s12+s29], $0x9000, $0x38;
	[tilespmem:$0x13880] =	vst v63  }
0x137: {  	_ =	swait.ge [sflag:s20], $0x9000  }
0x138: {  	s1 =	sshra.s32 s1, $0x2;
	s28 =	sand.u32 $0x380, s29;
	[sflag:s20] =	ssyncset.done $0x0  }
0x139: {  	s28 =	sor.u32 s28, s1;
	[sflag:s20] =	ssyncadd.s32 $0xFFFF7000  }
0x13a: {  	v58 =	vld [tilespmem:s28+$0x1880]  }
0x13b: {  	v59 =	vld [tilespmem:s28+$0x1890]  }
0x13c: {  	v63 =	vld [tilespmem:s28+$0x18A0]  }
0x13d: {  	v60 =	vld [tilespmem:s28+$0x18B0]  }
0x13e: {  	v61 =	vld [tilespmem:s28+$0x18C0]  }
0x13f: {  	v62 =	vld [tilespmem:s28+$0x18D0]  }
0x140: {  	v56 =	vld [tilespmem:s28+$0x18E0]  }
0x141: {  	v52 =	vld [tilespmem:s28+$0x18F0];
	v50 =	vadd.f32 v58, v2  }
0x142: {  	v54 =	vld [tilespmem:s28+$0x2090];
	v51 =	vadd.f32 v59, v3  }
0x143: {  	v63 =	vadd.f32 v63, v4;
	v58 =	vld [tilespmem:s28+$0x1C80];
	[tilespmem:s28+$0x1880] =	vst v50  }
0x144: {  	v57 =	vadd.f32 v60, v5;
	v60 =	vld [tilespmem:s28+$0x1C90];
	[tilespmem:s28+$0x1890] =	vst v51  }
0x145: {  	v59 =	vadd.f32 v61, v6;
	v61 =	vadd.f32 v62, v7;
	v62 =	vld [tilespmem:s28+$0x1CA0];
	[tilespmem:s28+$0x18A0] =	vst v63  }
0x146: {  	[tilespmem:s28+$0x18B0] =	vst v57;
	v63 =	vadd.f32 v56, v8;
	v57 =	vld [tilespmem:s28+$0x1CB0]  }
0x147: {  	[tilespmem:s28+$0x18C0] =	vst v59;
	v50 =	vld [tilespmem:s28+$0x1CD0]  }
0x148: {  	v54 =	vadd.f32 v54, v19;
	[tilespmem:s28+$0x18E0] =	vst v63;
	v63 =	vld [tilespmem:s28+$0x1CF0]  }
0x149: {  	[tilespmem:s28+$0x18D0] =	vst v61;
	v56 =	vadd.f32 v52, v9;
	v51 =	vld [tilespmem:s28+$0x2080]  }
0x14a: {  	[tilespmem:s28+$0x2090] =	vst v54;
	v59 =	vadd.f32 v60, v11;
	v60 =	vld [tilespmem:s28+$0x1CC0];
	v61 =	vadd.f32 v62, v12  }
0x14b: {  	[tilespmem:s28+$0x18F0] =	vst v56;
	v58 =	vadd.f32 v58, v10;
	v62 =	vld [tilespmem:s28+$0x1CE0]  }
0x14c: {  	v52 =	vadd.f32 v57, v13;
	[tilespmem:s28+$0x1CA0] =	vst v61;
	v61 =	vld [tilespmem:s28+$0x20B0]  }
0x14d: {  	[tilespmem:s28+$0x1C80] =	vst v58;
	v56 =	vadd.f32 v63, v17;
	v63 =	vld [tilespmem:s28+$0x20D0]  }
0x14e: {  	v51 =	vadd.f32 v51, v18;
	[tilespmem:s28+$0x1CB0] =	vst v52;
	v52 =	vld [tilespmem:s28+$0x2480]  }
0x14f: {  	[tilespmem:s28+$0x1C90] =	vst v59;
	v50 =	vadd.f32 v50, v15;
	v53 =	vadd.f32 v60, v14;
	v60 =	vld [tilespmem:s28+$0x20A0]  }
0x150: {  	[tilespmem:s28+$0x2080] =	vst v51;
	v51 =	vld [tilespmem:s28+$0x2490]  }
0x151: {  	[tilespmem:s28+$0x1CD0] =	vst v50;
	v55 =	vadd.f32 v62, v16;
	v62 =	vld [tilespmem:s28+$0x20C0]  }
0x152: {  	[tilespmem:s28+$0x1CF0] =	vst v56  }
0x153: {  	[tilespmem:s28+$0x1CC0] =	vst v53;
	v53 =	vadd.f32 v61, v21;
	v61 =	vld [tilespmem:s28+$0x20F0]  }
0x154: {  	[tilespmem:s28+$0x1CE0] =	vst v55;
	v55 =	vadd.f32 v63, v23;
	v59 =	vadd.f32 v60, v20;
	v60 =	vld [tilespmem:s28+$0x20E0]  }
0x155: {  	[tilespmem:s28+$0x20B0] =	vst v53;
	v63 =	vld [tilespmem:s28+$0x24B0];
	v51 =	vadd.f32 v51, v31  }
0x156: {  	v52 =	vadd.f32 v52, v29;
	v50 =	vadd.f32 v62, v22;
	v62 =	vld [tilespmem:s28+$0x24A0];
	[tilespmem:s28+$0x20D0] =	vst v55  }
0x157: {  	[tilespmem:s28+$0x2490] =	vst v51;
	v51 =	vld [tilespmem:s28+$0x2880]  }
0x158: {  	[tilespmem:s28+$0x2480] =	vst v52;
	v52 =	vld [tilespmem:s28+$0x2890]  }
0x159: {  	[tilespmem:s28+$0x20A0] =	vst v59;
	v56 =	vadd.f32 v61, v27;
	v54 =	vadd.f32 v60, v25;
	v60 =	vld [tilespmem:s28+$0x24C0]  }
0x15a: {  	[tilespmem:s28+$0x20C0] =	vst v50  }
0x15b: {  	[tilespmem:s28+$0x20F0] =	vst v56;
	v50 =	vadd.f32 v63, v34;
	v61 =	vadd.f32 v62, v33;
	v62 =	vld [tilespmem:s28+$0x24E0]  }
0x15c: {  	[tilespmem:s28+$0x20E0] =	vst v54;
	v54 =	vld [tilespmem:s28+$0x24D0]  }
0x15d: {  	v63 =	vld [tilespmem:s28+$0x24F0];
	[tilespmem:s28+$0x24B0] =	vst v50;
	v51 =	vadd.f32 v51, v42  }
0x15e: {  	v52 =	vadd.f32 v52, v44;
	[tilespmem:s28+$0x24A0] =	vst v61;
	v55 =	vadd.f32 v60, v36;
	v60 =	vld [tilespmem:s28+$0x28A0]  }
0x15f: {  	v61 =	vld [tilespmem:s28+$0x28B0];
	[tilespmem:s28+$0x2880] =	vst v51  }
0x160: {  	v57 =	vld [tilespmem:s28+$0x28C0];
	[tilespmem:s28+$0x2890] =	vst v52;
	v53 =	vadd.f32 v62, v39  }
0x161: {  	v58 =	vld [tilespmem:s28+$0x28D0];
	v54 =	vadd.f32 v54, v37;
	[tilespmem:s28+$0x24C0] =	vst v55  }
0x162: {  	v62 =	vadd.f32 v63, v41;
	[tilespmem:s28+$0x24E0] =	vst v53;
	v53 =	vld [tilespmem:s28+$0x28E0]  }
0x163: {  	[tilespmem:s28+$0x24D0] =	vst v54;
	v54 =	vld [tilespmem:s28+$0x28F0];
	v50 =	vadd.f32 v60, v45  }
0x164: {  	v51 =	vld [tilespmem:s28+$0x2C80];
	[tilespmem:s28+$0x24F0] =	vst v62;
	v63 =	vadd.f32 v61, v47  }
0x165: {  	v56 =	vadd.f32 v57, v48;
	[tilespmem:s28+$0x28A0] =	vst v50;
	v50 =	vld [tilespmem:s28+$0x2C90]  }
0x166: {  	s30 =	simm.s32 $0x1;
	v52 =	vld [tilespmem:s28+$0x2CA0];
	v55 =	vadd.f32 v58, v49;
	[tilespmem:s28+$0x28B0] =	vst v63  }
.LBB2_6:
0x167: {  	s1 =	sshrl.u32 s30, $0x3;
	p0 =	sne.s32 s30, $0x2F;
	[tilespmem:s28+$0x28C0] =	vst v56;
	v53 =	vadd.f32 v53, v46;
	v56 =	vld [tilespmem:s28+$0x2CB0]  }
0x168: {  	s1 =	smul.u32 $0x6000, s1;
	[tilespmem:s28+$0x28D0] =	vst v55;
	v54 =	vadd.f32 v54, v43;
	v55 =	vld [tilespmem:s28+$0x2CC0]  }
0x169: {  	s29 =	sadd.s32 $0x80, s29;
	[tilespmem:s28+$0x28E0] =	vst v53;
	v51 =	vadd.f32 v51, v40;
	v53 =	vld [tilespmem:s28+$0x2CD0]  }
0x16a: {  	s31 =	sand.u32 $0x380, s29;
	s1 =	sshra.s32 s1, $0x2;
	[tilespmem:s28+$0x28F0] =	vst v54;
	v50 =	vadd.f32 v50, v38;
	v54 =	vld [tilespmem:s28+$0x2CE0]  }
0x16b: {  	s1 =	sor.u32 s31, s1;
	[tilespmem:s28+$0x2C80] =	vst v51;
	v51 =	vadd.f32 v52, v35;
	v52 =	vld [tilespmem:s28+$0x2CF0]  }
0x16c: {  	v57 =	vld [tilespmem:s1+$0x1880];
	[tilespmem:s28+$0x2C90] =	vst v50;
	v50 =	vadd.f32 v56, v32  }
0x16d: {  	v56 =	vld [tilespmem:s1+$0x1890];
	[tilespmem:s28+$0x2CA0] =	vst v51;
	v51 =	vadd.f32 v55, v30  }
0x16e: {  	v55 =	vld [tilespmem:s1+$0x18A0];
	[tilespmem:s28+$0x2CB0] =	vst v50;
	v50 =	vadd.f32 v53, v28  }
0x16f: {  	v53 =	vld [tilespmem:s1+$0x18B0];
	[tilespmem:s28+$0x2CC0] =	vst v51;
	v51 =	vadd.f32 v54, v26  }
0x170: {  	v54 =	vld [tilespmem:s1+$0x18C0];
	[tilespmem:s28+$0x2CD0] =	vst v50;
	v50 =	vadd.f32 v52, v24  }
0x171: {  	v52 =	vadd.f32 v57, v2;
	v57 =	vld [tilespmem:s1+$0x18D0];
	[tilespmem:s28+$0x2CE0] =	vst v51  }
0x172: {  	v51 =	vadd.f32 v56, v3;
	v56 =	vld [tilespmem:s1+$0x18E0];
	[tilespmem:s28+$0x2CF0] =	vst v50;
	s28 =	smov.u32 s1  }
0x173: {  	[tilespmem:s28+$0x1880] =	vst v52;
	v50 =	vadd.f32 v55, v4;
	v52 =	vld [tilespmem:s28+$0x18F0]  }
0x174: {  	[tilespmem:s28+$0x1890] =	vst v51;
	v51 =	vadd.f32 v53, v5;
	v53 =	vld [tilespmem:s28+$0x1C80]  }
0x175: {  	[tilespmem:s28+$0x18A0] =	vst v50;
	v50 =	vadd.f32 v54, v6;
	v54 =	vld [tilespmem:s28+$0x1C90]  }
0x176: {  	[tilespmem:s28+$0x18B0] =	vst v51;
	v51 =	vadd.f32 v57, v7;
	v55 =	vld [tilespmem:s28+$0x1CA0]  }
0x177: {  	[tilespmem:s28+$0x18C0] =	vst v50;
	v50 =	vadd.f32 v56, v8;
	v56 =	vld [tilespmem:s28+$0x1CB0]  }
0x178: {  	[tilespmem:s28+$0x18D0] =	vst v51;
	v51 =	vadd.f32 v52, v9;
	v52 =	vld [tilespmem:s28+$0x1CC0]  }
0x179: {  	[tilespmem:s28+$0x18E0] =	vst v50;
	v50 =	vadd.f32 v53, v10;
	v53 =	vld [tilespmem:s28+$0x1CD0]  }
0x17a: {  	[tilespmem:s28+$0x18F0] =	vst v51;
	v51 =	vadd.f32 v54, v11;
	v54 =	vld [tilespmem:s28+$0x1CE0]  }
0x17b: {  	[tilespmem:s28+$0x1C80] =	vst v50;
	v50 =	vadd.f32 v55, v12;
	v55 =	vld [tilespmem:s28+$0x1CF0]  }
0x17c: {  	[tilespmem:s28+$0x1C90] =	vst v51;
	v51 =	vadd.f32 v56, v13;
	v56 =	vld [tilespmem:s28+$0x2080]  }
0x17d: {  	[tilespmem:s28+$0x1CA0] =	vst v50;
	v50 =	vadd.f32 v52, v14;
	v52 =	vld [tilespmem:s28+$0x2090]  }
0x17e: {  	[tilespmem:s28+$0x1CB0] =	vst v51;
	v51 =	vadd.f32 v53, v15;
	v53 =	vld [tilespmem:s28+$0x20A0]  }
0x17f: {  	[tilespmem:s28+$0x1CC0] =	vst v50;
	v50 =	vadd.f32 v54, v16;
	v54 =	vld [tilespmem:s28+$0x20B0]  }
0x180: {  	[tilespmem:s28+$0x1CD0] =	vst v51;
	v51 =	vadd.f32 v55, v17;
	v55 =	vld [tilespmem:s28+$0x20C0]  }
0x181: {  	[tilespmem:s28+$0x1CE0] =	vst v50;
	v50 =	vadd.f32 v56, v18;
	v56 =	vld [tilespmem:s28+$0x20D0]  }
0x182: {  	[tilespmem:s28+$0x1CF0] =	vst v51;
	v51 =	vadd.f32 v52, v19;
	v52 =	vld [tilespmem:s28+$0x20E0]  }
0x183: {  	[tilespmem:s28+$0x2080] =	vst v50;
	v50 =	vadd.f32 v53, v20;
	v53 =	vld [tilespmem:s28+$0x20F0]  }
0x184: {  	[tilespmem:s28+$0x2090] =	vst v51;
	v51 =	vadd.f32 v54, v21;
	v54 =	vld [tilespmem:s28+$0x2480]  }
0x185: {  	[tilespmem:s28+$0x20A0] =	vst v50;
	v50 =	vadd.f32 v55, v22;
	v55 =	vld [tilespmem:s28+$0x2490]  }
0x186: {  	[tilespmem:s28+$0x20B0] =	vst v51;
	v51 =	vadd.f32 v56, v23;
	v56 =	vld [tilespmem:s28+$0x24A0]  }
0x187: {  	[tilespmem:s28+$0x20C0] =	vst v50;
	v50 =	vadd.f32 v52, v25;
	v52 =	vld [tilespmem:s28+$0x24B0]  }
0x188: {  	[tilespmem:s28+$0x20D0] =	vst v51;
	v51 =	vadd.f32 v53, v27;
	v53 =	vld [tilespmem:s28+$0x24C0]  }
0x189: {  	[tilespmem:s28+$0x20E0] =	vst v50;
	v50 =	vadd.f32 v54, v29;
	v54 =	vld [tilespmem:s28+$0x24D0]  }
0x18a: {  	[tilespmem:s28+$0x20F0] =	vst v51;
	v51 =	vadd.f32 v55, v31;
	v55 =	vld [tilespmem:s28+$0x24E0]  }
0x18b: {  	[tilespmem:s28+$0x2480] =	vst v50;
	v50 =	vadd.f32 v56, v33;
	v56 =	vld [tilespmem:s28+$0x24F0]  }
0x18c: {  	[tilespmem:s28+$0x2490] =	vst v51;
	v51 =	vadd.f32 v52, v34;
	v52 =	vld [tilespmem:s28+$0x2880]  }
0x18d: {  	[tilespmem:s28+$0x24A0] =	vst v50;
	v50 =	vadd.f32 v53, v36;
	v53 =	vld [tilespmem:s28+$0x2890]  }
0x18e: {  	[tilespmem:s28+$0x24B0] =	vst v51;
	v51 =	vadd.f32 v54, v37;
	v54 =	vld [tilespmem:s28+$0x28A0]  }
0x18f: {  	[tilespmem:s28+$0x24C0] =	vst v50;
	v50 =	vadd.f32 v55, v39;
	v55 =	vld [tilespmem:s28+$0x28B0]  }
0x190: {  	[tilespmem:s28+$0x24D0] =	vst v51;
	v51 =	vadd.f32 v56, v41;
	v56 =	vld [tilespmem:s28+$0x28C0]  }
0x191: {  	[tilespmem:s28+$0x24E0] =	vst v50;
	v50 =	vadd.f32 v52, v42;
	v52 =	vld [tilespmem:s28+$0x28D0]  }
.Ltmp2:
0x192: {  	[tilespmem:s28+$0x24F0] =	vst v51;
	v51 =	vadd.f32 v53, v44;
	v53 =	vld [tilespmem:s28+$0x28E0];
	(pc) =	sbr.rel @p0 .LBB2_6-.Ltmp2, $4  }
0x193: {  	[tilespmem:s28+$0x2880] =	vst v50;
	v50 =	vadd.f32 v54, v45;
	v54 =	vld [tilespmem:s28+$0x28F0]  }
0x194: {  	[tilespmem:s28+$0x2890] =	vst v51;
	v55 =	vadd.f32 v55, v47;
	v51 =	vld [tilespmem:s28+$0x2C80]  }
0x195: {  	[tilespmem:s28+$0x28A0] =	vst v50;
	v56 =	vadd.f32 v56, v48;
	v50 =	vld [tilespmem:s28+$0x2C90]  }
0x196: {  	s30 =	sadd.s32 $0x1, s30;
	[tilespmem:s28+$0x28B0] =	vst v55;
	v55 =	vadd.f32 v52, v49;
	v52 =	vld [tilespmem:s28+$0x2CA0]  }
0x197: {  	[tilespmem:s28+$0x28C0] =	vst v56;
	v62 =	vld [tilespmem:s28+$0x2CB0];
	v53 =	vadd.f32 v53, v46  }
0x198: {  	v63 =	vld [tilespmem:s28+$0x2CC0];
	[tilespmem:s28+$0x28D0] =	vst v55;
	v54 =	vadd.f32 v54, v43  }
0x199: {  	v57 =	vld [tilespmem:s28+$0x2CD0];
	[tilespmem:s28+$0x28E0] =	vst v53;
	v51 =	vadd.f32 v51, v40  }
0x19a: {  	v58 =	vld [tilespmem:s28+$0x2CE0];
	[tilespmem:s28+$0x28F0] =	vst v54;
	v50 =	vadd.f32 v50, v38  }
0x19b: {  	v60 =	vld [tilespmem:s28+$0x2CF0];
	[tilespmem:s28+$0x2C80] =	vst v51;
	v59 =	vadd.f32 v52, v35  }
0x19c: {  	[tilespmem:s28+$0x2C90] =	vst v50;
	v61 =	vadd.f32 v62, v32  }
0x19d: {  	v62 =	vadd.f32 v63, v30;
	[tilespmem:s28+$0x2CA0] =	vst v59  }
0x19e: {  	v63 =	vadd.f32 v57, v28;
	[tilespmem:s28+$0x2CB0] =	vst v61  }
0x19f: {  	v55 =	vadd.f32 v58, v26;
	[tilespmem:s28+$0x2CC0] =	vst v62  }
0x1a0: {  	v56 =	vadd.f32 v60, v24;
	[tilespmem:s28+$0x2CD0] =	vst v63  }
0x1a1: {  	s1 =	simm.s32 $0x0;
	[tilespmem:s28+$0x2CE0] =	vst v55  }
0x1a2: {  	s29 =	simm.s32 $0x0;
	s1 =	smul.u32 $0x6000, s1;
	[tilespmem:s28+$0x2CF0] =	vst v56  }
0x1a3: {  	[hbm4b:s13+s29] =	stream.linear.scatter [tilespmem:s21], [sflag:$0x3], $0x9000, $0x38;
	[tilespmem:$0x13880] =	vst v63  }
0x1a4: {  	_ =	swait.ge [sflag:s24], $0x9000  }
0x1a5: {  	s1 =	sshra.s32 s1, $0x2;
	s28 =	sand.u32 $0x380, s29;
	[sflag:s24] =	ssyncset.done $0x0  }
0x1a6: {  	s28 =	sor.u32 s28, s1;
	[sflag:s24] =	ssyncadd.s32 $0xFFFF7000  }
0x1a7: {  	v57 =	vld [tilespmem:s28+$0xA880]  }
0x1a8: {  	v58 =	vld [tilespmem:s28+$0xA890]  }
0x1a9: {  	v59 =	vld [tilespmem:s28+$0xA8A0]  }
0x1aa: {  	v60 =	vld [tilespmem:s28+$0xA8B0]  }
0x1ab: {  	v61 =	vld [tilespmem:s28+$0xA8C0]  }
0x1ac: {  	v63 =	vld [tilespmem:s28+$0xA8E0];
	_ =	sdelay $0x1  }
0x1ad: {  	v62 =	vld [tilespmem:s28+$0xA8D0];
	v50 =	vadd.f32 v57, v2  }
0x1ae: {  	v51 =	vadd.f32 v58, v3;
	v53 =	vadd.f32 v60, v5;
	v60 =	vld [tilespmem:s28+$0xA8F0]  }
0x1af: {  	v52 =	vadd.f32 v59, v4;
	v54 =	vadd.f32 v61, v6;
	v61 =	vld [tilespmem:s28+$0xACA0];
	[tilespmem:s28+$0xA880] =	vst v50  }
0x1b0: {  	v55 =	vadd.f32 v63, v8;
	v63 =	vld [tilespmem:s28+$0xACC0];
	[tilespmem:s28+$0xA890] =	vst v51  }
0x1b1: {  	v51 =	vld [tilespmem:s28+$0xAC80];
	[tilespmem:s28+$0xA8A0] =	vst v52  }
0x1b2: {  	[tilespmem:s28+$0xA8B0] =	vst v53;
	v50 =	vadd.f32 v62, v7;
	v62 =	vld [tilespmem:s28+$0xACB0]  }
0x1b3: {  	v52 =	vld [tilespmem:s28+$0xAC90];
	[tilespmem:s28+$0xA8C0] =	vst v54  }
0x1b4: {  	[tilespmem:s28+$0xA8E0] =	vst v55;
	v56 =	vadd.f32 v60, v9  }
0x1b5: {  	v55 =	vld [tilespmem:s28+$0xACD0];
	[tilespmem:s28+$0xA8D0] =	vst v50;
	v60 =	vadd.f32 v61, v12  }
0x1b6: {  	v61 =	vld [tilespmem:s28+$0xACE0];
	v50 =	vadd.f32 v63, v14;
	[tilespmem:s28+$0xA8F0] =	vst v56  }
0x1b7: {  	v51 =	vadd.f32 v51, v10;
	v54 =	vadd.f32 v62, v13;
	[tilespmem:s28+$0xACA0] =	vst v60;
	v62 =	vld [tilespmem:s28+$0xACF0]  }
0x1b8: {  	v63 =	vld [tilespmem:s28+$0xB0A0];
	v52 =	vadd.f32 v52, v11;
	[tilespmem:s28+$0xACC0] =	vst v50  }
0x1b9: {  	v60 =	vld [tilespmem:s28+$0xB0B0];
	[tilespmem:s28+$0xAC80] =	vst v51  }
0x1ba: {  	v55 =	vadd.f32 v55, v15;
	[tilespmem:s28+$0xAC90] =	vst v52;
	v52 =	vld [tilespmem:s28+$0xB080]  }
0x1bb: {  	v51 =	vld [tilespmem:s28+$0xB090];
	[tilespmem:s28+$0xACB0] =	vst v54;
	v53 =	vadd.f32 v61, v16  }
0x1bc: {  	[tilespmem:s28+$0xACD0] =	vst v55;
	v61 =	vld [tilespmem:s28+$0xB0C0];
	v56 =	vadd.f32 v62, v17  }
0x1bd: {  	[tilespmem:s28+$0xACE0] =	vst v53;
	v53 =	vld [tilespmem:s28+$0xB0D0];
	v62 =	vadd.f32 v63, v20  }
0x1be: {  	v63 =	vld [tilespmem:s28+$0xB0E0];
	v50 =	vadd.f32 v60, v21;
	[tilespmem:s28+$0xACF0] =	vst v56  }
0x1bf: {  	v60 =	vld [tilespmem:s28+$0xB0F0];
	v52 =	vadd.f32 v52, v18;
	[tilespmem:s28+$0xB0A0] =	vst v62  }
0x1c0: {  	v51 =	vadd.f32 v51, v19;
	[tilespmem:s28+$0xB0B0] =	vst v50;
	v62 =	vld [tilespmem:s28+$0xB4B0]  }
0x1c1: {  	v55 =	vadd.f32 v61, v22;
	v61 =	vld [tilespmem:s28+$0xB4A0];
	[tilespmem:s28+$0xB080] =	vst v52  }
0x1c2: {  	[tilespmem:s28+$0xB090] =	vst v51;
	v51 =	vld [tilespmem:s28+$0xB480];
	v53 =	vadd.f32 v53, v23  }
0x1c3: {  	v52 =	vld [tilespmem:s28+$0xB490];
	[tilespmem:s28+$0xB0C0] =	vst v55;
	v54 =	vadd.f32 v63, v25  }
0x1c4: {  	v63 =	vld [tilespmem:s28+$0xB4C0];
	v56 =	vadd.f32 v60, v27;
	[tilespmem:s28+$0xB0D0] =	vst v53  }
0x1c5: {  	v60 =	vld [tilespmem:s28+$0xB4D0];
	[tilespmem:s28+$0xB0E0] =	vst v54;
	v55 =	vadd.f32 v62, v34  }
0x1c6: {  	[tilespmem:s28+$0xB0F0] =	vst v56;
	v62 =	vld [tilespmem:s28+$0xB4F0];
	v50 =	vadd.f32 v61, v33  }
0x1c7: {  	v61 =	vld [tilespmem:s28+$0xB4E0];
	v51 =	vadd.f32 v51, v29;
	[tilespmem:s28+$0xB4B0] =	vst v55  }
0x1c8: {  	v52 =	vadd.f32 v52, v31;
	[tilespmem:s28+$0xB4A0] =	vst v50;
	v50 =	vld [tilespmem:s28+$0xB890]  }
0x1c9: {  	v53 =	vadd.f32 v63, v36;
	[tilespmem:s28+$0xB480] =	vst v51;
	v51 =	vld [tilespmem:s28+$0xB880]  }
0x1ca: {  	v63 =	vld [tilespmem:s28+$0xB8A0];
	v54 =	vadd.f32 v60, v37;
	[tilespmem:s28+$0xB490] =	vst v52  }
0x1cb: {  	v57 =	vld [tilespmem:s28+$0xB8B0];
	[tilespmem:s28+$0xB4C0] =	vst v53;
	v60 =	vadd.f32 v62, v41  }
0x1cc: {  	v58 =	vld [tilespmem:s28+$0xB8C0];
	[tilespmem:s28+$0xB4D0] =	vst v54;
	v52 =	vadd.f32 v61, v39  }
0x1cd: {  	v61 =	vld [tilespmem:s28+$0xB8D0];
	[tilespmem:s28+$0xB4F0] =	vst v60;
	v50 =	vadd.f32 v50, v44  }
0x1ce: {  	v53 =	vld [tilespmem:s28+$0xB8E0];
	[tilespmem:s28+$0xB4E0] =	vst v52;
	v51 =	vadd.f32 v51, v42  }
0x1cf: {  	v54 =	vld [tilespmem:s28+$0xB8F0];
	v62 =	vadd.f32 v63, v45;
	[tilespmem:s28+$0xB890] =	vst v50  }
0x1d0: {  	v63 =	vadd.f32 v57, v47;
	[tilespmem:s28+$0xB880] =	vst v51;
	v51 =	vld [tilespmem:s28+$0xBC80]  }
0x1d1: {  	v56 =	vadd.f32 v58, v48;
	[tilespmem:s28+$0xB8A0] =	vst v62;
	v50 =	vld [tilespmem:s28+$0xBC90]  }
0x1d2: {  	s30 =	simm.s32 $0x1;
	v52 =	vld [tilespmem:s28+$0xBCA0];
	[tilespmem:s28+$0xB8B0] =	vst v63;
	v55 =	vadd.f32 v61, v49  }
.LBB2_8:
0x1d3: {  	s1 =	sshrl.u32 s30, $0x3;
	p0 =	sne.s32 s30, $0x2F;
	[tilespmem:s28+$0xB8C0] =	vst v56;
	v53 =	vadd.f32 v53, v46;
	v56 =	vld [tilespmem:s28+$0xBCB0]  }
0x1d4: {  	s1 =	smul.u32 $0x6000, s1;
	[tilespmem:s28+$0xB8D0] =	vst v55;
	v54 =	vadd.f32 v54, v43;
	v55 =	vld [tilespmem:s28+$0xBCC0]  }
0x1d5: {  	s29 =	sadd.s32 $0x80, s29;
	[tilespmem:s28+$0xB8E0] =	vst v53;
	v51 =	vadd.f32 v51, v40;
	v53 =	vld [tilespmem:s28+$0xBCD0]  }
0x1d6: {  	s31 =	sand.u32 $0x380, s29;
	s1 =	sshra.s32 s1, $0x2;
	[tilespmem:s28+$0xB8F0] =	vst v54;
	v50 =	vadd.f32 v50, v38;
	v54 =	vld [tilespmem:s28+$0xBCE0]  }
0x1d7: {  	s1 =	sor.u32 s31, s1;
	[tilespmem:s28+$0xBC80] =	vst v51;
	v51 =	vadd.f32 v52, v35;
	v52 =	vld [tilespmem:s28+$0xBCF0]  }
0x1d8: {  	v57 =	vld [tilespmem:s1+$0xA880];
	[tilespmem:s28+$0xBC90] =	vst v50;
	v50 =	vadd.f32 v56, v32  }
0x1d9: {  	v56 =	vld [tilespmem:s1+$0xA890];
	[tilespmem:s28+$0xBCA0] =	vst v51;
	v51 =	vadd.f32 v55, v30  }
0x1da: {  	v55 =	vld [tilespmem:s1+$0xA8A0];
	[tilespmem:s28+$0xBCB0] =	vst v50;
	v50 =	vadd.f32 v53, v28  }
0x1db: {  	v53 =	vld [tilespmem:s1+$0xA8B0];
	[tilespmem:s28+$0xBCC0] =	vst v51;
	v51 =	vadd.f32 v54, v26  }
0x1dc: {  	v54 =	vld [tilespmem:s1+$0xA8C0];
	[tilespmem:s28+$0xBCD0] =	vst v50;
	v50 =	vadd.f32 v52, v24  }
0x1dd: {  	v52 =	vadd.f32 v57, v2;
	v57 =	vld [tilespmem:s1+$0xA8D0];
	[tilespmem:s28+$0xBCE0] =	vst v51  }
0x1de: {  	v51 =	vadd.f32 v56, v3;
	v56 =	vld [tilespmem:s1+$0xA8E0];
	[tilespmem:s28+$0xBCF0] =	vst v50;
	s28 =	smov.u32 s1  }
0x1df: {  	[tilespmem:s28+$0xA880] =	vst v52;
	v50 =	vadd.f32 v55, v4;
	v52 =	vld [tilespmem:s28+$0xA8F0]  }
0x1e0: {  	[tilespmem:s28+$0xA890] =	vst v51;
	v51 =	vadd.f32 v53, v5;
	v53 =	vld [tilespmem:s28+$0xAC80]  }
0x1e1: {  	[tilespmem:s28+$0xA8A0] =	vst v50;
	v50 =	vadd.f32 v54, v6;
	v54 =	vld [tilespmem:s28+$0xAC90]  }
0x1e2: {  	[tilespmem:s28+$0xA8B0] =	vst v51;
	v51 =	vadd.f32 v57, v7;
	v55 =	vld [tilespmem:s28+$0xACA0]  }
0x1e3: {  	[tilespmem:s28+$0xA8C0] =	vst v50;
	v50 =	vadd.f32 v56, v8;
	v56 =	vld [tilespmem:s28+$0xACB0]  }
0x1e4: {  	[tilespmem:s28+$0xA8D0] =	vst v51;
	v51 =	vadd.f32 v52, v9;
	v52 =	vld [tilespmem:s28+$0xACC0]  }
0x1e5: {  	[tilespmem:s28+$0xA8E0] =	vst v50;
	v50 =	vadd.f32 v53, v10;
	v53 =	vld [tilespmem:s28+$0xACD0]  }
0x1e6: {  	[tilespmem:s28+$0xA8F0] =	vst v51;
	v51 =	vadd.f32 v54, v11;
	v54 =	vld [tilespmem:s28+$0xACE0]  }
0x1e7: {  	[tilespmem:s28+$0xAC80] =	vst v50;
	v50 =	vadd.f32 v55, v12;
	v55 =	vld [tilespmem:s28+$0xACF0]  }
0x1e8: {  	[tilespmem:s28+$0xAC90] =	vst v51;
	v51 =	vadd.f32 v56, v13;
	v56 =	vld [tilespmem:s28+$0xB080]  }
0x1e9: {  	[tilespmem:s28+$0xACA0] =	vst v50;
	v50 =	vadd.f32 v52, v14;
	v52 =	vld [tilespmem:s28+$0xB090]  }
0x1ea: {  	[tilespmem:s28+$0xACB0] =	vst v51;
	v51 =	vadd.f32 v53, v15;
	v53 =	vld [tilespmem:s28+$0xB0A0]  }
0x1eb: {  	[tilespmem:s28+$0xACC0] =	vst v50;
	v50 =	vadd.f32 v54, v16;
	v54 =	vld [tilespmem:s28+$0xB0B0]  }
0x1ec: {  	[tilespmem:s28+$0xACD0] =	vst v51;
	v51 =	vadd.f32 v55, v17;
	v55 =	vld [tilespmem:s28+$0xB0C0]  }
0x1ed: {  	[tilespmem:s28+$0xACE0] =	vst v50;
	v50 =	vadd.f32 v56, v18;
	v56 =	vld [tilespmem:s28+$0xB0D0]  }
0x1ee: {  	[tilespmem:s28+$0xACF0] =	vst v51;
	v51 =	vadd.f32 v52, v19;
	v52 =	vld [tilespmem:s28+$0xB0E0]  }
0x1ef: {  	[tilespmem:s28+$0xB080] =	vst v50;
	v50 =	vadd.f32 v53, v20;
	v53 =	vld [tilespmem:s28+$0xB0F0]  }
0x1f0: {  	[tilespmem:s28+$0xB090] =	vst v51;
	v51 =	vadd.f32 v54, v21;
	v54 =	vld [tilespmem:s28+$0xB480]  }
0x1f1: {  	[tilespmem:s28+$0xB0A0] =	vst v50;
	v50 =	vadd.f32 v55, v22;
	v55 =	vld [tilespmem:s28+$0xB490]  }
0x1f2: {  	[tilespmem:s28+$0xB0B0] =	vst v51;
	v51 =	vadd.f32 v56, v23;
	v56 =	vld [tilespmem:s28+$0xB4A0]  }
0x1f3: {  	[tilespmem:s28+$0xB0C0] =	vst v50;
	v50 =	vadd.f32 v52, v25;
	v52 =	vld [tilespmem:s28+$0xB4B0]  }
0x1f4: {  	[tilespmem:s28+$0xB0D0] =	vst v51;
	v51 =	vadd.f32 v53, v27;
	v53 =	vld [tilespmem:s28+$0xB4C0]  }
0x1f5: {  	[tilespmem:s28+$0xB0E0] =	vst v50;
	v50 =	vadd.f32 v54, v29;
	v54 =	vld [tilespmem:s28+$0xB4D0]  }
0x1f6: {  	[tilespmem:s28+$0xB0F0] =	vst v51;
	v51 =	vadd.f32 v55, v31;
	v55 =	vld [tilespmem:s28+$0xB4E0]  }
0x1f7: {  	[tilespmem:s28+$0xB480] =	vst v50;
	v50 =	vadd.f32 v56, v33;
	v56 =	vld [tilespmem:s28+$0xB4F0]  }
0x1f8: {  	[tilespmem:s28+$0xB490] =	vst v51;
	v51 =	vadd.f32 v52, v34;
	v52 =	vld [tilespmem:s28+$0xB880]  }
0x1f9: {  	[tilespmem:s28+$0xB4A0] =	vst v50;
	v50 =	vadd.f32 v53, v36;
	v53 =	vld [tilespmem:s28+$0xB890]  }
0x1fa: {  	[tilespmem:s28+$0xB4B0] =	vst v51;
	v51 =	vadd.f32 v54, v37;
	v54 =	vld [tilespmem:s28+$0xB8A0]  }
0x1fb: {  	[tilespmem:s28+$0xB4C0] =	vst v50;
	v50 =	vadd.f32 v55, v39;
	v55 =	vld [tilespmem:s28+$0xB8B0]  }
0x1fc: {  	[tilespmem:s28+$0xB4D0] =	vst v51;
	v51 =	vadd.f32 v56, v41;
	v56 =	vld [tilespmem:s28+$0xB8C0]  }
0x1fd: {  	[tilespmem:s28+$0xB4E0] =	vst v50;
	v50 =	vadd.f32 v52, v42;
	v52 =	vld [tilespmem:s28+$0xB8D0]  }
.Ltmp3:
0x1fe: {  	[tilespmem:s28+$0xB4F0] =	vst v51;
	v51 =	vadd.f32 v53, v44;
	v53 =	vld [tilespmem:s28+$0xB8E0];
	(pc) =	sbr.rel @p0 .LBB2_8-.Ltmp3, $4  }
0x1ff: {  	[tilespmem:s28+$0xB880] =	vst v50;
	v50 =	vadd.f32 v54, v45;
	v54 =	vld [tilespmem:s28+$0xB8F0]  }
0x200: {  	[tilespmem:s28+$0xB890] =	vst v51;
	v55 =	vadd.f32 v55, v47;
	v51 =	vld [tilespmem:s28+$0xBC80]  }
0x201: {  	[tilespmem:s28+$0xB8A0] =	vst v50;
	v56 =	vadd.f32 v56, v48;
	v50 =	vld [tilespmem:s28+$0xBC90]  }
0x202: {  	s30 =	sadd.s32 $0x1, s30;
	[tilespmem:s28+$0xB8B0] =	vst v55;
	v55 =	vadd.f32 v52, v49;
	v52 =	vld [tilespmem:s28+$0xBCA0]  }
0x203: {  	[tilespmem:s28+$0xB8C0] =	vst v56;
	v2 =	vld [tilespmem:s28+$0xBCB0];
	v3 =	vadd.f32 v53, v46  }
0x204: {  	v4 =	vld [tilespmem:s28+$0xBCC0];
	[tilespmem:s28+$0xB8D0] =	vst v55;
	v5 =	vadd.f32 v54, v43  }
0x205: {  	[tilespmem:s28+$0xB8E0] =	vst v3;
	v3 =	vld [tilespmem:s28+$0xBCD0];
	v6 =	vadd.f32 v51, v40  }
0x206: {  	v7 =	vld [tilespmem:s28+$0xBCE0];
	[tilespmem:s28+$0xB8F0] =	vst v5;
	v62 =	vadd.f32 v50, v38  }
0x207: {  	v8 =	vld [tilespmem:s28+$0xBCF0];
	[tilespmem:s28+$0xBC80] =	vst v6;
	v63 =	vadd.f32 v52, v35  }
0x208: {  	[tilespmem:s28+$0xBC90] =	vst v62;
	v2 =	vadd.f32 v2, v32  }
0x209: {  	v4 =	vadd.f32 v4, v30;
	[tilespmem:s28+$0xBCA0] =	vst v63  }
0x20a: {  	[tilespmem:s28+$0xBCB0] =	vst v2;
	v2 =	vadd.f32 v3, v28  }
0x20b: {  	[tilespmem:s28+$0xBCC0] =	vst v4;
	v3 =	vadd.f32 v7, v26  }
0x20c: {  	[tilespmem:s28+$0xBCD0] =	vst v2;
	v2 =	vadd.f32 v8, v24  }
0x20d: {  	[tilespmem:s28+$0xBCE0] =	vst v3  }
0x20e: {  	s26 =	sadd.s32 $0x1, s26;
	[tilespmem:s28+$0xBCF0] =	vst v2  }
0x20f: {  	[hbm4b:s14+s3] =	stream.linear.scatter [tilespmem:s22], [sflag:$0x4], $0x9000, $0x38;
	[tilespmem:$0x13880] =	vst v63  }
0x210: {  	p0 =	sne.s32 s26, s15;
	_ =	swait.ge [sflag:s23], $0x9000  }
.Ltmp4:
0x211: {  	[sflag:s23] =	ssyncset.done $0x0;
	(pc) =	sbr.rel @p0 .LBB2_1-.Ltmp4, $4  }
0x212: {  	[sflag:s23] =	ssyncadd.s32 $0xFFFF7000  }
0x213: {  	_ =	swait.ge [sflag:s25], $0x9000  }
0x214: {  	[sflag:s25] =	ssyncset.done $0x0  }
0x215: {  	[sflag:s25] =	ssyncadd.s32 $0xFFFF7000  }
0x216: {  	_ =	sfence.sel $0x180000  }
0x217: {  	[bflag:$0x0] =	sbarrier.arrive $0xFFFF  }
0x218: {  	_ =	strace $0x90000047  }
0x219: {  	[bflag:$0x2] =	sbarrier.arrive $0xFFFF  }
0x21a: {  	p0 =	sne.s32 s0, $0x0;
	s0 =	rddreg [dreg:$0x3]  }
0x21b: {  	s0 =	sadd.s32 @!p0 $0x100000, s0  }
0x21c: {  	[sflag:s0] =	ssyncadd.tile.s32 @!p0 $0x1;
	_ =	shalt  }
.Lfunc_end2:
_tile_overlayer_lowered:
.L_overlay_start_2:
0x21d: {  	(tag) =	ssettag $0x2  }
0x21e: {  	s0 =	rddreg [dreg:$0x0];
	s2 =	stileid.u32  }
0x21f: {  	s1 =	rddreg [dreg:$0x1];
	p0 =	sne.s32 s2, $0x0  }
0x220: {  	s3 =	rddreg [dreg:$0x2];
	[bflag:$0x3] =	sbarrier.arrive $0xFFFF;
	s2 =	simm.s32 @!p0 $0x1C05  }
0x221: {  	[timem:s3], [sflag:s2] =	dma.local @!p0 [hbm:s0], s1  }
0x222: {  	s0 =	simm.s32 @!p0 $0x5  }
0x223: {  	_ =	swait.ge @!p0 [sflag:s0], s1  }
0x224: {  	s1 =	ssub.s32 @!p0 $0x0, s1;
	[sflag:s0] =	ssyncset.done @!p0 $0x0  }
0x225: {  	[sflag:s0] =	ssyncadd.s32 @!p0 s1  }
0x226: {  	[bflag:$0x3] =	sbarrier.arrive $0xFFFF  }
0x227: {  	_ =	shalt  }

</sc_bundles>
